<compile_context>
chip_gen: v7x
topology: tpu7x:2x2x1
jax: 0.10.2.dev20260603
libtpu: 0.0.44.dev20260713+nightly
codegen_flags: <defaults>
</compile_context>

<pallas_src>
import jax
import jax.numpy as jnp
from jax import lax
from jax.experimental import pallas as pl
from jax.experimental.pallas import tpu as pltpu
from jax.experimental.pallas import tpu_sc as plsc

N = 10000
E = 320000
D = 128
H = 8
C1, C2 = 16, 8
HC1, HC2 = H * C1, H * C2
ROW1, ROW2 = HC1 + 16, HC2 + 16
NPAD = 10016
NC, NS = 2, 16
K = 64
PT = 10368
NCH = PT // K
ET = E + N
ET_PAD = NC * NS * PT
RPT = NPAD // NS
BR = 1000


def _make_sc_gat(hc, row):
    jb = hc // 16

    def body(src_hbm, dst_hbm, alpha_hbm, h_hbm, m_hbm, out_hbm,
             table, srcv0, srcv1, dstv0, dstv1, sdst0, sdst1, dprime,
             av0, av1, bv0, bv1, hb0, hb1, mg0, mg1, wbuf, mbuf,
             gsem0, gsem1, isem0, isem1, ssem0, ssem1):
        srcv, dstv, sdst = [srcv0, srcv1], [dstv0, dstv1], [sdst0, sdst1]
        av, bv, hbuf, msgc = [av0, av1], [bv0, bv1], [hb0, hb1], [mg0, mg1]
        gsem, isem, ssem = [gsem0, gsem1], [isem0, isem1], [ssem0, ssem1]
        cid = lax.axis_index("c")
        sid = lax.axis_index("s")
        tb = (cid * NS + sid) * PT
        lane = lax.iota(jnp.int32, 16)
        half = lane // 8
        hcol = lane - 8 * half
        zero16 = jnp.zeros((16,), jnp.float32)
        izero16 = jnp.zeros((16,), jnp.int32)

        pltpu.sync_copy(m_hbm, mbuf)

        @plsc.parallel_loop(0, K, 1, unroll=4)
        def zbody(i):
            for j in range(row // 16):
                msgc[0][i, pl.ds(16 * j, 16)] = zero16
                msgc[1][i, pl.ds(16 * j, 16)] = zero16
        for i in range(K // 16):
            dprime[pl.ds(16 * i, 16)] = izero16
        nfull = RPT // K
        for b in range(nfull):
            pltpu.sync_copy(msgc[0], table.at[pl.ds(sid * RPT + b * K, K)])
        rem = RPT - nfull * K
        if rem:
            pltpu.sync_copy(msgc[0].at[pl.ds(0, rem)],
                            table.at[pl.ds(sid * RPT + nfull * K, rem)])
        plsc.subcore_barrier()

        def issue_idx(p, gi):
            base = tb + gi * K
            pltpu.async_copy(src_hbm.at[pl.ds(base, K)], srcv[p], isem[p])
            pltpu.async_copy(dst_hbm.at[pl.ds(base, K)], dstv[p], isem[p])

        def wait_idx(p):
            pltpu.make_async_copy(src_hbm.at[pl.ds(0, K)], srcv[p], isem[p]).wait()
            pltpu.make_async_copy(dst_hbm.at[pl.ds(0, K)], dstv[p], isem[p]).wait()

        def issue_g(p):
            pltpu.async_copy(alpha_hbm.at[srcv[p]], av[p], gsem[p])
            pltpu.async_copy(alpha_hbm.at[dstv[p]], bv[p], gsem[p])
            pltpu.async_copy(h_hbm.at[srcv[p]], hbuf[p], gsem[p])

        def wait_g(p):
            pltpu.make_async_copy(alpha_hbm.at[srcv[p]], av[p], gsem[p]).wait()
            pltpu.make_async_copy(alpha_hbm.at[dstv[p]], bv[p], gsem[p]).wait()
            pltpu.make_async_copy(h_hbm.at[srcv[p]], hbuf[p], gsem[p]).wait()

        def drain_s(p):
            pltpu.make_async_copy(msgc[p], table.at[dprime], ssem[p]).wait()

        pltpu.async_copy(msgc[0], table.at[dprime], ssem[0], add=True)
        pltpu.async_copy(msgc[1], table.at[dprime], ssem[1], add=True)
        issue_idx(0, 0)
        wait_idx(0)
        issue_g(0)
        issue_idx(1, 1)

        def phase(p, g):
            wait_g(p)
            drain_s(p)
            for i in range(K // 16):
                sdst[p][pl.ds(16 * i, 16)] = dstv[p][pl.ds(16 * i, 16)]
            wait_idx(1 - p)
            issue_g(1 - p)
            issue_idx(p, jnp.minimum(g + 2, NCH - 1))
            mv = mbuf[...]

            @plsc.parallel_loop(0, K // 2, 1, unroll=4)
            def wbody(v):
                rows = 2 * v + half
                xs = plsc.load_gather(av[p], [rows, hcol])
                xd = plsc.load_gather(bv[p], [rows, hcol + 8])
                e = xs + xd
                e = jnp.where(e >= 0.0, e, 0.2 * e)
                w = jnp.exp(e - mv)
                wbuf[pl.ds(v * 16, 16)] = w
                plsc.store_scatter(msgc[p], [rows, hcol + hc], w)
                plsc.store_scatter(msgc[p], [rows, hcol + hc + 8], w)

            @plsc.parallel_loop(0, K, 1, unroll=2)
            def mbody(e2):
                for j in range(jb):
                    if hc == 128:
                        widx = jnp.full((16,), e2 * 8 + j, jnp.int32)
                    else:
                        widx = 8 * e2 + 2 * j + half
                    ws = plsc.load_gather(wbuf, [widx])
                    hv = hbuf[p][e2, pl.ds(16 * j, 16)]
                    msgc[p][e2, pl.ds(16 * j, 16)] = hv * ws

            pltpu.async_copy(msgc[p], table.at[sdst[p]], ssem[p], add=True)

        def loop(gg, c):
            phase(0, 2 * gg)
            phase(1, 2 * gg + 1)
            return c
        lax.fori_loop(0, NCH // 2, loop, 0)

        wait_g(0)
        wait_idx(1)
        drain_s(0)
        drain_s(1)

        plsc.subcore_barrier()
        for b in range(2):
            r0 = sid * RPT + b * (RPT // 2)
            pltpu.sync_copy(table.at[pl.ds(r0, RPT // 2)],
                            out_hbm.at[cid, pl.ds(r0, RPT // 2)])

    return body


def _sc_call(hc, row):
    mesh = plsc.VectorSubcoreMesh(
        core_axis_name="c", subcore_axis_name="s", num_cores=NC, num_subcores=NS)
    return pl.kernel(
        _make_sc_gat(hc, row),
        out_type=jax.ShapeDtypeStruct((NC, NPAD, row), jnp.float32),
        mesh=mesh,
        compiler_params=pltpu.CompilerParams(
            needs_layout_passes=False, use_tc_tiling_on_sc=False),
        scratch_types=(
            [pltpu.VMEM_SHARED((NPAD, row), jnp.float32)]
            + [pltpu.VMEM((K,), jnp.int32) for _ in range(7)]
            + [pltpu.VMEM((K, 16), jnp.float32) for _ in range(4)]
            + [pltpu.VMEM((K, hc), jnp.float32) for _ in range(2)]
            + [pltpu.VMEM((K, row), jnp.float32) for _ in range(2)]
            + [pltpu.VMEM((K * 8,), jnp.float32),
               pltpu.VMEM((16,), jnp.float32)]
            + [pltpu.SemaphoreType.DMA for _ in range(6)]
        ),
    )


_sc_gat1 = _sc_call(HC1, ROW1)
_sc_gat2 = _sc_call(HC2, ROW2)


def _tc_embed(x_ref, w_ref, asel_ref, h_ref, a_ref, m_ref):
    i = pl.program_id(0)
    hb = jnp.dot(x_ref[...], w_ref[...], preferred_element_type=jnp.float32)
    ab = jnp.dot(hb, asel_ref[...], preferred_element_type=jnp.float32)
    h_ref[...] = hb
    a_ref[...] = ab
    bm = jnp.max(ab, axis=0, keepdims=True)

    @pl.when(i == 0)
    def _init():
        m_ref[...] = bm

    @pl.when(i != 0)
    def _acc():
        m_ref[...] = jnp.maximum(m_ref[...], bm)


def _tc_mid(p0_ref, p1_ref, rsel_ref, b1_ref, w2_ref, asel_ref,
            h_ref, a_ref, m_ref):
    i = pl.program_id(0)
    p = p0_ref[0] + p1_ref[0]
    num = p[:, :HC1]
    den = p[:, HC1:HC1 + 8]
    rec = 1.0 / (den + 1e-30)
    o1 = num * jnp.dot(rec, rsel_ref[...], preferred_element_type=jnp.float32)
    o1 = jnp.maximum(o1 + b1_ref[...], 0.0)
    h2 = jnp.dot(o1, w2_ref[...], preferred_element_type=jnp.float32)
    a2 = jnp.dot(h2, asel_ref[...], preferred_element_type=jnp.float32)
    h_ref[...] = h2
    a_ref[...] = a2
    bm = jnp.max(a2, axis=0, keepdims=True)

    @pl.when(i == 0)
    def _init():
        m_ref[...] = bm

    @pl.when(i != 0)
    def _acc():
        m_ref[...] = jnp.maximum(m_ref[...], bm)


def _tc_out(p0_ref, p1_ref, rsel_ref, b2_ref, o_ref):
    p = p0_ref[0] + p1_ref[0]
    num = p[:, :HC2]
    den = p[:, HC2:HC2 + 8]
    rec = 1.0 / (den + 1e-30)
    o = num * jnp.dot(rec, rsel_ref[...], preferred_element_type=jnp.float32)
    o = o + b2_ref[...]
    m = jnp.max(o, axis=1, keepdims=True)
    l = o - m
    o_ref[...] = l - jnp.log(jnp.sum(jnp.exp(l), axis=1, keepdims=True))


_embed_call = pl.pallas_call(
    _tc_embed,
    grid=(N // BR,),
    in_specs=[
        pl.BlockSpec((BR, D), lambda i: (i, 0)),
        pl.BlockSpec((D, D), lambda i: (0, 0)),
        pl.BlockSpec((D, 16), lambda i: (0, 0)),
    ],
    out_specs=[
        pl.BlockSpec((BR, D), lambda i: (i, 0)),
        pl.BlockSpec((BR, 16), lambda i: (i, 0)),
        pl.BlockSpec((1, 16), lambda i: (0, 0)),
    ],
    out_shape=[
        jax.ShapeDtypeStruct((N, D), jnp.float32),
        jax.ShapeDtypeStruct((N, 16), jnp.float32),
        jax.ShapeDtypeStruct((1, 16), jnp.float32),
    ],
)

_mid_call = pl.pallas_call(
    _tc_mid,
    grid=(N // BR,),
    in_specs=[
        pl.BlockSpec((1, BR, ROW1), lambda i: (0, i, 0)),
        pl.BlockSpec((1, BR, ROW1), lambda i: (1, i, 0)),
        pl.BlockSpec((H, HC1), lambda i: (0, 0)),
        pl.BlockSpec((1, HC1), lambda i: (0, 0)),
        pl.BlockSpec((HC1, HC2), lambda i: (0, 0)),
        pl.BlockSpec((HC2, 16), lambda i: (0, 0)),
    ],
    out_specs=[
        pl.BlockSpec((BR, HC2), lambda i: (i, 0)),
        pl.BlockSpec((BR, 16), lambda i: (i, 0)),
        pl.BlockSpec((1, 16), lambda i: (0, 0)),
    ],
    out_shape=[
        jax.ShapeDtypeStruct((N, HC2), jnp.float32),
        jax.ShapeDtypeStruct((N, 16), jnp.float32),
        jax.ShapeDtypeStruct((1, 16), jnp.float32),
    ],
)

_out_call = pl.pallas_call(
    _tc_out,
    grid=(N // BR,),
    in_specs=[
        pl.BlockSpec((1, BR, ROW2), lambda i: (0, i, 0)),
        pl.BlockSpec((1, BR, ROW2), lambda i: (1, i, 0)),
        pl.BlockSpec((H, HC2), lambda i: (0, 0)),
        pl.BlockSpec((1, HC2), lambda i: (0, 0)),
    ],
    out_specs=pl.BlockSpec((BR, HC2), lambda i: (i, 0)),
    out_shape=jax.ShapeDtypeStruct((N, HC2), jnp.float32),
)


def _asel(a_s, a_d, c):
    eye = jnp.eye(H, dtype=jnp.float32)
    s = (a_s[:, :, None] * eye[:, None, :]).reshape(H * c, H)
    d = (a_d[:, :, None] * eye[:, None, :]).reshape(H * c, H)
    return jnp.concatenate([s, d], axis=1)


def _mtile(m):
    mm = m[0, :8] + m[0, 8:]
    mm = jnp.where(mm >= 0.0, mm, 0.2 * mm)
    return jnp.concatenate([mm, mm])


def kernel(x, edge_index, W1, a1_src, a1_dst, b1, W2, a2_src, a2_dst, b2):
    loop = jnp.arange(N, dtype=jnp.int32)
    npad = ET_PAD - ET
    src = jnp.concatenate([edge_index[0], loop, jnp.zeros((npad,), jnp.int32)])
    dst = jnp.concatenate([edge_index[1], loop, jnp.full((npad,), N, jnp.int32)])

    asel1 = _asel(a1_src, a1_dst, C1)
    asel2 = _asel(a2_src, a2_dst, C2)
    rsel1 = jnp.repeat(jnp.eye(H, dtype=jnp.float32), C1, axis=1)
    rsel2 = jnp.repeat(jnp.eye(H, dtype=jnp.float32), C2, axis=1)

    h1, al1, m1 = _embed_call(x, W1, asel1)
    part1 = _sc_gat1(src, dst, al1, h1, _mtile(m1))
    h2, al2, m2 = _mid_call(part1, part1, rsel1, b1.reshape(1, HC1), W2, asel2)
    part2 = _sc_gat2(src, dst, al2, h2, _mtile(m2))
    return _out_call(part2, part2, rsel2, b2.reshape(1, HC2))

# --- scband reference (transcript-rebuilt; emitter-appended) ---
"""Pipeline reference for scband-net-amazon-gat-layers-2-71768903516556 (READ-ONLY COPY).

The authoritative reference and input builder live on the scoring server;
editing this copy changes nothing except your own understanding.
"""

import jax, jax.numpy as jnp
import numpy as np

N = 10000
E = 320000
D = 128
HEADS = 8
OUT1 = 16
OUT2 = 8


def gat_conv(x, src, dst, W, a_src, a_dst, bias, heads, out_ch, num_nodes):
    # linear transform per head
    h = (x @ W).reshape(num_nodes, heads, out_ch)
    # attention logits (PyG GATConv style)
    alpha_s = (h * a_src[None, :, :]).sum(-1)  # [N, H]
    alpha_d = (h * a_dst[None, :, :]).sum(-1)  # [N, H]
    e = alpha_s[src] + alpha_d[dst]            # [E, H]
    e = jax.nn.leaky_relu(e, negative_slope=0.2)
    # softmax over incoming edges per destination node
    e_max = jax.ops.segment_max(e, dst, num_segments=num_nodes)
    e_exp = jnp.exp(e - e_max[dst])
    denom = jax.ops.segment_sum(e_exp, dst, num_segments=num_nodes)
    alpha = e_exp / (denom[dst] + 1e-16)       # [E, H]
    # weighted message aggregation (scatter-add)
    msg = h[src] * alpha[:, :, None]           # [E, H, out_ch]
    out = jax.ops.segment_sum(msg, dst, num_segments=num_nodes)  # [N, H, out_ch]
    out = out.reshape(num_nodes, heads * out_ch)
    return out + bias[None, :]


def setup_inputs(seed: int = 0) -> dict:
    key = jax.random.key(seed)
    ks = jax.random.split(key, 12)
    x = jax.random.normal(ks[0], (N, D), dtype=jnp.float32)
    edge_index = jax.random.randint(ks[1], (2, E), 0, N, dtype=jnp.int32)
    # GATConv layer 1: in=128, out=16, heads=8 (concat -> 128)
    W1 = jax.random.normal(ks[2], (D, HEADS * OUT1), dtype=jnp.float32) * (1.0 / np.sqrt(D))
    a1_src = jax.random.normal(ks[3], (HEADS, OUT1), dtype=jnp.float32) * (1.0 / np.sqrt(OUT1))
    a1_dst = jax.random.normal(ks[4], (HEADS, OUT1), dtype=jnp.float32) * (1.0 / np.sqrt(OUT1))
    b1 = jnp.zeros((HEADS * OUT1,), dtype=jnp.float32)
    # GATConv layer 2: in=128, out=8, heads=8 (concat -> 64)
    W2 = jax.random.normal(ks[5], (HEADS * OUT1, HEADS * OUT2), dtype=jnp.float32) * (1.0 / np.sqrt(HEADS * OUT1))
    a2_src = jax.random.normal(ks[6], (HEADS, OUT2), dtype=jnp.float32) * (1.0 / np.sqrt(OUT2))
    a2_dst = jax.random.normal(ks[7], (HEADS, OUT2), dtype=jnp.float32) * (1.0 / np.sqrt(OUT2))
    b2 = jnp.zeros((HEADS * OUT2,), dtype=jnp.float32)
    return {"x": x, "edge_index": edge_index, "W1": W1, "a1_src": a1_src, "a1_dst": a1_dst, "b1": b1, "W2": W2, "a2_src": a2_src, "a2_dst": a2_dst, "b2": b2}


def reference(x, edge_index, W1, a1_src, a1_dst, b1, W2, a2_src, a2_dst, b2):
    # PyG GATConv adds self-loops by default
    loop = jnp.arange(N, dtype=edge_index.dtype)
    src = jnp.concatenate([edge_index[0], loop])
    dst = jnp.concatenate([edge_index[1], loop])
    h = gat_conv(x, src, dst, W1, a1_src, a1_dst, b1, HEADS, OUT1, N)
    h = jax.nn.relu(h)
    h = gat_conv(h, src, dst, W2, a2_src, a2_dst, b2, HEADS, OUT2, N)
    return jax.nn.log_softmax(h, axis=1)

if __name__ == "__main__":
    import jax
    _d = setup_inputs()
    print(jax.jit(kernel)(*tuple(_d.values())))

</pallas_src>

<mosaic_0001>
#map = affine_map<(d0, d1) -> (0)>
#map1 = affine_map<(d0, d1) -> (0, 0)>
#map2 = affine_map<(d0, d1) -> (0, 0, 0)>
module attributes {stable_mosaic.version = 14 : i64} {
  func.func @body(%arg0: i32, %arg1: i32, %arg2: memref<331776xi32, #tpu.memory_space<hbm>>, %arg3: memref<331776xi32, #tpu.memory_space<hbm>>, %arg4: memref<10000x16xf32, #tpu.memory_space<hbm>>, %arg5: memref<10000x128xf32, #tpu.memory_space<hbm>>, %arg6: memref<16xf32, #tpu.memory_space<hbm>>, %arg7: memref<2x10016x144xf32, #tpu.memory_space<hbm>>, %arg8: memref<10016x144xf32, #tpu.memory_space<vmem_shared>>, %arg9: memref<64xi32, #tpu.memory_space<vmem>>, %arg10: memref<64xi32, #tpu.memory_space<vmem>>, %arg11: memref<64xi32, #tpu.memory_space<vmem>>, %arg12: memref<64xi32, #tpu.memory_space<vmem>>, %arg13: memref<64xi32, #tpu.memory_space<vmem>>, %arg14: memref<64xi32, #tpu.memory_space<vmem>>, %arg15: memref<64xi32, #tpu.memory_space<vmem>>, %arg16: memref<64x16xf32, #tpu.memory_space<vmem>>, %arg17: memref<64x16xf32, #tpu.memory_space<vmem>>, %arg18: memref<64x16xf32, #tpu.memory_space<vmem>>, %arg19: memref<64x16xf32, #tpu.memory_space<vmem>>, %arg20: memref<64x128xf32, #tpu.memory_space<vmem>>, %arg21: memref<64x128xf32, #tpu.memory_space<vmem>>, %arg22: memref<64x144xf32, #tpu.memory_space<vmem>>, %arg23: memref<64x144xf32, #tpu.memory_space<vmem>>, %arg24: memref<512xf32, #tpu.memory_space<vmem>>, %arg25: memref<16xf32, #tpu.memory_space<vmem>>, %arg26: memref<!tpu.dma_semaphore, #tpu.memory_space<semaphore_mem>>, %arg27: memref<!tpu.dma_semaphore, #tpu.memory_space<semaphore_mem>>, %arg28: memref<!tpu.dma_semaphore, #tpu.memory_space<semaphore_mem>>, %arg29: memref<!tpu.dma_semaphore, #tpu.memory_space<semaphore_mem>>, %arg30: memref<!tpu.dma_semaphore, #tpu.memory_space<semaphore_mem>>, %arg31: memref<!tpu.dma_semaphore, #tpu.memory_space<semaphore_mem>>) attributes {dimension_semantics = [#tpu.dimension_semantics<core_parallel>, #tpu.dimension_semantics<subcore_parallel>], iteration_bounds = array<i64: 2, 16>, scalar_prefetch = 0 : i64, scratch_operands = 24 : i64, tpu.core_type = #tpu.core_type<sc_vector_subcore>, window_params = [{transform_indices = #map}, {transform_indices = #map}, {transform_indices = #map1}, {transform_indices = #map1}, {transform_indices = #map}, {transform_indices = #map2}]} {
    %mul3A = arith.constant 16 : i32
    %mul3A_0 = arith.muli %arg0, %mul3A : i32
    %add3A = arith.addi %mul3A_0, %arg1 : i32
    %mul3A_1 = arith.constant 10368 : i32
    %mul3A_2 = arith.muli %add3A, %mul3A_1 : i32
    %iota3A = tpu.iota {dimensions = array<i32: 0>} : vector<16xi32>
    %jit3A = arith.constant 8 : i32
    %div3A = vector.broadcast %jit3A : i32 to vector<16xi32>
    %div3A_3 = arith.divsi %iota3A, %div3A : vector<16xi32>
    %sign3A = arith.constant 0 : i32
    %sign3A_4 = vector.broadcast %sign3A : i32 to vector<16xi32>
    %sign3A_5 = arith.cmpi sgt, %iota3A, %sign3A_4 : vector<16xi32>
    %sign3A_6 = arith.extui %sign3A_5 : vector<16xi1> to vector<16xi32>
    %sign3A_7 = arith.constant 0 : i32
    %sign3A_8 = vector.broadcast %sign3A_7 : i32 to vector<16xi32>
    %sign3A_9 = arith.cmpi slt, %iota3A, %sign3A_8 : vector<16xi32>
    %sign3A_10 = arith.extui %sign3A_9 : vector<16xi1> to vector<16xi32>
    %sign3A_11 = arith.subi %sign3A_6, %sign3A_10 : vector<16xi32>
    %sign3A_12 = arith.constant 0 : i32
    %sign3A_13 = arith.cmpi sgt, %jit3A, %sign3A_12 : i32
    %sign3A_14 = arith.extui %sign3A_13 : i1 to i32
    %sign3A_15 = arith.constant 0 : i32
    %sign3A_16 = arith.cmpi slt, %jit3A, %sign3A_15 : i32
    %sign3A_17 = arith.extui %sign3A_16 : i1 to i32
    %sign3A_18 = arith.subi %sign3A_14, %sign3A_17 : i32
    %ne3A = vector.broadcast %sign3A_18 : i32 to vector<16xi32>
    %ne3A_19 = arith.cmpi ne, %sign3A_11, %ne3A : vector<16xi32>
    %rem3A = vector.broadcast %jit3A : i32 to vector<16xi32>
    %rem3A_20 = arith.remsi %iota3A, %rem3A : vector<16xi32>
    %ne3A_21 = arith.constant 0 : i32
    %ne3A_22 = vector.broadcast %ne3A_21 : i32 to vector<16xi32>
    %ne3A_23 = arith.cmpi ne, %rem3A_20, %ne3A_22 : vector<16xi32>
    %and3A = arith.andi %ne3A_19, %ne3A_23 : vector<16xi1>
    %sub3A = arith.constant 1 : i32
    %sub3A_24 = vector.broadcast %sub3A : i32 to vector<16xi32>
    %sub3A_25 = arith.subi %div3A_3, %sub3A_24 : vector<16xi32>
    %select_n3A = arith.select %and3A, %sub3A_25, %div3A_3 : vector<16xi1>, vector<16xi32>
    %mul3A_26 = arith.constant 8 : i32
    %mul3A_27 = vector.broadcast %mul3A_26 : i32 to vector<16xi32>
    %mul3A_28 = arith.muli %mul3A_27, %select_n3A : vector<16xi32>
    %sub3A_29 = arith.subi %iota3A, %mul3A_28 : vector<16xi32>
    %broadcast_in_dim3A = arith.constant 0.000000e+00 : f32
    %broadcast_in_dim3A_30 = vector.broadcast %broadcast_in_dim3A : f32 to vector<16xf32>
    %broadcast_in_dim3A_31 = arith.constant 0 : i32
    %broadcast_in_dim3A_32 = vector.broadcast %broadcast_in_dim3A_31 : i32 to vector<16xi32>
    "tpu.region"() ({
      %run_scoped3A = tpu.sem_alloc : memref<!tpu.dma_semaphore, #tpu.memory_space<semaphore_mem>>
      tpu.enqueue_dma source(%arg6 : memref<16xf32, #tpu.memory_space<hbm>>) target(%arg25 : memref<16xf32, #tpu.memory_space<vmem>>) target_semaphore(%run_scoped3A : memref<!tpu.dma_semaphore, #tpu.memory_space<semaphore_mem>>)
      tpu.wait_dma2 semaphore(%run_scoped3A : memref<!tpu.dma_semaphore, #tpu.memory_space<semaphore_mem>>) src(%arg6 : memref<16xf32, #tpu.memory_space<hbm>>) dst(%arg25 : memref<16xf32, #tpu.memory_space<vmem>>)
      tpu.yield
    }) : () -> ()
    %parallel_loop3A = arith.constant 0 : i32
    %parallel_loop3A_33 = arith.constant 64 : i32
    %parallel_loop3A_34 = arith.constant 1 : i32
    scf.for %parallel_loop3A_152 = %parallel_loop3A to %parallel_loop3A_33 step %parallel_loop3A_34  : i32 {
      %parallel_loop3A_153 = arith.index_cast %parallel_loop3A_152 : i32 to index
      %parallel_loop3A_154 = arith.constant 0 : index
      %parallel_loop3A_155 = tpu.vector_load %arg22[%parallel_loop3A_153, %parallel_loop3A_154] {strides = array<i32>} : memref<64x144xf32, #tpu.memory_space<vmem>>, vector<16xf32>,
      tpu.vector_store %arg22[%parallel_loop3A_153, %parallel_loop3A_154], %broadcast_in_dim3A_30 {strides = array<i32>} : memref<64x144xf32, #tpu.memory_space<vmem>>, vector<16xf32>,
      %parallel_loop3A_156 = arith.index_cast %parallel_loop3A_152 : i32 to index
      %parallel_loop3A_157 = arith.constant 0 : index
      %parallel_loop3A_158 = tpu.vector_load %arg23[%parallel_loop3A_156, %parallel_loop3A_157] {strides = array<i32>} : memref<64x144xf32, #tpu.memory_space<vmem>>, vector<16xf32>,
      tpu.vector_store %arg23[%parallel_loop3A_156, %parallel_loop3A_157], %broadcast_in_dim3A_30 {strides = array<i32>} : memref<64x144xf32, #tpu.memory_space<vmem>>, vector<16xf32>,
      %parallel_loop3A_159 = arith.index_cast %parallel_loop3A_152 : i32 to index
      %parallel_loop3A_160 = arith.constant 16 : index
      %parallel_loop3A_161 = tpu.vector_load %arg22[%parallel_loop3A_159, %parallel_loop3A_160] {strides = array<i32>} : memref<64x144xf32, #tpu.memory_space<vmem>>, vector<16xf32>,
      tpu.vector_store %arg22[%parallel_loop3A_159, %parallel_loop3A_160], %broadcast_in_dim3A_30 {strides = array<i32>} : memref<64x144xf32, #tpu.memory_space<vmem>>, vector<16xf32>,
      %parallel_loop3A_162 = arith.index_cast %parallel_loop3A_152 : i32 to index
      %parallel_loop3A_163 = arith.constant 16 : index
      %parallel_loop3A_164 = tpu.vector_load %arg23[%parallel_loop3A_162, %parallel_loop3A_163] {strides = array<i32>} : memref<64x144xf32, #tpu.memory_space<vmem>>, vector<16xf32>,
      tpu.vector_store %arg23[%parallel_loop3A_162, %parallel_loop3A_163], %broadcast_in_dim3A_30 {strides = array<i32>} : memref<64x144xf32, #tpu.memory_space<vmem>>, vector<16xf32>,
      %parallel_loop3A_165 = arith.index_cast %parallel_loop3A_152 : i32 to index
      %parallel_loop3A_166 = arith.constant 32 : index
      %parallel_loop3A_167 = tpu.vector_load %arg22[%parallel_loop3A_165, %parallel_loop3A_166] {strides = array<i32>} : memref<64x144xf32, #tpu.memory_space<vmem>>, vector<16xf32>,
      tpu.vector_store %arg22[%parallel_loop3A_165, %parallel_loop3A_166], %broadcast_in_dim3A_30 {strides = array<i32>} : memref<64x144xf32, #tpu.memory_space<vmem>>, vector<16xf32>,
      %parallel_loop3A_168 = arith.index_cast %parallel_loop3A_152 : i32 to index
      %parallel_loop3A_169 = arith.constant 32 : index
      %parallel_loop3A_170 = tpu.vector_load %arg23[%parallel_loop3A_168, %parallel_loop3A_169] {strides = array<i32>} : memref<64x144xf32, #tpu.memory_space<vmem>>, vector<16xf32>,
      tpu.vector_store %arg23[%parallel_loop3A_168, %parallel_loop3A_169], %broadcast_in_dim3A_30 {strides = array<i32>} : memref<64x144xf32, #tpu.memory_space<vmem>>, vector<16xf32>,
      %parallel_loop3A_171 = arith.index_cast %parallel_loop3A_152 : i32 to index
      %parallel_loop3A_172 = arith.constant 48 : index
      %parallel_loop3A_173 = tpu.vector_load %arg22[%parallel_loop3A_171, %parallel_loop3A_172] {strides = array<i32>} : memref<64x144xf32, #tpu.memory_space<vmem>>, vector<16xf32>,
      tpu.vector_store %arg22[%parallel_loop3A_171, %parallel_loop3A_172], %broadcast_in_dim3A_30 {strides = array<i32>} : memref<64x144xf32, #tpu.memory_space<vmem>>, vector<16xf32>,
      %parallel_loop3A_174 = arith.index_cast %parallel_loop3A_152 : i32 to index
      %parallel_loop3A_175 = arith.constant 48 : index
      %parallel_loop3A_176 = tpu.vector_load %arg23[%parallel_loop3A_174, %parallel_loop3A_175] {strides = array<i32>} : memref<64x144xf32, #tpu.memory_space<vmem>>, vector<16xf32>,
      tpu.vector_store %arg23[%parallel_loop3A_174, %parallel_loop3A_175], %broadcast_in_dim3A_30 {strides = array<i32>} : memref<64x144xf32, #tpu.memory_space<vmem>>, vector<16xf32>,
      %parallel_loop3A_177 = arith.index_cast %parallel_loop3A_152 : i32 to index
      %parallel_loop3A_178 = arith.constant 64 : index
      %parallel_loop3A_179 = tpu.vector_load %arg22[%parallel_loop3A_177, %parallel_loop3A_178] {strides = array<i32>} : memref<64x144xf32, #tpu.memory_space<vmem>>, vector<16xf32>,
      tpu.vector_store %arg22[%parallel_loop3A_177, %parallel_loop3A_178], %broadcast_in_dim3A_30 {strides = array<i32>} : memref<64x144xf32, #tpu.memory_space<vmem>>, vector<16xf32>,
      %parallel_loop3A_180 = arith.index_cast %parallel_loop3A_152 : i32 to index
      %parallel_loop3A_181 = arith.constant 64 : index
      %parallel_loop3A_182 = tpu.vector_load %arg23[%parallel_loop3A_180, %parallel_loop3A_181] {strides = array<i32>} : memref<64x144xf32, #tpu.memory_space<vmem>>, vector<16xf32>,
      tpu.vector_store %arg23[%parallel_loop3A_180, %parallel_loop3A_181], %broadcast_in_dim3A_30 {strides = array<i32>} : memref<64x144xf32, #tpu.memory_space<vmem>>, vector<16xf32>,
      %parallel_loop3A_183 = arith.index_cast %parallel_loop3A_152 : i32 to index
      %parallel_loop3A_184 = arith.constant 80 : index
      %parallel_loop3A_185 = tpu.vector_load %arg22[%parallel_loop3A_183, %parallel_loop3A_184] {strides = array<i32>} : memref<64x144xf32, #tpu.memory_space<vmem>>, vector<16xf32>,
      tpu.vector_store %arg22[%parallel_loop3A_183, %parallel_loop3A_184], %broadcast_in_dim3A_30 {strides = array<i32>} : memref<64x144xf32, #tpu.memory_space<vmem>>, vector<16xf32>,
      %parallel_loop3A_186 = arith.index_cast %parallel_loop3A_152 : i32 to index
      %parallel_loop3A_187 = arith.constant 80 : index
      %parallel_loop3A_188 = tpu.vector_load %arg23[%parallel_loop3A_186, %parallel_loop3A_187] {strides = array<i32>} : memref<64x144xf32, #tpu.memory_space<vmem>>, vector<16xf32>,
      tpu.vector_store %arg23[%parallel_loop3A_186, %parallel_loop3A_187], %broadcast_in_dim3A_30 {strides = array<i32>} : memref<64x144xf32, #tpu.memory_space<vmem>>, vector<16xf32>,
      %parallel_loop3A_189 = arith.index_cast %parallel_loop3A_152 : i32 to index
      %parallel_loop3A_190 = arith.constant 96 : index
      %parallel_loop3A_191 = tpu.vector_load %arg22[%parallel_loop3A_189, %parallel_loop3A_190] {strides = array<i32>} : memref<64x144xf32, #tpu.memory_space<vmem>>, vector<16xf32>,
      tpu.vector_store %arg22[%parallel_loop3A_189, %parallel_loop3A_190], %broadcast_in_dim3A_30 {strides = array<i32>} : memref<64x144xf32, #tpu.memory_space<vmem>>, vector<16xf32>,
      %parallel_loop3A_192 = arith.index_cast %parallel_loop3A_152 : i32 to index
      %parallel_loop3A_193 = arith.constant 96 : index
      %parallel_loop3A_194 = tpu.vector_load %arg23[%parallel_loop3A_192, %parallel_loop3A_193] {strides = array<i32>} : memref<64x144xf32, #tpu.memory_space<vmem>>, vector<16xf32>,
      tpu.vector_store %arg23[%parallel_loop3A_192, %parallel_loop3A_193], %broadcast_in_dim3A_30 {strides = array<i32>} : memref<64x144xf32, #tpu.memory_space<vmem>>, vector<16xf32>,
      %parallel_loop3A_195 = arith.index_cast %parallel_loop3A_152 : i32 to index
      %parallel_loop3A_196 = arith.constant 112 : index
      %parallel_loop3A_197 = tpu.vector_load %arg22[%parallel_loop3A_195, %parallel_loop3A_196] {strides = array<i32>} : memref<64x144xf32, #tpu.memory_space<vmem>>, vector<16xf32>,
      tpu.vector_store %arg22[%parallel_loop3A_195, %parallel_loop3A_196], %broadcast_in_dim3A_30 {strides = array<i32>} : memref<64x144xf32, #tpu.memory_space<vmem>>, vector<16xf32>,
      %parallel_loop3A_198 = arith.index_cast %parallel_loop3A_152 : i32 to index
      %parallel_loop3A_199 = arith.constant 112 : index
      %parallel_loop3A_200 = tpu.vector_load %arg23[%parallel_loop3A_198, %parallel_loop3A_199] {strides = array<i32>} : memref<64x144xf32, #tpu.memory_space<vmem>>, vector<16xf32>,
      tpu.vector_store %arg23[%parallel_loop3A_198, %parallel_loop3A_199], %broadcast_in_dim3A_30 {strides = array<i32>} : memref<64x144xf32, #tpu.memory_space<vmem>>, vector<16xf32>,
      %parallel_loop3A_201 = arith.index_cast %parallel_loop3A_152 : i32 to index
      %parallel_loop3A_202 = arith.constant 128 : index
      %parallel_loop3A_203 = tpu.vector_load %arg22[%parallel_loop3A_201, %parallel_loop3A_202] {strides = array<i32>} : memref<64x144xf32, #tpu.memory_space<vmem>>, vector<16xf32>,
      tpu.vector_store %arg22[%parallel_loop3A_201, %parallel_loop3A_202], %broadcast_in_dim3A_30 {strides = array<i32>} : memref<64x144xf32, #tpu.memory_space<vmem>>, vector<16xf32>,
      %parallel_loop3A_204 = arith.index_cast %parallel_loop3A_152 : i32 to index
      %parallel_loop3A_205 = arith.constant 128 : index
      %parallel_loop3A_206 = tpu.vector_load %arg23[%parallel_loop3A_204, %parallel_loop3A_205] {strides = array<i32>} : memref<64x144xf32, #tpu.memory_space<vmem>>, vector<16xf32>,
      tpu.vector_store %arg23[%parallel_loop3A_204, %parallel_loop3A_205], %broadcast_in_dim3A_30 {strides = array<i32>} : memref<64x144xf32, #tpu.memory_space<vmem>>, vector<16xf32>,
    } {sc.loop_unroll_factor = 4 : i64, sc.parallel_access}
    %swap3A = arith.constant 0 : index
    %swap3A_35 = tpu.vector_load %arg15[%swap3A] {strides = array<i32>} : memref<64xi32, #tpu.memory_space<vmem>>, vector<16xi32>,
    tpu.vector_store %arg15[%swap3A], %broadcast_in_dim3A_32 {strides = array<i32>} : memref<64xi32, #tpu.memory_space<vmem>>, vector<16xi32>,
    %swap3A_36 = arith.constant 16 : index
    %swap3A_37 = tpu.vector_load %arg15[%swap3A_36] {strides = array<i32>} : memref<64xi32, #tpu.memory_space<vmem>>, vector<16xi32>,
    tpu.vector_store %arg15[%swap3A_36], %broadcast_in_dim3A_32 {strides = array<i32>} : memref<64xi32, #tpu.memory_space<vmem>>, vector<16xi32>,
    %swap3A_38 = arith.constant 32 : index
    %swap3A_39 = tpu.vector_load %arg15[%swap3A_38] {strides = array<i32>} : memref<64xi32, #tpu.memory_space<vmem>>, vector<16xi32>,
    tpu.vector_store %arg15[%swap3A_38], %broadcast_in_dim3A_32 {strides = array<i32>} : memref<64xi32, #tpu.memory_space<vmem>>, vector<16xi32>,
    %swap3A_40 = arith.constant 48 : index
    %swap3A_41 = tpu.vector_load %arg15[%swap3A_40] {strides = array<i32>} : memref<64xi32, #tpu.memory_space<vmem>>, vector<16xi32>,
    tpu.vector_store %arg15[%swap3A_40], %broadcast_in_dim3A_32 {strides = array<i32>} : memref<64xi32, #tpu.memory_space<vmem>>, vector<16xi32>,
    %mul3A_42 = arith.constant 626 : i32
    %mul3A_43 = arith.muli %arg1, %mul3A_42 : i32
    %add3A_44 = arith.constant 0 : i32
    %add3A_45 = arith.addi %mul3A_43, %add3A_44 : i32
    "tpu.region"() ({
      %run_scoped3A = tpu.sem_alloc : memref<!tpu.dma_semaphore, #tpu.memory_space<semaphore_mem>>
      %dma_start3A_152 = arith.constant 0 : i32
      %dma_start3A_153 = tpu.memref_slice %arg8[%add3A_45, %dma_start3A_152] : memref<10016x144xf32, #tpu.memory_space<vmem_shared>> -> memref<64x144xf32, #tpu.memory_space<vmem_shared>>
      %dma_start3A_154 = arith.constant 0 : i32
      %dma_start3A_155 = tpu.memref_slice %arg8[%add3A_45, %dma_start3A_154] : memref<10016x144xf32, #tpu.memory_space<vmem_shared>> -> memref<64x144xf32, #tpu.memory_space<vmem_shared>>
      tpu.enqueue_dma source(%arg22 : memref<64x144xf32, #tpu.memory_space<vmem>>) target(%dma_start3A_155 : memref<64x144xf32, #tpu.memory_space<vmem_shared>>) target_semaphore(%run_scoped3A : memref<!tpu.dma_semaphore, #tpu.memory_space<semaphore_mem>>)
      %dma_wait3A_156 = arith.constant 0 : i32
      %dma_wait3A_157 = tpu.memref_slice %arg8[%add3A_45, %dma_wait3A_156] : memref<10016x144xf32, #tpu.memory_space<vmem_shared>> -> memref<64x144xf32, #tpu.memory_space<vmem_shared>>
      %dma_wait3A_158 = arith.constant 0 : i32
      %dma_wait3A_159 = tpu.memref_slice %arg8[%add3A_45, %dma_wait3A_158] : memref<10016x144xf32, #tpu.memory_space<vmem_shared>> -> memref<64x144xf32, #tpu.memory_space<vmem_shared>>
      tpu.wait_dma2 semaphore(%run_scoped3A : memref<!tpu.dma_semaphore, #tpu.memory_space<semaphore_mem>>) src(%arg22 : memref<64x144xf32, #tpu.memory_space<vmem>>) dst(%dma_wait3A_159 : memref<64x144xf32, #tpu.memory_space<vmem_shared>>)
      tpu.yield
    }) : () -> ()
    %mul3A_46 = arith.constant 626 : i32
    %mul3A_47 = arith.muli %arg1, %mul3A_46 : i32
    %add3A_48 = arith.constant 64 : i32
    %add3A_49 = arith.addi %mul3A_47, %add3A_48 : i32
    "tpu.region"() ({
      %run_scoped3A = tpu.sem_alloc : memref<!tpu.dma_semaphore, #tpu.memory_space<semaphore_mem>>
      %dma_start3A_152 = arith.constant 0 : i32
      %dma_start3A_153 = tpu.memref_slice %arg8[%add3A_49, %dma_start3A_152] : memref<10016x144xf32, #tpu.memory_space<vmem_shared>> -> memref<64x144xf32, #tpu.memory_space<vmem_shared>>
      %dma_start3A_154 = arith.constant 0 : i32
      %dma_start3A_155 = tpu.memref_slice %arg8[%add3A_49, %dma_start3A_154] : memref<10016x144xf32, #tpu.memory_space<vmem_shared>> -> memref<64x144xf32, #tpu.memory_space<vmem_shared>>
      tpu.enqueue_dma source(%arg22 : memref<64x144xf32, #tpu.memory_space<vmem>>) target(%dma_start3A_155 : memref<64x144xf32, #tpu.memory_space<vmem_shared>>) target_semaphore(%run_scoped3A : memref<!tpu.dma_semaphore, #tpu.memory_space<semaphore_mem>>)
      %dma_wait3A_156 = arith.constant 0 : i32
      %dma_wait3A_157 = tpu.memref_slice %arg8[%add3A_49, %dma_wait3A_156] : memref<10016x144xf32, #tpu.memory_space<vmem_shared>> -> memref<64x144xf32, #tpu.memory_space<vmem_shared>>
      %dma_wait3A_158 = arith.constant 0 : i32
      %dma_wait3A_159 = tpu.memref_slice %arg8[%add3A_49, %dma_wait3A_158] : memref<10016x144xf32, #tpu.memory_space<vmem_shared>> -> memref<64x144xf32, #tpu.memory_space<vmem_shared>>
      tpu.wait_dma2 semaphore(%run_scoped3A : memref<!tpu.dma_semaphore, #tpu.memory_space<semaphore_mem>>) src(%arg22 : memref<64x144xf32, #tpu.memory_space<vmem>>) dst(%dma_wait3A_159 : memref<64x144xf32, #tpu.memory_space<vmem_shared>>)
      tpu.yield
    }) : () -> ()
    %mul3A_50 = arith.constant 626 : i32
    %mul3A_51 = arith.muli %arg1, %mul3A_50 : i32
    %add3A_52 = arith.constant 128 : i32
    %add3A_53 = arith.addi %mul3A_51, %add3A_52 : i32
    "tpu.region"() ({
      %run_scoped3A = tpu.sem_alloc : memref<!tpu.dma_semaphore, #tpu.memory_space<semaphore_mem>>
      %dma_start3A_152 = arith.constant 0 : i32
      %dma_start3A_153 = tpu.memref_slice %arg8[%add3A_53, %dma_start3A_152] : memref<10016x144xf32, #tpu.memory_space<vmem_shared>> -> memref<64x144xf32, #tpu.memory_space<vmem_shared>>
      %dma_start3A_154 = arith.constant 0 : i32
      %dma_start3A_155 = tpu.memref_slice %arg8[%add3A_53, %dma_start3A_154] : memref<10016x144xf32, #tpu.memory_space<vmem_shared>> -> memref<64x144xf32, #tpu.memory_space<vmem_shared>>
      tpu.enqueue_dma source(%arg22 : memref<64x144xf32, #tpu.memory_space<vmem>>) target(%dma_start3A_155 : memref<64x144xf32, #tpu.memory_space<vmem_shared>>) target_semaphore(%run_scoped3A : memref<!tpu.dma_semaphore, #tpu.memory_space<semaphore_mem>>)
      %dma_wait3A_156 = arith.constant 0 : i32
      %dma_wait3A_157 = tpu.memref_slice %arg8[%add3A_53, %dma_wait3A_156] : memref<10016x144xf32, #tpu.memory_space<vmem_shared>> -> memref<64x144xf32, #tpu.memory_space<vmem_shared>>
      %dma_wait3A_158 = arith.constant 0 : i32
      %dma_wait3A_159 = tpu.memref_slice %arg8[%add3A_53, %dma_wait3A_158] : memref<10016x144xf32, #tpu.memory_space<vmem_shared>> -> memref<64x144xf32, #tpu.memory_space<vmem_shared>>
      tpu.wait_dma2 semaphore(%run_scoped3A : memref<!tpu.dma_semaphore, #tpu.memory_space<semaphore_mem>>) src(%arg22 : memref<64x144xf32, #tpu.memory_space<vmem>>) dst(%dma_wait3A_159 : memref<64x144xf32, #tpu.memory_space<vmem_shared>>)
      tpu.yield
    }) : () -> ()
    %mul3A_54 = arith.constant 626 : i32
    %mul3A_55 = arith.muli %arg1, %mul3A_54 : i32
    %add3A_56 = arith.constant 192 : i32
    %add3A_57 = arith.addi %mul3A_55, %add3A_56 : i32
    "tpu.region"() ({
      %run_scoped3A = tpu.sem_alloc : memref<!tpu.dma_semaphore, #tpu.memory_space<semaphore_mem>>
      %dma_start3A_152 = arith.constant 0 : i32
      %dma_start3A_153 = tpu.memref_slice %arg8[%add3A_57, %dma_start3A_152] : memref<10016x144xf32, #tpu.memory_space<vmem_shared>> -> memref<64x144xf32, #tpu.memory_space<vmem_shared>>
      %dma_start3A_154 = arith.constant 0 : i32
      %dma_start3A_155 = tpu.memref_slice %arg8[%add3A_57, %dma_start3A_154] : memref<10016x144xf32, #tpu.memory_space<vmem_shared>> -> memref<64x144xf32, #tpu.memory_space<vmem_shared>>
      tpu.enqueue_dma source(%arg22 : memref<64x144xf32, #tpu.memory_space<vmem>>) target(%dma_start3A_155 : memref<64x144xf32, #tpu.memory_space<vmem_shared>>) target_semaphore(%run_scoped3A : memref<!tpu.dma_semaphore, #tpu.memory_space<semaphore_mem>>)
      %dma_wait3A_156 = arith.constant 0 : i32
      %dma_wait3A_157 = tpu.memref_slice %arg8[%add3A_57, %dma_wait3A_156] : memref<10016x144xf32, #tpu.memory_space<vmem_shared>> -> memref<64x144xf32, #tpu.memory_space<vmem_shared>>
      %dma_wait3A_158 = arith.constant 0 : i32
      %dma_wait3A_159 = tpu.memref_slice %arg8[%add3A_57, %dma_wait3A_158] : memref<10016x144xf32, #tpu.memory_space<vmem_shared>> -> memref<64x144xf32, #tpu.memory_space<vmem_shared>>
      tpu.wait_dma2 semaphore(%run_scoped3A : memref<!tpu.dma_semaphore, #tpu.memory_space<semaphore_mem>>) src(%arg22 : memref<64x144xf32, #tpu.memory_space<vmem>>) dst(%dma_wait3A_159 : memref<64x144xf32, #tpu.memory_space<vmem_shared>>)
      tpu.yield
    }) : () -> ()
    %mul3A_58 = arith.constant 626 : i32
    %mul3A_59 = arith.muli %arg1, %mul3A_58 : i32
    %add3A_60 = arith.constant 256 : i32
    %add3A_61 = arith.addi %mul3A_59, %add3A_60 : i32
    "tpu.region"() ({
      %run_scoped3A = tpu.sem_alloc : memref<!tpu.dma_semaphore, #tpu.memory_space<semaphore_mem>>
      %dma_start3A_152 = arith.constant 0 : i32
      %dma_start3A_153 = tpu.memref_slice %arg8[%add3A_61, %dma_start3A_152] : memref<10016x144xf32, #tpu.memory_space<vmem_shared>> -> memref<64x144xf32, #tpu.memory_space<vmem_shared>>
      %dma_start3A_154 = arith.constant 0 : i32
      %dma_start3A_155 = tpu.memref_slice %arg8[%add3A_61, %dma_start3A_154] : memref<10016x144xf32, #tpu.memory_space<vmem_shared>> -> memref<64x144xf32, #tpu.memory_space<vmem_shared>>
      tpu.enqueue_dma source(%arg22 : memref<64x144xf32, #tpu.memory_space<vmem>>) target(%dma_start3A_155 : memref<64x144xf32, #tpu.memory_space<vmem_shared>>) target_semaphore(%run_scoped3A : memref<!tpu.dma_semaphore, #tpu.memory_space<semaphore_mem>>)
      %dma_wait3A_156 = arith.constant 0 : i32
      %dma_wait3A_157 = tpu.memref_slice %arg8[%add3A_61, %dma_wait3A_156] : memref<10016x144xf32, #tpu.memory_space<vmem_shared>> -> memref<64x144xf32, #tpu.memory_space<vmem_shared>>
      %dma_wait3A_158 = arith.constant 0 : i32
      %dma_wait3A_159 = tpu.memref_slice %arg8[%add3A_61, %dma_wait3A_158] : memref<10016x144xf32, #tpu.memory_space<vmem_shared>> -> memref<64x144xf32, #tpu.memory_space<vmem_shared>>
      tpu.wait_dma2 semaphore(%run_scoped3A : memref<!tpu.dma_semaphore, #tpu.memory_space<semaphore_mem>>) src(%arg22 : memref<64x144xf32, #tpu.memory_space<vmem>>) dst(%dma_wait3A_159 : memref<64x144xf32, #tpu.memory_space<vmem_shared>>)
      tpu.yield
    }) : () -> ()
    %mul3A_62 = arith.constant 626 : i32
    %mul3A_63 = arith.muli %arg1, %mul3A_62 : i32
    %add3A_64 = arith.constant 320 : i32
    %add3A_65 = arith.addi %mul3A_63, %add3A_64 : i32
    "tpu.region"() ({
      %run_scoped3A = tpu.sem_alloc : memref<!tpu.dma_semaphore, #tpu.memory_space<semaphore_mem>>
      %dma_start3A_152 = arith.constant 0 : i32
      %dma_start3A_153 = tpu.memref_slice %arg8[%add3A_65, %dma_start3A_152] : memref<10016x144xf32, #tpu.memory_space<vmem_shared>> -> memref<64x144xf32, #tpu.memory_space<vmem_shared>>
      %dma_start3A_154 = arith.constant 0 : i32
      %dma_start3A_155 = tpu.memref_slice %arg8[%add3A_65, %dma_start3A_154] : memref<10016x144xf32, #tpu.memory_space<vmem_shared>> -> memref<64x144xf32, #tpu.memory_space<vmem_shared>>
      tpu.enqueue_dma source(%arg22 : memref<64x144xf32, #tpu.memory_space<vmem>>) target(%dma_start3A_155 : memref<64x144xf32, #tpu.memory_space<vmem_shared>>) target_semaphore(%run_scoped3A : memref<!tpu.dma_semaphore, #tpu.memory_space<semaphore_mem>>)
      %dma_wait3A_156 = arith.constant 0 : i32
      %dma_wait3A_157 = tpu.memref_slice %arg8[%add3A_65, %dma_wait3A_156] : memref<10016x144xf32, #tpu.memory_space<vmem_shared>> -> memref<64x144xf32, #tpu.memory_space<vmem_shared>>
      %dma_wait3A_158 = arith.constant 0 : i32
      %dma_wait3A_159 = tpu.memref_slice %arg8[%add3A_65, %dma_wait3A_158] : memref<10016x144xf32, #tpu.memory_space<vmem_shared>> -> memref<64x144xf32, #tpu.memory_space<vmem_shared>>
      tpu.wait_dma2 semaphore(%run_scoped3A : memref<!tpu.dma_semaphore, #tpu.memory_space<semaphore_mem>>) src(%arg22 : memref<64x144xf32, #tpu.memory_space<vmem>>) dst(%dma_wait3A_159 : memref<64x144xf32, #tpu.memory_space<vmem_shared>>)
      tpu.yield
    }) : () -> ()
    %mul3A_66 = arith.constant 626 : i32
    %mul3A_67 = arith.muli %arg1, %mul3A_66 : i32
    %add3A_68 = arith.constant 384 : i32
    %add3A_69 = arith.addi %mul3A_67, %add3A_68 : i32
    "tpu.region"() ({
      %run_scoped3A = tpu.sem_alloc : memref<!tpu.dma_semaphore, #tpu.memory_space<semaphore_mem>>
      %dma_start3A_152 = arith.constant 0 : i32
      %dma_start3A_153 = tpu.memref_slice %arg8[%add3A_69, %dma_start3A_152] : memref<10016x144xf32, #tpu.memory_space<vmem_shared>> -> memref<64x144xf32, #tpu.memory_space<vmem_shared>>
      %dma_start3A_154 = arith.constant 0 : i32
      %dma_start3A_155 = tpu.memref_slice %arg8[%add3A_69, %dma_start3A_154] : memref<10016x144xf32, #tpu.memory_space<vmem_shared>> -> memref<64x144xf32, #tpu.memory_space<vmem_shared>>
      tpu.enqueue_dma source(%arg22 : memref<64x144xf32, #tpu.memory_space<vmem>>) target(%dma_start3A_155 : memref<64x144xf32, #tpu.memory_space<vmem_shared>>) target_semaphore(%run_scoped3A : memref<!tpu.dma_semaphore, #tpu.memory_space<semaphore_mem>>)
      %dma_wait3A_156 = arith.constant 0 : i32
      %dma_wait3A_157 = tpu.memref_slice %arg8[%add3A_69, %dma_wait3A_156] : memref<10016x144xf32, #tpu.memory_space<vmem_shared>> -> memref<64x144xf32, #tpu.memory_space<vmem_shared>>
      %dma_wait3A_158 = arith.constant 0 : i32
      %dma_wait3A_159 = tpu.memref_slice %arg8[%add3A_69, %dma_wait3A_158] : memref<10016x144xf32, #tpu.memory_space<vmem_shared>> -> memref<64x144xf32, #tpu.memory_space<vmem_shared>>
      tpu.wait_dma2 semaphore(%run_scoped3A : memref<!tpu.dma_semaphore, #tpu.memory_space<semaphore_mem>>) src(%arg22 : memref<64x144xf32, #tpu.memory_space<vmem>>) dst(%dma_wait3A_159 : memref<64x144xf32, #tpu.memory_space<vmem_shared>>)
      tpu.yield
    }) : () -> ()
    %mul3A_70 = arith.constant 626 : i32
    %mul3A_71 = arith.muli %arg1, %mul3A_70 : i32
    %add3A_72 = arith.constant 448 : i32
    %add3A_73 = arith.addi %mul3A_71, %add3A_72 : i32
    "tpu.region"() ({
      %run_scoped3A = tpu.sem_alloc : memref<!tpu.dma_semaphore, #tpu.memory_space<semaphore_mem>>
      %dma_start3A_152 = arith.constant 0 : i32
      %dma_start3A_153 = tpu.memref_slice %arg8[%add3A_73, %dma_start3A_152] : memref<10016x144xf32, #tpu.memory_space<vmem_shared>> -> memref<64x144xf32, #tpu.memory_space<vmem_shared>>
      %dma_start3A_154 = arith.constant 0 : i32
      %dma_start3A_155 = tpu.memref_slice %arg8[%add3A_73, %dma_start3A_154] : memref<10016x144xf32, #tpu.memory_space<vmem_shared>> -> memref<64x144xf32, #tpu.memory_space<vmem_shared>>
      tpu.enqueue_dma source(%arg22 : memref<64x144xf32, #tpu.memory_space<vmem>>) target(%dma_start3A_155 : memref<64x144xf32, #tpu.memory_space<vmem_shared>>) target_semaphore(%run_scoped3A : memref<!tpu.dma_semaphore, #tpu.memory_space<semaphore_mem>>)
      %dma_wait3A_156 = arith.constant 0 : i32
      %dma_wait3A_157 = tpu.memref_slice %arg8[%add3A_73, %dma_wait3A_156] : memref<10016x144xf32, #tpu.memory_space<vmem_shared>> -> memref<64x144xf32, #tpu.memory_space<vmem_shared>>
      %dma_wait3A_158 = arith.constant 0 : i32
      %dma_wait3A_159 = tpu.memref_slice %arg8[%add3A_73, %dma_wait3A_158] : memref<10016x144xf32, #tpu.memory_space<vmem_shared>> -> memref<64x144xf32, #tpu.memory_space<vmem_shared>>
      tpu.wait_dma2 semaphore(%run_scoped3A : memref<!tpu.dma_semaphore, #tpu.memory_space<semaphore_mem>>) src(%arg22 : memref<64x144xf32, #tpu.memory_space<vmem>>) dst(%dma_wait3A_159 : memref<64x144xf32, #tpu.memory_space<vmem_shared>>)
      tpu.yield
    }) : () -> ()
    %mul3A_74 = arith.constant 626 : i32
    %mul3A_75 = arith.muli %arg1, %mul3A_74 : i32
    %add3A_76 = arith.constant 512 : i32
    %add3A_77 = arith.addi %mul3A_75, %add3A_76 : i32
    "tpu.region"() ({
      %run_scoped3A = tpu.sem_alloc : memref<!tpu.dma_semaphore, #tpu.memory_space<semaphore_mem>>
      %dma_start3A_152 = arith.constant 0 : i32
      %dma_start3A_153 = tpu.memref_slice %arg8[%add3A_77, %dma_start3A_152] : memref<10016x144xf32, #tpu.memory_space<vmem_shared>> -> memref<64x144xf32, #tpu.memory_space<vmem_shared>>
      %dma_start3A_154 = arith.constant 0 : i32
      %dma_start3A_155 = tpu.memref_slice %arg8[%add3A_77, %dma_start3A_154] : memref<10016x144xf32, #tpu.memory_space<vmem_shared>> -> memref<64x144xf32, #tpu.memory_space<vmem_shared>>
      tpu.enqueue_dma source(%arg22 : memref<64x144xf32, #tpu.memory_space<vmem>>) target(%dma_start3A_155 : memref<64x144xf32, #tpu.memory_space<vmem_shared>>) target_semaphore(%run_scoped3A : memref<!tpu.dma_semaphore, #tpu.memory_space<semaphore_mem>>)
      %dma_wait3A_156 = arith.constant 0 : i32
      %dma_wait3A_157 = tpu.memref_slice %arg8[%add3A_77, %dma_wait3A_156] : memref<10016x144xf32, #tpu.memory_space<vmem_shared>> -> memref<64x144xf32, #tpu.memory_space<vmem_shared>>
      %dma_wait3A_158 = arith.constant 0 : i32
      %dma_wait3A_159 = tpu.memref_slice %arg8[%add3A_77, %dma_wait3A_158] : memref<10016x144xf32, #tpu.memory_space<vmem_shared>> -> memref<64x144xf32, #tpu.memory_space<vmem_shared>>
      tpu.wait_dma2 semaphore(%run_scoped3A : memref<!tpu.dma_semaphore, #tpu.memory_space<semaphore_mem>>) src(%arg22 : memref<64x144xf32, #tpu.memory_space<vmem>>) dst(%dma_wait3A_159 : memref<64x144xf32, #tpu.memory_space<vmem_shared>>)
      tpu.yield
    }) : () -> ()
    %mul3A_78 = arith.constant 626 : i32
    %mul3A_79 = arith.muli %arg1, %mul3A_78 : i32
    %add3A_80 = arith.constant 576 : i32
    %add3A_81 = arith.addi %mul3A_79, %add3A_80 : i32
    "tpu.region"() ({
      %run_scoped3A = tpu.sem_alloc : memref<!tpu.dma_semaphore, #tpu.memory_space<semaphore_mem>>
      %dma_start3A_152 = arith.constant 0 : i32
      %dma_start3A_153 = arith.constant 0 : i32
      %dma_start3A_154 = tpu.memref_slice %arg22[%dma_start3A_152, %dma_start3A_153] : memref<64x144xf32, #tpu.memory_space<vmem>> -> memref<50x144xf32, #tpu.memory_space<vmem>>
      %dma_start3A_155 = arith.constant 0 : i32
      %dma_start3A_156 = tpu.memref_slice %arg8[%add3A_81, %dma_start3A_155] : memref<10016x144xf32, #tpu.memory_space<vmem_shared>> -> memref<50x144xf32, #tpu.memory_space<vmem_shared>>
      %dma_start3A_157 = arith.constant 0 : i32
      %dma_start3A_158 = tpu.memref_slice %arg8[%add3A_81, %dma_start3A_157] : memref<10016x144xf32, #tpu.memory_space<vmem_shared>> -> memref<50x144xf32, #tpu.memory_space<vmem_shared>>
      %dma_start3A_159 = arith.constant 0 : i32
      %dma_start3A_160 = arith.constant 0 : i32
      %dma_start3A_161 = tpu.memref_slice %arg22[%dma_start3A_159, %dma_start3A_160] : memref<64x144xf32, #tpu.memory_space<vmem>> -> memref<50x144xf32, #tpu.memory_space<vmem>>
      tpu.enqueue_dma source(%dma_start3A_161 : memref<50x144xf32, #tpu.memory_space<vmem>>) target(%dma_start3A_158 : memref<50x144xf32, #tpu.memory_space<vmem_shared>>) target_semaphore(%run_scoped3A : memref<!tpu.dma_semaphore, #tpu.memory_space<semaphore_mem>>)
      %dma_wait3A_162 = arith.constant 0 : i32
      %dma_wait3A_163 = arith.constant 0 : i32
      %dma_wait3A_164 = tpu.memref_slice %arg22[%dma_wait3A_162, %dma_wait3A_163] : memref<64x144xf32, #tpu.memory_space<vmem>> -> memref<50x144xf32, #tpu.memory_space<vmem>>
      %dma_wait3A_165 = arith.constant 0 : i32
      %dma_wait3A_166 = tpu.memref_slice %arg8[%add3A_81, %dma_wait3A_165] : memref<10016x144xf32, #tpu.memory_space<vmem_shared>> -> memref<50x144xf32, #tpu.memory_space<vmem_shared>>
      %dma_wait3A_167 = arith.constant 0 : i32
      %dma_wait3A_168 = tpu.memref_slice %arg8[%add3A_81, %dma_wait3A_167] : memref<10016x144xf32, #tpu.memory_space<vmem_shared>> -> memref<50x144xf32, #tpu.memory_space<vmem_shared>>
      %dma_wait3A_169 = arith.constant 0 : i32
      %dma_wait3A_170 = arith.constant 0 : i32
      %dma_wait3A_171 = tpu.memref_slice %arg22[%dma_wait3A_169, %dma_wait3A_170] : memref<64x144xf32, #tpu.memory_space<vmem>> -> memref<50x144xf32, #tpu.memory_space<vmem>>
      tpu.wait_dma2 semaphore(%run_scoped3A : memref<!tpu.dma_semaphore, #tpu.memory_space<semaphore_mem>>) src(%dma_wait3A_171 : memref<50x144xf32, #tpu.memory_space<vmem>>) dst(%dma_wait3A_168 : memref<50x144xf32, #tpu.memory_space<vmem_shared>>)
      tpu.yield
    }) : () -> ()
    %barrier3A = arith.constant 0 : index
    tpu.barrier barrier_id(%barrier3A)
    %dma_start3A = arith.constant 0 : i32
    %dma_start3A_82 = arith.constant 0 : i32
    %dma_start3A_83 = tpu.memref_slice %arg8[%dma_start3A, %dma_start3A_82] : memref<10016x144xf32, #tpu.memory_space<vmem_shared>> -> memref<10016x144xf32, #tpu.memory_space<vmem_shared>>
    tpu.enqueue_indirect_dma source(%arg22 : memref<64x144xf32, #tpu.memory_space<vmem>>) target(%dma_start3A_83 : memref<10016x144xf32, #tpu.memory_space<vmem_shared>>) offsets(%arg15 : memref<64xi32, #tpu.memory_space<vmem>>) semaphore(%arg30 : memref<!tpu.dma_semaphore, #tpu.memory_space<semaphore_mem>>) {add = true}
    %dma_start3A_84 = arith.constant 0 : i32
    %dma_start3A_85 = arith.constant 0 : i32
    %dma_start3A_86 = tpu.memref_slice %arg8[%dma_start3A_84, %dma_start3A_85] : memref<10016x144xf32, #tpu.memory_space<vmem_shared>> -> memref<10016x144xf32, #tpu.memory_space<vmem_shared>>
    tpu.enqueue_indirect_dma source(%arg23 : memref<64x144xf32, #tpu.memory_space<vmem>>) target(%dma_start3A_86 : memref<10016x144xf32, #tpu.memory_space<vmem_shared>>) offsets(%arg15 : memref<64xi32, #tpu.memory_space<vmem>>) semaphore(%arg31 : memref<!tpu.dma_semaphore, #tpu.memory_space<semaphore_mem>>) {add = true}
    %add3A_87 = arith.constant 0 : i32
    %add3A_88 = arith.addi %mul3A_2, %add3A_87 : i32
    %dma_start3A_89 = tpu.memref_slice %arg2[%add3A_88] : memref<331776xi32, #tpu.memory_space<hbm>> -> memref<64xi32, #tpu.memory_space<hbm>>
    %dma_start3A_90 = tpu.memref_slice %arg2[%add3A_88] : memref<331776xi32, #tpu.memory_space<hbm>> -> memref<64xi32, #tpu.memory_space<hbm>>
    tpu.enqueue_dma source(%dma_start3A_90 : memref<64xi32, #tpu.memory_space<hbm>>) target(%arg9 : memref<64xi32, #tpu.memory_space<vmem>>) target_semaphore(%arg28 : memref<!tpu.dma_semaphore, #tpu.memory_space<semaphore_mem>>)
    %dma_start3A_91 = tpu.memref_slice %arg3[%add3A_88] : memref<331776xi32, #tpu.memory_space<hbm>> -> memref<64xi32, #tpu.memory_space<hbm>>
    %dma_start3A_92 = tpu.memref_slice %arg3[%add3A_88] : memref<331776xi32, #tpu.memory_space<hbm>> -> memref<64xi32, #tpu.memory_space<hbm>>
    tpu.enqueue_dma source(%dma_start3A_92 : memref<64xi32, #tpu.memory_space<hbm>>) target(%arg11 : memref<64xi32, #tpu.memory_space<vmem>>) target_semaphore(%arg28 : memref<!tpu.dma_semaphore, #tpu.memory_space<semaphore_mem>>)
    %dma_wait3A = arith.constant 0 : i32
    %dma_wait3A_93 = tpu.memref_slice %arg2[%dma_wait3A] : memref<331776xi32, #tpu.memory_space<hbm>> -> memref<64xi32, #tpu.memory_space<hbm>>
    %dma_wait3A_94 = arith.constant 0 : i32
    %dma_wait3A_95 = tpu.memref_slice %arg2[%dma_wait3A_94] : memref<331776xi32, #tpu.memory_space<hbm>> -> memref<64xi32, #tpu.memory_space<hbm>>
    tpu.wait_dma2 semaphore(%arg28 : memref<!tpu.dma_semaphore, #tpu.memory_space<semaphore_mem>>) src(%dma_wait3A_95 : memref<64xi32, #tpu.memory_space<hbm>>) dst(%arg9 : memref<64xi32, #tpu.memory_space<vmem>>)
    %dma_wait3A_96 = arith.constant 0 : i32
    %dma_wait3A_97 = tpu.memref_slice %arg3[%dma_wait3A_96] : memref<331776xi32, #tpu.memory_space<hbm>> -> memref<64xi32, #tpu.memory_space<hbm>>
    %dma_wait3A_98 = arith.constant 0 : i32
    %dma_wait3A_99 = tpu.memref_slice %arg3[%dma_wait3A_98] : memref<331776xi32, #tpu.memory_space<hbm>> -> memref<64xi32, #tpu.memory_space<hbm>>
    tpu.wait_dma2 semaphore(%arg28 : memref<!tpu.dma_semaphore, #tpu.memory_space<semaphore_mem>>) src(%dma_wait3A_99 : memref<64xi32, #tpu.memory_space<hbm>>) dst(%arg11 : memref<64xi32, #tpu.memory_space<vmem>>)
    %dma_start3A_100 = arith.constant 0 : i32
    %dma_start3A_101 = arith.constant 0 : i32
    %dma_start3A_102 = tpu.memref_slice %arg4[%dma_start3A_100, %dma_start3A_101] : memref<10000x16xf32, #tpu.memory_space<hbm>> -> memref<10000x16xf32, #tpu.memory_space<hbm>>
    tpu.enqueue_indirect_dma source(%dma_start3A_102 : memref<10000x16xf32, #tpu.memory_space<hbm>>) target(%arg16 : memref<64x16xf32, #tpu.memory_space<vmem>>) offsets(%arg9 : memref<64xi32, #tpu.memory_space<vmem>>) semaphore(%arg26 : memref<!tpu.dma_semaphore, #tpu.memory_space<semaphore_mem>>)
    %dma_start3A_103 = arith.constant 0 : i32
    %dma_start3A_104 = arith.constant 0 : i32
    %dma_start3A_105 = tpu.memref_slice %arg4[%dma_start3A_103, %dma_start3A_104] : memref<10000x16xf32, #tpu.memory_space<hbm>> -> memref<10000x16xf32, #tpu.memory_space<hbm>>
    tpu.enqueue_indirect_dma source(%dma_start3A_105 : memref<10000x16xf32, #tpu.memory_space<hbm>>) target(%arg18 : memref<64x16xf32, #tpu.memory_space<vmem>>) offsets(%arg11 : memref<64xi32, #tpu.memory_space<vmem>>) semaphore(%arg26 : memref<!tpu.dma_semaphore, #tpu.memory_space<semaphore_mem>>)
    %dma_start3A_106 = arith.constant 0 : i32
    %dma_start3A_107 = arith.constant 0 : i32
    %dma_start3A_108 = tpu.memref_slice %arg5[%dma_start3A_106, %dma_start3A_107] : memref<10000x128xf32, #tpu.memory_space<hbm>> -> memref<10000x128xf32, #tpu.memory_space<hbm>>
    tpu.enqueue_indirect_dma source(%dma_start3A_108 : memref<10000x128xf32, #tpu.memory_space<hbm>>) target(%arg20 : memref<64x128xf32, #tpu.memory_space<vmem>>) offsets(%arg9 : memref<64xi32, #tpu.memory_space<vmem>>) semaphore(%arg26 : memref<!tpu.dma_semaphore, #tpu.memory_space<semaphore_mem>>)
    %add3A_109 = arith.constant 64 : i32
    %add3A_110 = arith.addi %mul3A_2, %add3A_109 : i32
    %dma_start3A_111 = tpu.memref_slice %arg2[%add3A_110] : memref<331776xi32, #tpu.memory_space<hbm>> -> memref<64xi32, #tpu.memory_space<hbm>>
    %dma_start3A_112 = tpu.memref_slice %arg2[%add3A_110] : memref<331776xi32, #tpu.memory_space<hbm>> -> memref<64xi32, #tpu.memory_space<hbm>>
    tpu.enqueue_dma source(%dma_start3A_112 : memref<64xi32, #tpu.memory_space<hbm>>) target(%arg10 : memref<64xi32, #tpu.memory_space<vmem>>) target_semaphore(%arg29 : memref<!tpu.dma_semaphore, #tpu.memory_space<semaphore_mem>>)
    %dma_start3A_113 = tpu.memref_slice %arg3[%add3A_110] : memref<331776xi32, #tpu.memory_space<hbm>> -> memref<64xi32, #tpu.memory_space<hbm>>
    %dma_start3A_114 = tpu.memref_slice %arg3[%add3A_110] : memref<331776xi32, #tpu.memory_space<hbm>> -> memref<64xi32, #tpu.memory_space<hbm>>
    tpu.enqueue_dma source(%dma_start3A_114 : memref<64xi32, #tpu.memory_space<hbm>>) target(%arg12 : memref<64xi32, #tpu.memory_space<vmem>>) target_semaphore(%arg29 : memref<!tpu.dma_semaphore, #tpu.memory_space<semaphore_mem>>)
    %scan3A = arith.constant 0 : i32
    %scan3A_115 = arith.constant 0 : i32
    %scan3A_116 = arith.constant 81 : i32
    %scan3A_117 = arith.addi %scan3A_115, %scan3A_116 : i32
    %scan3A_118 = arith.constant 1 : i32
    scf.for %scan3A_152 = %scan3A_115 to %scan3A_117 step %scan3A_118  : i32 {
      %mul3A_153 = arith.constant 2 : i32
      %mul3A_154 = arith.muli %mul3A_153, %scan3A_152 : i32
      %dma_wait3A_155 = arith.constant 0 : i32
      %dma_wait3A_156 = arith.constant 0 : i32
      %dma_wait3A_157 = tpu.memref_slice %arg4[%dma_wait3A_155, %dma_wait3A_156] : memref<10000x16xf32, #tpu.memory_space<hbm>> -> memref<10000x16xf32, #tpu.memory_space<hbm>>
      tpu.wait_indirect_dma semaphore(%arg26 : memref<!tpu.dma_semaphore, #tpu.memory_space<semaphore_mem>>) src(%dma_wait3A_157 : memref<10000x16xf32, #tpu.memory_space<hbm>>) dst(%arg16 : memref<64x16xf32, #tpu.memory_space<vmem>>)
      %dma_wait3A_158 = arith.constant 0 : i32
      %dma_wait3A_159 = arith.constant 0 : i32
      %dma_wait3A_160 = tpu.memref_slice %arg4[%dma_wait3A_158, %dma_wait3A_159] : memref<10000x16xf32, #tpu.memory_space<hbm>> -> memref<10000x16xf32, #tpu.memory_space<hbm>>
      tpu.wait_indirect_dma semaphore(%arg26 : memref<!tpu.dma_semaphore, #tpu.memory_space<semaphore_mem>>) src(%dma_wait3A_160 : memref<10000x16xf32, #tpu.memory_space<hbm>>) dst(%arg18 : memref<64x16xf32, #tpu.memory_space<vmem>>)
      %dma_wait3A_161 = arith.constant 0 : i32
      %dma_wait3A_162 = arith.constant 0 : i32
      %dma_wait3A_163 = tpu.memref_slice %arg5[%dma_wait3A_161, %dma_wait3A_162] : memref<10000x128xf32, #tpu.memory_space<hbm>> -> memref<10000x128xf32, #tpu.memory_space<hbm>>
      tpu.wait_indirect_dma semaphore(%arg26 : memref<!tpu.dma_semaphore, #tpu.memory_space<semaphore_mem>>) src(%dma_wait3A_163 : memref<10000x128xf32, #tpu.memory_space<hbm>>) dst(%arg20 : memref<64x128xf32, #tpu.memory_space<vmem>>)
      %dma_wait3A_164 = arith.constant 0 : i32
      %dma_wait3A_165 = arith.constant 0 : i32
      %dma_wait3A_166 = tpu.memref_slice %arg8[%dma_wait3A_164, %dma_wait3A_165] : memref<10016x144xf32, #tpu.memory_space<vmem_shared>> -> memref<10016x144xf32, #tpu.memory_space<vmem_shared>>
      tpu.wait_indirect_dma semaphore(%arg30 : memref<!tpu.dma_semaphore, #tpu.memory_space<semaphore_mem>>) src(%arg22 : memref<64x144xf32, #tpu.memory_space<vmem>>) dst(%dma_wait3A_166 : memref<10016x144xf32, #tpu.memory_space<vmem_shared>>)
      %get3A = arith.constant 0 : index
      %get3A_167 = tpu.vector_load %arg11[%get3A] {strides = array<i32>} : memref<64xi32, #tpu.memory_space<vmem>>, vector<16xi32>,
      %swap3A_168 = arith.constant 0 : index
      %swap3A_169 = tpu.vector_load %arg13[%swap3A_168] {strides = array<i32>} : memref<64xi32, #tpu.memory_space<vmem>>, vector<16xi32>,
      tpu.vector_store %arg13[%swap3A_168], %get3A_167 {strides = array<i32>} : memref<64xi32, #tpu.memory_space<vmem>>, vector<16xi32>,
      %get3A_170 = arith.constant 16 : index
      %get3A_171 = tpu.vector_load %arg11[%get3A_170] {strides = array<i32>} : memref<64xi32, #tpu.memory_space<vmem>>, vector<16xi32>,
      %swap3A_172 = arith.constant 16 : index
      %swap3A_173 = tpu.vector_load %arg13[%swap3A_172] {strides = array<i32>} : memref<64xi32, #tpu.memory_space<vmem>>, vector<16xi32>,
      tpu.vector_store %arg13[%swap3A_172], %get3A_171 {strides = array<i32>} : memref<64xi32, #tpu.memory_space<vmem>>, vector<16xi32>,
      %get3A_174 = arith.constant 32 : index
      %get3A_175 = tpu.vector_load %arg11[%get3A_174] {strides = array<i32>} : memref<64xi32, #tpu.memory_space<vmem>>, vector<16xi32>,
      %swap3A_176 = arith.constant 32 : index
      %swap3A_177 = tpu.vector_load %arg13[%swap3A_176] {strides = array<i32>} : memref<64xi32, #tpu.memory_space<vmem>>, vector<16xi32>,
      tpu.vector_store %arg13[%swap3A_176], %get3A_175 {strides = array<i32>} : memref<64xi32, #tpu.memory_space<vmem>>, vector<16xi32>,
      %get3A_178 = arith.constant 48 : index
      %get3A_179 = tpu.vector_load %arg11[%get3A_178] {strides = array<i32>} : memref<64xi32, #tpu.memory_space<vmem>>, vector<16xi32>,
      %swap3A_180 = arith.constant 48 : index
      %swap3A_181 = tpu.vector_load %arg13[%swap3A_180] {strides = array<i32>} : memref<64xi32, #tpu.memory_space<vmem>>, vector<16xi32>,
      tpu.vector_store %arg13[%swap3A_180], %get3A_179 {strides = array<i32>} : memref<64xi32, #tpu.memory_space<vmem>>, vector<16xi32>,
      %dma_wait3A_182 = arith.constant 0 : i32
      %dma_wait3A_183 = tpu.memref_slice %arg2[%dma_wait3A_182] : memref<331776xi32, #tpu.memory_space<hbm>> -> memref<64xi32, #tpu.memory_space<hbm>>
      %dma_wait3A_184 = arith.constant 0 : i32
      %dma_wait3A_185 = tpu.memref_slice %arg2[%dma_wait3A_184] : memref<331776xi32, #tpu.memory_space<hbm>> -> memref<64xi32, #tpu.memory_space<hbm>>
      tpu.wait_dma2 semaphore(%arg29 : memref<!tpu.dma_semaphore, #tpu.memory_space<semaphore_mem>>) src(%dma_wait3A_185 : memref<64xi32, #tpu.memory_space<hbm>>) dst(%arg10 : memref<64xi32, #tpu.memory_space<vmem>>)
      %dma_wait3A_186 = arith.constant 0 : i32
      %dma_wait3A_187 = tpu.memref_slice %arg3[%dma_wait3A_186] : memref<331776xi32, #tpu.memory_space<hbm>> -> memref<64xi32, #tpu.memory_space<hbm>>
      %dma_wait3A_188 = arith.constant 0 : i32
      %dma_wait3A_189 = tpu.memref_slice %arg3[%dma_wait3A_188] : memref<331776xi32, #tpu.memory_space<hbm>> -> memref<64xi32, #tpu.memory_space<hbm>>
      tpu.wait_dma2 semaphore(%arg29 : memref<!tpu.dma_semaphore, #tpu.memory_space<semaphore_mem>>) src(%dma_wait3A_189 : memref<64xi32, #tpu.memory_space<hbm>>) dst(%arg12 : memref<64xi32, #tpu.memory_space<vmem>>)
      %dma_start3A_190 = arith.constant 0 : i32
      %dma_start3A_191 = arith.constant 0 : i32
      %dma_start3A_192 = tpu.memref_slice %arg4[%dma_start3A_190, %dma_start3A_191] : memref<10000x16xf32, #tpu.memory_space<hbm>> -> memref<10000x16xf32, #tpu.memory_space<hbm>>
      tpu.enqueue_indirect_dma source(%dma_start3A_192 : memref<10000x16xf32, #tpu.memory_space<hbm>>) target(%arg17 : memref<64x16xf32, #tpu.memory_space<vmem>>) offsets(%arg10 : memref<64xi32, #tpu.memory_space<vmem>>) semaphore(%arg27 : memref<!tpu.dma_semaphore, #tpu.memory_space<semaphore_mem>>)
      %dma_start3A_193 = arith.constant 0 : i32
      %dma_start3A_194 = arith.constant 0 : i32
      %dma_start3A_195 = tpu.memref_slice %arg4[%dma_start3A_193, %dma_start3A_194] : memref<10000x16xf32, #tpu.memory_space<hbm>> -> memref<10000x16xf32, #tpu.memory_space<hbm>>
      tpu.enqueue_indirect_dma source(%dma_start3A_195 : memref<10000x16xf32, #tpu.memory_space<hbm>>) target(%arg19 : memref<64x16xf32, #tpu.memory_space<vmem>>) offsets(%arg12 : memref<64xi32, #tpu.memory_space<vmem>>) semaphore(%arg27 : memref<!tpu.dma_semaphore, #tpu.memory_space<semaphore_mem>>)
      %dma_start3A_196 = arith.constant 0 : i32
      %dma_start3A_197 = arith.constant 0 : i32
      %dma_start3A_198 = tpu.memref_slice %arg5[%dma_start3A_196, %dma_start3A_197] : memref<10000x128xf32, #tpu.memory_space<hbm>> -> memref<10000x128xf32, #tpu.memory_space<hbm>>
      tpu.enqueue_indirect_dma source(%dma_start3A_198 : memref<10000x128xf32, #tpu.memory_space<hbm>>) target(%arg21 : memref<64x128xf32, #tpu.memory_space<vmem>>) offsets(%arg10 : memref<64xi32, #tpu.memory_space<vmem>>) semaphore(%arg27 : memref<!tpu.dma_semaphore, #tpu.memory_space<semaphore_mem>>)
      %add3A_199 = arith.constant 2 : i32
      %add3A_200 = arith.addi %mul3A_154, %add3A_199 : i32
      %min3A = arith.constant 161 : i32
      %min3A_201 = arith.minsi %add3A_200, %min3A : i32
      %mul3A_202 = arith.constant 64 : i32
      %mul3A_203 = arith.muli %min3A_201, %mul3A_202 : i32
      %add3A_204 = arith.addi %mul3A_2, %mul3A_203 : i32
      %dma_start3A_205 = tpu.memref_slice %arg2[%add3A_204] : memref<331776xi32, #tpu.memory_space<hbm>> -> memref<64xi32, #tpu.memory_space<hbm>>
      %dma_start3A_206 = tpu.memref_slice %arg2[%add3A_204] : memref<331776xi32, #tpu.memory_space<hbm>> -> memref<64xi32, #tpu.memory_space<hbm>>
      tpu.enqueue_dma source(%dma_start3A_206 : memref<64xi32, #tpu.memory_space<hbm>>) target(%arg9 : memref<64xi32, #tpu.memory_space<vmem>>) target_semaphore(%arg28 : memref<!tpu.dma_semaphore, #tpu.memory_space<semaphore_mem>>)
      %dma_start3A_207 = tpu.memref_slice %arg3[%add3A_204] : memref<331776xi32, #tpu.memory_space<hbm>> -> memref<64xi32, #tpu.memory_space<hbm>>
      %dma_start3A_208 = tpu.memref_slice %arg3[%add3A_204] : memref<331776xi32, #tpu.memory_space<hbm>> -> memref<64xi32, #tpu.memory_space<hbm>>
      tpu.enqueue_dma source(%dma_start3A_208 : memref<64xi32, #tpu.memory_space<hbm>>) target(%arg11 : memref<64xi32, #tpu.memory_space<vmem>>) target_semaphore(%arg28 : memref<!tpu.dma_semaphore, #tpu.memory_space<semaphore_mem>>)
      %get3A_209 = arith.constant 0 : index
      %get3A_210 = tpu.vector_load %arg25[%get3A_209] {strides = array<i32>} : memref<16xf32, #tpu.memory_space<vmem>>, vector<16xf32>,
      %parallel_loop3A_211 = arith.constant 0 : i32
      %parallel_loop3A_212 = arith.constant 32 : i32
      %parallel_loop3A_213 = arith.constant 1 : i32
      scf.for %parallel_loop3A_291 = %parallel_loop3A_211 to %parallel_loop3A_212 step %parallel_loop3A_213  : i32 {
        %parallel_loop3A_292 = arith.constant 2 : i32
        %parallel_loop3A_293 = arith.muli %parallel_loop3A_292, %parallel_loop3A_291 : i32
        %parallel_loop3A_294 = vector.broadcast %parallel_loop3A_293 : i32 to vector<16xi32>
        %parallel_loop3A_295 = arith.addi %parallel_loop3A_294, %select_n3A : vector<16xi32>
        %parallel_loop3A_296 = tpu.vector_load_idx %arg16[%parallel_loop3A_295, %sub3A_29] : memref<64x16xf32, #tpu.memory_space<vmem>>[vector<16xi32>, vector<16xi32>], vector<16xf32>,
        %parallel_loop3A_297 = arith.constant 8 : i32
        %parallel_loop3A_298 = vector.broadcast %parallel_loop3A_297 : i32 to vector<16xi32>
        %parallel_loop3A_299 = arith.addi %sub3A_29, %parallel_loop3A_298 : vector<16xi32>
        %parallel_loop3A_300 = tpu.vector_load_idx %arg18[%parallel_loop3A_295, %parallel_loop3A_299] : memref<64x16xf32, #tpu.memory_space<vmem>>[vector<16xi32>, vector<16xi32>], vector<16xf32>,
        %parallel_loop3A_301 = arith.addf %parallel_loop3A_296, %parallel_loop3A_300 : vector<16xf32>
        %parallel_loop3A_302 = arith.constant 0.000000e+00 : f32
        %parallel_loop3A_303 = vector.broadcast %parallel_loop3A_302 : f32 to vector<16xf32>
        %parallel_loop3A_304 = arith.cmpf oge, %parallel_loop3A_301, %parallel_loop3A_303 : vector<16xf32>
        %parallel_loop3A_305 = arith.constant 2.000000e-01 : f32
        %parallel_loop3A_306 = vector.broadcast %parallel_loop3A_305 : f32 to vector<16xf32>
        %parallel_loop3A_307 = arith.mulf %parallel_loop3A_306, %parallel_loop3A_301 : vector<16xf32>
        %parallel_loop3A_308 = arith.select %parallel_loop3A_304, %parallel_loop3A_301, %parallel_loop3A_307 : vector<16xi1>, vector<16xf32>
        %parallel_loop3A_309 = arith.subf %parallel_loop3A_308, %get3A_210 : vector<16xf32>
        %parallel_loop3A_310 = math.exp %parallel_loop3A_309 : vector<16xf32>
        %parallel_loop3A_311 = arith.constant 16 : i32
        %parallel_loop3A_312 = arith.muli %parallel_loop3A_291, %parallel_loop3A_311 : i32
        %parallel_loop3A_313 = arith.index_cast %parallel_loop3A_312 : i32 to index
        %parallel_loop3A_314 = tpu.vector_load %arg24[%parallel_loop3A_313] {strides = array<i32>} : memref<512xf32, #tpu.memory_space<vmem>>, vector<16xf32>,
        tpu.vector_store %arg24[%parallel_loop3A_313], %parallel_loop3A_310 {strides = array<i32>} : memref<512xf32, #tpu.memory_space<vmem>>, vector<16xf32>,
        %parallel_loop3A_315 = arith.constant 128 : i32
        %parallel_loop3A_316 = vector.broadcast %parallel_loop3A_315 : i32 to vector<16xi32>
        %parallel_loop3A_317 = arith.addi %sub3A_29, %parallel_loop3A_316 : vector<16xi32>
        tpu.vector_store_idx %arg22[%parallel_loop3A_295, %parallel_loop3A_317], %parallel_loop3A_310 : memref<64x144xf32, #tpu.memory_space<vmem>>[vector<16xi32>, vector<16xi32>], vector<16xf32>,
        %parallel_loop3A_318 = arith.constant 128 : i32
        %parallel_loop3A_319 = vector.broadcast %parallel_loop3A_318 : i32 to vector<16xi32>
        %parallel_loop3A_320 = arith.addi %sub3A_29, %parallel_loop3A_319 : vector<16xi32>
        %parallel_loop3A_321 = arith.constant 8 : i32
        %parallel_loop3A_322 = vector.broadcast %parallel_loop3A_321 : i32 to vector<16xi32>
        %parallel_loop3A_323 = arith.addi %parallel_loop3A_320, %parallel_loop3A_322 : vector<16xi32>
        tpu.vector_store_idx %arg22[%parallel_loop3A_295, %parallel_loop3A_323], %parallel_loop3A_310 : memref<64x144xf32, #tpu.memory_space<vmem>>[vector<16xi32>, vector<16xi32>], vector<16xf32>,
      } {sc.loop_unroll_factor = 4 : i64, sc.parallel_access}
      %parallel_loop3A_214 = arith.constant 0 : i32
      %parallel_loop3A_215 = arith.constant 64 : i32
      %parallel_loop3A_216 = arith.constant 1 : i32
      scf.for %parallel_loop3A_291 = %parallel_loop3A_214 to %parallel_loop3A_215 step %parallel_loop3A_216  : i32 {
        %parallel_loop3A_292 = arith.constant 8 : i32
        %parallel_loop3A_293 = arith.muli %parallel_loop3A_291, %parallel_loop3A_292 : i32
        %parallel_loop3A_294 = arith.constant 0 : i32
        %parallel_loop3A_295 = arith.addi %parallel_loop3A_293, %parallel_loop3A_294 : i32
        %parallel_loop3A_296 = vector.broadcast %parallel_loop3A_295 : i32 to vector<16xi32>
        %parallel_loop3A_297 = tpu.vector_load_idx %arg24[%parallel_loop3A_296] : memref<512xf32, #tpu.memory_space<vmem>>[vector<16xi32>], vector<16xf32>,
        %parallel_loop3A_298 = arith.index_cast %parallel_loop3A_291 : i32 to index
        %parallel_loop3A_299 = arith.constant 0 : index
        %parallel_loop3A_300 = tpu.vector_load %arg20[%parallel_loop3A_298, %parallel_loop3A_299] {strides = array<i32>} : memref<64x128xf32, #tpu.memory_space<vmem>>, vector<16xf32>,
        %parallel_loop3A_301 = arith.mulf %parallel_loop3A_300, %parallel_loop3A_297 : vector<16xf32>
        %parallel_loop3A_302 = arith.index_cast %parallel_loop3A_291 : i32 to index
        %parallel_loop3A_303 = arith.constant 0 : index
        %parallel_loop3A_304 = tpu.vector_load %arg22[%parallel_loop3A_302, %parallel_loop3A_303] {strides = array<i32>} : memref<64x144xf32, #tpu.memory_space<vmem>>, vector<16xf32>,
        tpu.vector_store %arg22[%parallel_loop3A_302, %parallel_loop3A_303], %parallel_loop3A_301 {strides = array<i32>} : memref<64x144xf32, #tpu.memory_space<vmem>>, vector<16xf32>,
        %parallel_loop3A_305 = arith.constant 8 : i32
        %parallel_loop3A_306 = arith.muli %parallel_loop3A_291, %parallel_loop3A_305 : i32
        %parallel_loop3A_307 = arith.constant 1 : i32
        %parallel_loop3A_308 = arith.addi %parallel_loop3A_306, %parallel_loop3A_307 : i32
        %parallel_loop3A_309 = vector.broadcast %parallel_loop3A_308 : i32 to vector<16xi32>
        %parallel_loop3A_310 = tpu.vector_load_idx %arg24[%parallel_loop3A_309] : memref<512xf32, #tpu.memory_space<vmem>>[vector<16xi32>], vector<16xf32>,
        %parallel_loop3A_311 = arith.index_cast %parallel_loop3A_291 : i32 to index
        %parallel_loop3A_312 = arith.constant 16 : index
        %parallel_loop3A_313 = tpu.vector_load %arg20[%parallel_loop3A_311, %parallel_loop3A_312] {strides = array<i32>} : memref<64x128xf32, #tpu.memory_space<vmem>>, vector<16xf32>,
        %parallel_loop3A_314 = arith.mulf %parallel_loop3A_313, %parallel_loop3A_310 : vector<16xf32>
        %parallel_loop3A_315 = arith.index_cast %parallel_loop3A_291 : i32 to index
        %parallel_loop3A_316 = arith.constant 16 : index
        %parallel_loop3A_317 = tpu.vector_load %arg22[%parallel_loop3A_315, %parallel_loop3A_316] {strides = array<i32>} : memref<64x144xf32, #tpu.memory_space<vmem>>, vector<16xf32>,
        tpu.vector_store %arg22[%parallel_loop3A_315, %parallel_loop3A_316], %parallel_loop3A_314 {strides = array<i32>} : memref<64x144xf32, #tpu.memory_space<vmem>>, vector<16xf32>,
        %parallel_loop3A_318 = arith.constant 8 : i32
        %parallel_loop3A_319 = arith.muli %parallel_loop3A_291, %parallel_loop3A_318 : i32
        %parallel_loop3A_320 = arith.constant 2 : i32
        %parallel_loop3A_321 = arith.addi %parallel_loop3A_319, %parallel_loop3A_320 : i32
        %parallel_loop3A_322 = vector.broadcast %parallel_loop3A_321 : i32 to vector<16xi32>
        %parallel_loop3A_323 = tpu.vector_load_idx %arg24[%parallel_loop3A_322] : memref<512xf32, #tpu.memory_space<vmem>>[vector<16xi32>], vector<16xf32>,
        %parallel_loop3A_324 = arith.index_cast %parallel_loop3A_291 : i32 to index
        %parallel_loop3A_325 = arith.constant 32 : index
        %parallel_loop3A_326 = tpu.vector_load %arg20[%parallel_loop3A_324, %parallel_loop3A_325] {strides = array<i32>} : memref<64x128xf32, #tpu.memory_space<vmem>>, vector<16xf32>,
        %parallel_loop3A_327 = arith.mulf %parallel_loop3A_326, %parallel_loop3A_323 : vector<16xf32>
        %parallel_loop3A_328 = arith.index_cast %parallel_loop3A_291 : i32 to index
        %parallel_loop3A_329 = arith.constant 32 : index
        %parallel_loop3A_330 = tpu.vector_load %arg22[%parallel_loop3A_328, %parallel_loop3A_329] {strides = array<i32>} : memref<64x144xf32, #tpu.memory_space<vmem>>, vector<16xf32>,
        tpu.vector_store %arg22[%parallel_loop3A_328, %parallel_loop3A_329], %parallel_loop3A_327 {strides = array<i32>} : memref<64x144xf32, #tpu.memory_space<vmem>>, vector<16xf32>,
        %parallel_loop3A_331 = arith.constant 8 : i32
        %parallel_loop3A_332 = arith.muli %parallel_loop3A_291, %parallel_loop3A_331 : i32
        %parallel_loop3A_333 = arith.constant 3 : i32
        %parallel_loop3A_334 = arith.addi %parallel_loop3A_332, %parallel_loop3A_333 : i32
        %parallel_loop3A_335 = vector.broadcast %parallel_loop3A_334 : i32 to vector<16xi32>
        %parallel_loop3A_336 = tpu.vector_load_idx %arg24[%parallel_loop3A_335] : memref<512xf32, #tpu.memory_space<vmem>>[vector<16xi32>], vector<16xf32>,
        %parallel_loop3A_337 = arith.index_cast %parallel_loop3A_291 : i32 to index
        %parallel_loop3A_338 = arith.constant 48 : index
        %parallel_loop3A_339 = tpu.vector_load %arg20[%parallel_loop3A_337, %parallel_loop3A_338] {strides = array<i32>} : memref<64x128xf32, #tpu.memory_space<vmem>>, vector<16xf32>,
        %parallel_loop3A_340 = arith.mulf %parallel_loop3A_339, %parallel_loop3A_336 : vector<16xf32>
        %parallel_loop3A_341 = arith.index_cast %parallel_loop3A_291 : i32 to index
        %parallel_loop3A_342 = arith.constant 48 : index
        %parallel_loop3A_343 = tpu.vector_load %arg22[%parallel_loop3A_341, %parallel_loop3A_342] {strides = array<i32>} : memref<64x144xf32, #tpu.memory_space<vmem>>, vector<16xf32>,
        tpu.vector_store %arg22[%parallel_loop3A_341, %parallel_loop3A_342], %parallel_loop3A_340 {strides = array<i32>} : memref<64x144xf32, #tpu.memory_space<vmem>>, vector<16xf32>,
        %parallel_loop3A_344 = arith.constant 8 : i32
        %parallel_loop3A_345 = arith.muli %parallel_loop3A_291, %parallel_loop3A_344 : i32
        %parallel_loop3A_346 = arith.constant 4 : i32
        %parallel_loop3A_347 = arith.addi %parallel_loop3A_345, %parallel_loop3A_346 : i32
        %parallel_loop3A_348 = vector.broadcast %parallel_loop3A_347 : i32 to vector<16xi32>
        %parallel_loop3A_349 = tpu.vector_load_idx %arg24[%parallel_loop3A_348] : memref<512xf32, #tpu.memory_space<vmem>>[vector<16xi32>], vector<16xf32>,
        %parallel_loop3A_350 = arith.index_cast %parallel_loop3A_291 : i32 to index
        %parallel_loop3A_351 = arith.constant 64 : index
        %parallel_loop3A_352 = tpu.vector_load %arg20[%parallel_loop3A_350, %parallel_loop3A_351] {strides = array<i32>} : memref<64x128xf32, #tpu.memory_space<vmem>>, vector<16xf32>,
        %parallel_loop3A_353 = arith.mulf %parallel_loop3A_352, %parallel_loop3A_349 : vector<16xf32>
        %parallel_loop3A_354 = arith.index_cast %parallel_loop3A_291 : i32 to index
        %parallel_loop3A_355 = arith.constant 64 : index
        %parallel_loop3A_356 = tpu.vector_load %arg22[%parallel_loop3A_354, %parallel_loop3A_355] {strides = array<i32>} : memref<64x144xf32, #tpu.memory_space<vmem>>, vector<16xf32>,
        tpu.vector_store %arg22[%parallel_loop3A_354, %parallel_loop3A_355], %parallel_loop3A_353 {strides = array<i32>} : memref<64x144xf32, #tpu.memory_space<vmem>>, vector<16xf32>,
        %parallel_loop3A_357 = arith.constant 8 : i32
        %parallel_loop3A_358 = arith.muli %parallel_loop3A_291, %parallel_loop3A_357 : i32
        %parallel_loop3A_359 = arith.constant 5 : i32
        %parallel_loop3A_360 = arith.addi %parallel_loop3A_358, %parallel_loop3A_359 : i32
        %parallel_loop3A_361 = vector.broadcast %parallel_loop3A_360 : i32 to vector<16xi32>
        %parallel_loop3A_362 = tpu.vector_load_idx %arg24[%parallel_loop3A_361] : memref<512xf32, #tpu.memory_space<vmem>>[vector<16xi32>], vector<16xf32>,
        %parallel_loop3A_363 = arith.index_cast %parallel_loop3A_291 : i32 to index
        %parallel_loop3A_364 = arith.constant 80 : index
        %parallel_loop3A_365 = tpu.vector_load %arg20[%parallel_loop3A_363, %parallel_loop3A_364] {strides = array<i32>} : memref<64x128xf32, #tpu.memory_space<vmem>>, vector<16xf32>,
        %parallel_loop3A_366 = arith.mulf %parallel_loop3A_365, %parallel_loop3A_362 : vector<16xf32>
        %parallel_loop3A_367 = arith.index_cast %parallel_loop3A_291 : i32 to index
        %parallel_loop3A_368 = arith.constant 80 : index
        %parallel_loop3A_369 = tpu.vector_load %arg22[%parallel_loop3A_367, %parallel_loop3A_368] {strides = array<i32>} : memref<64x144xf32, #tpu.memory_space<vmem>>, vector<16xf32>,
        tpu.vector_store %arg22[%parallel_loop3A_367, %parallel_loop3A_368], %parallel_loop3A_366 {strides = array<i32>} : memref<64x144xf32, #tpu.memory_space<vmem>>, vector<16xf32>,
        %parallel_loop3A_370 = arith.constant 8 : i32
        %parallel_loop3A_371 = arith.muli %parallel_loop3A_291, %parallel_loop3A_370 : i32
        %parallel_loop3A_372 = arith.constant 6 : i32
        %parallel_loop3A_373 = arith.addi %parallel_loop3A_371, %parallel_loop3A_372 : i32
        %parallel_loop3A_374 = vector.broadcast %parallel_loop3A_373 : i32 to vector<16xi32>
        %parallel_loop3A_375 = tpu.vector_load_idx %arg24[%parallel_loop3A_374] : memref<512xf32, #tpu.memory_space<vmem>>[vector<16xi32>], vector<16xf32>,
        %parallel_loop3A_376 = arith.index_cast %parallel_loop3A_291 : i32 to index
        %parallel_loop3A_377 = arith.constant 96 : index
        %parallel_loop3A_378 = tpu.vector_load %arg20[%parallel_loop3A_376, %parallel_loop3A_377] {strides = array<i32>} : memref<64x128xf32, #tpu.memory_space<vmem>>, vector<16xf32>,
        %parallel_loop3A_379 = arith.mulf %parallel_loop3A_378, %parallel_loop3A_375 : vector<16xf32>
        %parallel_loop3A_380 = arith.index_cast %parallel_loop3A_291 : i32 to index
        %parallel_loop3A_381 = arith.constant 96 : index
        %parallel_loop3A_382 = tpu.vector_load %arg22[%parallel_loop3A_380, %parallel_loop3A_381] {strides = array<i32>} : memref<64x144xf32, #tpu.memory_space<vmem>>, vector<16xf32>,
        tpu.vector_store %arg22[%parallel_loop3A_380, %parallel_loop3A_381], %parallel_loop3A_379 {strides = array<i32>} : memref<64x144xf32, #tpu.memory_space<vmem>>, vector<16xf32>,
        %parallel_loop3A_383 = arith.constant 8 : i32
        %parallel_loop3A_384 = arith.muli %parallel_loop3A_291, %parallel_loop3A_383 : i32
        %parallel_loop3A_385 = arith.constant 7 : i32
        %parallel_loop3A_386 = arith.addi %parallel_loop3A_384, %parallel_loop3A_385 : i32
        %parallel_loop3A_387 = vector.broadcast %parallel_loop3A_386 : i32 to vector<16xi32>
        %parallel_loop3A_388 = tpu.vector_load_idx %arg24[%parallel_loop3A_387] : memref<512xf32, #tpu.memory_space<vmem>>[vector<16xi32>], vector<16xf32>,
        %parallel_loop3A_389 = arith.index_cast %parallel_loop3A_291 : i32 to index
        %parallel_loop3A_390 = arith.constant 112 : index
        %parallel_loop3A_391 = tpu.vector_load %arg20[%parallel_loop3A_389, %parallel_loop3A_390] {strides = array<i32>} : memref<64x128xf32, #tpu.memory_space<vmem>>, vector<16xf32>,
        %parallel_loop3A_392 = arith.mulf %parallel_loop3A_391, %parallel_loop3A_388 : vector<16xf32>
        %parallel_loop3A_393 = arith.index_cast %parallel_loop3A_291 : i32 to index
        %parallel_loop3A_394 = arith.constant 112 : index
        %parallel_loop3A_395 = tpu.vector_load %arg22[%parallel_loop3A_393, %parallel_loop3A_394] {strides = array<i32>} : memref<64x144xf32, #tpu.memory_space<vmem>>, vector<16xf32>,
        tpu.vector_store %arg22[%parallel_loop3A_393, %parallel_loop3A_394], %parallel_loop3A_392 {strides = array<i32>} : memref<64x144xf32, #tpu.memory_space<vmem>>, vector<16xf32>,
      } {sc.loop_unroll_factor = 2 : i64, sc.parallel_access}
      %dma_start3A_217 = arith.constant 0 : i32
      %dma_start3A_218 = arith.constant 0 : i32
      %dma_start3A_219 = tpu.memref_slice %arg8[%dma_start3A_217, %dma_start3A_218] : memref<10016x144xf32, #tpu.memory_space<vmem_shared>> -> memref<10016x144xf32, #tpu.memory_space<vmem_shared>>
      tpu.enqueue_indirect_dma source(%arg22 : memref<64x144xf32, #tpu.memory_space<vmem>>) target(%dma_start3A_219 : memref<10016x144xf32, #tpu.memory_space<vmem_shared>>) offsets(%arg13 : memref<64xi32, #tpu.memory_space<vmem>>) semaphore(%arg30 : memref<!tpu.dma_semaphore, #tpu.memory_space<semaphore_mem>>) {add = true}
      %mul3A_220 = arith.constant 2 : i32
      %mul3A_221 = arith.muli %mul3A_220, %scan3A_152 : i32
      %add3A_222 = arith.constant 1 : i32
      %add3A_223 = arith.addi %mul3A_221, %add3A_222 : i32
      %dma_wait3A_224 = arith.constant 0 : i32
      %dma_wait3A_225 = arith.constant 0 : i32
      %dma_wait3A_226 = tpu.memref_slice %arg4[%dma_wait3A_224, %dma_wait3A_225] : memref<10000x16xf32, #tpu.memory_space<hbm>> -> memref<10000x16xf32, #tpu.memory_space<hbm>>
      tpu.wait_indirect_dma semaphore(%arg27 : memref<!tpu.dma_semaphore, #tpu.memory_space<semaphore_mem>>) src(%dma_wait3A_226 : memref<10000x16xf32, #tpu.memory_space<hbm>>) dst(%arg17 : memref<64x16xf32, #tpu.memory_space<vmem>>)
      %dma_wait3A_227 = arith.constant 0 : i32
      %dma_wait3A_228 = arith.constant 0 : i32
      %dma_wait3A_229 = tpu.memref_slice %arg4[%dma_wait3A_227, %dma_wait3A_228] : memref<10000x16xf32, #tpu.memory_space<hbm>> -> memref<10000x16xf32, #tpu.memory_space<hbm>>
      tpu.wait_indirect_dma semaphore(%arg27 : memref<!tpu.dma_semaphore, #tpu.memory_space<semaphore_mem>>) src(%dma_wait3A_229 : memref<10000x16xf32, #tpu.memory_space<hbm>>) dst(%arg19 : memref<64x16xf32, #tpu.memory_space<vmem>>)
      %dma_wait3A_230 = arith.constant 0 : i32
      %dma_wait3A_231 = arith.constant 0 : i32
      %dma_wait3A_232 = tpu.memref_slice %arg5[%dma_wait3A_230, %dma_wait3A_231] : memref<10000x128xf32, #tpu.memory_space<hbm>> -> memref<10000x128xf32, #tpu.memory_space<hbm>>
      tpu.wait_indirect_dma semaphore(%arg27 : memref<!tpu.dma_semaphore, #tpu.memory_space<semaphore_mem>>) src(%dma_wait3A_232 : memref<10000x128xf32, #tpu.memory_space<hbm>>) dst(%arg21 : memref<64x128xf32, #tpu.memory_space<vmem>>)
      %dma_wait3A_233 = arith.constant 0 : i32
      %dma_wait3A_234 = arith.constant 0 : i32
      %dma_wait3A_235 = tpu.memref_slice %arg8[%dma_wait3A_233, %dma_wait3A_234] : memref<10016x144xf32, #tpu.memory_space<vmem_shared>> -> memref<10016x144xf32, #tpu.memory_space<vmem_shared>>
      tpu.wait_indirect_dma semaphore(%arg31 : memref<!tpu.dma_semaphore, #tpu.memory_space<semaphore_mem>>) src(%arg23 : memref<64x144xf32, #tpu.memory_space<vmem>>) dst(%dma_wait3A_235 : memref<10016x144xf32, #tpu.memory_space<vmem_shared>>)
      %get3A_236 = arith.constant 0 : index
      %get3A_237 = tpu.vector_load %arg12[%get3A_236] {strides = array<i32>} : memref<64xi32, #tpu.memory_space<vmem>>, vector<16xi32>,
      %swap3A_238 = arith.constant 0 : index
      %swap3A_239 = tpu.vector_load %arg14[%swap3A_238] {strides = array<i32>} : memref<64xi32, #tpu.memory_space<vmem>>, vector<16xi32>,
      tpu.vector_store %arg14[%swap3A_238], %get3A_237 {strides = array<i32>} : memref<64xi32, #tpu.memory_space<vmem>>, vector<16xi32>,
      %get3A_240 = arith.constant 16 : index
      %get3A_241 = tpu.vector_load %arg12[%get3A_240] {strides = array<i32>} : memref<64xi32, #tpu.memory_space<vmem>>, vector<16xi32>,
      %swap3A_242 = arith.constant 16 : index
      %swap3A_243 = tpu.vector_load %arg14[%swap3A_242] {strides = array<i32>} : memref<64xi32, #tpu.memory_space<vmem>>, vector<16xi32>,
      tpu.vector_store %arg14[%swap3A_242], %get3A_241 {strides = array<i32>} : memref<64xi32, #tpu.memory_space<vmem>>, vector<16xi32>,
      %get3A_244 = arith.constant 32 : index
      %get3A_245 = tpu.vector_load %arg12[%get3A_244] {strides = array<i32>} : memref<64xi32, #tpu.memory_space<vmem>>, vector<16xi32>,
      %swap3A_246 = arith.constant 32 : index
      %swap3A_247 = tpu.vector_load %arg14[%swap3A_246] {strides = array<i32>} : memref<64xi32, #tpu.memory_space<vmem>>, vector<16xi32>,
      tpu.vector_store %arg14[%swap3A_246], %get3A_245 {strides = array<i32>} : memref<64xi32, #tpu.memory_space<vmem>>, vector<16xi32>,
      %get3A_248 = arith.constant 48 : index
      %get3A_249 = tpu.vector_load %arg12[%get3A_248] {strides = array<i32>} : memref<64xi32, #tpu.memory_space<vmem>>, vector<16xi32>,
      %swap3A_250 = arith.constant 48 : index
      %swap3A_251 = tpu.vector_load %arg14[%swap3A_250] {strides = array<i32>} : memref<64xi32, #tpu.memory_space<vmem>>, vector<16xi32>,
      tpu.vector_store %arg14[%swap3A_250], %get3A_249 {strides = array<i32>} : memref<64xi32, #tpu.memory_space<vmem>>, vector<16xi32>,
      %dma_wait3A_252 = arith.constant 0 : i32
      %dma_wait3A_253 = tpu.memref_slice %arg2[%dma_wait3A_252] : memref<331776xi32, #tpu.memory_space<hbm>> -> memref<64xi32, #tpu.memory_space<hbm>>
      %dma_wait3A_254 = arith.constant 0 : i32
      %dma_wait3A_255 = tpu.memref_slice %arg2[%dma_wait3A_254] : memref<331776xi32, #tpu.memory_space<hbm>> -> memref<64xi32, #tpu.memory_space<hbm>>
      tpu.wait_dma2 semaphore(%arg28 : memref<!tpu.dma_semaphore, #tpu.memory_space<semaphore_mem>>) src(%dma_wait3A_255 : memref<64xi32, #tpu.memory_space<hbm>>) dst(%arg9 : memref<64xi32, #tpu.memory_space<vmem>>)
      %dma_wait3A_256 = arith.constant 0 : i32
      %dma_wait3A_257 = tpu.memref_slice %arg3[%dma_wait3A_256] : memref<331776xi32, #tpu.memory_space<hbm>> -> memref<64xi32, #tpu.memory_space<hbm>>
      %dma_wait3A_258 = arith.constant 0 : i32
      %dma_wait3A_259 = tpu.memref_slice %arg3[%dma_wait3A_258] : memref<331776xi32, #tpu.memory_space<hbm>> -> memref<64xi32, #tpu.memory_space<hbm>>
      tpu.wait_dma2 semaphore(%arg28 : memref<!tpu.dma_semaphore, #tpu.memory_space<semaphore_mem>>) src(%dma_wait3A_259 : memref<64xi32, #tpu.memory_space<hbm>>) dst(%arg11 : memref<64xi32, #tpu.memory_space<vmem>>)
      %dma_start3A_260 = arith.constant 0 : i32
      %dma_start3A_261 = arith.constant 0 : i32
      %dma_start3A_262 = tpu.memref_slice %arg4[%dma_start3A_260, %dma_start3A_261] : memref<10000x16xf32, #tpu.memory_space<hbm>> -> memref<10000x16xf32, #tpu.memory_space<hbm>>
      tpu.enqueue_indirect_dma source(%dma_start3A_262 : memref<10000x16xf32, #tpu.memory_space<hbm>>) target(%arg16 : memref<64x16xf32, #tpu.memory_space<vmem>>) offsets(%arg9 : memref<64xi32, #tpu.memory_space<vmem>>) semaphore(%arg26 : memref<!tpu.dma_semaphore, #tpu.memory_space<semaphore_mem>>)
      %dma_start3A_263 = arith.constant 0 : i32
      %dma_start3A_264 = arith.constant 0 : i32
      %dma_start3A_265 = tpu.memref_slice %arg4[%dma_start3A_263, %dma_start3A_264] : memref<10000x16xf32, #tpu.memory_space<hbm>> -> memref<10000x16xf32, #tpu.memory_space<hbm>>
      tpu.enqueue_indirect_dma source(%dma_start3A_265 : memref<10000x16xf32, #tpu.memory_space<hbm>>) target(%arg18 : memref<64x16xf32, #tpu.memory_space<vmem>>) offsets(%arg11 : memref<64xi32, #tpu.memory_space<vmem>>) semaphore(%arg26 : memref<!tpu.dma_semaphore, #tpu.memory_space<semaphore_mem>>)
      %dma_start3A_266 = arith.constant 0 : i32
      %dma_start3A_267 = arith.constant 0 : i32
      %dma_start3A_268 = tpu.memref_slice %arg5[%dma_start3A_266, %dma_start3A_267] : memref<10000x128xf32, #tpu.memory_space<hbm>> -> memref<10000x128xf32, #tpu.memory_space<hbm>>
      tpu.enqueue_indirect_dma source(%dma_start3A_268 : memref<10000x128xf32, #tpu.memory_space<hbm>>) target(%arg20 : memref<64x128xf32, #tpu.memory_space<vmem>>) offsets(%arg9 : memref<64xi32, #tpu.memory_space<vmem>>) semaphore(%arg26 : memref<!tpu.dma_semaphore, #tpu.memory_space<semaphore_mem>>)
      %add3A_269 = arith.constant 2 : i32
      %add3A_270 = arith.addi %add3A_223, %add3A_269 : i32
      %min3A_271 = arith.constant 161 : i32
      %min3A_272 = arith.minsi %add3A_270, %min3A_271 : i32
      %mul3A_273 = arith.constant 64 : i32
      %mul3A_274 = arith.muli %min3A_272, %mul3A_273 : i32
      %add3A_275 = arith.addi %mul3A_2, %mul3A_274 : i32
      %dma_start3A_276 = tpu.memref_slice %arg2[%add3A_275] : memref<331776xi32, #tpu.memory_space<hbm>> -> memref<64xi32, #tpu.memory_space<hbm>>
      %dma_start3A_277 = tpu.memref_slice %arg2[%add3A_275] : memref<331776xi32, #tpu.memory_space<hbm>> -> memref<64xi32, #tpu.memory_space<hbm>>
      tpu.enqueue_dma source(%dma_start3A_277 : memref<64xi32, #tpu.memory_space<hbm>>) target(%arg10 : memref<64xi32, #tpu.memory_space<vmem>>) target_semaphore(%arg29 : memref<!tpu.dma_semaphore, #tpu.memory_space<semaphore_mem>>)
      %dma_start3A_278 = tpu.memref_slice %arg3[%add3A_275] : memref<331776xi32, #tpu.memory_space<hbm>> -> memref<64xi32, #tpu.memory_space<hbm>>
      %dma_start3A_279 = tpu.memref_slice %arg3[%add3A_275] : memref<331776xi32, #tpu.memory_space<hbm>> -> memref<64xi32, #tpu.memory_space<hbm>>
      tpu.enqueue_dma source(%dma_start3A_279 : memref<64xi32, #tpu.memory_space<hbm>>) target(%arg12 : memref<64xi32, #tpu.memory_space<vmem>>) target_semaphore(%arg29 : memref<!tpu.dma_semaphore, #tpu.memory_space<semaphore_mem>>)
      %get3A_280 = arith.constant 0 : index
      %get3A_281 = tpu.vector_load %arg25[%get3A_280] {strides = array<i32>} : memref<16xf32, #tpu.memory_space<vmem>>, vector<16xf32>,
      %parallel_loop3A_282 = arith.constant 0 : i32
      %parallel_loop3A_283 = arith.constant 32 : i32
      %parallel_loop3A_284 = arith.constant 1 : i32
      scf.for %parallel_loop3A_291 = %parallel_loop3A_282 to %parallel_loop3A_283 step %parallel_loop3A_284  : i32 {
        %parallel_loop3A_292 = arith.constant 2 : i32
        %parallel_loop3A_293 = arith.muli %parallel_loop3A_292, %parallel_loop3A_291 : i32
        %parallel_loop3A_294 = vector.broadcast %parallel_loop3A_293 : i32 to vector<16xi32>
        %parallel_loop3A_295 = arith.addi %parallel_loop3A_294, %select_n3A : vector<16xi32>
        %parallel_loop3A_296 = tpu.vector_load_idx %arg17[%parallel_loop3A_295, %sub3A_29] : memref<64x16xf32, #tpu.memory_space<vmem>>[vector<16xi32>, vector<16xi32>], vector<16xf32>,
        %parallel_loop3A_297 = arith.constant 8 : i32
        %parallel_loop3A_298 = vector.broadcast %parallel_loop3A_297 : i32 to vector<16xi32>
        %parallel_loop3A_299 = arith.addi %sub3A_29, %parallel_loop3A_298 : vector<16xi32>
        %parallel_loop3A_300 = tpu.vector_load_idx %arg19[%parallel_loop3A_295, %parallel_loop3A_299] : memref<64x16xf32, #tpu.memory_space<vmem>>[vector<16xi32>, vector<16xi32>], vector<16xf32>,
        %parallel_loop3A_301 = arith.addf %parallel_loop3A_296, %parallel_loop3A_300 : vector<16xf32>
        %parallel_loop3A_302 = arith.constant 0.000000e+00 : f32
        %parallel_loop3A_303 = vector.broadcast %parallel_loop3A_302 : f32 to vector<16xf32>
        %parallel_loop3A_304 = arith.cmpf oge, %parallel_loop3A_301, %parallel_loop3A_303 : vector<16xf32>
        %parallel_loop3A_305 = arith.constant 2.000000e-01 : f32
        %parallel_loop3A_306 = vector.broadcast %parallel_loop3A_305 : f32 to vector<16xf32>
        %parallel_loop3A_307 = arith.mulf %parallel_loop3A_306, %parallel_loop3A_301 : vector<16xf32>
        %parallel_loop3A_308 = arith.select %parallel_loop3A_304, %parallel_loop3A_301, %parallel_loop3A_307 : vector<16xi1>, vector<16xf32>
        %parallel_loop3A_309 = arith.subf %parallel_loop3A_308, %get3A_281 : vector<16xf32>
        %parallel_loop3A_310 = math.exp %parallel_loop3A_309 : vector<16xf32>
        %parallel_loop3A_311 = arith.constant 16 : i32
        %parallel_loop3A_312 = arith.muli %parallel_loop3A_291, %parallel_loop3A_311 : i32
        %parallel_loop3A_313 = arith.index_cast %parallel_loop3A_312 : i32 to index
        %parallel_loop3A_314 = tpu.vector_load %arg24[%parallel_loop3A_313] {strides = array<i32>} : memref<512xf32, #tpu.memory_space<vmem>>, vector<16xf32>,
        tpu.vector_store %arg24[%parallel_loop3A_313], %parallel_loop3A_310 {strides = array<i32>} : memref<512xf32, #tpu.memory_space<vmem>>, vector<16xf32>,
        %parallel_loop3A_315 = arith.constant 128 : i32
        %parallel_loop3A_316 = vector.broadcast %parallel_loop3A_315 : i32 to vector<16xi32>
        %parallel_loop3A_317 = arith.addi %sub3A_29, %parallel_loop3A_316 : vector<16xi32>
        tpu.vector_store_idx %arg23[%parallel_loop3A_295, %parallel_loop3A_317], %parallel_loop3A_310 : memref<64x144xf32, #tpu.memory_space<vmem>>[vector<16xi32>, vector<16xi32>], vector<16xf32>,
        %parallel_loop3A_318 = arith.constant 128 : i32
        %parallel_loop3A_319 = vector.broadcast %parallel_loop3A_318 : i32 to vector<16xi32>
        %parallel_loop3A_320 = arith.addi %sub3A_29, %parallel_loop3A_319 : vector<16xi32>
        %parallel_loop3A_321 = arith.constant 8 : i32
        %parallel_loop3A_322 = vector.broadcast %parallel_loop3A_321 : i32 to vector<16xi32>
        %parallel_loop3A_323 = arith.addi %parallel_loop3A_320, %parallel_loop3A_322 : vector<16xi32>
        tpu.vector_store_idx %arg23[%parallel_loop3A_295, %parallel_loop3A_323], %parallel_loop3A_310 : memref<64x144xf32, #tpu.memory_space<vmem>>[vector<16xi32>, vector<16xi32>], vector<16xf32>,
      } {sc.loop_unroll_factor = 4 : i64, sc.parallel_access}
      %parallel_loop3A_285 = arith.constant 0 : i32
      %parallel_loop3A_286 = arith.constant 64 : i32
      %parallel_loop3A_287 = arith.constant 1 : i32
      scf.for %parallel_loop3A_291 = %parallel_loop3A_285 to %parallel_loop3A_286 step %parallel_loop3A_287  : i32 {
        %parallel_loop3A_292 = arith.constant 8 : i32
        %parallel_loop3A_293 = arith.muli %parallel_loop3A_291, %parallel_loop3A_292 : i32
        %parallel_loop3A_294 = arith.constant 0 : i32
        %parallel_loop3A_295 = arith.addi %parallel_loop3A_293, %parallel_loop3A_294 : i32
        %parallel_loop3A_296 = vector.broadcast %parallel_loop3A_295 : i32 to vector<16xi32>
        %parallel_loop3A_297 = tpu.vector_load_idx %arg24[%parallel_loop3A_296] : memref<512xf32, #tpu.memory_space<vmem>>[vector<16xi32>], vector<16xf32>,
        %parallel_loop3A_298 = arith.index_cast %parallel_loop3A_291 : i32 to index
        %parallel_loop3A_299 = arith.constant 0 : index
        %parallel_loop3A_300 = tpu.vector_load %arg21[%parallel_loop3A_298, %parallel_loop3A_299] {strides = array<i32>} : memref<64x128xf32, #tpu.memory_space<vmem>>, vector<16xf32>,
        %parallel_loop3A_301 = arith.mulf %parallel_loop3A_300, %parallel_loop3A_297 : vector<16xf32>
        %parallel_loop3A_302 = arith.index_cast %parallel_loop3A_291 : i32 to index
        %parallel_loop3A_303 = arith.constant 0 : index
        %parallel_loop3A_304 = tpu.vector_load %arg23[%parallel_loop3A_302, %parallel_loop3A_303] {strides = array<i32>} : memref<64x144xf32, #tpu.memory_space<vmem>>, vector<16xf32>,
        tpu.vector_store %arg23[%parallel_loop3A_302, %parallel_loop3A_303], %parallel_loop3A_301 {strides = array<i32>} : memref<64x144xf32, #tpu.memory_space<vmem>>, vector<16xf32>,
        %parallel_loop3A_305 = arith.constant 8 : i32
        %parallel_loop3A_306 = arith.muli %parallel_loop3A_291, %parallel_loop3A_305 : i32
        %parallel_loop3A_307 = arith.constant 1 : i32
        %parallel_loop3A_308 = arith.addi %parallel_loop3A_306, %parallel_loop3A_307 : i32
        %parallel_loop3A_309 = vector.broadcast %parallel_loop3A_308 : i32 to vector<16xi32>
        %parallel_loop3A_310 = tpu.vector_load_idx %arg24[%parallel_loop3A_309] : memref<512xf32, #tpu.memory_space<vmem>>[vector<16xi32>], vector<16xf32>,
        %parallel_loop3A_311 = arith.index_cast %parallel_loop3A_291 : i32 to index
        %parallel_loop3A_312 = arith.constant 16 : index
        %parallel_loop3A_313 = tpu.vector_load %arg21[%parallel_loop3A_311, %parallel_loop3A_312] {strides = array<i32>} : memref<64x128xf32, #tpu.memory_space<vmem>>, vector<16xf32>,
        %parallel_loop3A_314 = arith.mulf %parallel_loop3A_313, %parallel_loop3A_310 : vector<16xf32>
        %parallel_loop3A_315 = arith.index_cast %parallel_loop3A_291 : i32 to index
        %parallel_loop3A_316 = arith.constant 16 : index
        %parallel_loop3A_317 = tpu.vector_load %arg23[%parallel_loop3A_315, %parallel_loop3A_316] {strides = array<i32>} : memref<64x144xf32, #tpu.memory_space<vmem>>, vector<16xf32>,
        tpu.vector_store %arg23[%parallel_loop3A_315, %parallel_loop3A_316], %parallel_loop3A_314 {strides = array<i32>} : memref<64x144xf32, #tpu.memory_space<vmem>>, vector<16xf32>,
        %parallel_loop3A_318 = arith.constant 8 : i32
        %parallel_loop3A_319 = arith.muli %parallel_loop3A_291, %parallel_loop3A_318 : i32
        %parallel_loop3A_320 = arith.constant 2 : i32
        %parallel_loop3A_321 = arith.addi %parallel_loop3A_319, %parallel_loop3A_320 : i32
        %parallel_loop3A_322 = vector.broadcast %parallel_loop3A_321 : i32 to vector<16xi32>
        %parallel_loop3A_323 = tpu.vector_load_idx %arg24[%parallel_loop3A_322] : memref<512xf32, #tpu.memory_space<vmem>>[vector<16xi32>], vector<16xf32>,
        %parallel_loop3A_324 = arith.index_cast %parallel_loop3A_291 : i32 to index
        %parallel_loop3A_325 = arith.constant 32 : index
        %parallel_loop3A_326 = tpu.vector_load %arg21[%parallel_loop3A_324, %parallel_loop3A_325] {strides = array<i32>} : memref<64x128xf32, #tpu.memory_space<vmem>>, vector<16xf32>,
        %parallel_loop3A_327 = arith.mulf %parallel_loop3A_326, %parallel_loop3A_323 : vector<16xf32>
        %parallel_loop3A_328 = arith.index_cast %parallel_loop3A_291 : i32 to index
        %parallel_loop3A_329 = arith.constant 32 : index
        %parallel_loop3A_330 = tpu.vector_load %arg23[%parallel_loop3A_328, %parallel_loop3A_329] {strides = array<i32>} : memref<64x144xf32, #tpu.memory_space<vmem>>, vector<16xf32>,
        tpu.vector_store %arg23[%parallel_loop3A_328, %parallel_loop3A_329], %parallel_loop3A_327 {strides = array<i32>} : memref<64x144xf32, #tpu.memory_space<vmem>>, vector<16xf32>,
        %parallel_loop3A_331 = arith.constant 8 : i32
        %parallel_loop3A_332 = arith.muli %parallel_loop3A_291, %parallel_loop3A_331 : i32
        %parallel_loop3A_333 = arith.constant 3 : i32
        %parallel_loop3A_334 = arith.addi %parallel_loop3A_332, %parallel_loop3A_333 : i32
        %parallel_loop3A_335 = vector.broadcast %parallel_loop3A_334 : i32 to vector<16xi32>
        %parallel_loop3A_336 = tpu.vector_load_idx %arg24[%parallel_loop3A_335] : memref<512xf32, #tpu.memory_space<vmem>>[vector<16xi32>], vector<16xf32>,
        %parallel_loop3A_337 = arith.index_cast %parallel_loop3A_291 : i32 to index
        %parallel_loop3A_338 = arith.constant 48 : index
        %parallel_loop3A_339 = tpu.vector_load %arg21[%parallel_loop3A_337, %parallel_loop3A_338] {strides = array<i32>} : memref<64x128xf32, #tpu.memory_space<vmem>>, vector<16xf32>,
        %parallel_loop3A_340 = arith.mulf %parallel_loop3A_339, %parallel_loop3A_336 : vector<16xf32>
        %parallel_loop3A_341 = arith.index_cast %parallel_loop3A_291 : i32 to index
        %parallel_loop3A_342 = arith.constant 48 : index
        %parallel_loop3A_343 = tpu.vector_load %arg23[%parallel_loop3A_341, %parallel_loop3A_342] {strides = array<i32>} : memref<64x144xf32, #tpu.memory_space<vmem>>, vector<16xf32>,
        tpu.vector_store %arg23[%parallel_loop3A_341, %parallel_loop3A_342], %parallel_loop3A_340 {strides = array<i32>} : memref<64x144xf32, #tpu.memory_space<vmem>>, vector<16xf32>,
        %parallel_loop3A_344 = arith.constant 8 : i32
        %parallel_loop3A_345 = arith.muli %parallel_loop3A_291, %parallel_loop3A_344 : i32
        %parallel_loop3A_346 = arith.constant 4 : i32
        %parallel_loop3A_347 = arith.addi %parallel_loop3A_345, %parallel_loop3A_346 : i32
        %parallel_loop3A_348 = vector.broadcast %parallel_loop3A_347 : i32 to vector<16xi32>
        %parallel_loop3A_349 = tpu.vector_load_idx %arg24[%parallel_loop3A_348] : memref<512xf32, #tpu.memory_space<vmem>>[vector<16xi32>], vector<16xf32>,
        %parallel_loop3A_350 = arith.index_cast %parallel_loop3A_291 : i32 to index
        %parallel_loop3A_351 = arith.constant 64 : index
        %parallel_loop3A_352 = tpu.vector_load %arg21[%parallel_loop3A_350, %parallel_loop3A_351] {strides = array<i32>} : memref<64x128xf32, #tpu.memory_space<vmem>>, vector<16xf32>,
        %parallel_loop3A_353 = arith.mulf %parallel_loop3A_352, %parallel_loop3A_349 : vector<16xf32>
        %parallel_loop3A_354 = arith.index_cast %parallel_loop3A_291 : i32 to index
        %parallel_loop3A_355 = arith.constant 64 : index
        %parallel_loop3A_356 = tpu.vector_load %arg23[%parallel_loop3A_354, %parallel_loop3A_355] {strides = array<i32>} : memref<64x144xf32, #tpu.memory_space<vmem>>, vector<16xf32>,
        tpu.vector_store %arg23[%parallel_loop3A_354, %parallel_loop3A_355], %parallel_loop3A_353 {strides = array<i32>} : memref<64x144xf32, #tpu.memory_space<vmem>>, vector<16xf32>,
        %parallel_loop3A_357 = arith.constant 8 : i32
        %parallel_loop3A_358 = arith.muli %parallel_loop3A_291, %parallel_loop3A_357 : i32
        %parallel_loop3A_359 = arith.constant 5 : i32
        %parallel_loop3A_360 = arith.addi %parallel_loop3A_358, %parallel_loop3A_359 : i32
        %parallel_loop3A_361 = vector.broadcast %parallel_loop3A_360 : i32 to vector<16xi32>
        %parallel_loop3A_362 = tpu.vector_load_idx %arg24[%parallel_loop3A_361] : memref<512xf32, #tpu.memory_space<vmem>>[vector<16xi32>], vector<16xf32>,
        %parallel_loop3A_363 = arith.index_cast %parallel_loop3A_291 : i32 to index
        %parallel_loop3A_364 = arith.constant 80 : index
        %parallel_loop3A_365 = tpu.vector_load %arg21[%parallel_loop3A_363, %parallel_loop3A_364] {strides = array<i32>} : memref<64x128xf32, #tpu.memory_space<vmem>>, vector<16xf32>,
        %parallel_loop3A_366 = arith.mulf %parallel_loop3A_365, %parallel_loop3A_362 : vector<16xf32>
        %parallel_loop3A_367 = arith.index_cast %parallel_loop3A_291 : i32 to index
        %parallel_loop3A_368 = arith.constant 80 : index
        %parallel_loop3A_369 = tpu.vector_load %arg23[%parallel_loop3A_367, %parallel_loop3A_368] {strides = array<i32>} : memref<64x144xf32, #tpu.memory_space<vmem>>, vector<16xf32>,
        tpu.vector_store %arg23[%parallel_loop3A_367, %parallel_loop3A_368], %parallel_loop3A_366 {strides = array<i32>} : memref<64x144xf32, #tpu.memory_space<vmem>>, vector<16xf32>,
        %parallel_loop3A_370 = arith.constant 8 : i32
        %parallel_loop3A_371 = arith.muli %parallel_loop3A_291, %parallel_loop3A_370 : i32
        %parallel_loop3A_372 = arith.constant 6 : i32
        %parallel_loop3A_373 = arith.addi %parallel_loop3A_371, %parallel_loop3A_372 : i32
        %parallel_loop3A_374 = vector.broadcast %parallel_loop3A_373 : i32 to vector<16xi32>
        %parallel_loop3A_375 = tpu.vector_load_idx %arg24[%parallel_loop3A_374] : memref<512xf32, #tpu.memory_space<vmem>>[vector<16xi32>], vector<16xf32>,
        %parallel_loop3A_376 = arith.index_cast %parallel_loop3A_291 : i32 to index
        %parallel_loop3A_377 = arith.constant 96 : index
        %parallel_loop3A_378 = tpu.vector_load %arg21[%parallel_loop3A_376, %parallel_loop3A_377] {strides = array<i32>} : memref<64x128xf32, #tpu.memory_space<vmem>>, vector<16xf32>,
        %parallel_loop3A_379 = arith.mulf %parallel_loop3A_378, %parallel_loop3A_375 : vector<16xf32>
        %parallel_loop3A_380 = arith.index_cast %parallel_loop3A_291 : i32 to index
        %parallel_loop3A_381 = arith.constant 96 : index
        %parallel_loop3A_382 = tpu.vector_load %arg23[%parallel_loop3A_380, %parallel_loop3A_381] {strides = array<i32>} : memref<64x144xf32, #tpu.memory_space<vmem>>, vector<16xf32>,
        tpu.vector_store %arg23[%parallel_loop3A_380, %parallel_loop3A_381], %parallel_loop3A_379 {strides = array<i32>} : memref<64x144xf32, #tpu.memory_space<vmem>>, vector<16xf32>,
        %parallel_loop3A_383 = arith.constant 8 : i32
        %parallel_loop3A_384 = arith.muli %parallel_loop3A_291, %parallel_loop3A_383 : i32
        %parallel_loop3A_385 = arith.constant 7 : i32
        %parallel_loop3A_386 = arith.addi %parallel_loop3A_384, %parallel_loop3A_385 : i32
        %parallel_loop3A_387 = vector.broadcast %parallel_loop3A_386 : i32 to vector<16xi32>
        %parallel_loop3A_388 = tpu.vector_load_idx %arg24[%parallel_loop3A_387] : memref<512xf32, #tpu.memory_space<vmem>>[vector<16xi32>], vector<16xf32>,
        %parallel_loop3A_389 = arith.index_cast %parallel_loop3A_291 : i32 to index
        %parallel_loop3A_390 = arith.constant 112 : index
        %parallel_loop3A_391 = tpu.vector_load %arg21[%parallel_loop3A_389, %parallel_loop3A_390] {strides = array<i32>} : memref<64x128xf32, #tpu.memory_space<vmem>>, vector<16xf32>,
        %parallel_loop3A_392 = arith.mulf %parallel_loop3A_391, %parallel_loop3A_388 : vector<16xf32>
        %parallel_loop3A_393 = arith.index_cast %parallel_loop3A_291 : i32 to index
        %parallel_loop3A_394 = arith.constant 112 : index
        %parallel_loop3A_395 = tpu.vector_load %arg23[%parallel_loop3A_393, %parallel_loop3A_394] {strides = array<i32>} : memref<64x144xf32, #tpu.memory_space<vmem>>, vector<16xf32>,
        tpu.vector_store %arg23[%parallel_loop3A_393, %parallel_loop3A_394], %parallel_loop3A_392 {strides = array<i32>} : memref<64x144xf32, #tpu.memory_space<vmem>>, vector<16xf32>,
      } {sc.loop_unroll_factor = 2 : i64, sc.parallel_access}
      %dma_start3A_288 = arith.constant 0 : i32
      %dma_start3A_289 = arith.constant 0 : i32
      %dma_start3A_290 = tpu.memref_slice %arg8[%dma_start3A_288, %dma_start3A_289] : memref<10016x144xf32, #tpu.memory_space<vmem_shared>> -> memref<10016x144xf32, #tpu.memory_space<vmem_shared>>
      tpu.enqueue_indirect_dma source(%arg23 : memref<64x144xf32, #tpu.memory_space<vmem>>) target(%dma_start3A_290 : memref<10016x144xf32, #tpu.memory_space<vmem_shared>>) offsets(%arg14 : memref<64xi32, #tpu.memory_space<vmem>>) semaphore(%arg31 : memref<!tpu.dma_semaphore, #tpu.memory_space<semaphore_mem>>) {add = true}
    }
    %scan3A_119 = arith.constant 81 : i32
    %dma_wait3A_120 = arith.constant 0 : i32
    %dma_wait3A_121 = arith.constant 0 : i32
    %dma_wait3A_122 = tpu.memref_slice %arg4[%dma_wait3A_120, %dma_wait3A_121] : memref<10000x16xf32, #tpu.memory_space<hbm>> -> memref<10000x16xf32, #tpu.memory_space<hbm>>
    tpu.wait_indirect_dma semaphore(%arg26 : memref<!tpu.dma_semaphore, #tpu.memory_space<semaphore_mem>>) src(%dma_wait3A_122 : memref<10000x16xf32, #tpu.memory_space<hbm>>) dst(%arg16 : memref<64x16xf32, #tpu.memory_space<vmem>>)
    %dma_wait3A_123 = arith.constant 0 : i32
    %dma_wait3A_124 = arith.constant 0 : i32
    %dma_wait3A_125 = tpu.memref_slice %arg4[%dma_wait3A_123, %dma_wait3A_124] : memref<10000x16xf32, #tpu.memory_space<hbm>> -> memref<10000x16xf32, #tpu.memory_space<hbm>>
    tpu.wait_indirect_dma semaphore(%arg26 : memref<!tpu.dma_semaphore, #tpu.memory_space<semaphore_mem>>) src(%dma_wait3A_125 : memref<10000x16xf32, #tpu.memory_space<hbm>>) dst(%arg18 : memref<64x16xf32, #tpu.memory_space<vmem>>)
    %dma_wait3A_126 = arith.constant 0 : i32
    %dma_wait3A_127 = arith.constant 0 : i32
    %dma_wait3A_128 = tpu.memref_slice %arg5[%dma_wait3A_126, %dma_wait3A_127] : memref<10000x128xf32, #tpu.memory_space<hbm>> -> memref<10000x128xf32, #tpu.memory_space<hbm>>
    tpu.wait_indirect_dma semaphore(%arg26 : memref<!tpu.dma_semaphore, #tpu.memory_space<semaphore_mem>>) src(%dma_wait3A_128 : memref<10000x128xf32, #tpu.memory_space<hbm>>) dst(%arg20 : memref<64x128xf32, #tpu.memory_space<vmem>>)
    %dma_wait3A_129 = arith.constant 0 : i32
    %dma_wait3A_130 = tpu.memref_slice %arg2[%dma_wait3A_129] : memref<331776xi32, #tpu.memory_space<hbm>> -> memref<64xi32, #tpu.memory_space<hbm>>
    %dma_wait3A_131 = arith.constant 0 : i32
    %dma_wait3A_132 = tpu.memref_slice %arg2[%dma_wait3A_131] : memref<331776xi32, #tpu.memory_space<hbm>> -> memref<64xi32, #tpu.memory_space<hbm>>
    tpu.wait_dma2 semaphore(%arg29 : memref<!tpu.dma_semaphore, #tpu.memory_space<semaphore_mem>>) src(%dma_wait3A_132 : memref<64xi32, #tpu.memory_space<hbm>>) dst(%arg10 : memref<64xi32, #tpu.memory_space<vmem>>)
    %dma_wait3A_133 = arith.constant 0 : i32
    %dma_wait3A_134 = tpu.memref_slice %arg3[%dma_wait3A_133] : memref<331776xi32, #tpu.memory_space<hbm>> -> memref<64xi32, #tpu.memory_space<hbm>>
    %dma_wait3A_135 = arith.constant 0 : i32
    %dma_wait3A_136 = tpu.memref_slice %arg3[%dma_wait3A_135] : memref<331776xi32, #tpu.memory_space<hbm>> -> memref<64xi32, #tpu.memory_space<hbm>>
    tpu.wait_dma2 semaphore(%arg29 : memref<!tpu.dma_semaphore, #tpu.memory_space<semaphore_mem>>) src(%dma_wait3A_136 : memref<64xi32, #tpu.memory_space<hbm>>) dst(%arg12 : memref<64xi32, #tpu.memory_space<vmem>>)
    %dma_wait3A_137 = arith.constant 0 : i32
    %dma_wait3A_138 = arith.constant 0 : i32
    %dma_wait3A_139 = tpu.memref_slice %arg8[%dma_wait3A_137, %dma_wait3A_138] : memref<10016x144xf32, #tpu.memory_space<vmem_shared>> -> memref<10016x144xf32, #tpu.memory_space<vmem_shared>>
    tpu.wait_indirect_dma semaphore(%arg30 : memref<!tpu.dma_semaphore, #tpu.memory_space<semaphore_mem>>) src(%arg22 : memref<64x144xf32, #tpu.memory_space<vmem>>) dst(%dma_wait3A_139 : memref<10016x144xf32, #tpu.memory_space<vmem_shared>>)
    %dma_wait3A_140 = arith.constant 0 : i32
    %dma_wait3A_141 = arith.constant 0 : i32
    %dma_wait3A_142 = tpu.memref_slice %arg8[%dma_wait3A_140, %dma_wait3A_141] : memref<10016x144xf32, #tpu.memory_space<vmem_shared>> -> memref<10016x144xf32, #tpu.memory_space<vmem_shared>>
    tpu.wait_indirect_dma semaphore(%arg31 : memref<!tpu.dma_semaphore, #tpu.memory_space<semaphore_mem>>) src(%arg23 : memref<64x144xf32, #tpu.memory_space<vmem>>) dst(%dma_wait3A_142 : memref<10016x144xf32, #tpu.memory_space<vmem_shared>>)
    %barrier3A_143 = arith.constant 0 : index
    tpu.barrier barrier_id(%barrier3A_143)
    %mul3A_144 = arith.constant 626 : i32
    %mul3A_145 = arith.muli %arg1, %mul3A_144 : i32
    %add3A_146 = arith.constant 0 : i32
    %add3A_147 = arith.addi %mul3A_145, %add3A_146 : i32
    "tpu.region"() ({
      %run_scoped3A = tpu.sem_alloc : memref<!tpu.dma_semaphore, #tpu.memory_space<semaphore_mem>>
      %dma_start3A_152 = arith.constant 0 : i32
      %dma_start3A_153 = tpu.memref_slice %arg7[%arg0, %add3A_147, %dma_start3A_152] : memref<2x10016x144xf32, #tpu.memory_space<hbm>> -> memref<1x313x144xf32, #tpu.memory_space<hbm>>
      %dma_start3A_154 = tpu.memref_squeeze %dma_start3A_153 : memref<1x313x144xf32, #tpu.memory_space<hbm>> -> memref<313x144xf32, #tpu.memory_space<hbm>>
      %dma_start3A_155 = arith.constant 0 : i32
      %dma_start3A_156 = tpu.memref_slice %arg8[%add3A_147, %dma_start3A_155] : memref<10016x144xf32, #tpu.memory_space<vmem_shared>> -> memref<313x144xf32, #tpu.memory_space<vmem_shared>>
      tpu.enqueue_dma source(%dma_start3A_156 : memref<313x144xf32, #tpu.memory_space<vmem_shared>>) target(%dma_start3A_154 : memref<313x144xf32, #tpu.memory_space<hbm>>) target_semaphore(%run_scoped3A : memref<!tpu.dma_semaphore, #tpu.memory_space<semaphore_mem>>)
      %dma_wait3A_157 = arith.constant 0 : i32
      %dma_wait3A_158 = tpu.memref_slice %arg7[%arg0, %add3A_147, %dma_wait3A_157] : memref<2x10016x144xf32, #tpu.memory_space<hbm>> -> memref<1x313x144xf32, #tpu.memory_space<hbm>>
      %dma_wait3A_159 = tpu.memref_squeeze %dma_wait3A_158 : memref<1x313x144xf32, #tpu.memory_space<hbm>> -> memref<313x144xf32, #tpu.memory_space<hbm>>
      %dma_wait3A_160 = arith.constant 0 : i32
      %dma_wait3A_161 = tpu.memref_slice %arg8[%add3A_147, %dma_wait3A_160] : memref<10016x144xf32, #tpu.memory_space<vmem_shared>> -> memref<313x144xf32, #tpu.memory_space<vmem_shared>>
      tpu.wait_dma2 semaphore(%run_scoped3A : memref<!tpu.dma_semaphore, #tpu.memory_space<semaphore_mem>>) src(%dma_wait3A_161 : memref<313x144xf32, #tpu.memory_space<vmem_shared>>) dst(%dma_wait3A_159 : memref<313x144xf32, #tpu.memory_space<hbm>>)
      tpu.yield
    }) : () -> ()
    %mul3A_148 = arith.constant 626 : i32
    %mul3A_149 = arith.muli %arg1, %mul3A_148 : i32
    %add3A_150 = arith.constant 313 : i32
    %add3A_151 = arith.addi %mul3A_149, %add3A_150 : i32
    "tpu.region"() ({
      %run_scoped3A = tpu.sem_alloc : memref<!tpu.dma_semaphore, #tpu.memory_space<semaphore_mem>>
      %dma_start3A_152 = arith.constant 0 : i32
      %dma_start3A_153 = tpu.memref_slice %arg7[%arg0, %add3A_151, %dma_start3A_152] : memref<2x10016x144xf32, #tpu.memory_space<hbm>> -> memref<1x313x144xf32, #tpu.memory_space<hbm>>
      %dma_start3A_154 = tpu.memref_squeeze %dma_start3A_153 : memref<1x313x144xf32, #tpu.memory_space<hbm>> -> memref<313x144xf32, #tpu.memory_space<hbm>>
      %dma_start3A_155 = arith.constant 0 : i32
      %dma_start3A_156 = tpu.memref_slice %arg8[%add3A_151, %dma_start3A_155] : memref<10016x144xf32, #tpu.memory_space<vmem_shared>> -> memref<313x144xf32, #tpu.memory_space<vmem_shared>>
      tpu.enqueue_dma source(%dma_start3A_156 : memref<313x144xf32, #tpu.memory_space<vmem_shared>>) target(%dma_start3A_154 : memref<313x144xf32, #tpu.memory_space<hbm>>) target_semaphore(%run_scoped3A : memref<!tpu.dma_semaphore, #tpu.memory_space<semaphore_mem>>)
      %dma_wait3A_157 = arith.constant 0 : i32
      %dma_wait3A_158 = tpu.memref_slice %arg7[%arg0, %add3A_151, %dma_wait3A_157] : memref<2x10016x144xf32, #tpu.memory_space<hbm>> -> memref<1x313x144xf32, #tpu.memory_space<hbm>>
      %dma_wait3A_159 = tpu.memref_squeeze %dma_wait3A_158 : memref<1x313x144xf32, #tpu.memory_space<hbm>> -> memref<313x144xf32, #tpu.memory_space<hbm>>
      %dma_wait3A_160 = arith.constant 0 : i32
      %dma_wait3A_161 = tpu.memref_slice %arg8[%add3A_151, %dma_wait3A_160] : memref<10016x144xf32, #tpu.memory_space<vmem_shared>> -> memref<313x144xf32, #tpu.memory_space<vmem_shared>>
      tpu.wait_dma2 semaphore(%run_scoped3A : memref<!tpu.dma_semaphore, #tpu.memory_space<semaphore_mem>>) src(%dma_wait3A_161 : memref<313x144xf32, #tpu.memory_space<vmem_shared>>) dst(%dma_wait3A_159 : memref<313x144xf32, #tpu.memory_space<hbm>>)
      tpu.yield
    }) : () -> ()
    return
  }
}

#map = affine_map<(d0, d1) -> (0)>
#map1 = affine_map<(d0, d1) -> (0, 0)>
#map2 = affine_map<(d0, d1) -> (0, 0, 0)>
module attributes {stable_mosaic.version = 14 : i64} {
  func.func @body(%arg0: i32, %arg1: i32, %arg2: memref<331776xi32, #tpu.memory_space<hbm>>, %arg3: memref<331776xi32, #tpu.memory_space<hbm>>, %arg4: memref<10000x16xf32, #tpu.memory_space<hbm>>, %arg5: memref<10000x64xf32, #tpu.memory_space<hbm>>, %arg6: memref<16xf32, #tpu.memory_space<hbm>>, %arg7: memref<2x10016x80xf32, #tpu.memory_space<hbm>>, %arg8: memref<10016x80xf32, #tpu.memory_space<vmem_shared>>, %arg9: memref<64xi32, #tpu.memory_space<vmem>>, %arg10: memref<64xi32, #tpu.memory_space<vmem>>, %arg11: memref<64xi32, #tpu.memory_space<vmem>>, %arg12: memref<64xi32, #tpu.memory_space<vmem>>, %arg13: memref<64xi32, #tpu.memory_space<vmem>>, %arg14: memref<64xi32, #tpu.memory_space<vmem>>, %arg15: memref<64xi32, #tpu.memory_space<vmem>>, %arg16: memref<64x16xf32, #tpu.memory_space<vmem>>, %arg17: memref<64x16xf32, #tpu.memory_space<vmem>>, %arg18: memref<64x16xf32, #tpu.memory_space<vmem>>, %arg19: memref<64x16xf32, #tpu.memory_space<vmem>>, %arg20: memref<64x64xf32, #tpu.memory_space<vmem>>, %arg21: memref<64x64xf32, #tpu.memory_space<vmem>>, %arg22: memref<64x80xf32, #tpu.memory_space<vmem>>, %arg23: memref<64x80xf32, #tpu.memory_space<vmem>>, %arg24: memref<512xf32, #tpu.memory_space<vmem>>, %arg25: memref<16xf32, #tpu.memory_space<vmem>>, %arg26: memref<!tpu.dma_semaphore, #tpu.memory_space<semaphore_mem>>, %arg27: memref<!tpu.dma_semaphore, #tpu.memory_space<semaphore_mem>>, %arg28: memref<!tpu.dma_semaphore, #tpu.memory_space<semaphore_mem>>, %arg29: memref<!tpu.dma_semaphore, #tpu.memory_space<semaphore_mem>>, %arg30: memref<!tpu.dma_semaphore, #tpu.memory_space<semaphore_mem>>, %arg31: memref<!tpu.dma_semaphore, #tpu.memory_space<semaphore_mem>>) attributes {dimension_semantics = [#tpu.dimension_semantics<core_parallel>, #tpu.dimension_semantics<subcore_parallel>], iteration_bounds = array<i64: 2, 16>, scalar_prefetch = 0 : i64, scratch_operands = 24 : i64, tpu.core_type = #tpu.core_type<sc_vector_subcore>, window_params = [{transform_indices = #map}, {transform_indices = #map}, {transform_indices = #map1}, {transform_indices = #map1}, {transform_indices = #map}, {transform_indices = #map2}]} {
    %mul3A = arith.constant 16 : i32
    %mul3A_0 = arith.muli %arg0, %mul3A : i32
    %add3A = arith.addi %mul3A_0, %arg1 : i32
    %mul3A_1 = arith.constant 10368 : i32
    %mul3A_2 = arith.muli %add3A, %mul3A_1 : i32
    %iota3A = tpu.iota {dimensions = array<i32: 0>} : vector<16xi32>
    %jit3A = arith.constant 8 : i32
    %div3A = vector.broadcast %jit3A : i32 to vector<16xi32>
    %div3A_3 = arith.divsi %iota3A, %div3A : vector<16xi32>
    %sign3A = arith.constant 0 : i32
    %sign3A_4 = vector.broadcast %sign3A : i32 to vector<16xi32>
    %sign3A_5 = arith.cmpi sgt, %iota3A, %sign3A_4 : vector<16xi32>
    %sign3A_6 = arith.extui %sign3A_5 : vector<16xi1> to vector<16xi32>
    %sign3A_7 = arith.constant 0 : i32
    %sign3A_8 = vector.broadcast %sign3A_7 : i32 to vector<16xi32>
    %sign3A_9 = arith.cmpi slt, %iota3A, %sign3A_8 : vector<16xi32>
    %sign3A_10 = arith.extui %sign3A_9 : vector<16xi1> to vector<16xi32>
    %sign3A_11 = arith.subi %sign3A_6, %sign3A_10 : vector<16xi32>
    %sign3A_12 = arith.constant 0 : i32
    %sign3A_13 = arith.cmpi sgt, %jit3A, %sign3A_12 : i32
    %sign3A_14 = arith.extui %sign3A_13 : i1 to i32
    %sign3A_15 = arith.constant 0 : i32
    %sign3A_16 = arith.cmpi slt, %jit3A, %sign3A_15 : i32
    %sign3A_17 = arith.extui %sign3A_16 : i1 to i32
    %sign3A_18 = arith.subi %sign3A_14, %sign3A_17 : i32
    %ne3A = vector.broadcast %sign3A_18 : i32 to vector<16xi32>
    %ne3A_19 = arith.cmpi ne, %sign3A_11, %ne3A : vector<16xi32>
    %rem3A = vector.broadcast %jit3A : i32 to vector<16xi32>
    %rem3A_20 = arith.remsi %iota3A, %rem3A : vector<16xi32>
    %ne3A_21 = arith.constant 0 : i32
    %ne3A_22 = vector.broadcast %ne3A_21 : i32 to vector<16xi32>
    %ne3A_23 = arith.cmpi ne, %rem3A_20, %ne3A_22 : vector<16xi32>
    %and3A = arith.andi %ne3A_19, %ne3A_23 : vector<16xi1>
    %sub3A = arith.constant 1 : i32
    %sub3A_24 = vector.broadcast %sub3A : i32 to vector<16xi32>
    %sub3A_25 = arith.subi %div3A_3, %sub3A_24 : vector<16xi32>
    %select_n3A = arith.select %and3A, %sub3A_25, %div3A_3 : vector<16xi1>, vector<16xi32>
    %mul3A_26 = arith.constant 8 : i32
    %mul3A_27 = vector.broadcast %mul3A_26 : i32 to vector<16xi32>
    %mul3A_28 = arith.muli %mul3A_27, %select_n3A : vector<16xi32>
    %sub3A_29 = arith.subi %iota3A, %mul3A_28 : vector<16xi32>
    %broadcast_in_dim3A = arith.constant 0.000000e+00 : f32
    %broadcast_in_dim3A_30 = vector.broadcast %broadcast_in_dim3A : f32 to vector<16xf32>
    %broadcast_in_dim3A_31 = arith.constant 0 : i32
    %broadcast_in_dim3A_32 = vector.broadcast %broadcast_in_dim3A_31 : i32 to vector<16xi32>
    "tpu.region"() ({
      %run_scoped3A = tpu.sem_alloc : memref<!tpu.dma_semaphore, #tpu.memory_space<semaphore_mem>>
      tpu.enqueue_dma source(%arg6 : memref<16xf32, #tpu.memory_space<hbm>>) target(%arg25 : memref<16xf32, #tpu.memory_space<vmem>>) target_semaphore(%run_scoped3A : memref<!tpu.dma_semaphore, #tpu.memory_space<semaphore_mem>>)
      tpu.wait_dma2 semaphore(%run_scoped3A : memref<!tpu.dma_semaphore, #tpu.memory_space<semaphore_mem>>) src(%arg6 : memref<16xf32, #tpu.memory_space<hbm>>) dst(%arg25 : memref<16xf32, #tpu.memory_space<vmem>>)
      tpu.yield
    }) : () -> ()
    %parallel_loop3A = arith.constant 0 : i32
    %parallel_loop3A_33 = arith.constant 64 : i32
    %parallel_loop3A_34 = arith.constant 1 : i32
    scf.for %parallel_loop3A_152 = %parallel_loop3A to %parallel_loop3A_33 step %parallel_loop3A_34  : i32 {
      %parallel_loop3A_153 = arith.index_cast %parallel_loop3A_152 : i32 to index
      %parallel_loop3A_154 = arith.constant 0 : index
      %parallel_loop3A_155 = tpu.vector_load %arg22[%parallel_loop3A_153, %parallel_loop3A_154] {strides = array<i32>} : memref<64x80xf32, #tpu.memory_space<vmem>>, vector<16xf32>,
      tpu.vector_store %arg22[%parallel_loop3A_153, %parallel_loop3A_154], %broadcast_in_dim3A_30 {strides = array<i32>} : memref<64x80xf32, #tpu.memory_space<vmem>>, vector<16xf32>,
      %parallel_loop3A_156 = arith.index_cast %parallel_loop3A_152 : i32 to index
      %parallel_loop3A_157 = arith.constant 0 : index
      %parallel_loop3A_158 = tpu.vector_load %arg23[%parallel_loop3A_156, %parallel_loop3A_157] {strides = array<i32>} : memref<64x80xf32, #tpu.memory_space<vmem>>, vector<16xf32>,
      tpu.vector_store %arg23[%parallel_loop3A_156, %parallel_loop3A_157], %broadcast_in_dim3A_30 {strides = array<i32>} : memref<64x80xf32, #tpu.memory_space<vmem>>, vector<16xf32>,
      %parallel_loop3A_159 = arith.index_cast %parallel_loop3A_152 : i32 to index
      %parallel_loop3A_160 = arith.constant 16 : index
      %parallel_loop3A_161 = tpu.vector_load %arg22[%parallel_loop3A_159, %parallel_loop3A_160] {strides = array<i32>} : memref<64x80xf32, #tpu.memory_space<vmem>>, vector<16xf32>,
      tpu.vector_store %arg22[%parallel_loop3A_159, %parallel_loop3A_160], %broadcast_in_dim3A_30 {strides = array<i32>} : memref<64x80xf32, #tpu.memory_space<vmem>>, vector<16xf32>,
      %parallel_loop3A_162 = arith.index_cast %parallel_loop3A_152 : i32 to index
      %parallel_loop3A_163 = arith.constant 16 : index
      %parallel_loop3A_164 = tpu.vector_load %arg23[%parallel_loop3A_162, %parallel_loop3A_163] {strides = array<i32>} : memref<64x80xf32, #tpu.memory_space<vmem>>, vector<16xf32>,
      tpu.vector_store %arg23[%parallel_loop3A_162, %parallel_loop3A_163], %broadcast_in_dim3A_30 {strides = array<i32>} : memref<64x80xf32, #tpu.memory_space<vmem>>, vector<16xf32>,
      %parallel_loop3A_165 = arith.index_cast %parallel_loop3A_152 : i32 to index
      %parallel_loop3A_166 = arith.constant 32 : index
      %parallel_loop3A_167 = tpu.vector_load %arg22[%parallel_loop3A_165, %parallel_loop3A_166] {strides = array<i32>} : memref<64x80xf32, #tpu.memory_space<vmem>>, vector<16xf32>,
      tpu.vector_store %arg22[%parallel_loop3A_165, %parallel_loop3A_166], %broadcast_in_dim3A_30 {strides = array<i32>} : memref<64x80xf32, #tpu.memory_space<vmem>>, vector<16xf32>,
      %parallel_loop3A_168 = arith.index_cast %parallel_loop3A_152 : i32 to index
      %parallel_loop3A_169 = arith.constant 32 : index
      %parallel_loop3A_170 = tpu.vector_load %arg23[%parallel_loop3A_168, %parallel_loop3A_169] {strides = array<i32>} : memref<64x80xf32, #tpu.memory_space<vmem>>, vector<16xf32>,
      tpu.vector_store %arg23[%parallel_loop3A_168, %parallel_loop3A_169], %broadcast_in_dim3A_30 {strides = array<i32>} : memref<64x80xf32, #tpu.memory_space<vmem>>, vector<16xf32>,
      %parallel_loop3A_171 = arith.index_cast %parallel_loop3A_152 : i32 to index
      %parallel_loop3A_172 = arith.constant 48 : index
      %parallel_loop3A_173 = tpu.vector_load %arg22[%parallel_loop3A_171, %parallel_loop3A_172] {strides = array<i32>} : memref<64x80xf32, #tpu.memory_space<vmem>>, vector<16xf32>,
      tpu.vector_store %arg22[%parallel_loop3A_171, %parallel_loop3A_172], %broadcast_in_dim3A_30 {strides = array<i32>} : memref<64x80xf32, #tpu.memory_space<vmem>>, vector<16xf32>,
      %parallel_loop3A_174 = arith.index_cast %parallel_loop3A_152 : i32 to index
      %parallel_loop3A_175 = arith.constant 48 : index
      %parallel_loop3A_176 = tpu.vector_load %arg23[%parallel_loop3A_174, %parallel_loop3A_175] {strides = array<i32>} : memref<64x80xf32, #tpu.memory_space<vmem>>, vector<16xf32>,
      tpu.vector_store %arg23[%parallel_loop3A_174, %parallel_loop3A_175], %broadcast_in_dim3A_30 {strides = array<i32>} : memref<64x80xf32, #tpu.memory_space<vmem>>, vector<16xf32>,
      %parallel_loop3A_177 = arith.index_cast %parallel_loop3A_152 : i32 to index
      %parallel_loop3A_178 = arith.constant 64 : index
      %parallel_loop3A_179 = tpu.vector_load %arg22[%parallel_loop3A_177, %parallel_loop3A_178] {strides = array<i32>} : memref<64x80xf32, #tpu.memory_space<vmem>>, vector<16xf32>,
      tpu.vector_store %arg22[%parallel_loop3A_177, %parallel_loop3A_178], %broadcast_in_dim3A_30 {strides = array<i32>} : memref<64x80xf32, #tpu.memory_space<vmem>>, vector<16xf32>,
      %parallel_loop3A_180 = arith.index_cast %parallel_loop3A_152 : i32 to index
      %parallel_loop3A_181 = arith.constant 64 : index
      %parallel_loop3A_182 = tpu.vector_load %arg23[%parallel_loop3A_180, %parallel_loop3A_181] {strides = array<i32>} : memref<64x80xf32, #tpu.memory_space<vmem>>, vector<16xf32>,
      tpu.vector_store %arg23[%parallel_loop3A_180, %parallel_loop3A_181], %broadcast_in_dim3A_30 {strides = array<i32>} : memref<64x80xf32, #tpu.memory_space<vmem>>, vector<16xf32>,
    } {sc.loop_unroll_factor = 4 : i64, sc.parallel_access}
    %swap3A = arith.constant 0 : index
    %swap3A_35 = tpu.vector_load %arg15[%swap3A] {strides = array<i32>} : memref<64xi32, #tpu.memory_space<vmem>>, vector<16xi32>,
    tpu.vector_store %arg15[%swap3A], %broadcast_in_dim3A_32 {strides = array<i32>} : memref<64xi32, #tpu.memory_space<vmem>>, vector<16xi32>,
    %swap3A_36 = arith.constant 16 : index
    %swap3A_37 = tpu.vector_load %arg15[%swap3A_36] {strides = array<i32>} : memref<64xi32, #tpu.memory_space<vmem>>, vector<16xi32>,
    tpu.vector_store %arg15[%swap3A_36], %broadcast_in_dim3A_32 {strides = array<i32>} : memref<64xi32, #tpu.memory_space<vmem>>, vector<16xi32>,
    %swap3A_38 = arith.constant 32 : index
    %swap3A_39 = tpu.vector_load %arg15[%swap3A_38] {strides = array<i32>} : memref<64xi32, #tpu.memory_space<vmem>>, vector<16xi32>,
    tpu.vector_store %arg15[%swap3A_38], %broadcast_in_dim3A_32 {strides = array<i32>} : memref<64xi32, #tpu.memory_space<vmem>>, vector<16xi32>,
    %swap3A_40 = arith.constant 48 : index
    %swap3A_41 = tpu.vector_load %arg15[%swap3A_40] {strides = array<i32>} : memref<64xi32, #tpu.memory_space<vmem>>, vector<16xi32>,
    tpu.vector_store %arg15[%swap3A_40], %broadcast_in_dim3A_32 {strides = array<i32>} : memref<64xi32, #tpu.memory_space<vmem>>, vector<16xi32>,
    %mul3A_42 = arith.constant 626 : i32
    %mul3A_43 = arith.muli %arg1, %mul3A_42 : i32
    %add3A_44 = arith.constant 0 : i32
    %add3A_45 = arith.addi %mul3A_43, %add3A_44 : i32
    "tpu.region"() ({
      %run_scoped3A = tpu.sem_alloc : memref<!tpu.dma_semaphore, #tpu.memory_space<semaphore_mem>>
      %dma_start3A_152 = arith.constant 0 : i32
      %dma_start3A_153 = tpu.memref_slice %arg8[%add3A_45, %dma_start3A_152] : memref<10016x80xf32, #tpu.memory_space<vmem_shared>> -> memref<64x80xf32, #tpu.memory_space<vmem_shared>>
      %dma_start3A_154 = arith.constant 0 : i32
      %dma_start3A_155 = tpu.memref_slice %arg8[%add3A_45, %dma_start3A_154] : memref<10016x80xf32, #tpu.memory_space<vmem_shared>> -> memref<64x80xf32, #tpu.memory_space<vmem_shared>>
      tpu.enqueue_dma source(%arg22 : memref<64x80xf32, #tpu.memory_space<vmem>>) target(%dma_start3A_155 : memref<64x80xf32, #tpu.memory_space<vmem_shared>>) target_semaphore(%run_scoped3A : memref<!tpu.dma_semaphore, #tpu.memory_space<semaphore_mem>>)
      %dma_wait3A_156 = arith.constant 0 : i32
      %dma_wait3A_157 = tpu.memref_slice %arg8[%add3A_45, %dma_wait3A_156] : memref<10016x80xf32, #tpu.memory_space<vmem_shared>> -> memref<64x80xf32, #tpu.memory_space<vmem_shared>>
      %dma_wait3A_158 = arith.constant 0 : i32
      %dma_wait3A_159 = tpu.memref_slice %arg8[%add3A_45, %dma_wait3A_158] : memref<10016x80xf32, #tpu.memory_space<vmem_shared>> -> memref<64x80xf32, #tpu.memory_space<vmem_shared>>
      tpu.wait_dma2 semaphore(%run_scoped3A : memref<!tpu.dma_semaphore, #tpu.memory_space<semaphore_mem>>) src(%arg22 : memref<64x80xf32, #tpu.memory_space<vmem>>) dst(%dma_wait3A_159 : memref<64x80xf32, #tpu.memory_space<vmem_shared>>)
      tpu.yield
    }) : () -> ()
    %mul3A_46 = arith.constant 626 : i32
    %mul3A_47 = arith.muli %arg1, %mul3A_46 : i32
    %add3A_48 = arith.constant 64 : i32
    %add3A_49 = arith.addi %mul3A_47, %add3A_48 : i32
    "tpu.region"() ({
      %run_scoped3A = tpu.sem_alloc : memref<!tpu.dma_semaphore, #tpu.memory_space<semaphore_mem>>
      %dma_start3A_152 = arith.constant 0 : i32
      %dma_start3A_153 = tpu.memref_slice %arg8[%add3A_49, %dma_start3A_152] : memref<10016x80xf32, #tpu.memory_space<vmem_shared>> -> memref<64x80xf32, #tpu.memory_space<vmem_shared>>
      %dma_start3A_154 = arith.constant 0 : i32
      %dma_start3A_155 = tpu.memref_slice %arg8[%add3A_49, %dma_start3A_154] : memref<10016x80xf32, #tpu.memory_space<vmem_shared>> -> memref<64x80xf32, #tpu.memory_space<vmem_shared>>
      tpu.enqueue_dma source(%arg22 : memref<64x80xf32, #tpu.memory_space<vmem>>) target(%dma_start3A_155 : memref<64x80xf32, #tpu.memory_space<vmem_shared>>) target_semaphore(%run_scoped3A : memref<!tpu.dma_semaphore, #tpu.memory_space<semaphore_mem>>)
      %dma_wait3A_156 = arith.constant 0 : i32
      %dma_wait3A_157 = tpu.memref_slice %arg8[%add3A_49, %dma_wait3A_156] : memref<10016x80xf32, #tpu.memory_space<vmem_shared>> -> memref<64x80xf32, #tpu.memory_space<vmem_shared>>
      %dma_wait3A_158 = arith.constant 0 : i32
      %dma_wait3A_159 = tpu.memref_slice %arg8[%add3A_49, %dma_wait3A_158] : memref<10016x80xf32, #tpu.memory_space<vmem_shared>> -> memref<64x80xf32, #tpu.memory_space<vmem_shared>>
      tpu.wait_dma2 semaphore(%run_scoped3A : memref<!tpu.dma_semaphore, #tpu.memory_space<semaphore_mem>>) src(%arg22 : memref<64x80xf32, #tpu.memory_space<vmem>>) dst(%dma_wait3A_159 : memref<64x80xf32, #tpu.memory_space<vmem_shared>>)
      tpu.yield
    }) : () -> ()
    %mul3A_50 = arith.constant 626 : i32
    %mul3A_51 = arith.muli %arg1, %mul3A_50 : i32
    %add3A_52 = arith.constant 128 : i32
    %add3A_53 = arith.addi %mul3A_51, %add3A_52 : i32
    "tpu.region"() ({
      %run_scoped3A = tpu.sem_alloc : memref<!tpu.dma_semaphore, #tpu.memory_space<semaphore_mem>>
      %dma_start3A_152 = arith.constant 0 : i32
      %dma_start3A_153 = tpu.memref_slice %arg8[%add3A_53, %dma_start3A_152] : memref<10016x80xf32, #tpu.memory_space<vmem_shared>> -> memref<64x80xf32, #tpu.memory_space<vmem_shared>>
      %dma_start3A_154 = arith.constant 0 : i32
      %dma_start3A_155 = tpu.memref_slice %arg8[%add3A_53, %dma_start3A_154] : memref<10016x80xf32, #tpu.memory_space<vmem_shared>> -> memref<64x80xf32, #tpu.memory_space<vmem_shared>>
      tpu.enqueue_dma source(%arg22 : memref<64x80xf32, #tpu.memory_space<vmem>>) target(%dma_start3A_155 : memref<64x80xf32, #tpu.memory_space<vmem_shared>>) target_semaphore(%run_scoped3A : memref<!tpu.dma_semaphore, #tpu.memory_space<semaphore_mem>>)
      %dma_wait3A_156 = arith.constant 0 : i32
      %dma_wait3A_157 = tpu.memref_slice %arg8[%add3A_53, %dma_wait3A_156] : memref<10016x80xf32, #tpu.memory_space<vmem_shared>> -> memref<64x80xf32, #tpu.memory_space<vmem_shared>>
      %dma_wait3A_158 = arith.constant 0 : i32
      %dma_wait3A_159 = tpu.memref_slice %arg8[%add3A_53, %dma_wait3A_158] : memref<10016x80xf32, #tpu.memory_space<vmem_shared>> -> memref<64x80xf32, #tpu.memory_space<vmem_shared>>
      tpu.wait_dma2 semaphore(%run_scoped3A : memref<!tpu.dma_semaphore, #tpu.memory_space<semaphore_mem>>) src(%arg22 : memref<64x80xf32, #tpu.memory_space<vmem>>) dst(%dma_wait3A_159 : memref<64x80xf32, #tpu.memory_space<vmem_shared>>)
      tpu.yield
    }) : () -> ()
    %mul3A_54 = arith.constant 626 : i32
    %mul3A_55 = arith.muli %arg1, %mul3A_54 : i32
    %add3A_56 = arith.constant 192 : i32
    %add3A_57 = arith.addi %mul3A_55, %add3A_56 : i32
    "tpu.region"() ({
      %run_scoped3A = tpu.sem_alloc : memref<!tpu.dma_semaphore, #tpu.memory_space<semaphore_mem>>
      %dma_start3A_152 = arith.constant 0 : i32
      %dma_start3A_153 = tpu.memref_slice %arg8[%add3A_57, %dma_start3A_152] : memref<10016x80xf32, #tpu.memory_space<vmem_shared>> -> memref<64x80xf32, #tpu.memory_space<vmem_shared>>
      %dma_start3A_154 = arith.constant 0 : i32
      %dma_start3A_155 = tpu.memref_slice %arg8[%add3A_57, %dma_start3A_154] : memref<10016x80xf32, #tpu.memory_space<vmem_shared>> -> memref<64x80xf32, #tpu.memory_space<vmem_shared>>
      tpu.enqueue_dma source(%arg22 : memref<64x80xf32, #tpu.memory_space<vmem>>) target(%dma_start3A_155 : memref<64x80xf32, #tpu.memory_space<vmem_shared>>) target_semaphore(%run_scoped3A : memref<!tpu.dma_semaphore, #tpu.memory_space<semaphore_mem>>)
      %dma_wait3A_156 = arith.constant 0 : i32
      %dma_wait3A_157 = tpu.memref_slice %arg8[%add3A_57, %dma_wait3A_156] : memref<10016x80xf32, #tpu.memory_space<vmem_shared>> -> memref<64x80xf32, #tpu.memory_space<vmem_shared>>
      %dma_wait3A_158 = arith.constant 0 : i32
      %dma_wait3A_159 = tpu.memref_slice %arg8[%add3A_57, %dma_wait3A_158] : memref<10016x80xf32, #tpu.memory_space<vmem_shared>> -> memref<64x80xf32, #tpu.memory_space<vmem_shared>>
      tpu.wait_dma2 semaphore(%run_scoped3A : memref<!tpu.dma_semaphore, #tpu.memory_space<semaphore_mem>>) src(%arg22 : memref<64x80xf32, #tpu.memory_space<vmem>>) dst(%dma_wait3A_159 : memref<64x80xf32, #tpu.memory_space<vmem_shared>>)
      tpu.yield
    }) : () -> ()
    %mul3A_58 = arith.constant 626 : i32
    %mul3A_59 = arith.muli %arg1, %mul3A_58 : i32
    %add3A_60 = arith.constant 256 : i32
    %add3A_61 = arith.addi %mul3A_59, %add3A_60 : i32
    "tpu.region"() ({
      %run_scoped3A = tpu.sem_alloc : memref<!tpu.dma_semaphore, #tpu.memory_space<semaphore_mem>>
      %dma_start3A_152 = arith.constant 0 : i32
      %dma_start3A_153 = tpu.memref_slice %arg8[%add3A_61, %dma_start3A_152] : memref<10016x80xf32, #tpu.memory_space<vmem_shared>> -> memref<64x80xf32, #tpu.memory_space<vmem_shared>>
      %dma_start3A_154 = arith.constant 0 : i32
      %dma_start3A_155 = tpu.memref_slice %arg8[%add3A_61, %dma_start3A_154] : memref<10016x80xf32, #tpu.memory_space<vmem_shared>> -> memref<64x80xf32, #tpu.memory_space<vmem_shared>>
      tpu.enqueue_dma source(%arg22 : memref<64x80xf32, #tpu.memory_space<vmem>>) target(%dma_start3A_155 : memref<64x80xf32, #tpu.memory_space<vmem_shared>>) target_semaphore(%run_scoped3A : memref<!tpu.dma_semaphore, #tpu.memory_space<semaphore_mem>>)
      %dma_wait3A_156 = arith.constant 0 : i32
      %dma_wait3A_157 = tpu.memref_slice %arg8[%add3A_61, %dma_wait3A_156] : memref<10016x80xf32, #tpu.memory_space<vmem_shared>> -> memref<64x80xf32, #tpu.memory_space<vmem_shared>>
      %dma_wait3A_158 = arith.constant 0 : i32
      %dma_wait3A_159 = tpu.memref_slice %arg8[%add3A_61, %dma_wait3A_158] : memref<10016x80xf32, #tpu.memory_space<vmem_shared>> -> memref<64x80xf32, #tpu.memory_space<vmem_shared>>
      tpu.wait_dma2 semaphore(%run_scoped3A : memref<!tpu.dma_semaphore, #tpu.memory_space<semaphore_mem>>) src(%arg22 : memref<64x80xf32, #tpu.memory_space<vmem>>) dst(%dma_wait3A_159 : memref<64x80xf32, #tpu.memory_space<vmem_shared>>)
      tpu.yield
    }) : () -> ()
    %mul3A_62 = arith.constant 626 : i32
    %mul3A_63 = arith.muli %arg1, %mul3A_62 : i32
    %add3A_64 = arith.constant 320 : i32
    %add3A_65 = arith.addi %mul3A_63, %add3A_64 : i32
    "tpu.region"() ({
      %run_scoped3A = tpu.sem_alloc : memref<!tpu.dma_semaphore, #tpu.memory_space<semaphore_mem>>
      %dma_start3A_152 = arith.constant 0 : i32
      %dma_start3A_153 = tpu.memref_slice %arg8[%add3A_65, %dma_start3A_152] : memref<10016x80xf32, #tpu.memory_space<vmem_shared>> -> memref<64x80xf32, #tpu.memory_space<vmem_shared>>
      %dma_start3A_154 = arith.constant 0 : i32
      %dma_start3A_155 = tpu.memref_slice %arg8[%add3A_65, %dma_start3A_154] : memref<10016x80xf32, #tpu.memory_space<vmem_shared>> -> memref<64x80xf32, #tpu.memory_space<vmem_shared>>
      tpu.enqueue_dma source(%arg22 : memref<64x80xf32, #tpu.memory_space<vmem>>) target(%dma_start3A_155 : memref<64x80xf32, #tpu.memory_space<vmem_shared>>) target_semaphore(%run_scoped3A : memref<!tpu.dma_semaphore, #tpu.memory_space<semaphore_mem>>)
      %dma_wait3A_156 = arith.constant 0 : i32
      %dma_wait3A_157 = tpu.memref_slice %arg8[%add3A_65, %dma_wait3A_156] : memref<10016x80xf32, #tpu.memory_space<vmem_shared>> -> memref<64x80xf32, #tpu.memory_space<vmem_shared>>
      %dma_wait3A_158 = arith.constant 0 : i32
      %dma_wait3A_159 = tpu.memref_slice %arg8[%add3A_65, %dma_wait3A_158] : memref<10016x80xf32, #tpu.memory_space<vmem_shared>> -> memref<64x80xf32, #tpu.memory_space<vmem_shared>>
      tpu.wait_dma2 semaphore(%run_scoped3A : memref<!tpu.dma_semaphore, #tpu.memory_space<semaphore_mem>>) src(%arg22 : memref<64x80xf32, #tpu.memory_space<vmem>>) dst(%dma_wait3A_159 : memref<64x80xf32, #tpu.memory_space<vmem_shared>>)
      tpu.yield
    }) : () -> ()
    %mul3A_66 = arith.constant 626 : i32
    %mul3A_67 = arith.muli %arg1, %mul3A_66 : i32
    %add3A_68 = arith.constant 384 : i32
    %add3A_69 = arith.addi %mul3A_67, %add3A_68 : i32
    "tpu.region"() ({
      %run_scoped3A = tpu.sem_alloc : memref<!tpu.dma_semaphore, #tpu.memory_space<semaphore_mem>>
      %dma_start3A_152 = arith.constant 0 : i32
      %dma_start3A_153 = tpu.memref_slice %arg8[%add3A_69, %dma_start3A_152] : memref<10016x80xf32, #tpu.memory_space<vmem_shared>> -> memref<64x80xf32, #tpu.memory_space<vmem_shared>>
      %dma_start3A_154 = arith.constant 0 : i32
      %dma_start3A_155 = tpu.memref_slice %arg8[%add3A_69, %dma_start3A_154] : memref<10016x80xf32, #tpu.memory_space<vmem_shared>> -> memref<64x80xf32, #tpu.memory_space<vmem_shared>>
      tpu.enqueue_dma source(%arg22 : memref<64x80xf32, #tpu.memory_space<vmem>>) target(%dma_start3A_155 : memref<64x80xf32, #tpu.memory_space<vmem_shared>>) target_semaphore(%run_scoped3A : memref<!tpu.dma_semaphore, #tpu.memory_space<semaphore_mem>>)
      %dma_wait3A_156 = arith.constant 0 : i32
      %dma_wait3A_157 = tpu.memref_slice %arg8[%add3A_69, %dma_wait3A_156] : memref<10016x80xf32, #tpu.memory_space<vmem_shared>> -> memref<64x80xf32, #tpu.memory_space<vmem_shared>>
      %dma_wait3A_158 = arith.constant 0 : i32
      %dma_wait3A_159 = tpu.memref_slice %arg8[%add3A_69, %dma_wait3A_158] : memref<10016x80xf32, #tpu.memory_space<vmem_shared>> -> memref<64x80xf32, #tpu.memory_space<vmem_shared>>
      tpu.wait_dma2 semaphore(%run_scoped3A : memref<!tpu.dma_semaphore, #tpu.memory_space<semaphore_mem>>) src(%arg22 : memref<64x80xf32, #tpu.memory_space<vmem>>) dst(%dma_wait3A_159 : memref<64x80xf32, #tpu.memory_space<vmem_shared>>)
      tpu.yield
    }) : () -> ()
    %mul3A_70 = arith.constant 626 : i32
    %mul3A_71 = arith.muli %arg1, %mul3A_70 : i32
    %add3A_72 = arith.constant 448 : i32
    %add3A_73 = arith.addi %mul3A_71, %add3A_72 : i32
    "tpu.region"() ({
      %run_scoped3A = tpu.sem_alloc : memref<!tpu.dma_semaphore, #tpu.memory_space<semaphore_mem>>
      %dma_start3A_152 = arith.constant 0 : i32
      %dma_start3A_153 = tpu.memref_slice %arg8[%add3A_73, %dma_start3A_152] : memref<10016x80xf32, #tpu.memory_space<vmem_shared>> -> memref<64x80xf32, #tpu.memory_space<vmem_shared>>
      %dma_start3A_154 = arith.constant 0 : i32
      %dma_start3A_155 = tpu.memref_slice %arg8[%add3A_73, %dma_start3A_154] : memref<10016x80xf32, #tpu.memory_space<vmem_shared>> -> memref<64x80xf32, #tpu.memory_space<vmem_shared>>
      tpu.enqueue_dma source(%arg22 : memref<64x80xf32, #tpu.memory_space<vmem>>) target(%dma_start3A_155 : memref<64x80xf32, #tpu.memory_space<vmem_shared>>) target_semaphore(%run_scoped3A : memref<!tpu.dma_semaphore, #tpu.memory_space<semaphore_mem>>)
      %dma_wait3A_156 = arith.constant 0 : i32
      %dma_wait3A_157 = tpu.memref_slice %arg8[%add3A_73, %dma_wait3A_156] : memref<10016x80xf32, #tpu.memory_space<vmem_shared>> -> memref<64x80xf32, #tpu.memory_space<vmem_shared>>
      %dma_wait3A_158 = arith.constant 0 : i32
      %dma_wait3A_159 = tpu.memref_slice %arg8[%add3A_73, %dma_wait3A_158] : memref<10016x80xf32, #tpu.memory_space<vmem_shared>> -> memref<64x80xf32, #tpu.memory_space<vmem_shared>>
      tpu.wait_dma2 semaphore(%run_scoped3A : memref<!tpu.dma_semaphore, #tpu.memory_space<semaphore_mem>>) src(%arg22 : memref<64x80xf32, #tpu.memory_space<vmem>>) dst(%dma_wait3A_159 : memref<64x80xf32, #tpu.memory_space<vmem_shared>>)
      tpu.yield
    }) : () -> ()
    %mul3A_74 = arith.constant 626 : i32
    %mul3A_75 = arith.muli %arg1, %mul3A_74 : i32
    %add3A_76 = arith.constant 512 : i32
    %add3A_77 = arith.addi %mul3A_75, %add3A_76 : i32
    "tpu.region"() ({
      %run_scoped3A = tpu.sem_alloc : memref<!tpu.dma_semaphore, #tpu.memory_space<semaphore_mem>>
      %dma_start3A_152 = arith.constant 0 : i32
      %dma_start3A_153 = tpu.memref_slice %arg8[%add3A_77, %dma_start3A_152] : memref<10016x80xf32, #tpu.memory_space<vmem_shared>> -> memref<64x80xf32, #tpu.memory_space<vmem_shared>>
      %dma_start3A_154 = arith.constant 0 : i32
      %dma_start3A_155 = tpu.memref_slice %arg8[%add3A_77, %dma_start3A_154] : memref<10016x80xf32, #tpu.memory_space<vmem_shared>> -> memref<64x80xf32, #tpu.memory_space<vmem_shared>>
      tpu.enqueue_dma source(%arg22 : memref<64x80xf32, #tpu.memory_space<vmem>>) target(%dma_start3A_155 : memref<64x80xf32, #tpu.memory_space<vmem_shared>>) target_semaphore(%run_scoped3A : memref<!tpu.dma_semaphore, #tpu.memory_space<semaphore_mem>>)
      %dma_wait3A_156 = arith.constant 0 : i32
      %dma_wait3A_157 = tpu.memref_slice %arg8[%add3A_77, %dma_wait3A_156] : memref<10016x80xf32, #tpu.memory_space<vmem_shared>> -> memref<64x80xf32, #tpu.memory_space<vmem_shared>>
      %dma_wait3A_158 = arith.constant 0 : i32
      %dma_wait3A_159 = tpu.memref_slice %arg8[%add3A_77, %dma_wait3A_158] : memref<10016x80xf32, #tpu.memory_space<vmem_shared>> -> memref<64x80xf32, #tpu.memory_space<vmem_shared>>
      tpu.wait_dma2 semaphore(%run_scoped3A : memref<!tpu.dma_semaphore, #tpu.memory_space<semaphore_mem>>) src(%arg22 : memref<64x80xf32, #tpu.memory_space<vmem>>) dst(%dma_wait3A_159 : memref<64x80xf32, #tpu.memory_space<vmem_shared>>)
      tpu.yield
    }) : () -> ()
    %mul3A_78 = arith.constant 626 : i32
    %mul3A_79 = arith.muli %arg1, %mul3A_78 : i32
    %add3A_80 = arith.constant 576 : i32
    %add3A_81 = arith.addi %mul3A_79, %add3A_80 : i32
    "tpu.region"() ({
      %run_scoped3A = tpu.sem_alloc : memref<!tpu.dma_semaphore, #tpu.memory_space<semaphore_mem>>
      %dma_start3A_152 = arith.constant 0 : i32
      %dma_start3A_153 = arith.constant 0 : i32
      %dma_start3A_154 = tpu.memref_slice %arg22[%dma_start3A_152, %dma_start3A_153] : memref<64x80xf32, #tpu.memory_space<vmem>> -> memref<50x80xf32, #tpu.memory_space<vmem>>
      %dma_start3A_155 = arith.constant 0 : i32
      %dma_start3A_156 = tpu.memref_slice %arg8[%add3A_81, %dma_start3A_155] : memref<10016x80xf32, #tpu.memory_space<vmem_shared>> -> memref<50x80xf32, #tpu.memory_space<vmem_shared>>
      %dma_start3A_157 = arith.constant 0 : i32
      %dma_start3A_158 = tpu.memref_slice %arg8[%add3A_81, %dma_start3A_157] : memref<10016x80xf32, #tpu.memory_space<vmem_shared>> -> memref<50x80xf32, #tpu.memory_space<vmem_shared>>
      %dma_start3A_159 = arith.constant 0 : i32
      %dma_start3A_160 = arith.constant 0 : i32
      %dma_start3A_161 = tpu.memref_slice %arg22[%dma_start3A_159, %dma_start3A_160] : memref<64x80xf32, #tpu.memory_space<vmem>> -> memref<50x80xf32, #tpu.memory_space<vmem>>
      tpu.enqueue_dma source(%dma_start3A_161 : memref<50x80xf32, #tpu.memory_space<vmem>>) target(%dma_start3A_158 : memref<50x80xf32, #tpu.memory_space<vmem_shared>>) target_semaphore(%run_scoped3A : memref<!tpu.dma_semaphore, #tpu.memory_space<semaphore_mem>>)
      %dma_wait3A_162 = arith.constant 0 : i32
      %dma_wait3A_163 = arith.constant 0 : i32
      %dma_wait3A_164 = tpu.memref_slice %arg22[%dma_wait3A_162, %dma_wait3A_163] : memref<64x80xf32, #tpu.memory_space<vmem>> -> memref<50x80xf32, #tpu.memory_space<vmem>>
      %dma_wait3A_165 = arith.constant 0 : i32
      %dma_wait3A_166 = tpu.memref_slice %arg8[%add3A_81, %dma_wait3A_165] : memref<10016x80xf32, #tpu.memory_space<vmem_shared>> -> memref<50x80xf32, #tpu.memory_space<vmem_shared>>
      %dma_wait3A_167 = arith.constant 0 : i32
      %dma_wait3A_168 = tpu.memref_slice %arg8[%add3A_81, %dma_wait3A_167] : memref<10016x80xf32, #tpu.memory_space<vmem_shared>> -> memref<50x80xf32, #tpu.memory_space<vmem_shared>>
      %dma_wait3A_169 = arith.constant 0 : i32
      %dma_wait3A_170 = arith.constant 0 : i32
      %dma_wait3A_171 = tpu.memref_slice %arg22[%dma_wait3A_169, %dma_wait3A_170] : memref<64x80xf32, #tpu.memory_space<vmem>> -> memref<50x80xf32, #tpu.memory_space<vmem>>
      tpu.wait_dma2 semaphore(%run_scoped3A : memref<!tpu.dma_semaphore, #tpu.memory_space<semaphore_mem>>) src(%dma_wait3A_171 : memref<50x80xf32, #tpu.memory_space<vmem>>) dst(%dma_wait3A_168 : memref<50x80xf32, #tpu.memory_space<vmem_shared>>)
      tpu.yield
    }) : () -> ()
    %barrier3A = arith.constant 0 : index
    tpu.barrier barrier_id(%barrier3A)
    %dma_start3A = arith.constant 0 : i32
    %dma_start3A_82 = arith.constant 0 : i32
    %dma_start3A_83 = tpu.memref_slice %arg8[%dma_start3A, %dma_start3A_82] : memref<10016x80xf32, #tpu.memory_space<vmem_shared>> -> memref<10016x80xf32, #tpu.memory_space<vmem_shared>>
    tpu.enqueue_indirect_dma source(%arg22 : memref<64x80xf32, #tpu.memory_space<vmem>>) target(%dma_start3A_83 : memref<10016x80xf32, #tpu.memory_space<vmem_shared>>) offsets(%arg15 : memref<64xi32, #tpu.memory_space<vmem>>) semaphore(%arg30 : memref<!tpu.dma_semaphore, #tpu.memory_space<semaphore_mem>>) {add = true}
    %dma_start3A_84 = arith.constant 0 : i32
    %dma_start3A_85 = arith.constant 0 : i32
    %dma_start3A_86 = tpu.memref_slice %arg8[%dma_start3A_84, %dma_start3A_85] : memref<10016x80xf32, #tpu.memory_space<vmem_shared>> -> memref<10016x80xf32, #tpu.memory_space<vmem_shared>>
    tpu.enqueue_indirect_dma source(%arg23 : memref<64x80xf32, #tpu.memory_space<vmem>>) target(%dma_start3A_86 : memref<10016x80xf32, #tpu.memory_space<vmem_shared>>) offsets(%arg15 : memref<64xi32, #tpu.memory_space<vmem>>) semaphore(%arg31 : memref<!tpu.dma_semaphore, #tpu.memory_space<semaphore_mem>>) {add = true}
    %add3A_87 = arith.constant 0 : i32
    %add3A_88 = arith.addi %mul3A_2, %add3A_87 : i32
    %dma_start3A_89 = tpu.memref_slice %arg2[%add3A_88] : memref<331776xi32, #tpu.memory_space<hbm>> -> memref<64xi32, #tpu.memory_space<hbm>>
    %dma_start3A_90 = tpu.memref_slice %arg2[%add3A_88] : memref<331776xi32, #tpu.memory_space<hbm>> -> memref<64xi32, #tpu.memory_space<hbm>>
    tpu.enqueue_dma source(%dma_start3A_90 : memref<64xi32, #tpu.memory_space<hbm>>) target(%arg9 : memref<64xi32, #tpu.memory_space<vmem>>) target_semaphore(%arg28 : memref<!tpu.dma_semaphore, #tpu.memory_space<semaphore_mem>>)
    %dma_start3A_91 = tpu.memref_slice %arg3[%add3A_88] : memref<331776xi32, #tpu.memory_space<hbm>> -> memref<64xi32, #tpu.memory_space<hbm>>
    %dma_start3A_92 = tpu.memref_slice %arg3[%add3A_88] : memref<331776xi32, #tpu.memory_space<hbm>> -> memref<64xi32, #tpu.memory_space<hbm>>
    tpu.enqueue_dma source(%dma_start3A_92 : memref<64xi32, #tpu.memory_space<hbm>>) target(%arg11 : memref<64xi32, #tpu.memory_space<vmem>>) target_semaphore(%arg28 : memref<!tpu.dma_semaphore, #tpu.memory_space<semaphore_mem>>)
    %dma_wait3A = arith.constant 0 : i32
    %dma_wait3A_93 = tpu.memref_slice %arg2[%dma_wait3A] : memref<331776xi32, #tpu.memory_space<hbm>> -> memref<64xi32, #tpu.memory_space<hbm>>
    %dma_wait3A_94 = arith.constant 0 : i32
    %dma_wait3A_95 = tpu.memref_slice %arg2[%dma_wait3A_94] : memref<331776xi32, #tpu.memory_space<hbm>> -> memref<64xi32, #tpu.memory_space<hbm>>
    tpu.wait_dma2 semaphore(%arg28 : memref<!tpu.dma_semaphore, #tpu.memory_space<semaphore_mem>>) src(%dma_wait3A_95 : memref<64xi32, #tpu.memory_space<hbm>>) dst(%arg9 : memref<64xi32, #tpu.memory_space<vmem>>)
    %dma_wait3A_96 = arith.constant 0 : i32
    %dma_wait3A_97 = tpu.memref_slice %arg3[%dma_wait3A_96] : memref<331776xi32, #tpu.memory_space<hbm>> -> memref<64xi32, #tpu.memory_space<hbm>>
    %dma_wait3A_98 = arith.constant 0 : i32
    %dma_wait3A_99 = tpu.memref_slice %arg3[%dma_wait3A_98] : memref<331776xi32, #tpu.memory_space<hbm>> -> memref<64xi32, #tpu.memory_space<hbm>>
    tpu.wait_dma2 semaphore(%arg28 : memref<!tpu.dma_semaphore, #tpu.memory_space<semaphore_mem>>) src(%dma_wait3A_99 : memref<64xi32, #tpu.memory_space<hbm>>) dst(%arg11 : memref<64xi32, #tpu.memory_space<vmem>>)
    %dma_start3A_100 = arith.constant 0 : i32
    %dma_start3A_101 = arith.constant 0 : i32
    %dma_start3A_102 = tpu.memref_slice %arg4[%dma_start3A_100, %dma_start3A_101] : memref<10000x16xf32, #tpu.memory_space<hbm>> -> memref<10000x16xf32, #tpu.memory_space<hbm>>
    tpu.enqueue_indirect_dma source(%dma_start3A_102 : memref<10000x16xf32, #tpu.memory_space<hbm>>) target(%arg16 : memref<64x16xf32, #tpu.memory_space<vmem>>) offsets(%arg9 : memref<64xi32, #tpu.memory_space<vmem>>) semaphore(%arg26 : memref<!tpu.dma_semaphore, #tpu.memory_space<semaphore_mem>>)
    %dma_start3A_103 = arith.constant 0 : i32
    %dma_start3A_104 = arith.constant 0 : i32
    %dma_start3A_105 = tpu.memref_slice %arg4[%dma_start3A_103, %dma_start3A_104] : memref<10000x16xf32, #tpu.memory_space<hbm>> -> memref<10000x16xf32, #tpu.memory_space<hbm>>
    tpu.enqueue_indirect_dma source(%dma_start3A_105 : memref<10000x16xf32, #tpu.memory_space<hbm>>) target(%arg18 : memref<64x16xf32, #tpu.memory_space<vmem>>) offsets(%arg11 : memref<64xi32, #tpu.memory_space<vmem>>) semaphore(%arg26 : memref<!tpu.dma_semaphore, #tpu.memory_space<semaphore_mem>>)
    %dma_start3A_106 = arith.constant 0 : i32
    %dma_start3A_107 = arith.constant 0 : i32
    %dma_start3A_108 = tpu.memref_slice %arg5[%dma_start3A_106, %dma_start3A_107] : memref<10000x64xf32, #tpu.memory_space<hbm>> -> memref<10000x64xf32, #tpu.memory_space<hbm>>
    tpu.enqueue_indirect_dma source(%dma_start3A_108 : memref<10000x64xf32, #tpu.memory_space<hbm>>) target(%arg20 : memref<64x64xf32, #tpu.memory_space<vmem>>) offsets(%arg9 : memref<64xi32, #tpu.memory_space<vmem>>) semaphore(%arg26 : memref<!tpu.dma_semaphore, #tpu.memory_space<semaphore_mem>>)
    %add3A_109 = arith.constant 64 : i32
    %add3A_110 = arith.addi %mul3A_2, %add3A_109 : i32
    %dma_start3A_111 = tpu.memref_slice %arg2[%add3A_110] : memref<331776xi32, #tpu.memory_space<hbm>> -> memref<64xi32, #tpu.memory_space<hbm>>
    %dma_start3A_112 = tpu.memref_slice %arg2[%add3A_110] : memref<331776xi32, #tpu.memory_space<hbm>> -> memref<64xi32, #tpu.memory_space<hbm>>
    tpu.enqueue_dma source(%dma_start3A_112 : memref<64xi32, #tpu.memory_space<hbm>>) target(%arg10 : memref<64xi32, #tpu.memory_space<vmem>>) target_semaphore(%arg29 : memref<!tpu.dma_semaphore, #tpu.memory_space<semaphore_mem>>)
    %dma_start3A_113 = tpu.memref_slice %arg3[%add3A_110] : memref<331776xi32, #tpu.memory_space<hbm>> -> memref<64xi32, #tpu.memory_space<hbm>>
    %dma_start3A_114 = tpu.memref_slice %arg3[%add3A_110] : memref<331776xi32, #tpu.memory_space<hbm>> -> memref<64xi32, #tpu.memory_space<hbm>>
    tpu.enqueue_dma source(%dma_start3A_114 : memref<64xi32, #tpu.memory_space<hbm>>) target(%arg12 : memref<64xi32, #tpu.memory_space<vmem>>) target_semaphore(%arg29 : memref<!tpu.dma_semaphore, #tpu.memory_space<semaphore_mem>>)
    %scan3A = arith.constant 0 : i32
    %scan3A_115 = arith.constant 0 : i32
    %scan3A_116 = arith.constant 81 : i32
    %scan3A_117 = arith.addi %scan3A_115, %scan3A_116 : i32
    %scan3A_118 = arith.constant 1 : i32
    scf.for %scan3A_152 = %scan3A_115 to %scan3A_117 step %scan3A_118  : i32 {
      %mul3A_153 = arith.constant 2 : i32
      %mul3A_154 = arith.muli %mul3A_153, %scan3A_152 : i32
      %dma_wait3A_155 = arith.constant 0 : i32
      %dma_wait3A_156 = arith.constant 0 : i32
      %dma_wait3A_157 = tpu.memref_slice %arg4[%dma_wait3A_155, %dma_wait3A_156] : memref<10000x16xf32, #tpu.memory_space<hbm>> -> memref<10000x16xf32, #tpu.memory_space<hbm>>
      tpu.wait_indirect_dma semaphore(%arg26 : memref<!tpu.dma_semaphore, #tpu.memory_space<semaphore_mem>>) src(%dma_wait3A_157 : memref<10000x16xf32, #tpu.memory_space<hbm>>) dst(%arg16 : memref<64x16xf32, #tpu.memory_space<vmem>>)
      %dma_wait3A_158 = arith.constant 0 : i32
      %dma_wait3A_159 = arith.constant 0 : i32
      %dma_wait3A_160 = tpu.memref_slice %arg4[%dma_wait3A_158, %dma_wait3A_159] : memref<10000x16xf32, #tpu.memory_space<hbm>> -> memref<10000x16xf32, #tpu.memory_space<hbm>>
      tpu.wait_indirect_dma semaphore(%arg26 : memref<!tpu.dma_semaphore, #tpu.memory_space<semaphore_mem>>) src(%dma_wait3A_160 : memref<10000x16xf32, #tpu.memory_space<hbm>>) dst(%arg18 : memref<64x16xf32, #tpu.memory_space<vmem>>)
      %dma_wait3A_161 = arith.constant 0 : i32
      %dma_wait3A_162 = arith.constant 0 : i32
      %dma_wait3A_163 = tpu.memref_slice %arg5[%dma_wait3A_161, %dma_wait3A_162] : memref<10000x64xf32, #tpu.memory_space<hbm>> -> memref<10000x64xf32, #tpu.memory_space<hbm>>
      tpu.wait_indirect_dma semaphore(%arg26 : memref<!tpu.dma_semaphore, #tpu.memory_space<semaphore_mem>>) src(%dma_wait3A_163 : memref<10000x64xf32, #tpu.memory_space<hbm>>) dst(%arg20 : memref<64x64xf32, #tpu.memory_space<vmem>>)
      %dma_wait3A_164 = arith.constant 0 : i32
      %dma_wait3A_165 = arith.constant 0 : i32
      %dma_wait3A_166 = tpu.memref_slice %arg8[%dma_wait3A_164, %dma_wait3A_165] : memref<10016x80xf32, #tpu.memory_space<vmem_shared>> -> memref<10016x80xf32, #tpu.memory_space<vmem_shared>>
      tpu.wait_indirect_dma semaphore(%arg30 : memref<!tpu.dma_semaphore, #tpu.memory_space<semaphore_mem>>) src(%arg22 : memref<64x80xf32, #tpu.memory_space<vmem>>) dst(%dma_wait3A_166 : memref<10016x80xf32, #tpu.memory_space<vmem_shared>>)
      %get3A = arith.constant 0 : index
      %get3A_167 = tpu.vector_load %arg11[%get3A] {strides = array<i32>} : memref<64xi32, #tpu.memory_space<vmem>>, vector<16xi32>,
      %swap3A_168 = arith.constant 0 : index
      %swap3A_169 = tpu.vector_load %arg13[%swap3A_168] {strides = array<i32>} : memref<64xi32, #tpu.memory_space<vmem>>, vector<16xi32>,
      tpu.vector_store %arg13[%swap3A_168], %get3A_167 {strides = array<i32>} : memref<64xi32, #tpu.memory_space<vmem>>, vector<16xi32>,
      %get3A_170 = arith.constant 16 : index
      %get3A_171 = tpu.vector_load %arg11[%get3A_170] {strides = array<i32>} : memref<64xi32, #tpu.memory_space<vmem>>, vector<16xi32>,
      %swap3A_172 = arith.constant 16 : index
      %swap3A_173 = tpu.vector_load %arg13[%swap3A_172] {strides = array<i32>} : memref<64xi32, #tpu.memory_space<vmem>>, vector<16xi32>,
      tpu.vector_store %arg13[%swap3A_172], %get3A_171 {strides = array<i32>} : memref<64xi32, #tpu.memory_space<vmem>>, vector<16xi32>,
      %get3A_174 = arith.constant 32 : index
      %get3A_175 = tpu.vector_load %arg11[%get3A_174] {strides = array<i32>} : memref<64xi32, #tpu.memory_space<vmem>>, vector<16xi32>,
      %swap3A_176 = arith.constant 32 : index
      %swap3A_177 = tpu.vector_load %arg13[%swap3A_176] {strides = array<i32>} : memref<64xi32, #tpu.memory_space<vmem>>, vector<16xi32>,
      tpu.vector_store %arg13[%swap3A_176], %get3A_175 {strides = array<i32>} : memref<64xi32, #tpu.memory_space<vmem>>, vector<16xi32>,
      %get3A_178 = arith.constant 48 : index
      %get3A_179 = tpu.vector_load %arg11[%get3A_178] {strides = array<i32>} : memref<64xi32, #tpu.memory_space<vmem>>, vector<16xi32>,
      %swap3A_180 = arith.constant 48 : index
      %swap3A_181 = tpu.vector_load %arg13[%swap3A_180] {strides = array<i32>} : memref<64xi32, #tpu.memory_space<vmem>>, vector<16xi32>,
      tpu.vector_store %arg13[%swap3A_180], %get3A_179 {strides = array<i32>} : memref<64xi32, #tpu.memory_space<vmem>>, vector<16xi32>,
      %dma_wait3A_182 = arith.constant 0 : i32
      %dma_wait3A_183 = tpu.memref_slice %arg2[%dma_wait3A_182] : memref<331776xi32, #tpu.memory_space<hbm>> -> memref<64xi32, #tpu.memory_space<hbm>>
      %dma_wait3A_184 = arith.constant 0 : i32
      %dma_wait3A_185 = tpu.memref_slice %arg2[%dma_wait3A_184] : memref<331776xi32, #tpu.memory_space<hbm>> -> memref<64xi32, #tpu.memory_space<hbm>>
      tpu.wait_dma2 semaphore(%arg29 : memref<!tpu.dma_semaphore, #tpu.memory_space<semaphore_mem>>) src(%dma_wait3A_185 : memref<64xi32, #tpu.memory_space<hbm>>) dst(%arg10 : memref<64xi32, #tpu.memory_space<vmem>>)
      %dma_wait3A_186 = arith.constant 0 : i32
      %dma_wait3A_187 = tpu.memref_slice %arg3[%dma_wait3A_186] : memref<331776xi32, #tpu.memory_space<hbm>> -> memref<64xi32, #tpu.memory_space<hbm>>
      %dma_wait3A_188 = arith.constant 0 : i32
      %dma_wait3A_189 = tpu.memref_slice %arg3[%dma_wait3A_188] : memref<331776xi32, #tpu.memory_space<hbm>> -> memref<64xi32, #tpu.memory_space<hbm>>
      tpu.wait_dma2 semaphore(%arg29 : memref<!tpu.dma_semaphore, #tpu.memory_space<semaphore_mem>>) src(%dma_wait3A_189 : memref<64xi32, #tpu.memory_space<hbm>>) dst(%arg12 : memref<64xi32, #tpu.memory_space<vmem>>)
      %dma_start3A_190 = arith.constant 0 : i32
      %dma_start3A_191 = arith.constant 0 : i32
      %dma_start3A_192 = tpu.memref_slice %arg4[%dma_start3A_190, %dma_start3A_191] : memref<10000x16xf32, #tpu.memory_space<hbm>> -> memref<10000x16xf32, #tpu.memory_space<hbm>>
      tpu.enqueue_indirect_dma source(%dma_start3A_192 : memref<10000x16xf32, #tpu.memory_space<hbm>>) target(%arg17 : memref<64x16xf32, #tpu.memory_space<vmem>>) offsets(%arg10 : memref<64xi32, #tpu.memory_space<vmem>>) semaphore(%arg27 : memref<!tpu.dma_semaphore, #tpu.memory_space<semaphore_mem>>)
      %dma_start3A_193 = arith.constant 0 : i32
      %dma_start3A_194 = arith.constant 0 : i32
      %dma_start3A_195 = tpu.memref_slice %arg4[%dma_start3A_193, %dma_start3A_194] : memref<10000x16xf32, #tpu.memory_space<hbm>> -> memref<10000x16xf32, #tpu.memory_space<hbm>>
      tpu.enqueue_indirect_dma source(%dma_start3A_195 : memref<10000x16xf32, #tpu.memory_space<hbm>>) target(%arg19 : memref<64x16xf32, #tpu.memory_space<vmem>>) offsets(%arg12 : memref<64xi32, #tpu.memory_space<vmem>>) semaphore(%arg27 : memref<!tpu.dma_semaphore, #tpu.memory_space<semaphore_mem>>)
      %dma_start3A_196 = arith.constant 0 : i32
      %dma_start3A_197 = arith.constant 0 : i32
      %dma_start3A_198 = tpu.memref_slice %arg5[%dma_start3A_196, %dma_start3A_197] : memref<10000x64xf32, #tpu.memory_space<hbm>> -> memref<10000x64xf32, #tpu.memory_space<hbm>>
      tpu.enqueue_indirect_dma source(%dma_start3A_198 : memref<10000x64xf32, #tpu.memory_space<hbm>>) target(%arg21 : memref<64x64xf32, #tpu.memory_space<vmem>>) offsets(%arg10 : memref<64xi32, #tpu.memory_space<vmem>>) semaphore(%arg27 : memref<!tpu.dma_semaphore, #tpu.memory_space<semaphore_mem>>)
      %add3A_199 = arith.constant 2 : i32
      %add3A_200 = arith.addi %mul3A_154, %add3A_199 : i32
      %min3A = arith.constant 161 : i32
      %min3A_201 = arith.minsi %add3A_200, %min3A : i32
      %mul3A_202 = arith.constant 64 : i32
      %mul3A_203 = arith.muli %min3A_201, %mul3A_202 : i32
      %add3A_204 = arith.addi %mul3A_2, %mul3A_203 : i32
      %dma_start3A_205 = tpu.memref_slice %arg2[%add3A_204] : memref<331776xi32, #tpu.memory_space<hbm>> -> memref<64xi32, #tpu.memory_space<hbm>>
      %dma_start3A_206 = tpu.memref_slice %arg2[%add3A_204] : memref<331776xi32, #tpu.memory_space<hbm>> -> memref<64xi32, #tpu.memory_space<hbm>>
      tpu.enqueue_dma source(%dma_start3A_206 : memref<64xi32, #tpu.memory_space<hbm>>) target(%arg9 : memref<64xi32, #tpu.memory_space<vmem>>) target_semaphore(%arg28 : memref<!tpu.dma_semaphore, #tpu.memory_space<semaphore_mem>>)
      %dma_start3A_207 = tpu.memref_slice %arg3[%add3A_204] : memref<331776xi32, #tpu.memory_space<hbm>> -> memref<64xi32, #tpu.memory_space<hbm>>
      %dma_start3A_208 = tpu.memref_slice %arg3[%add3A_204] : memref<331776xi32, #tpu.memory_space<hbm>> -> memref<64xi32, #tpu.memory_space<hbm>>
      tpu.enqueue_dma source(%dma_start3A_208 : memref<64xi32, #tpu.memory_space<hbm>>) target(%arg11 : memref<64xi32, #tpu.memory_space<vmem>>) target_semaphore(%arg28 : memref<!tpu.dma_semaphore, #tpu.memory_space<semaphore_mem>>)
      %get3A_209 = arith.constant 0 : index
      %get3A_210 = tpu.vector_load %arg25[%get3A_209] {strides = array<i32>} : memref<16xf32, #tpu.memory_space<vmem>>, vector<16xf32>,
      %parallel_loop3A_211 = arith.constant 0 : i32
      %parallel_loop3A_212 = arith.constant 32 : i32
      %parallel_loop3A_213 = arith.constant 1 : i32
      scf.for %parallel_loop3A_291 = %parallel_loop3A_211 to %parallel_loop3A_212 step %parallel_loop3A_213  : i32 {
        %parallel_loop3A_292 = arith.constant 2 : i32
        %parallel_loop3A_293 = arith.muli %parallel_loop3A_292, %parallel_loop3A_291 : i32
        %parallel_loop3A_294 = vector.broadcast %parallel_loop3A_293 : i32 to vector<16xi32>
        %parallel_loop3A_295 = arith.addi %parallel_loop3A_294, %select_n3A : vector<16xi32>
        %parallel_loop3A_296 = tpu.vector_load_idx %arg16[%parallel_loop3A_295, %sub3A_29] : memref<64x16xf32, #tpu.memory_space<vmem>>[vector<16xi32>, vector<16xi32>], vector<16xf32>,
        %parallel_loop3A_297 = arith.constant 8 : i32
        %parallel_loop3A_298 = vector.broadcast %parallel_loop3A_297 : i32 to vector<16xi32>
        %parallel_loop3A_299 = arith.addi %sub3A_29, %parallel_loop3A_298 : vector<16xi32>
        %parallel_loop3A_300 = tpu.vector_load_idx %arg18[%parallel_loop3A_295, %parallel_loop3A_299] : memref<64x16xf32, #tpu.memory_space<vmem>>[vector<16xi32>, vector<16xi32>], vector<16xf32>,
        %parallel_loop3A_301 = arith.addf %parallel_loop3A_296, %parallel_loop3A_300 : vector<16xf32>
        %parallel_loop3A_302 = arith.constant 0.000000e+00 : f32
        %parallel_loop3A_303 = vector.broadcast %parallel_loop3A_302 : f32 to vector<16xf32>
        %parallel_loop3A_304 = arith.cmpf oge, %parallel_loop3A_301, %parallel_loop3A_303 : vector<16xf32>
        %parallel_loop3A_305 = arith.constant 2.000000e-01 : f32
        %parallel_loop3A_306 = vector.broadcast %parallel_loop3A_305 : f32 to vector<16xf32>
        %parallel_loop3A_307 = arith.mulf %parallel_loop3A_306, %parallel_loop3A_301 : vector<16xf32>
        %parallel_loop3A_308 = arith.select %parallel_loop3A_304, %parallel_loop3A_301, %parallel_loop3A_307 : vector<16xi1>, vector<16xf32>
        %parallel_loop3A_309 = arith.subf %parallel_loop3A_308, %get3A_210 : vector<16xf32>
        %parallel_loop3A_310 = math.exp %parallel_loop3A_309 : vector<16xf32>
        %parallel_loop3A_311 = arith.constant 16 : i32
        %parallel_loop3A_312 = arith.muli %parallel_loop3A_291, %parallel_loop3A_311 : i32
        %parallel_loop3A_313 = arith.index_cast %parallel_loop3A_312 : i32 to index
        %parallel_loop3A_314 = tpu.vector_load %arg24[%parallel_loop3A_313] {strides = array<i32>} : memref<512xf32, #tpu.memory_space<vmem>>, vector<16xf32>,
        tpu.vector_store %arg24[%parallel_loop3A_313], %parallel_loop3A_310 {strides = array<i32>} : memref<512xf32, #tpu.memory_space<vmem>>, vector<16xf32>,
        %parallel_loop3A_315 = arith.constant 64 : i32
        %parallel_loop3A_316 = vector.broadcast %parallel_loop3A_315 : i32 to vector<16xi32>
        %parallel_loop3A_317 = arith.addi %sub3A_29, %parallel_loop3A_316 : vector<16xi32>
        tpu.vector_store_idx %arg22[%parallel_loop3A_295, %parallel_loop3A_317], %parallel_loop3A_310 : memref<64x80xf32, #tpu.memory_space<vmem>>[vector<16xi32>, vector<16xi32>], vector<16xf32>,
        %parallel_loop3A_318 = arith.constant 64 : i32
        %parallel_loop3A_319 = vector.broadcast %parallel_loop3A_318 : i32 to vector<16xi32>
        %parallel_loop3A_320 = arith.addi %sub3A_29, %parallel_loop3A_319 : vector<16xi32>
        %parallel_loop3A_321 = arith.constant 8 : i32
        %parallel_loop3A_322 = vector.broadcast %parallel_loop3A_321 : i32 to vector<16xi32>
        %parallel_loop3A_323 = arith.addi %parallel_loop3A_320, %parallel_loop3A_322 : vector<16xi32>
        tpu.vector_store_idx %arg22[%parallel_loop3A_295, %parallel_loop3A_323], %parallel_loop3A_310 : memref<64x80xf32, #tpu.memory_space<vmem>>[vector<16xi32>, vector<16xi32>], vector<16xf32>,
      } {sc.loop_unroll_factor = 4 : i64, sc.parallel_access}
      %parallel_loop3A_214 = arith.constant 0 : i32
      %parallel_loop3A_215 = arith.constant 64 : i32
      %parallel_loop3A_216 = arith.constant 1 : i32
      scf.for %parallel_loop3A_291 = %parallel_loop3A_214 to %parallel_loop3A_215 step %parallel_loop3A_216  : i32 {
        %parallel_loop3A_292 = arith.constant 8 : i32
        %parallel_loop3A_293 = arith.muli %parallel_loop3A_292, %parallel_loop3A_291 : i32
        %parallel_loop3A_294 = arith.constant 0 : i32
        %parallel_loop3A_295 = arith.addi %parallel_loop3A_293, %parallel_loop3A_294 : i32
        %parallel_loop3A_296 = vector.broadcast %parallel_loop3A_295 : i32 to vector<16xi32>
        %parallel_loop3A_297 = arith.addi %parallel_loop3A_296, %select_n3A : vector<16xi32>
        %parallel_loop3A_298 = tpu.vector_load_idx %arg24[%parallel_loop3A_297] : memref<512xf32, #tpu.memory_space<vmem>>[vector<16xi32>], vector<16xf32>,
        %parallel_loop3A_299 = arith.index_cast %parallel_loop3A_291 : i32 to index
        %parallel_loop3A_300 = arith.constant 0 : index
        %parallel_loop3A_301 = tpu.vector_load %arg20[%parallel_loop3A_299, %parallel_loop3A_300] {strides = array<i32>} : memref<64x64xf32, #tpu.memory_space<vmem>>, vector<16xf32>,
        %parallel_loop3A_302 = arith.mulf %parallel_loop3A_301, %parallel_loop3A_298 : vector<16xf32>
        %parallel_loop3A_303 = arith.index_cast %parallel_loop3A_291 : i32 to index
        %parallel_loop3A_304 = arith.constant 0 : index
        %parallel_loop3A_305 = tpu.vector_load %arg22[%parallel_loop3A_303, %parallel_loop3A_304] {strides = array<i32>} : memref<64x80xf32, #tpu.memory_space<vmem>>, vector<16xf32>,
        tpu.vector_store %arg22[%parallel_loop3A_303, %parallel_loop3A_304], %parallel_loop3A_302 {strides = array<i32>} : memref<64x80xf32, #tpu.memory_space<vmem>>, vector<16xf32>,
        %parallel_loop3A_306 = arith.constant 8 : i32
        %parallel_loop3A_307 = arith.muli %parallel_loop3A_306, %parallel_loop3A_291 : i32
        %parallel_loop3A_308 = arith.constant 2 : i32
        %parallel_loop3A_309 = arith.addi %parallel_loop3A_307, %parallel_loop3A_308 : i32
        %parallel_loop3A_310 = vector.broadcast %parallel_loop3A_309 : i32 to vector<16xi32>
        %parallel_loop3A_311 = arith.addi %parallel_loop3A_310, %select_n3A : vector<16xi32>
        %parallel_loop3A_312 = tpu.vector_load_idx %arg24[%parallel_loop3A_311] : memref<512xf32, #tpu.memory_space<vmem>>[vector<16xi32>], vector<16xf32>,
        %parallel_loop3A_313 = arith.index_cast %parallel_loop3A_291 : i32 to index
        %parallel_loop3A_314 = arith.constant 16 : index
        %parallel_loop3A_315 = tpu.vector_load %arg20[%parallel_loop3A_313, %parallel_loop3A_314] {strides = array<i32>} : memref<64x64xf32, #tpu.memory_space<vmem>>, vector<16xf32>,
        %parallel_loop3A_316 = arith.mulf %parallel_loop3A_315, %parallel_loop3A_312 : vector<16xf32>
        %parallel_loop3A_317 = arith.index_cast %parallel_loop3A_291 : i32 to index
        %parallel_loop3A_318 = arith.constant 16 : index
        %parallel_loop3A_319 = tpu.vector_load %arg22[%parallel_loop3A_317, %parallel_loop3A_318] {strides = array<i32>} : memref<64x80xf32, #tpu.memory_space<vmem>>, vector<16xf32>,
        tpu.vector_store %arg22[%parallel_loop3A_317, %parallel_loop3A_318], %parallel_loop3A_316 {strides = array<i32>} : memref<64x80xf32, #tpu.memory_space<vmem>>, vector<16xf32>,
        %parallel_loop3A_320 = arith.constant 8 : i32
        %parallel_loop3A_321 = arith.muli %parallel_loop3A_320, %parallel_loop3A_291 : i32
        %parallel_loop3A_322 = arith.constant 4 : i32
        %parallel_loop3A_323 = arith.addi %parallel_loop3A_321, %parallel_loop3A_322 : i32
        %parallel_loop3A_324 = vector.broadcast %parallel_loop3A_323 : i32 to vector<16xi32>
        %parallel_loop3A_325 = arith.addi %parallel_loop3A_324, %select_n3A : vector<16xi32>
        %parallel_loop3A_326 = tpu.vector_load_idx %arg24[%parallel_loop3A_325] : memref<512xf32, #tpu.memory_space<vmem>>[vector<16xi32>], vector<16xf32>,
        %parallel_loop3A_327 = arith.index_cast %parallel_loop3A_291 : i32 to index
        %parallel_loop3A_328 = arith.constant 32 : index
        %parallel_loop3A_329 = tpu.vector_load %arg20[%parallel_loop3A_327, %parallel_loop3A_328] {strides = array<i32>} : memref<64x64xf32, #tpu.memory_space<vmem>>, vector<16xf32>,
        %parallel_loop3A_330 = arith.mulf %parallel_loop3A_329, %parallel_loop3A_326 : vector<16xf32>
        %parallel_loop3A_331 = arith.index_cast %parallel_loop3A_291 : i32 to index
        %parallel_loop3A_332 = arith.constant 32 : index
        %parallel_loop3A_333 = tpu.vector_load %arg22[%parallel_loop3A_331, %parallel_loop3A_332] {strides = array<i32>} : memref<64x80xf32, #tpu.memory_space<vmem>>, vector<16xf32>,
        tpu.vector_store %arg22[%parallel_loop3A_331, %parallel_loop3A_332], %parallel_loop3A_330 {strides = array<i32>} : memref<64x80xf32, #tpu.memory_space<vmem>>, vector<16xf32>,
        %parallel_loop3A_334 = arith.constant 8 : i32
        %parallel_loop3A_335 = arith.muli %parallel_loop3A_334, %parallel_loop3A_291 : i32
        %parallel_loop3A_336 = arith.constant 6 : i32
        %parallel_loop3A_337 = arith.addi %parallel_loop3A_335, %parallel_loop3A_336 : i32
        %parallel_loop3A_338 = vector.broadcast %parallel_loop3A_337 : i32 to vector<16xi32>
        %parallel_loop3A_339 = arith.addi %parallel_loop3A_338, %select_n3A : vector<16xi32>
        %parallel_loop3A_340 = tpu.vector_load_idx %arg24[%parallel_loop3A_339] : memref<512xf32, #tpu.memory_space<vmem>>[vector<16xi32>], vector<16xf32>,
        %parallel_loop3A_341 = arith.index_cast %parallel_loop3A_291 : i32 to index
        %parallel_loop3A_342 = arith.constant 48 : index
        %parallel_loop3A_343 = tpu.vector_load %arg20[%parallel_loop3A_341, %parallel_loop3A_342] {strides = array<i32>} : memref<64x64xf32, #tpu.memory_space<vmem>>, vector<16xf32>,
        %parallel_loop3A_344 = arith.mulf %parallel_loop3A_343, %parallel_loop3A_340 : vector<16xf32>
        %parallel_loop3A_345 = arith.index_cast %parallel_loop3A_291 : i32 to index
        %parallel_loop3A_346 = arith.constant 48 : index
        %parallel_loop3A_347 = tpu.vector_load %arg22[%parallel_loop3A_345, %parallel_loop3A_346] {strides = array<i32>} : memref<64x80xf32, #tpu.memory_space<vmem>>, vector<16xf32>,
        tpu.vector_store %arg22[%parallel_loop3A_345, %parallel_loop3A_346], %parallel_loop3A_344 {strides = array<i32>} : memref<64x80xf32, #tpu.memory_space<vmem>>, vector<16xf32>,
      } {sc.loop_unroll_factor = 2 : i64, sc.parallel_access}
      %dma_start3A_217 = arith.constant 0 : i32
      %dma_start3A_218 = arith.constant 0 : i32
      %dma_start3A_219 = tpu.memref_slice %arg8[%dma_start3A_217, %dma_start3A_218] : memref<10016x80xf32, #tpu.memory_space<vmem_shared>> -> memref<10016x80xf32, #tpu.memory_space<vmem_shared>>
      tpu.enqueue_indirect_dma source(%arg22 : memref<64x80xf32, #tpu.memory_space<vmem>>) target(%dma_start3A_219 : memref<10016x80xf32, #tpu.memory_space<vmem_shared>>) offsets(%arg13 : memref<64xi32, #tpu.memory_space<vmem>>) semaphore(%arg30 : memref<!tpu.dma_semaphore, #tpu.memory_space<semaphore_mem>>) {add = true}
      %mul3A_220 = arith.constant 2 : i32
      %mul3A_221 = arith.muli %mul3A_220, %scan3A_152 : i32
      %add3A_222 = arith.constant 1 : i32
      %add3A_223 = arith.addi %mul3A_221, %add3A_222 : i32
      %dma_wait3A_224 = arith.constant 0 : i32
      %dma_wait3A_225 = arith.constant 0 : i32
      %dma_wait3A_226 = tpu.memref_slice %arg4[%dma_wait3A_224, %dma_wait3A_225] : memref<10000x16xf32, #tpu.memory_space<hbm>> -> memref<10000x16xf32, #tpu.memory_space<hbm>>
      tpu.wait_indirect_dma semaphore(%arg27 : memref<!tpu.dma_semaphore, #tpu.memory_space<semaphore_mem>>) src(%dma_wait3A_226 : memref<10000x16xf32, #tpu.memory_space<hbm>>) dst(%arg17 : memref<64x16xf32, #tpu.memory_space<vmem>>)
      %dma_wait3A_227 = arith.constant 0 : i32
      %dma_wait3A_228 = arith.constant 0 : i32
      %dma_wait3A_229 = tpu.memref_slice %arg4[%dma_wait3A_227, %dma_wait3A_228] : memref<10000x16xf32, #tpu.memory_space<hbm>> -> memref<10000x16xf32, #tpu.memory_space<hbm>>
      tpu.wait_indirect_dma semaphore(%arg27 : memref<!tpu.dma_semaphore, #tpu.memory_space<semaphore_mem>>) src(%dma_wait3A_229 : memref<10000x16xf32, #tpu.memory_space<hbm>>) dst(%arg19 : memref<64x16xf32, #tpu.memory_space<vmem>>)
      %dma_wait3A_230 = arith.constant 0 : i32
      %dma_wait3A_231 = arith.constant 0 : i32
      %dma_wait3A_232 = tpu.memref_slice %arg5[%dma_wait3A_230, %dma_wait3A_231] : memref<10000x64xf32, #tpu.memory_space<hbm>> -> memref<10000x64xf32, #tpu.memory_space<hbm>>
      tpu.wait_indirect_dma semaphore(%arg27 : memref<!tpu.dma_semaphore, #tpu.memory_space<semaphore_mem>>) src(%dma_wait3A_232 : memref<10000x64xf32, #tpu.memory_space<hbm>>) dst(%arg21 : memref<64x64xf32, #tpu.memory_space<vmem>>)
      %dma_wait3A_233 = arith.constant 0 : i32
      %dma_wait3A_234 = arith.constant 0 : i32
      %dma_wait3A_235 = tpu.memref_slice %arg8[%dma_wait3A_233, %dma_wait3A_234] : memref<10016x80xf32, #tpu.memory_space<vmem_shared>> -> memref<10016x80xf32, #tpu.memory_space<vmem_shared>>
      tpu.wait_indirect_dma semaphore(%arg31 : memref<!tpu.dma_semaphore, #tpu.memory_space<semaphore_mem>>) src(%arg23 : memref<64x80xf32, #tpu.memory_space<vmem>>) dst(%dma_wait3A_235 : memref<10016x80xf32, #tpu.memory_space<vmem_shared>>)
      %get3A_236 = arith.constant 0 : index
      %get3A_237 = tpu.vector_load %arg12[%get3A_236] {strides = array<i32>} : memref<64xi32, #tpu.memory_space<vmem>>, vector<16xi32>,
      %swap3A_238 = arith.constant 0 : index
      %swap3A_239 = tpu.vector_load %arg14[%swap3A_238] {strides = array<i32>} : memref<64xi32, #tpu.memory_space<vmem>>, vector<16xi32>,
      tpu.vector_store %arg14[%swap3A_238], %get3A_237 {strides = array<i32>} : memref<64xi32, #tpu.memory_space<vmem>>, vector<16xi32>,
      %get3A_240 = arith.constant 16 : index
      %get3A_241 = tpu.vector_load %arg12[%get3A_240] {strides = array<i32>} : memref<64xi32, #tpu.memory_space<vmem>>, vector<16xi32>,
      %swap3A_242 = arith.constant 16 : index
      %swap3A_243 = tpu.vector_load %arg14[%swap3A_242] {strides = array<i32>} : memref<64xi32, #tpu.memory_space<vmem>>, vector<16xi32>,
      tpu.vector_store %arg14[%swap3A_242], %get3A_241 {strides = array<i32>} : memref<64xi32, #tpu.memory_space<vmem>>, vector<16xi32>,
      %get3A_244 = arith.constant 32 : index
      %get3A_245 = tpu.vector_load %arg12[%get3A_244] {strides = array<i32>} : memref<64xi32, #tpu.memory_space<vmem>>, vector<16xi32>,
      %swap3A_246 = arith.constant 32 : index
      %swap3A_247 = tpu.vector_load %arg14[%swap3A_246] {strides = array<i32>} : memref<64xi32, #tpu.memory_space<vmem>>, vector<16xi32>,
      tpu.vector_store %arg14[%swap3A_246], %get3A_245 {strides = array<i32>} : memref<64xi32, #tpu.memory_space<vmem>>, vector<16xi32>,
      %get3A_248 = arith.constant 48 : index
      %get3A_249 = tpu.vector_load %arg12[%get3A_248] {strides = array<i32>} : memref<64xi32, #tpu.memory_space<vmem>>, vector<16xi32>,
      %swap3A_250 = arith.constant 48 : index
      %swap3A_251 = tpu.vector_load %arg14[%swap3A_250] {strides = array<i32>} : memref<64xi32, #tpu.memory_space<vmem>>, vector<16xi32>,
      tpu.vector_store %arg14[%swap3A_250], %get3A_249 {strides = array<i32>} : memref<64xi32, #tpu.memory_space<vmem>>, vector<16xi32>,
      %dma_wait3A_252 = arith.constant 0 : i32
      %dma_wait3A_253 = tpu.memref_slice %arg2[%dma_wait3A_252] : memref<331776xi32, #tpu.memory_space<hbm>> -> memref<64xi32, #tpu.memory_space<hbm>>
      %dma_wait3A_254 = arith.constant 0 : i32
      %dma_wait3A_255 = tpu.memref_slice %arg2[%dma_wait3A_254] : memref<331776xi32, #tpu.memory_space<hbm>> -> memref<64xi32, #tpu.memory_space<hbm>>
      tpu.wait_dma2 semaphore(%arg28 : memref<!tpu.dma_semaphore, #tpu.memory_space<semaphore_mem>>) src(%dma_wait3A_255 : memref<64xi32, #tpu.memory_space<hbm>>) dst(%arg9 : memref<64xi32, #tpu.memory_space<vmem>>)
      %dma_wait3A_256 = arith.constant 0 : i32
      %dma_wait3A_257 = tpu.memref_slice %arg3[%dma_wait3A_256] : memref<331776xi32, #tpu.memory_space<hbm>> -> memref<64xi32, #tpu.memory_space<hbm>>
      %dma_wait3A_258 = arith.constant 0 : i32
      %dma_wait3A_259 = tpu.memref_slice %arg3[%dma_wait3A_258] : memref<331776xi32, #tpu.memory_space<hbm>> -> memref<64xi32, #tpu.memory_space<hbm>>
      tpu.wait_dma2 semaphore(%arg28 : memref<!tpu.dma_semaphore, #tpu.memory_space<semaphore_mem>>) src(%dma_wait3A_259 : memref<64xi32, #tpu.memory_space<hbm>>) dst(%arg11 : memref<64xi32, #tpu.memory_space<vmem>>)
      %dma_start3A_260 = arith.constant 0 : i32
      %dma_start3A_261 = arith.constant 0 : i32
      %dma_start3A_262 = tpu.memref_slice %arg4[%dma_start3A_260, %dma_start3A_261] : memref<10000x16xf32, #tpu.memory_space<hbm>> -> memref<10000x16xf32, #tpu.memory_space<hbm>>
      tpu.enqueue_indirect_dma source(%dma_start3A_262 : memref<10000x16xf32, #tpu.memory_space<hbm>>) target(%arg16 : memref<64x16xf32, #tpu.memory_space<vmem>>) offsets(%arg9 : memref<64xi32, #tpu.memory_space<vmem>>) semaphore(%arg26 : memref<!tpu.dma_semaphore, #tpu.memory_space<semaphore_mem>>)
      %dma_start3A_263 = arith.constant 0 : i32
      %dma_start3A_264 = arith.constant 0 : i32
      %dma_start3A_265 = tpu.memref_slice %arg4[%dma_start3A_263, %dma_start3A_264] : memref<10000x16xf32, #tpu.memory_space<hbm>> -> memref<10000x16xf32, #tpu.memory_space<hbm>>
      tpu.enqueue_indirect_dma source(%dma_start3A_265 : memref<10000x16xf32, #tpu.memory_space<hbm>>) target(%arg18 : memref<64x16xf32, #tpu.memory_space<vmem>>) offsets(%arg11 : memref<64xi32, #tpu.memory_space<vmem>>) semaphore(%arg26 : memref<!tpu.dma_semaphore, #tpu.memory_space<semaphore_mem>>)
      %dma_start3A_266 = arith.constant 0 : i32
      %dma_start3A_267 = arith.constant 0 : i32
      %dma_start3A_268 = tpu.memref_slice %arg5[%dma_start3A_266, %dma_start3A_267] : memref<10000x64xf32, #tpu.memory_space<hbm>> -> memref<10000x64xf32, #tpu.memory_space<hbm>>
      tpu.enqueue_indirect_dma source(%dma_start3A_268 : memref<10000x64xf32, #tpu.memory_space<hbm>>) target(%arg20 : memref<64x64xf32, #tpu.memory_space<vmem>>) offsets(%arg9 : memref<64xi32, #tpu.memory_space<vmem>>) semaphore(%arg26 : memref<!tpu.dma_semaphore, #tpu.memory_space<semaphore_mem>>)
      %add3A_269 = arith.constant 2 : i32
      %add3A_270 = arith.addi %add3A_223, %add3A_269 : i32
      %min3A_271 = arith.constant 161 : i32
      %min3A_272 = arith.minsi %add3A_270, %min3A_271 : i32
      %mul3A_273 = arith.constant 64 : i32
      %mul3A_274 = arith.muli %min3A_272, %mul3A_273 : i32
      %add3A_275 = arith.addi %mul3A_2, %mul3A_274 : i32
      %dma_start3A_276 = tpu.memref_slice %arg2[%add3A_275] : memref<331776xi32, #tpu.memory_space<hbm>> -> memref<64xi32, #tpu.memory_space<hbm>>
      %dma_start3A_277 = tpu.memref_slice %arg2[%add3A_275] : memref<331776xi32, #tpu.memory_space<hbm>> -> memref<64xi32, #tpu.memory_space<hbm>>
      tpu.enqueue_dma source(%dma_start3A_277 : memref<64xi32, #tpu.memory_space<hbm>>) target(%arg10 : memref<64xi32, #tpu.memory_space<vmem>>) target_semaphore(%arg29 : memref<!tpu.dma_semaphore, #tpu.memory_space<semaphore_mem>>)
      %dma_start3A_278 = tpu.memref_slice %arg3[%add3A_275] : memref<331776xi32, #tpu.memory_space<hbm>> -> memref<64xi32, #tpu.memory_space<hbm>>
      %dma_start3A_279 = tpu.memref_slice %arg3[%add3A_275] : memref<331776xi32, #tpu.memory_space<hbm>> -> memref<64xi32, #tpu.memory_space<hbm>>
      tpu.enqueue_dma source(%dma_start3A_279 : memref<64xi32, #tpu.memory_space<hbm>>) target(%arg12 : memref<64xi32, #tpu.memory_space<vmem>>) target_semaphore(%arg29 : memref<!tpu.dma_semaphore, #tpu.memory_space<semaphore_mem>>)
      %get3A_280 = arith.constant 0 : index
      %get3A_281 = tpu.vector_load %arg25[%get3A_280] {strides = array<i32>} : memref<16xf32, #tpu.memory_space<vmem>>, vector<16xf32>,
      %parallel_loop3A_282 = arith.constant 0 : i32
      %parallel_loop3A_283 = arith.constant 32 : i32
      %parallel_loop3A_284 = arith.constant 1 : i32
      scf.for %parallel_loop3A_291 = %parallel_loop3A_282 to %parallel_loop3A_283 step %parallel_loop3A_284  : i32 {
        %parallel_loop3A_292 = arith.constant 2 : i32
        %parallel_loop3A_293 = arith.muli %parallel_loop3A_292, %parallel_loop3A_291 : i32
        %parallel_loop3A_294 = vector.broadcast %parallel_loop3A_293 : i32 to vector<16xi32>
        %parallel_loop3A_295 = arith.addi %parallel_loop3A_294, %select_n3A : vector<16xi32>
        %parallel_loop3A_296 = tpu.vector_load_idx %arg17[%parallel_loop3A_295, %sub3A_29] : memref<64x16xf32, #tpu.memory_space<vmem>>[vector<16xi32>, vector<16xi32>], vector<16xf32>,
        %parallel_loop3A_297 = arith.constant 8 : i32
        %parallel_loop3A_298 = vector.broadcast %parallel_loop3A_297 : i32 to vector<16xi32>
        %parallel_loop3A_299 = arith.addi %sub3A_29, %parallel_loop3A_298 : vector<16xi32>
        %parallel_loop3A_300 = tpu.vector_load_idx %arg19[%parallel_loop3A_295, %parallel_loop3A_299] : memref<64x16xf32, #tpu.memory_space<vmem>>[vector<16xi32>, vector<16xi32>], vector<16xf32>,
        %parallel_loop3A_301 = arith.addf %parallel_loop3A_296, %parallel_loop3A_300 : vector<16xf32>
        %parallel_loop3A_302 = arith.constant 0.000000e+00 : f32
        %parallel_loop3A_303 = vector.broadcast %parallel_loop3A_302 : f32 to vector<16xf32>
        %parallel_loop3A_304 = arith.cmpf oge, %parallel_loop3A_301, %parallel_loop3A_303 : vector<16xf32>
        %parallel_loop3A_305 = arith.constant 2.000000e-01 : f32
        %parallel_loop3A_306 = vector.broadcast %parallel_loop3A_305 : f32 to vector<16xf32>
        %parallel_loop3A_307 = arith.mulf %parallel_loop3A_306, %parallel_loop3A_301 : vector<16xf32>
        %parallel_loop3A_308 = arith.select %parallel_loop3A_304, %parallel_loop3A_301, %parallel_loop3A_307 : vector<16xi1>, vector<16xf32>
        %parallel_loop3A_309 = arith.subf %parallel_loop3A_308, %get3A_281 : vector<16xf32>
        %parallel_loop3A_310 = math.exp %parallel_loop3A_309 : vector<16xf32>
        %parallel_loop3A_311 = arith.constant 16 : i32
        %parallel_loop3A_312 = arith.muli %parallel_loop3A_291, %parallel_loop3A_311 : i32
        %parallel_loop3A_313 = arith.index_cast %parallel_loop3A_312 : i32 to index
        %parallel_loop3A_314 = tpu.vector_load %arg24[%parallel_loop3A_313] {strides = array<i32>} : memref<512xf32, #tpu.memory_space<vmem>>, vector<16xf32>,
        tpu.vector_store %arg24[%parallel_loop3A_313], %parallel_loop3A_310 {strides = array<i32>} : memref<512xf32, #tpu.memory_space<vmem>>, vector<16xf32>,
        %parallel_loop3A_315 = arith.constant 64 : i32
        %parallel_loop3A_316 = vector.broadcast %parallel_loop3A_315 : i32 to vector<16xi32>
        %parallel_loop3A_317 = arith.addi %sub3A_29, %parallel_loop3A_316 : vector<16xi32>
        tpu.vector_store_idx %arg23[%parallel_loop3A_295, %parallel_loop3A_317], %parallel_loop3A_310 : memref<64x80xf32, #tpu.memory_space<vmem>>[vector<16xi32>, vector<16xi32>], vector<16xf32>,
        %parallel_loop3A_318 = arith.constant 64 : i32
        %parallel_loop3A_319 = vector.broadcast %parallel_loop3A_318 : i32 to vector<16xi32>
        %parallel_loop3A_320 = arith.addi %sub3A_29, %parallel_loop3A_319 : vector<16xi32>
        %parallel_loop3A_321 = arith.constant 8 : i32
        %parallel_loop3A_322 = vector.broadcast %parallel_loop3A_321 : i32 to vector<16xi32>
        %parallel_loop3A_323 = arith.addi %parallel_loop3A_320, %parallel_loop3A_322 : vector<16xi32>
        tpu.vector_store_idx %arg23[%parallel_loop3A_295, %parallel_loop3A_323], %parallel_loop3A_310 : memref<64x80xf32, #tpu.memory_space<vmem>>[vector<16xi32>, vector<16xi32>], vector<16xf32>,
      } {sc.loop_unroll_factor = 4 : i64, sc.parallel_access}
      %parallel_loop3A_285 = arith.constant 0 : i32
      %parallel_loop3A_286 = arith.constant 64 : i32
      %parallel_loop3A_287 = arith.constant 1 : i32
      scf.for %parallel_loop3A_291 = %parallel_loop3A_285 to %parallel_loop3A_286 step %parallel_loop3A_287  : i32 {
        %parallel_loop3A_292 = arith.constant 8 : i32
        %parallel_loop3A_293 = arith.muli %parallel_loop3A_292, %parallel_loop3A_291 : i32
        %parallel_loop3A_294 = arith.constant 0 : i32
        %parallel_loop3A_295 = arith.addi %parallel_loop3A_293, %parallel_loop3A_294 : i32
        %parallel_loop3A_296 = vector.broadcast %parallel_loop3A_295 : i32 to vector<16xi32>
        %parallel_loop3A_297 = arith.addi %parallel_loop3A_296, %select_n3A : vector<16xi32>
        %parallel_loop3A_298 = tpu.vector_load_idx %arg24[%parallel_loop3A_297] : memref<512xf32, #tpu.memory_space<vmem>>[vector<16xi32>], vector<16xf32>,
        %parallel_loop3A_299 = arith.index_cast %parallel_loop3A_291 : i32 to index
        %parallel_loop3A_300 = arith.constant 0 : index
        %parallel_loop3A_301 = tpu.vector_load %arg21[%parallel_loop3A_299, %parallel_loop3A_300] {strides = array<i32>} : memref<64x64xf32, #tpu.memory_space<vmem>>, vector<16xf32>,
        %parallel_loop3A_302 = arith.mulf %parallel_loop3A_301, %parallel_loop3A_298 : vector<16xf32>
        %parallel_loop3A_303 = arith.index_cast %parallel_loop3A_291 : i32 to index
        %parallel_loop3A_304 = arith.constant 0 : index
        %parallel_loop3A_305 = tpu.vector_load %arg23[%parallel_loop3A_303, %parallel_loop3A_304] {strides = array<i32>} : memref<64x80xf32, #tpu.memory_space<vmem>>, vector<16xf32>,
        tpu.vector_store %arg23[%parallel_loop3A_303, %parallel_loop3A_304], %parallel_loop3A_302 {strides = array<i32>} : memref<64x80xf32, #tpu.memory_space<vmem>>, vector<16xf32>,
        %parallel_loop3A_306 = arith.constant 8 : i32
        %parallel_loop3A_307 = arith.muli %parallel_loop3A_306, %parallel_loop3A_291 : i32
        %parallel_loop3A_308 = arith.constant 2 : i32
        %parallel_loop3A_309 = arith.addi %parallel_loop3A_307, %parallel_loop3A_308 : i32
        %parallel_loop3A_310 = vector.broadcast %parallel_loop3A_309 : i32 to vector<16xi32>
        %parallel_loop3A_311 = arith.addi %parallel_loop3A_310, %select_n3A : vector<16xi32>
        %parallel_loop3A_312 = tpu.vector_load_idx %arg24[%parallel_loop3A_311] : memref<512xf32, #tpu.memory_space<vmem>>[vector<16xi32>], vector<16xf32>,
        %parallel_loop3A_313 = arith.index_cast %parallel_loop3A_291 : i32 to index
        %parallel_loop3A_314 = arith.constant 16 : index
        %parallel_loop3A_315 = tpu.vector_load %arg21[%parallel_loop3A_313, %parallel_loop3A_314] {strides = array<i32>} : memref<64x64xf32, #tpu.memory_space<vmem>>, vector<16xf32>,
        %parallel_loop3A_316 = arith.mulf %parallel_loop3A_315, %parallel_loop3A_312 : vector<16xf32>
        %parallel_loop3A_317 = arith.index_cast %parallel_loop3A_291 : i32 to index
        %parallel_loop3A_318 = arith.constant 16 : index
        %parallel_loop3A_319 = tpu.vector_load %arg23[%parallel_loop3A_317, %parallel_loop3A_318] {strides = array<i32>} : memref<64x80xf32, #tpu.memory_space<vmem>>, vector<16xf32>,
        tpu.vector_store %arg23[%parallel_loop3A_317, %parallel_loop3A_318], %parallel_loop3A_316 {strides = array<i32>} : memref<64x80xf32, #tpu.memory_space<vmem>>, vector<16xf32>,
        %parallel_loop3A_320 = arith.constant 8 : i32
        %parallel_loop3A_321 = arith.muli %parallel_loop3A_320, %parallel_loop3A_291 : i32
        %parallel_loop3A_322 = arith.constant 4 : i32
        %parallel_loop3A_323 = arith.addi %parallel_loop3A_321, %parallel_loop3A_322 : i32
        %parallel_loop3A_324 = vector.broadcast %parallel_loop3A_323 : i32 to vector<16xi32>
        %parallel_loop3A_325 = arith.addi %parallel_loop3A_324, %select_n3A : vector<16xi32>
        %parallel_loop3A_326 = tpu.vector_load_idx %arg24[%parallel_loop3A_325] : memref<512xf32, #tpu.memory_space<vmem>>[vector<16xi32>], vector<16xf32>,
        %parallel_loop3A_327 = arith.index_cast %parallel_loop3A_291 : i32 to index
        %parallel_loop3A_328 = arith.constant 32 : index
        %parallel_loop3A_329 = tpu.vector_load %arg21[%parallel_loop3A_327, %parallel_loop3A_328] {strides = array<i32>} : memref<64x64xf32, #tpu.memory_space<vmem>>, vector<16xf32>,
        %parallel_loop3A_330 = arith.mulf %parallel_loop3A_329, %parallel_loop3A_326 : vector<16xf32>
        %parallel_loop3A_331 = arith.index_cast %parallel_loop3A_291 : i32 to index
        %parallel_loop3A_332 = arith.constant 32 : index
        %parallel_loop3A_333 = tpu.vector_load %arg23[%parallel_loop3A_331, %parallel_loop3A_332] {strides = array<i32>} : memref<64x80xf32, #tpu.memory_space<vmem>>, vector<16xf32>,
        tpu.vector_store %arg23[%parallel_loop3A_331, %parallel_loop3A_332], %parallel_loop3A_330 {strides = array<i32>} : memref<64x80xf32, #tpu.memory_space<vmem>>, vector<16xf32>,
        %parallel_loop3A_334 = arith.constant 8 : i32
        %parallel_loop3A_335 = arith.muli %parallel_loop3A_334, %parallel_loop3A_291 : i32
        %parallel_loop3A_336 = arith.constant 6 : i32
        %parallel_loop3A_337 = arith.addi %parallel_loop3A_335, %parallel_loop3A_336 : i32
        %parallel_loop3A_338 = vector.broadcast %parallel_loop3A_337 : i32 to vector<16xi32>
        %parallel_loop3A_339 = arith.addi %parallel_loop3A_338, %select_n3A : vector<16xi32>
        %parallel_loop3A_340 = tpu.vector_load_idx %arg24[%parallel_loop3A_339] : memref<512xf32, #tpu.memory_space<vmem>>[vector<16xi32>], vector<16xf32>,
        %parallel_loop3A_341 = arith.index_cast %parallel_loop3A_291 : i32 to index
        %parallel_loop3A_342 = arith.constant 48 : index
        %parallel_loop3A_343 = tpu.vector_load %arg21[%parallel_loop3A_341, %parallel_loop3A_342] {strides = array<i32>} : memref<64x64xf32, #tpu.memory_space<vmem>>, vector<16xf32>,
        %parallel_loop3A_344 = arith.mulf %parallel_loop3A_343, %parallel_loop3A_340 : vector<16xf32>
        %parallel_loop3A_345 = arith.index_cast %parallel_loop3A_291 : i32 to index
        %parallel_loop3A_346 = arith.constant 48 : index
        %parallel_loop3A_347 = tpu.vector_load %arg23[%parallel_loop3A_345, %parallel_loop3A_346] {strides = array<i32>} : memref<64x80xf32, #tpu.memory_space<vmem>>, vector<16xf32>,
        tpu.vector_store %arg23[%parallel_loop3A_345, %parallel_loop3A_346], %parallel_loop3A_344 {strides = array<i32>} : memref<64x80xf32, #tpu.memory_space<vmem>>, vector<16xf32>,
      } {sc.loop_unroll_factor = 2 : i64, sc.parallel_access}
      %dma_start3A_288 = arith.constant 0 : i32
      %dma_start3A_289 = arith.constant 0 : i32
      %dma_start3A_290 = tpu.memref_slice %arg8[%dma_start3A_288, %dma_start3A_289] : memref<10016x80xf32, #tpu.memory_space<vmem_shared>> -> memref<10016x80xf32, #tpu.memory_space<vmem_shared>>
      tpu.enqueue_indirect_dma source(%arg23 : memref<64x80xf32, #tpu.memory_space<vmem>>) target(%dma_start3A_290 : memref<10016x80xf32, #tpu.memory_space<vmem_shared>>) offsets(%arg14 : memref<64xi32, #tpu.memory_space<vmem>>) semaphore(%arg31 : memref<!tpu.dma_semaphore, #tpu.memory_space<semaphore_mem>>) {add = true}
    }
    %scan3A_119 = arith.constant 81 : i32
    %dma_wait3A_120 = arith.constant 0 : i32
    %dma_wait3A_121 = arith.constant 0 : i32
    %dma_wait3A_122 = tpu.memref_slice %arg4[%dma_wait3A_120, %dma_wait3A_121] : memref<10000x16xf32, #tpu.memory_space<hbm>> -> memref<10000x16xf32, #tpu.memory_space<hbm>>
    tpu.wait_indirect_dma semaphore(%arg26 : memref<!tpu.dma_semaphore, #tpu.memory_space<semaphore_mem>>) src(%dma_wait3A_122 : memref<10000x16xf32, #tpu.memory_space<hbm>>) dst(%arg16 : memref<64x16xf32, #tpu.memory_space<vmem>>)
    %dma_wait3A_123 = arith.constant 0 : i32
    %dma_wait3A_124 = arith.constant 0 : i32
    %dma_wait3A_125 = tpu.memref_slice %arg4[%dma_wait3A_123, %dma_wait3A_124] : memref<10000x16xf32, #tpu.memory_space<hbm>> -> memref<10000x16xf32, #tpu.memory_space<hbm>>
    tpu.wait_indirect_dma semaphore(%arg26 : memref<!tpu.dma_semaphore, #tpu.memory_space<semaphore_mem>>) src(%dma_wait3A_125 : memref<10000x16xf32, #tpu.memory_space<hbm>>) dst(%arg18 : memref<64x16xf32, #tpu.memory_space<vmem>>)
    %dma_wait3A_126 = arith.constant 0 : i32
    %dma_wait3A_127 = arith.constant 0 : i32
    %dma_wait3A_128 = tpu.memref_slice %arg5[%dma_wait3A_126, %dma_wait3A_127] : memref<10000x64xf32, #tpu.memory_space<hbm>> -> memref<10000x64xf32, #tpu.memory_space<hbm>>
    tpu.wait_indirect_dma semaphore(%arg26 : memref<!tpu.dma_semaphore, #tpu.memory_space<semaphore_mem>>) src(%dma_wait3A_128 : memref<10000x64xf32, #tpu.memory_space<hbm>>) dst(%arg20 : memref<64x64xf32, #tpu.memory_space<vmem>>)
    %dma_wait3A_129 = arith.constant 0 : i32
    %dma_wait3A_130 = tpu.memref_slice %arg2[%dma_wait3A_129] : memref<331776xi32, #tpu.memory_space<hbm>> -> memref<64xi32, #tpu.memory_space<hbm>>
    %dma_wait3A_131 = arith.constant 0 : i32
    %dma_wait3A_132 = tpu.memref_slice %arg2[%dma_wait3A_131] : memref<331776xi32, #tpu.memory_space<hbm>> -> memref<64xi32, #tpu.memory_space<hbm>>
    tpu.wait_dma2 semaphore(%arg29 : memref<!tpu.dma_semaphore, #tpu.memory_space<semaphore_mem>>) src(%dma_wait3A_132 : memref<64xi32, #tpu.memory_space<hbm>>) dst(%arg10 : memref<64xi32, #tpu.memory_space<vmem>>)
    %dma_wait3A_133 = arith.constant 0 : i32
    %dma_wait3A_134 = tpu.memref_slice %arg3[%dma_wait3A_133] : memref<331776xi32, #tpu.memory_space<hbm>> -> memref<64xi32, #tpu.memory_space<hbm>>
    %dma_wait3A_135 = arith.constant 0 : i32
    %dma_wait3A_136 = tpu.memref_slice %arg3[%dma_wait3A_135] : memref<331776xi32, #tpu.memory_space<hbm>> -> memref<64xi32, #tpu.memory_space<hbm>>
    tpu.wait_dma2 semaphore(%arg29 : memref<!tpu.dma_semaphore, #tpu.memory_space<semaphore_mem>>) src(%dma_wait3A_136 : memref<64xi32, #tpu.memory_space<hbm>>) dst(%arg12 : memref<64xi32, #tpu.memory_space<vmem>>)
    %dma_wait3A_137 = arith.constant 0 : i32
    %dma_wait3A_138 = arith.constant 0 : i32
    %dma_wait3A_139 = tpu.memref_slice %arg8[%dma_wait3A_137, %dma_wait3A_138] : memref<10016x80xf32, #tpu.memory_space<vmem_shared>> -> memref<10016x80xf32, #tpu.memory_space<vmem_shared>>
    tpu.wait_indirect_dma semaphore(%arg30 : memref<!tpu.dma_semaphore, #tpu.memory_space<semaphore_mem>>) src(%arg22 : memref<64x80xf32, #tpu.memory_space<vmem>>) dst(%dma_wait3A_139 : memref<10016x80xf32, #tpu.memory_space<vmem_shared>>)
    %dma_wait3A_140 = arith.constant 0 : i32
    %dma_wait3A_141 = arith.constant 0 : i32
    %dma_wait3A_142 = tpu.memref_slice %arg8[%dma_wait3A_140, %dma_wait3A_141] : memref<10016x80xf32, #tpu.memory_space<vmem_shared>> -> memref<10016x80xf32, #tpu.memory_space<vmem_shared>>
    tpu.wait_indirect_dma semaphore(%arg31 : memref<!tpu.dma_semaphore, #tpu.memory_space<semaphore_mem>>) src(%arg23 : memref<64x80xf32, #tpu.memory_space<vmem>>) dst(%dma_wait3A_142 : memref<10016x80xf32, #tpu.memory_space<vmem_shared>>)
    %barrier3A_143 = arith.constant 0 : index
    tpu.barrier barrier_id(%barrier3A_143)
    %mul3A_144 = arith.constant 626 : i32
    %mul3A_145 = arith.muli %arg1, %mul3A_144 : i32
    %add3A_146 = arith.constant 0 : i32
    %add3A_147 = arith.addi %mul3A_145, %add3A_146 : i32
    "tpu.region"() ({
      %run_scoped3A = tpu.sem_alloc : memref<!tpu.dma_semaphore, #tpu.memory_space<semaphore_mem>>
      %dma_start3A_152 = arith.constant 0 : i32
      %dma_start3A_153 = tpu.memref_slice %arg7[%arg0, %add3A_147, %dma_start3A_152] : memref<2x10016x80xf32, #tpu.memory_space<hbm>> -> memref<1x313x80xf32, #tpu.memory_space<hbm>>
      %dma_start3A_154 = tpu.memref_squeeze %dma_start3A_153 : memref<1x313x80xf32, #tpu.memory_space<hbm>> -> memref<313x80xf32, #tpu.memory_space<hbm>>
      %dma_start3A_155 = arith.constant 0 : i32
      %dma_start3A_156 = tpu.memref_slice %arg8[%add3A_147, %dma_start3A_155] : memref<10016x80xf32, #tpu.memory_space<vmem_shared>> -> memref<313x80xf32, #tpu.memory_space<vmem_shared>>
      tpu.enqueue_dma source(%dma_start3A_156 : memref<313x80xf32, #tpu.memory_space<vmem_shared>>) target(%dma_start3A_154 : memref<313x80xf32, #tpu.memory_space<hbm>>) target_semaphore(%run_scoped3A : memref<!tpu.dma_semaphore, #tpu.memory_space<semaphore_mem>>)
      %dma_wait3A_157 = arith.constant 0 : i32
      %dma_wait3A_158 = tpu.memref_slice %arg7[%arg0, %add3A_147, %dma_wait3A_157] : memref<2x10016x80xf32, #tpu.memory_space<hbm>> -> memref<1x313x80xf32, #tpu.memory_space<hbm>>
      %dma_wait3A_159 = tpu.memref_squeeze %dma_wait3A_158 : memref<1x313x80xf32, #tpu.memory_space<hbm>> -> memref<313x80xf32, #tpu.memory_space<hbm>>
      %dma_wait3A_160 = arith.constant 0 : i32
      %dma_wait3A_161 = tpu.memref_slice %arg8[%add3A_147, %dma_wait3A_160] : memref<10016x80xf32, #tpu.memory_space<vmem_shared>> -> memref<313x80xf32, #tpu.memory_space<vmem_shared>>
      tpu.wait_dma2 semaphore(%run_scoped3A : memref<!tpu.dma_semaphore, #tpu.memory_space<semaphore_mem>>) src(%dma_wait3A_161 : memref<313x80xf32, #tpu.memory_space<vmem_shared>>) dst(%dma_wait3A_159 : memref<313x80xf32, #tpu.memory_space<hbm>>)
      tpu.yield
    }) : () -> ()
    %mul3A_148 = arith.constant 626 : i32
    %mul3A_149 = arith.muli %arg1, %mul3A_148 : i32
    %add3A_150 = arith.constant 313 : i32
    %add3A_151 = arith.addi %mul3A_149, %add3A_150 : i32
    "tpu.region"() ({
      %run_scoped3A = tpu.sem_alloc : memref<!tpu.dma_semaphore, #tpu.memory_space<semaphore_mem>>
      %dma_start3A_152 = arith.constant 0 : i32
      %dma_start3A_153 = tpu.memref_slice %arg7[%arg0, %add3A_151, %dma_start3A_152] : memref<2x10016x80xf32, #tpu.memory_space<hbm>> -> memref<1x313x80xf32, #tpu.memory_space<hbm>>
      %dma_start3A_154 = tpu.memref_squeeze %dma_start3A_153 : memref<1x313x80xf32, #tpu.memory_space<hbm>> -> memref<313x80xf32, #tpu.memory_space<hbm>>
      %dma_start3A_155 = arith.constant 0 : i32
      %dma_start3A_156 = tpu.memref_slice %arg8[%add3A_151, %dma_start3A_155] : memref<10016x80xf32, #tpu.memory_space<vmem_shared>> -> memref<313x80xf32, #tpu.memory_space<vmem_shared>>
      tpu.enqueue_dma source(%dma_start3A_156 : memref<313x80xf32, #tpu.memory_space<vmem_shared>>) target(%dma_start3A_154 : memref<313x80xf32, #tpu.memory_space<hbm>>) target_semaphore(%run_scoped3A : memref<!tpu.dma_semaphore, #tpu.memory_space<semaphore_mem>>)
      %dma_wait3A_157 = arith.constant 0 : i32
      %dma_wait3A_158 = tpu.memref_slice %arg7[%arg0, %add3A_151, %dma_wait3A_157] : memref<2x10016x80xf32, #tpu.memory_space<hbm>> -> memref<1x313x80xf32, #tpu.memory_space<hbm>>
      %dma_wait3A_159 = tpu.memref_squeeze %dma_wait3A_158 : memref<1x313x80xf32, #tpu.memory_space<hbm>> -> memref<313x80xf32, #tpu.memory_space<hbm>>
      %dma_wait3A_160 = arith.constant 0 : i32
      %dma_wait3A_161 = tpu.memref_slice %arg8[%add3A_151, %dma_wait3A_160] : memref<10016x80xf32, #tpu.memory_space<vmem_shared>> -> memref<313x80xf32, #tpu.memory_space<vmem_shared>>
      tpu.wait_dma2 semaphore(%run_scoped3A : memref<!tpu.dma_semaphore, #tpu.memory_space<semaphore_mem>>) src(%dma_wait3A_161 : memref<313x80xf32, #tpu.memory_space<vmem_shared>>) dst(%dma_wait3A_159 : memref<313x80xf32, #tpu.memory_space<hbm>>)
      tpu.yield
    }) : () -> ()
    return
  }
}

module attributes {stable_mosaic.version = 14 : i64} {
  func.func @_tc_embed(%arg0: i32, %arg1: memref<1000x128xf32, #tpu.memory_space<vmem>>, %arg2: memref<128x128xf32, #tpu.memory_space<vmem>>, %arg3: memref<128x16xf32, #tpu.memory_space<vmem>>, %arg4: memref<1000x128xf32, #tpu.memory_space<vmem>>, %arg5: memref<1000x16xf32, #tpu.memory_space<vmem>>, %arg6: memref<1x16xf32, #tpu.memory_space<vmem>>) attributes {dimension_semantics = [#tpu.dimension_semantics<arbitrary>], iteration_bounds = array<i64: 10>, scalar_prefetch = 0 : i64, scratch_operands = 0 : i64, tpu.core_type = #tpu.core_type<tc>, window_params = [{transform_indices = @transform_0, window_bounds = array<i64: 1000, 128>}, {pipeline_mode = #tpu.pipeline_mode<synchronous>, transform_indices = @transform_1, window_bounds = array<i64: 128, 128>}, {pipeline_mode = #tpu.pipeline_mode<synchronous>, transform_indices = @transform_2, window_bounds = array<i64: 128, 16>}, {transform_indices = @transform_3, window_bounds = array<i64: 1000, 128>}, {transform_indices = @transform_4, window_bounds = array<i64: 1000, 16>}, {pipeline_mode = #tpu.pipeline_mode<synchronous>, transform_indices = @transform_5, window_bounds = array<i64: 1, 16>}]} {
    %get3A = arith.constant 0 : index
    %get3A_0 = arith.constant 0 : index
    %get3A_1 = vector.load %arg1[%get3A, %get3A_0] : memref<1000x128xf32, #tpu.memory_space<vmem>>, vector<1000x128xf32>
    %get3A_2 = arith.constant 0 : index
    %get3A_3 = arith.constant 0 : index
    %get3A_4 = vector.load %arg2[%get3A_2, %get3A_3] : memref<128x128xf32, #tpu.memory_space<vmem>>, vector<128x128xf32>
    %dot_general3A = arith.constant dense<0.000000e+00> : vector<1000x128xf32>
    %dot_general3A_5 = tpu.matmul %get3A_1, %get3A_4, %dot_general3A {dimension_numbers = #tpu.dot_dimension_numbers<[1], [0], [0], [1], [0, 0, 1, 1], [], []>, transpose_lhs_hint = false} : vector<1000x128xf32>, vector<128x128xf32>, vector<1000x128xf32> -> vector<1000x128xf32>
    %get3A_6 = arith.constant 0 : index
    %get3A_7 = arith.constant 0 : index
    %get3A_8 = vector.load %arg3[%get3A_6, %get3A_7] : memref<128x16xf32, #tpu.memory_space<vmem>>, vector<128x16xf32>
    %dot_general3A_9 = arith.constant dense<0.000000e+00> : vector<1000x16xf32>
    %dot_general3A_10 = tpu.matmul %dot_general3A_5, %get3A_8, %dot_general3A_9 {dimension_numbers = #tpu.dot_dimension_numbers<[1], [0], [0], [1], [0, 0, 1, 1], [], []>, transpose_lhs_hint = false} : vector<1000x128xf32>, vector<128x16xf32>, vector<1000x16xf32> -> vector<1000x16xf32>
    %swap3A = arith.constant 0 : index
    %swap3A_11 = arith.constant 0 : index
    %swap3A_12 = vector.load %arg4[%swap3A, %swap3A_11] : memref<1000x128xf32, #tpu.memory_space<vmem>>, vector<1000x128xf32>
    tpu.vector_store %arg4[%swap3A, %swap3A_11], %dot_general3A_5 {strides = array<i32>} : memref<1000x128xf32, #tpu.memory_space<vmem>>, vector<1000x128xf32>,
    %swap3A_13 = arith.constant 0 : index
    %swap3A_14 = arith.constant 0 : index
    %swap3A_15 = vector.load %arg5[%swap3A_13, %swap3A_14] : memref<1000x16xf32, #tpu.memory_space<vmem>>, vector<1000x16xf32>
    tpu.vector_store %arg5[%swap3A_13, %swap3A_14], %dot_general3A_10 {strides = array<i32>} : memref<1000x16xf32, #tpu.memory_space<vmem>>, vector<1000x16xf32>,
    %reduce_max3A = arith.constant dense<0xFF800000> : vector<16xf32>
    %reduce_max3A_16 = vector.multi_reduction <maximumf>, %dot_general3A_10, %reduce_max3A [0] : vector<1000x16xf32> to vector<16xf32>
    %broadcast_in_dim3A = vector.shape_cast %reduce_max3A_16 : vector<16xf32> to vector<1x16xf32>
    %eq3A = arith.constant 0 : i32
    %eq3A_17 = arith.cmpi eq, %arg0, %eq3A : i32
    %convert_element_type3A = arith.extui %eq3A_17 : i1 to i32
    %cond3A = arith.constant 0 : i32
    %cond3A_18 = arith.cmpi ne, %convert_element_type3A, %cond3A : i32
    scf.if %cond3A_18 {
      %swap3A_23 = arith.constant 0 : index
      %swap3A_24 = arith.constant 0 : index
      %swap3A_25 = vector.load %arg6[%swap3A_23, %swap3A_24] : memref<1x16xf32, #tpu.memory_space<vmem>>, vector<1x16xf32>
      tpu.vector_store %arg6[%swap3A_23, %swap3A_24], %broadcast_in_dim3A {strides = array<i32>} : memref<1x16xf32, #tpu.memory_space<vmem>>, vector<1x16xf32>,
    } else {
    }
    %ne3A = arith.constant 0 : i32
    %ne3A_19 = arith.cmpi ne, %arg0, %ne3A : i32
    %convert_element_type3A_20 = arith.extui %ne3A_19 : i1 to i32
    %cond3A_21 = arith.constant 0 : i32
    %cond3A_22 = arith.cmpi ne, %convert_element_type3A_20, %cond3A_21 : i32
    scf.if %cond3A_22 {
      %get3A_23 = arith.constant 0 : index
      %get3A_24 = arith.constant 0 : index
      %get3A_25 = vector.load %arg6[%get3A_23, %get3A_24] : memref<1x16xf32, #tpu.memory_space<vmem>>, vector<1x16xf32>
      %max3A = arith.maximumf %get3A_25, %broadcast_in_dim3A : vector<1x16xf32>
      %swap3A_26 = arith.constant 0 : index
      %swap3A_27 = arith.constant 0 : index
      %swap3A_28 = vector.load %arg6[%swap3A_26, %swap3A_27] : memref<1x16xf32, #tpu.memory_space<vmem>>, vector<1x16xf32>
      tpu.vector_store %arg6[%swap3A_26, %swap3A_27], %max3A {strides = array<i32>} : memref<1x16xf32, #tpu.memory_space<vmem>>, vector<1x16xf32>,
    } else {
    }
    return
  }
  func.func @transform_0(%arg0: i32) -> (i32, i32) {
    %c0_i32 = arith.constant 0 : i32
    %c0_i32_0 = arith.constant 0 : i32
    return %arg0, %c0_i32 : i32, i32
  }
  func.func @transform_1(%arg0: i32) -> (i32, i32) {
    %c0_i32 = arith.constant 0 : i32
    %c0_i32_0 = arith.constant 0 : i32
    %c0_i32_1 = arith.constant 0 : i32
    return %c0_i32, %c0_i32_0 : i32, i32
  }
  func.func @transform_2(%arg0: i32) -> (i32, i32) {
    %c0_i32 = arith.constant 0 : i32
    %c0_i32_0 = arith.constant 0 : i32
    %c0_i32_1 = arith.constant 0 : i32
    return %c0_i32, %c0_i32_0 : i32, i32
  }
  func.func @transform_3(%arg0: i32) -> (i32, i32) {
    %c0_i32 = arith.constant 0 : i32
    %c0_i32_0 = arith.constant 0 : i32
    return %arg0, %c0_i32 : i32, i32
  }
  func.func @transform_4(%arg0: i32) -> (i32, i32) {
    %c0_i32 = arith.constant 0 : i32
    %c0_i32_0 = arith.constant 0 : i32
    return %arg0, %c0_i32 : i32, i32
  }
  func.func @transform_5(%arg0: i32) -> (i32, i32) {
    %c0_i32 = arith.constant 0 : i32
    %c0_i32_0 = arith.constant 0 : i32
    %c0_i32_1 = arith.constant 0 : i32
    return %c0_i32, %c0_i32_0 : i32, i32
  }
}

module attributes {stable_mosaic.version = 14 : i64} {
  func.func @_tc_mid(%arg0: i32, %arg1: memref<1x1000x144xf32, #tpu.memory_space<vmem>>, %arg2: memref<1x1000x144xf32, #tpu.memory_space<vmem>>, %arg3: memref<8x128xf32, #tpu.memory_space<vmem>>, %arg4: memref<1x128xf32, #tpu.memory_space<vmem>>, %arg5: memref<128x64xf32, #tpu.memory_space<vmem>>, %arg6: memref<64x16xf32, #tpu.memory_space<vmem>>, %arg7: memref<1000x64xf32, #tpu.memory_space<vmem>>, %arg8: memref<1000x16xf32, #tpu.memory_space<vmem>>, %arg9: memref<1x16xf32, #tpu.memory_space<vmem>>) attributes {dimension_semantics = [#tpu.dimension_semantics<arbitrary>], iteration_bounds = array<i64: 10>, scalar_prefetch = 0 : i64, scratch_operands = 0 : i64, tpu.core_type = #tpu.core_type<tc>, window_params = [{transform_indices = @transform_0, window_bounds = array<i64: 1, 1000, 144>}, {transform_indices = @transform_1, window_bounds = array<i64: 1, 1000, 144>}, {pipeline_mode = #tpu.pipeline_mode<synchronous>, transform_indices = @transform_2, window_bounds = array<i64: 8, 128>}, {pipeline_mode = #tpu.pipeline_mode<synchronous>, transform_indices = @transform_3, window_bounds = array<i64: 1, 128>}, {pipeline_mode = #tpu.pipeline_mode<synchronous>, transform_indices = @transform_4, window_bounds = array<i64: 128, 64>}, {pipeline_mode = #tpu.pipeline_mode<synchronous>, transform_indices = @transform_5, window_bounds = array<i64: 64, 16>}, {transform_indices = @transform_6, window_bounds = array<i64: 1000, 64>}, {transform_indices = @transform_7, window_bounds = array<i64: 1000, 16>}, {pipeline_mode = #tpu.pipeline_mode<synchronous>, transform_indices = @transform_8, window_bounds = array<i64: 1, 16>}]} {
    %get3A = arith.constant 0 : index
    %get3A_0 = arith.constant 0 : index
    %get3A_1 = arith.constant 0 : index
    %get3A_2 = vector.load %arg1[%get3A, %get3A_0, %get3A_1] : memref<1x1000x144xf32, #tpu.memory_space<vmem>>, vector<1x1000x144xf32>
    %get3A_3 = vector.shape_cast %get3A_2 : vector<1x1000x144xf32> to vector<1000x144xf32>
    %get3A_4 = arith.constant 0 : index
    %get3A_5 = arith.constant 0 : index
    %get3A_6 = arith.constant 0 : index
    %get3A_7 = vector.load %arg2[%get3A_4, %get3A_5, %get3A_6] : memref<1x1000x144xf32, #tpu.memory_space<vmem>>, vector<1x1000x144xf32>
    %get3A_8 = vector.shape_cast %get3A_7 : vector<1x1000x144xf32> to vector<1000x144xf32>
    %add3A = arith.addf %get3A_3, %get3A_8 : vector<1000x144xf32>
    %slice3A = vector.extract_strided_slice %add3A {offsets = [0, 0], sizes = [1000, 128], strides = [1, 1]} : vector<1000x144xf32> to vector<1000x128xf32>
    %slice3A_9 = vector.extract_strided_slice %add3A {offsets = [0, 128], sizes = [1000, 8], strides = [1, 1]} : vector<1000x144xf32> to vector<1000x8xf32>
    %add3A_10 = arith.constant 1.000000e-30 : f32
    %add3A_11 = vector.broadcast %add3A_10 : f32 to vector<1000x8xf32>
    %add3A_12 = arith.addf %slice3A_9, %add3A_11 : vector<1000x8xf32>
    %div3A = arith.constant 1.000000e+00 : f32
    %div3A_13 = vector.broadcast %div3A : f32 to vector<1000x8xf32>
    %div3A_14 = arith.divf %div3A_13, %add3A_12 : vector<1000x8xf32>
    %get3A_15 = arith.constant 0 : index
    %get3A_16 = arith.constant 0 : index
    %get3A_17 = vector.load %arg3[%get3A_15, %get3A_16] : memref<8x128xf32, #tpu.memory_space<vmem>>, vector<8x128xf32>
    %dot_general3A = arith.constant dense<0.000000e+00> : vector<1000x128xf32>
    %dot_general3A_18 = tpu.matmul %div3A_14, %get3A_17, %dot_general3A {dimension_numbers = #tpu.dot_dimension_numbers<[1], [0], [0], [1], [0, 0, 1, 1], [], []>, transpose_lhs_hint = false} : vector<1000x8xf32>, vector<8x128xf32>, vector<1000x128xf32> -> vector<1000x128xf32>
    %mul3A = arith.mulf %slice3A, %dot_general3A_18 : vector<1000x128xf32>
    %get3A_19 = arith.constant 0 : index
    %get3A_20 = arith.constant 0 : index
    %get3A_21 = vector.load %arg4[%get3A_19, %get3A_20] : memref<1x128xf32, #tpu.memory_space<vmem>>, vector<1x128xf32>
    %add3A_22 = vector.broadcast %get3A_21 : vector<1x128xf32> to vector<1000x128xf32>
    %add3A_23 = arith.addf %mul3A, %add3A_22 : vector<1000x128xf32>
    %max3A = arith.constant 0.000000e+00 : f32
    %max3A_24 = vector.broadcast %max3A : f32 to vector<1000x128xf32>
    %max3A_25 = arith.maximumf %add3A_23, %max3A_24 : vector<1000x128xf32>
    %get3A_26 = arith.constant 0 : index
    %get3A_27 = arith.constant 0 : index
    %get3A_28 = vector.load %arg5[%get3A_26, %get3A_27] : memref<128x64xf32, #tpu.memory_space<vmem>>, vector<128x64xf32>
    %dot_general3A_29 = arith.constant dense<0.000000e+00> : vector<1000x64xf32>
    %dot_general3A_30 = tpu.matmul %max3A_25, %get3A_28, %dot_general3A_29 {dimension_numbers = #tpu.dot_dimension_numbers<[1], [0], [0], [1], [0, 0, 1, 1], [], []>, transpose_lhs_hint = false} : vector<1000x128xf32>, vector<128x64xf32>, vector<1000x64xf32> -> vector<1000x64xf32>
    %get3A_31 = arith.constant 0 : index
    %get3A_32 = arith.constant 0 : index
    %get3A_33 = vector.load %arg6[%get3A_31, %get3A_32] : memref<64x16xf32, #tpu.memory_space<vmem>>, vector<64x16xf32>
    %dot_general3A_34 = arith.constant dense<0.000000e+00> : vector<1000x16xf32>
    %dot_general3A_35 = tpu.matmul %dot_general3A_30, %get3A_33, %dot_general3A_34 {dimension_numbers = #tpu.dot_dimension_numbers<[1], [0], [0], [1], [0, 0, 1, 1], [], []>, transpose_lhs_hint = false} : vector<1000x64xf32>, vector<64x16xf32>, vector<1000x16xf32> -> vector<1000x16xf32>
    %swap3A = arith.constant 0 : index
    %swap3A_36 = arith.constant 0 : index
    %swap3A_37 = vector.load %arg7[%swap3A, %swap3A_36] : memref<1000x64xf32, #tpu.memory_space<vmem>>, vector<1000x64xf32>
    tpu.vector_store %arg7[%swap3A, %swap3A_36], %dot_general3A_30 {strides = array<i32>} : memref<1000x64xf32, #tpu.memory_space<vmem>>, vector<1000x64xf32>,
    %swap3A_38 = arith.constant 0 : index
    %swap3A_39 = arith.constant 0 : index
    %swap3A_40 = vector.load %arg8[%swap3A_38, %swap3A_39] : memref<1000x16xf32, #tpu.memory_space<vmem>>, vector<1000x16xf32>
    tpu.vector_store %arg8[%swap3A_38, %swap3A_39], %dot_general3A_35 {strides = array<i32>} : memref<1000x16xf32, #tpu.memory_space<vmem>>, vector<1000x16xf32>,
    %reduce_max3A = arith.constant dense<0xFF800000> : vector<16xf32>
    %reduce_max3A_41 = vector.multi_reduction <maximumf>, %dot_general3A_35, %reduce_max3A [0] : vector<1000x16xf32> to vector<16xf32>
    %broadcast_in_dim3A = vector.shape_cast %reduce_max3A_41 : vector<16xf32> to vector<1x16xf32>
    %eq3A = arith.constant 0 : i32
    %eq3A_42 = arith.cmpi eq, %arg0, %eq3A : i32
    %convert_element_type3A = arith.extui %eq3A_42 : i1 to i32
    %cond3A = arith.constant 0 : i32
    %cond3A_43 = arith.cmpi ne, %convert_element_type3A, %cond3A : i32
    scf.if %cond3A_43 {
      %swap3A_48 = arith.constant 0 : index
      %swap3A_49 = arith.constant 0 : index
      %swap3A_50 = vector.load %arg9[%swap3A_48, %swap3A_49] : memref<1x16xf32, #tpu.memory_space<vmem>>, vector<1x16xf32>
      tpu.vector_store %arg9[%swap3A_48, %swap3A_49], %broadcast_in_dim3A {strides = array<i32>} : memref<1x16xf32, #tpu.memory_space<vmem>>, vector<1x16xf32>,
    } else {
    }
    %ne3A = arith.constant 0 : i32
    %ne3A_44 = arith.cmpi ne, %arg0, %ne3A : i32
    %convert_element_type3A_45 = arith.extui %ne3A_44 : i1 to i32
    %cond3A_46 = arith.constant 0 : i32
    %cond3A_47 = arith.cmpi ne, %convert_element_type3A_45, %cond3A_46 : i32
    scf.if %cond3A_47 {
      %get3A_48 = arith.constant 0 : index
      %get3A_49 = arith.constant 0 : index
      %get3A_50 = vector.load %arg9[%get3A_48, %get3A_49] : memref<1x16xf32, #tpu.memory_space<vmem>>, vector<1x16xf32>
      %max3A_51 = arith.maximumf %get3A_50, %broadcast_in_dim3A : vector<1x16xf32>
      %swap3A_52 = arith.constant 0 : index
      %swap3A_53 = arith.constant 0 : index
      %swap3A_54 = vector.load %arg9[%swap3A_52, %swap3A_53] : memref<1x16xf32, #tpu.memory_space<vmem>>, vector<1x16xf32>
      tpu.vector_store %arg9[%swap3A_52, %swap3A_53], %max3A_51 {strides = array<i32>} : memref<1x16xf32, #tpu.memory_space<vmem>>, vector<1x16xf32>,
    } else {
    }
    return
  }
  func.func @transform_0(%arg0: i32) -> (i32, i32, i32) {
    %c0_i32 = arith.constant 0 : i32
    %c0_i32_0 = arith.constant 0 : i32
    %c0_i32_1 = arith.constant 0 : i32
    return %c0_i32, %arg0, %c0_i32_0 : i32, i32, i32
  }
  func.func @transform_1(%arg0: i32) -> (i32, i32, i32) {
    %c1_i32 = arith.constant 1 : i32
    %c0_i32 = arith.constant 0 : i32
    %c0_i32_0 = arith.constant 0 : i32
    return %c1_i32, %arg0, %c0_i32 : i32, i32, i32
  }
  func.func @transform_2(%arg0: i32) -> (i32, i32) {
    %c0_i32 = arith.constant 0 : i32
    %c0_i32_0 = arith.constant 0 : i32
    %c0_i32_1 = arith.constant 0 : i32
    return %c0_i32, %c0_i32_0 : i32, i32
  }
  func.func @transform_3(%arg0: i32) -> (i32, i32) {
    %c0_i32 = arith.constant 0 : i32
    %c0_i32_0 = arith.constant 0 : i32
    %c0_i32_1 = arith.constant 0 : i32
    return %c0_i32, %c0_i32_0 : i32, i32
  }
  func.func @transform_4(%arg0: i32) -> (i32, i32) {
    %c0_i32 = arith.constant 0 : i32
    %c0_i32_0 = arith.constant 0 : i32
    %c0_i32_1 = arith.constant 0 : i32
    return %c0_i32, %c0_i32_0 : i32, i32
  }
  func.func @transform_5(%arg0: i32) -> (i32, i32) {
    %c0_i32 = arith.constant 0 : i32
    %c0_i32_0 = arith.constant 0 : i32
    %c0_i32_1 = arith.constant 0 : i32
    return %c0_i32, %c0_i32_0 : i32, i32
  }
  func.func @transform_6(%arg0: i32) -> (i32, i32) {
    %c0_i32 = arith.constant 0 : i32
    %c0_i32_0 = arith.constant 0 : i32
    return %arg0, %c0_i32 : i32, i32
  }
  func.func @transform_7(%arg0: i32) -> (i32, i32) {
    %c0_i32 = arith.constant 0 : i32
    %c0_i32_0 = arith.constant 0 : i32
    return %arg0, %c0_i32 : i32, i32
  }
  func.func @transform_8(%arg0: i32) -> (i32, i32) {
    %c0_i32 = arith.constant 0 : i32
    %c0_i32_0 = arith.constant 0 : i32
    %c0_i32_1 = arith.constant 0 : i32
    return %c0_i32, %c0_i32_0 : i32, i32
  }
}

module attributes {stable_mosaic.version = 14 : i64} {
  func.func @_tc_out(%arg0: i32, %arg1: memref<1x1000x80xf32, #tpu.memory_space<vmem>>, %arg2: memref<1x1000x80xf32, #tpu.memory_space<vmem>>, %arg3: memref<8x64xf32, #tpu.memory_space<vmem>>, %arg4: memref<1x64xf32, #tpu.memory_space<vmem>>, %arg5: memref<1000x64xf32, #tpu.memory_space<vmem>>) attributes {dimension_semantics = [#tpu.dimension_semantics<arbitrary>], iteration_bounds = array<i64: 10>, scalar_prefetch = 0 : i64, scratch_operands = 0 : i64, tpu.core_type = #tpu.core_type<tc>, window_params = [{transform_indices = @transform_0, window_bounds = array<i64: 1, 1000, 80>}, {transform_indices = @transform_1, window_bounds = array<i64: 1, 1000, 80>}, {pipeline_mode = #tpu.pipeline_mode<synchronous>, transform_indices = @transform_2, window_bounds = array<i64: 8, 64>}, {pipeline_mode = #tpu.pipeline_mode<synchronous>, transform_indices = @transform_3, window_bounds = array<i64: 1, 64>}, {transform_indices = @transform_4, window_bounds = array<i64: 1000, 64>}]} {
    %get3A = arith.constant 0 : index
    %get3A_0 = arith.constant 0 : index
    %get3A_1 = arith.constant 0 : index
    %get3A_2 = vector.load %arg1[%get3A, %get3A_0, %get3A_1] : memref<1x1000x80xf32, #tpu.memory_space<vmem>>, vector<1x1000x80xf32>
    %get3A_3 = vector.shape_cast %get3A_2 : vector<1x1000x80xf32> to vector<1000x80xf32>
    %get3A_4 = arith.constant 0 : index
    %get3A_5 = arith.constant 0 : index
    %get3A_6 = arith.constant 0 : index
    %get3A_7 = vector.load %arg2[%get3A_4, %get3A_5, %get3A_6] : memref<1x1000x80xf32, #tpu.memory_space<vmem>>, vector<1x1000x80xf32>
    %get3A_8 = vector.shape_cast %get3A_7 : vector<1x1000x80xf32> to vector<1000x80xf32>
    %add3A = arith.addf %get3A_3, %get3A_8 : vector<1000x80xf32>
    %slice3A = vector.extract_strided_slice %add3A {offsets = [0, 0], sizes = [1000, 64], strides = [1, 1]} : vector<1000x80xf32> to vector<1000x64xf32>
    %slice3A_9 = vector.extract_strided_slice %add3A {offsets = [0, 64], sizes = [1000, 8], strides = [1, 1]} : vector<1000x80xf32> to vector<1000x8xf32>
    %add3A_10 = arith.constant 1.000000e-30 : f32
    %add3A_11 = vector.broadcast %add3A_10 : f32 to vector<1000x8xf32>
    %add3A_12 = arith.addf %slice3A_9, %add3A_11 : vector<1000x8xf32>
    %div3A = arith.constant 1.000000e+00 : f32
    %div3A_13 = vector.broadcast %div3A : f32 to vector<1000x8xf32>
    %div3A_14 = arith.divf %div3A_13, %add3A_12 : vector<1000x8xf32>
    %get3A_15 = arith.constant 0 : index
    %get3A_16 = arith.constant 0 : index
    %get3A_17 = vector.load %arg3[%get3A_15, %get3A_16] : memref<8x64xf32, #tpu.memory_space<vmem>>, vector<8x64xf32>
    %dot_general3A = arith.constant dense<0.000000e+00> : vector<1000x64xf32>
    %dot_general3A_18 = tpu.matmul %div3A_14, %get3A_17, %dot_general3A {dimension_numbers = #tpu.dot_dimension_numbers<[1], [0], [0], [1], [0, 0, 1, 1], [], []>, transpose_lhs_hint = false} : vector<1000x8xf32>, vector<8x64xf32>, vector<1000x64xf32> -> vector<1000x64xf32>
    %mul3A = arith.mulf %slice3A, %dot_general3A_18 : vector<1000x64xf32>
    %get3A_19 = arith.constant 0 : index
    %get3A_20 = arith.constant 0 : index
    %get3A_21 = vector.load %arg4[%get3A_19, %get3A_20] : memref<1x64xf32, #tpu.memory_space<vmem>>, vector<1x64xf32>
    %add3A_22 = vector.broadcast %get3A_21 : vector<1x64xf32> to vector<1000x64xf32>
    %add3A_23 = arith.addf %mul3A, %add3A_22 : vector<1000x64xf32>
    %reduce_max3A = arith.constant dense<0xFF800000> : vector<1000xf32>
    %reduce_max3A_24 = vector.multi_reduction <maximumf>, %add3A_23, %reduce_max3A [1] : vector<1000x64xf32> to vector<1000xf32>
    %broadcast_in_dim3A = vector.shape_cast %reduce_max3A_24 : vector<1000xf32> to vector<1000x1xf32>
    %sub3A = vector.broadcast %broadcast_in_dim3A : vector<1000x1xf32> to vector<1000x64xf32>
    %sub3A_25 = arith.subf %add3A_23, %sub3A : vector<1000x64xf32>
    %exp3A = math.exp %sub3A_25 : vector<1000x64xf32>
    %reduce_sum3A = arith.constant dense<0.000000e+00> : vector<1000xf32>
    %reduce_sum3A_26 = vector.multi_reduction <add>, %exp3A, %reduce_sum3A [1] : vector<1000x64xf32> to vector<1000xf32>
    %broadcast_in_dim3A_27 = vector.shape_cast %reduce_sum3A_26 : vector<1000xf32> to vector<1000x1xf32>
    %log3A = math.log %broadcast_in_dim3A_27 : vector<1000x1xf32>
    %sub3A_28 = vector.broadcast %log3A : vector<1000x1xf32> to vector<1000x64xf32>
    %sub3A_29 = arith.subf %sub3A_25, %sub3A_28 : vector<1000x64xf32>
    %swap3A = arith.constant 0 : index
    %swap3A_30 = arith.constant 0 : index
    %swap3A_31 = vector.load %arg5[%swap3A, %swap3A_30] : memref<1000x64xf32, #tpu.memory_space<vmem>>, vector<1000x64xf32>
    tpu.vector_store %arg5[%swap3A, %swap3A_30], %sub3A_29 {strides = array<i32>} : memref<1000x64xf32, #tpu.memory_space<vmem>>, vector<1000x64xf32>,
    return
  }
  func.func @transform_0(%arg0: i32) -> (i32, i32, i32) {
    %c0_i32 = arith.constant 0 : i32
    %c0_i32_0 = arith.constant 0 : i32
    %c0_i32_1 = arith.constant 0 : i32
    return %c0_i32, %arg0, %c0_i32_0 : i32, i32, i32
  }
  func.func @transform_1(%arg0: i32) -> (i32, i32, i32) {
    %c1_i32 = arith.constant 1 : i32
    %c0_i32 = arith.constant 0 : i32
    %c0_i32_0 = arith.constant 0 : i32
    return %c1_i32, %arg0, %c0_i32 : i32, i32, i32
  }
  func.func @transform_2(%arg0: i32) -> (i32, i32) {
    %c0_i32 = arith.constant 0 : i32
    %c0_i32_0 = arith.constant 0 : i32
    %c0_i32_1 = arith.constant 0 : i32
    return %c0_i32, %c0_i32_0 : i32, i32
  }
  func.func @transform_3(%arg0: i32) -> (i32, i32) {
    %c0_i32 = arith.constant 0 : i32
    %c0_i32_0 = arith.constant 0 : i32
    %c0_i32_1 = arith.constant 0 : i32
    return %c0_i32, %c0_i32_0 : i32, i32
  }
  func.func @transform_4(%arg0: i32) -> (i32, i32) {
    %c0_i32 = arith.constant 0 : i32
    %c0_i32_0 = arith.constant 0 : i32
    return %arg0, %c0_i32 : i32, i32
  }
}

</mosaic_0001>

<sc_bundles>
// kernel: kernel.10.cloned.1.call-start
scs
__scs_entry_jumppad:
0x0: {  	(pc) =	sbr.rel $0x88, $3  }
0x1: {  	(tag) =	ssettag $0x0;
	lr =	simm.s32 $0x1  }
0x2: {  	[smem:$0x3F97] =	sst lr;
	_ =	strace $0xD0000000  }
0x3: {  	_ = 	snop  }
0x4: {  	_ = 	snop  }
0x5: {  	_ = 	snop  }
0x6: {  	_ = 	snop  }
0x7: {  	_ = 	snop  }
__scs_overlays_trampoline_lowered:
0x8: {  	[smem:$0x3FA6] =	sst s0  }
0x9: {  	[smem:$0x3FA7] =	sst s1  }
0xa: {  	[smem:$0x3FA8] =	sst s2  }
0xb: {  	[smem:$0x3FA9] =	sst s3  }
0xc: {  	[smem:$0x3FAA] =	sst s4  }
0xd: {  	[smem:$0x3FAB] =	sst s5  }
0xe: {  	[smem:$0x3FAC] =	sst s6  }
0xf: {  	[smem:$0x3FAD] =	sst s7  }
0x10: {  	[smem:$0x3FAE] =	sst s8  }
0x11: {  	[smem:$0x3FAF] =	sst s9;
	s0 =	simm.s32 @!p0 $0x0  }
0x12: {  	s1 =	sld [smem:$0x3F95];
	s0 =	simm.s32 @p0 $0x1  }
0x13: {  	[smem:$0x3FB0] =	sst s0;
	s0 =	simm.s32 @!p1 $0x0  }
0x14: {  	s2 =	sld [smem:$0x3F94];
	s0 =	simm.s32 @p1 $0x1  }
0x15: {  	[smem:$0x3FB1] =	sst s0;
	s0 =	simm.s32 @!p2 $0x0  }
0x16: {  	s3 =	sld [smem:$0x3FDB];
	s0 =	simm.s32 @p2 $0x1  }
0x17: {  	s4 =	simm.s32 $0x1BF5;
	[smem:$0x3FB3] =	sst s0  }
0x18: {  	s0 =	sld [smem:$0x3F96];
	_ =	swait.ge [sflag:s4], $0x0  }
0x19: {  	s7 =	sld [smem:$0x3F97]  }
0x1a: {  	s8 =	sadd.s32 $0xFFFFE003, lr  }
0x1b: {  	s9 =	sadd.s32 $0xFFFFFEF7, lr;
	s5 =	simm.s32 $0xFFFFFFFF;
	p2 =	slt.u32 s8, $0xFFFFF086  }
0x1c: {  	p1 =	slt.u32 s9, $0xF7A;
	s5 =	simm.s32 @!p2 $0x0  }
0x1d: {  	s5 =	simm.s32 @p1 $0x1;
	p0 =	seq.s32 s7, s2  }
0x1e: {  	s7 =	smul.u32 @!p0 $0xF7A, s2;
	p2 =	seq.s32 @!p0 s5, $0x0  }
0x1f: {  	s9 =	smul.u32 $0xF7A, s1;
	s8 =	simm.s32 @!p0 $0x1BF5;
	p2 =	por !p2, p0  }
0x20: {  	[sflag:s8] =	ssyncset.s32 @!p0 $0xFFFFF086;
	s6 =	sadd.s32 @!p0 s3, s7;
	s7 =	simm.s32 @!p0 $0x108  }
0x21: {  	s3 =	sadd.s32 s3, s9;
	s6 =	sadd.s32 @!p0 $0x88, s6;
	s7 =	simm.s32 @p2 $0x1082  }
0x22: {  	[simem:s7], [sflag:s8] =	dma.local @!p0 [hbm:s6], $0xF7A  }
0x23: {  	s9 =	sor.u32 $0xD0000000, s2;
	s6 =	simm.s32 $0x108;
	_ =	swait.ge @!p0 [sflag:s8], $0x0  }
0x24: {  	s3 =	sadd.s32 $0x88, s3;
	s6 =	simm.s32 @!p1 $0x1082;
	[sflag:s4] =	ssyncset.s32 $0xFFFFF086  }
0x25: {  	[simem:s6], [sflag:s4] =	dma.local [hbm:s3], $0xF7A  }
0x26: {  	[smem:$0x3F97] =	sst s1;
	(tag) =	ssettag s2;
	_ =	strace s9  }
0x27: {  	s1 =	sld [smem:$0x3FA7]  }
0x28: {  	s2 =	sld [smem:$0x3FA8]  }
0x29: {  	s4 =	sld [smem:$0x3FAA]  }
0x2a: {  	p0 =	seq.s32 s5, $0x0;
	s5 =	sld [smem:$0x3FAB]  }
0x2b: {  	s6 =	sld [smem:$0x3FAC]  }
0x2c: {  	s7 =	sld [smem:$0x3FAD]  }
0x2d: {  	s3 =	simm.s32 $0x108;
	s8 =	sld [smem:$0x3FAE]  }
0x2e: {  	s3 =	simm.s32 @!p0 $0x1082;
	s9 =	sld [smem:$0x3FAF]  }
0x2f: {  	lr =	sadd.s32 s0, s3;
	s0 =	sld [smem:$0x3FA6]  }
0x30: {  	s3 =	sld [smem:$0x3FA9]  }
0x31: {  	[smem:$0x3FB2] =	sst s10  }
0x32: {  	s10 =	sld [smem:$0x3FB0];
	_ =	sdelay $0x3  }
0x33: {  	p0 =	seq.s32 s10, $0x1;
	s10 =	sld [smem:$0x3FB2];
	_ =	sdelay $0x3  }
0x34: {  	[smem:$0x3FB2] =	sst s10  }
0x35: {  	s10 =	sld [smem:$0x3FB1];
	_ =	sdelay $0x3  }
0x36: {  	p1 =	seq.s32 s10, $0x1;
	s10 =	sld [smem:$0x3FB2];
	_ =	sdelay $0x3  }
0x37: {  	[smem:$0x3FB2] =	sst s10  }
0x38: {  	s10 =	sld [smem:$0x3FB3]  }
0x39: {  	_ = 	snop;
	(pc) =	sbr.ind lr, $3  }
0x3a: {  	_ = 	snop  }
0x3b: {  	_ = 	snop  }
0x3c: {  	p2 =	seq.s32 s10, $0x1;
	s10 =	sld [smem:$0x3FB2]  }
0x3d: {  	_ =	shalt  }
0x3e: {  	_ =	shalt  }
0x3f: {  	_ =	shalt  }
0x40: {  	_ =	shalt  }
0x41: {  	_ =	shalt  }
0x42: {  	_ =	shalt  }
0x43: {  	_ =	shalt  }
0x44: {  	_ =	shalt  }
0x45: {  	_ =	shalt  }
0x46: {  	_ =	shalt  }
0x47: {  	_ =	shalt  }
0x48: {  	_ =	shalt  }
0x49: {  	_ =	shalt  }
0x4a: {  	_ =	shalt  }
0x4b: {  	_ =	shalt  }
0x4c: {  	_ =	shalt  }
0x4d: {  	_ =	shalt  }
0x4e: {  	_ =	shalt  }
0x4f: {  	_ =	shalt  }
0x50: {  	_ =	shalt  }
0x51: {  	_ =	shalt  }
0x52: {  	_ =	shalt  }
0x53: {  	_ =	shalt  }
0x54: {  	_ =	shalt  }
0x55: {  	_ =	shalt  }
0x56: {  	_ =	shalt  }
0x57: {  	_ =	shalt  }
0x58: {  	_ =	shalt  }
0x59: {  	_ =	shalt  }
0x5a: {  	_ =	shalt  }
0x5b: {  	_ =	shalt  }
0x5c: {  	_ =	shalt  }
0x5d: {  	_ =	shalt  }
0x5e: {  	_ =	shalt  }
0x5f: {  	_ =	shalt  }
0x60: {  	_ =	shalt  }
0x61: {  	_ =	shalt  }
0x62: {  	_ =	shalt  }
0x63: {  	_ =	shalt  }
0x64: {  	_ =	shalt  }
0x65: {  	_ =	shalt  }
0x66: {  	_ =	shalt  }
0x67: {  	_ =	shalt  }
0x68: {  	_ =	shalt  }
0x69: {  	_ =	shalt  }
0x6a: {  	_ =	shalt  }
0x6b: {  	_ =	shalt  }
0x6c: {  	_ =	shalt  }
0x6d: {  	_ =	shalt  }
0x6e: {  	_ =	shalt  }
0x6f: {  	_ =	shalt  }
0x70: {  	_ =	shalt  }
0x71: {  	_ =	shalt  }
0x72: {  	_ =	shalt  }
0x73: {  	_ =	shalt  }
0x74: {  	_ =	shalt  }
0x75: {  	_ =	shalt  }
0x76: {  	_ =	shalt  }
0x77: {  	_ =	shalt  }
0x78: {  	_ =	shalt  }
0x79: {  	_ =	shalt  }
0x7a: {  	_ =	shalt  }
0x7b: {  	_ =	shalt  }
0x7c: {  	_ =	shalt  }
0x7d: {  	_ =	shalt  }
0x7e: {  	_ =	shalt  }
0x7f: {  	_ =	shalt  }
0x80: {  	_ =	shalt  }
0x81: {  	_ =	shalt  }
0x82: {  	_ =	shalt  }
0x83: {  	_ =	shalt  }
0x84: {  	_ =	shalt  }
0x85: {  	_ =	shalt  }
0x86: {  	_ =	shalt  }
0x87: {  	_ =	shalt  }
.Lfunc_end0:
.L_simem_size_0:
called_computation.1_lowered:
.L_overlay_start_0:
0x88: {  	s2 =	sld [smem:$0x3FD9]  }
0x89: {  	s3 =	sld [smem:$0x3FFE];
	_ =	sdelay $0x1  }
0x8a: {  	s1 =	srdreg.scid  }
0x8b: {  	s0 =	sand.u32 $0x1, s1  }
0x8c: {  	s17 =	sshll.u32 s0, $0xA;
	s2 =	sadd.s32 s3, s2  }
0x8d: {  	s2 =	sadd.s32 s2, s17  }
0x8e: {  	[smem:$0x3FBE] =	sst s2  }
0x8f: {  	_ = 	snop  }
0x90: {  	s2 =	sld [smem:$0x3FD0];
	(tm) =	ssettm $0x1  }
0x91: {  	s18 =	sld [smem:$0x3FFB];
	_ =	sdelay $0x3  }
0x92: {  	_ =	strace s18  }
0x93: {  	s3 =	sld [smem:$0x3FFC];
	_ =	sdelay $0x3  }
0x94: {  	_ =	strace s3  }
0x95: {  	s3 =	sld [smem:$0x3FFD];
	_ =	sdelay $0x3  }
0x96: {  	_ =	strace s3  }
0x97: {  	_ =	strace $0x8FFFFFFF  }
0x98: {  	s19 =	sld [smem:$0x3FDB];
	_ =	sdelay $0x1  }
0x99: {  	s4 =	simm.s32 $_scs_section_size  }
0x9a: {  	s5 =	simm.s32 $_size__tile_overlayer_lowered;
	s6 =	simm.s32 $_tile_overlayer_lowered  }
0x9b: {  	s22 =	simm.s32 $0x1BFF;
	s21 =	sshll.u32 s6, $0x1;
	s3 =	sadd.s32 s4, s19  }
0x9c: {  	s7 =	simm.s32 $0x0;
	s20 =	sshll.u32 s5, $0x1;
	s5 =	sadd.s32 s21, s3  }
0x9d: {  	[timem:s7], [sflag:s22] =	dma.local [hbm:s5], s20  }
0x9e: {  	_ =	swait.ge [sflag:s22], s20  }
0x9f: {  	s4 =	ssub.s32 $0x0, s20;
	[sflag:s22] =	ssyncset.done $0x0  }
0xa0: {  	[sflag:s22] =	ssyncadd.s32 s4;
	_ =	sdelay $0x1  }
0xa1: {  	s23 =	simm.s32 $0x1B8B  }
0xa2: {  	_ =	swait.ge [sflag:s23], $0x1  }
0xa3: {  	[sflag:s23] =	ssyncset.done $0x0  }
0xa4: {  	s25 =	simm.s32 $0x1B8E;
	s24 =	sld [smem:$0x3FFE];
	[sflag:s23] =	ssyncadd.s32 $0xFFFFFFFF  }
0xa5: {  	s26 =	simm.s32 $execute0_lowered;
	[smem:$0x3FD2] =	sst s25  }
0xa6: {  	s5 =	sshll.u32 s26, $0x1;
	_ =	strace $0x80000049;
	[dreg:$0x1] =	wrdreg $0xFFFFFFFF  }
0xa7: {  	s28 =	simm.s32 $_size_execute0_lowered;
	s3 =	sadd.s32 s3, s5;
	[dreg:$0x0] =	wrdreg $0x0  }
0xa8: {  	s5 =	sshll.u32 s28, $0x1;
	[dreg:$0x2] =	wrdreg s3  }
0xa9: {  	[dreg:$0x3] =	wrdreg s5  }
0xaa: {  	[dreg:$0x4] =	wrdreg $0xC0  }
0xab: {  	_ =	task [dreg:s7], $0x5FFFF  }
0xac: {  	[dreg:$0x1] =	wrdreg $0xFFFFFFFF  }
0xad: {  	[dreg:$0x0] =	wrdreg $0x60  }
0xae: {  	[dreg:$0x2] =	wrdreg s24  }
0xaf: {  	[dreg:$0x3] =	wrdreg s2  }
0xb0: {  	[dreg:$0x4] =	wrdreg $0x0  }
0xb1: {  	[dreg:$0x5] =	wrdreg $0x9  }
0xb2: {  	_ =	task.clear_ibuf [dreg:s7], $0x6FFFF;
	_ =	strace $0x90000049  }
0xb3: {  	s29 =	simm.s32 $0x9;
	_ =	strace $0x8000004B  }
0xb4: {  	_ =	swait.ge [sflag:s29], $0x1  }
0xb5: {  	[sflag:s29] =	ssyncadd.s32 $0xFFFFFFFF  }
0xb6: {  	_ =	strace $0x9000004B  }
0xb7: {  	_ =	sfence  }
0xb8: {  	s30 =	sld [smem:$0x0];
	_ =	sdelay $0x2  }
0xb9: {  	s31 =	sshll.u32 s1, $0xD;
	s1 =	sshrl.u32 s1, $0x2  }
0xba: {  	s3 =	sand.u32 $0x4000, s31;
	s1 =	sadd.s32 s1, s30  }
0xbb: {  	s0 =	sor.u32 s3, s0;
	s1 =	sshll.u32 s1, $0x11  }
0xbc: {  	s0 =	sor.u32 s1, s0  }
0xbd: {  	s0 =	sadd.s32 $0x8F2B, s0  }
0xbe: {  	[sflag:s0] =	ssyncadd.remote.s32 $0x1  }
0xbf: {  	_ =	sfence.sel $0xFFFF  }
0xc0: {  	[dreg:$0x0] =	wrdreg $0xFFFFFFFF;
	(pc) =	sbr.abs _section_cstart, $3  }
0xc1: {  	[dreg:$0x1] =	wrdreg $0xFFFFFFFF  }
0xc2: {  	_ =	task.clear_ibuf [dreg:s7], $0x2FFFF;
	_ =	strace $0x9FFFFFFF  }
0xc3: {  	(tm) =	ssettm $0x7FFFFFFF  }
tec
execute0_lowered:
.L_overlay_start_1:
0x0: {  	(tag) =	ssettag $0x1  }
0x1: {  	s0 =	rddreg [dreg:$0x0]  }
0x2: {  	s26 =	rddreg [dreg:$0x1]  }
0x3: {  	s17 =	rddreg [dreg:$0x2];
	s1 =	simm.s32 $0x0;
	s24 =	srdreg.scid  }
0x4: {  	s10 =	stileid.u32;
	s30 =	simm.s32 $0x40;
	[smem:$0x7FF] =	sst s1  }
0x5: {  	s4 =	sadd.s32 $0x33000, s0;
	s11 =	sadd.s32 $0x28E00, s0;
	s7 =	sadd.s32 $0x1A00, s0  }
0x6: {  	s2 =	sadd.s32 $0x6A00, s0;
	s1 =	sand.u32 $0x1, s24;
	s3 =	smul.u32 $0x30E80, s10  }
0x7: {  	s0 =	sadd.s32 $0x3D200, s0;
	s9 =	smul.u32 $0xC3A0, s10;
	_ =	strace $0x8000004A  }
0x8: {  	[dreg:$0x4] =	wrdreg s2;
	s25 =	ssub.s32 $0x2, s1;
	s8 =	sshll.u32 s1, $0x4  }
0x9: {  	s1 =	smul.u32 $0xC3A00, s1;
	[dreg:$0x19] =	wrdreg s4;
	s3 =	sshrl.u32 s3, $0x2  }
0xa: {  	s5 =	sshrl.u32 s25, $0x1;
	s15 =	sadd.s32 s9, s17;
	s3 =	sadd.s32 s3, s17  }
0xb: {  	s28 =	sor.u32 s10, s8;
	[dreg:$0x5] =	wrdreg s15;
	s29 =	sadd.s32 $0x1400, s3  }
0xc: {  	s16 =	sadd.s32 $0x61D0, s9;
	s31 =	sadd.s32 $0x2800, s3;
	[dreg:$0x6] =	wrdreg s29  }
0xd: {  	s8 =	simm.s32 $0x7;
	s6 =	sadd.s32 $0x3C00, s3;
	[dreg:$0x7] =	wrdreg s31  }
0xe: {  	s2 =	ssub.s32 s25, s5;
	s10 =	sadd.s32 $0x5000, s3;
	[dreg:$0x8] =	wrdreg s6  }
0xf: {  	s5 =	smul.u32 $0x2880, s28;
	s12 =	sadd.s32 $0x6400, s3;
	[dreg:$0x9] =	wrdreg s10  }
0x10: {  	s9 =	sadd.s32 s9, s1;
	s13 =	sadd.s32 $0x7800, s3;
	[dreg:$0xa] =	wrdreg s12  }
0x11: {  	s1 =	sadd.s32 s1, s16;
	s14 =	sadd.s32 $0x8C00, s3;
	[dreg:$0xb] =	wrdreg s13  }
0x12: {  	s18 =	sadd.s32 $0xA000, s3;
	s3 =	sadd.s32 $0xB400, s3;
	[dreg:$0xc] =	wrdreg s14  }
0x13: {  	s19 =	sshrl.u32 s9, $0x3;
	s1 =	sshrl.u32 s1, $0x3;
	[dreg:$0xd] =	wrdreg s18  }
0x14: {  	[dreg:$0xe] =	wrdreg s3;
	s20 =	sshrl.u32 s5, $0x3;
	s3 =	sadd.s32 s0, s19  }
0x15: {  	s0 =	sadd.s32 s0, s1;
	s6 =	smov.u32 s11;
	s25 =	sadd.s32 $0x80, s5  }
0x16: {  	s28 =	sadd.s32 $0xC0, s5;
	s29 =	sadd.s32 s16, s17;
	s31 =	smax.u32 s2, $0x1  }
0x17: {  	s5 =	simm.s32 $0x10960;
	s12 =	simm.s32 $0xC560;
	[dreg:$0xf] =	wrdreg s3  }
0x18: {  	s13 =	simm.s32 $0xCD60;
	s16 =	simm.s32 $0x1;
	[dreg:$0x10] =	wrdreg s0  }
0x19: {  	s18 =	simm.s32 $0x4;
	s19 =	simm.s32 $0xC960;
	[dreg:$0x15] =	wrdreg s25  }
0x1a: {  	s2 =	simm.s32 $0x0;
	s21 =	sadd.s32 s4, s20;
	[dreg:$0x16] =	wrdreg s28  }
0x1b: {  	s22 =	sadd.s32 s11, s20;
	s23 =	sor.u32 $0x8, s20;
	[dreg:$0x17] =	wrdreg s31  }
.Ltmp0:
0x1c: {  	v6 =	vlaneseq.u32;
	s20 =	simm.s32 $0xD160;
	[dreg:$0x11] =	wrdreg s21;
	(pc) =	sbr.rel .LBB2_1-.Ltmp0, $4  }
0x1d: {  	v0 =	vimm.f32 $0.0e+00;
	v1 =	vimm.s32 $0x0;
	vm0 =	vcmask $0x300;
	[dreg:$0x12] =	wrdreg s22;
	s24 =	sadd.s32 s4, s23;
	s0 =	sadd.s32 s11, s23  }
0x1e: {  	v2 =	vand.u32 $0x7, v6;
	v3 =	vshrl.u32 v6, $0x3;
	v6 =	vor.u32 $0x48, v6;
	s11 =	simm.s32 $0x3;
	s4 =	simm.s32 $0xC3E0;
	[dreg:$0x13] =	wrdreg s24  }
0x1f: {  	v7 =	vsel vm0, $0x3, v1;
	v4 =	vor.u32 $0x8, v2;
	v5 =	vor.u32 $0x40, v2;
	s22 =	simm.s32 $0x11D60;
	[dreg:$0x14] =	wrdreg s0;
	s0 =	sshrl.u32 s29, $0x3  }
0x20: {  	v8 =	vor.u32 $0x2, v3;
	v9 =	vor.u32 $0x4, v3;
	v10 =	vor.u32 $0x6, v3;
	s24 =	simm.s32 $0x2;
	[dreg:$0x18] =	wrdreg s0;
	s0 =	simm.s32 $0xF560  }
.LBB2_25:
0x21: {  	_ =	swait.ge [sflag:s16], $0x400  }
0x22: {  	[sflag:s16] =	ssyncset.done $0x0  }
0x23: {  	[sflag:s16] =	ssyncadd.s32 $0xFFFFFC00  }
0x24: {  	_ =	swait.ge [sflag:s16], $0x400  }
0x25: {  	[sflag:s16] =	ssyncset.done $0x0  }
0x26: {  	[sflag:s16] =	ssyncadd.s32 $0xFFFFFC00  }
0x27: {  	_ =	swait.ge [sflag:s16], $0x1000  }
0x28: {  	[sflag:s16] =	ssyncset.done $0x0  }
0x29: {  	[sflag:s16] =	ssyncadd.s32 $0xFFFFF000  }
0x2a: {  	_ =	swait.ge [sflag:s18], $0x40  }
0x2b: {  	[sflag:s18] =	ssyncset.done $0x0  }
0x2c: {  	[sflag:s18] =	ssyncadd.s32 $0xFFFFFFC0  }
0x2d: {  	_ =	swait.ge [sflag:s18], $0x40  }
0x2e: {  	[sflag:s18] =	ssyncset.done $0x0  }
0x2f: {  	s1 =	simm.s32 $0x5;
	[sflag:s18] =	ssyncadd.s32 $0xFFFFFFC0  }
0x30: {  	_ =	swait.ge [sflag:s1], $0x1400  }
0x31: {  	[sflag:s1] =	ssyncset.done $0x0  }
0x32: {  	s21 =	simm.s32 $0x6;
	[sflag:s1] =	ssyncadd.s32 $0xFFFFEC00  }
0x33: {  	_ =	swait.ge [sflag:s21], $0x1400  }
0x34: {  	[sflag:s21] =	ssyncset.done $0x0  }
0x35: {  	[sflag:s21] =	ssyncadd.s32 $0xFFFFEC00  }
0x36: {  	s23 =	stileid.u32;
	[bflag:$0x0] =	sbarrier.arrive $0xFFFF  }
0x37: {  	s8 =	simm.s32 $0x7;
	s1 =	sshll.u32 s23, $0x6;
	s15 =	rddreg [dreg:$0x5]  }
0x38: {  	s1 =	sor.u32 $0x1C07, s1;
	s3 =	rddreg [dreg:$0xf];
	s2 =	sshrl.u32 s15, $0x3  }
0x39: {  	[hbm:s3], [sflag:s1] =	dma.local [spmem:s2], $0xC3A  }
0x3a: {  	_ =	swait.ge [sflag:s8], $0xC3A  }
0x3b: {  	[sflag:s8] =	ssyncset.done $0x0;
	s25 =	rddreg [dreg:$0x10]  }
0x3c: {  	s28 =	rddreg [dreg:$0x18];
	[sflag:s8] =	ssyncadd.s32 $0xFFFFF3C6  }
0x3d: {  	[hbm:s25], [sflag:s1] =	dma.local [spmem:s28], $0xC3A  }
0x3e: {  	_ =	swait.ge [sflag:s8], $0xC3A  }
0x3f: {  	s29 =	rddreg [dreg:$0x1a]  }
0x40: {  	s31 =	rddreg [dreg:$0x17];
	s2 =	sadd.s32 $0x1, s29  }
0x41: {  	p0 =	sne.s32 s2, s31  }
.Ltmp1:
0x42: {  	_ = 	snop;
	(pc) =	sbr.rel @!p0 .LBB2_26-.Ltmp1, $3  }
0x43: {  	_ =	sdelay $0x1  }
0x44: {  	[sflag:s8] =	ssyncset.done $0x0  }
0x45: {  	[sflag:s8] =	ssyncadd.s32 $0xFFFFF3C6  }
.LBB2_1:
0x46: {  	[dreg:$0x1a] =	wrdreg s2  }
0x47: {  	s1 =	simm.s32 $0x0;
	s31 =	rddreg [dreg:$0x4];
	s3 =	simm.s32 $0x11F60  }
0x48: {  	[tilespmem:s3], [sflag:$0x7] =	stream.linear.gather [hbm4b:s31+s1], $0x10, $0x38;
	[tilespmem:$0x11F70] =	vst v63  }
0x49: {  	_ =	swait.ge [sflag:s8], $0x10  }
0x4a: {  	[sflag:s8] =	ssyncset.done $0x0  }
0x4b: {  	s2 =	simm.s32 $0xF600;
	[sflag:s8] =	ssyncadd.s32 $0xFFFFFFF0  }
0x4c: {  	[tilespmem:s2+$0xFFFFFF60] =	vst v0  }
0x4d: {  	[tilespmem:s2+$0x50] =	vst v0  }
0x4e: {  	[tilespmem:s2+$0xFFFFFFB0] =	vst v0  }
0x4f: {  	s1 =	simm.s32 $0x10A00;
	[tilespmem:s2+$0x0] =	vst v0  }
0x50: {  	[tilespmem:s1+$0x0] =	vst v0  }
0x51: {  	[tilespmem:s1+$0xFFFFFFB0] =	vst v0  }
0x52: {  	[tilespmem:s1+$0xFFFFFF60] =	vst v0  }
0x53: {  	[tilespmem:s2+$0x10] =	vst v0  }
0x54: {  	[tilespmem:s2+$0xFFFFFFC0] =	vst v0  }
0x55: {  	[tilespmem:s2+$0xFFFFFF70] =	vst v0  }
0x56: {  	[tilespmem:s1+$0x10] =	vst v0  }
0x57: {  	[tilespmem:s1+$0xFFFFFF70] =	vst v0  }
0x58: {  	[tilespmem:s1+$0xFFFFFFC0] =	vst v0  }
0x59: {  	[tilespmem:s2+$0xFFFFFF80] =	vst v0  }
0x5a: {  	[tilespmem:s2+$0x20] =	vst v0  }
0x5b: {  	[tilespmem:s2+$0xFFFFFFD0] =	vst v0  }
0x5c: {  	[tilespmem:s1+$0x20] =	vst v0  }
0x5d: {  	s10 =	simm.s32 $0x0;
	s14 =	simm.s32 $0x10A00;
	s9 =	simm.s32 $0xF600;
	[tilespmem:s1+$0xFFFFFF80] =	vst v0  }
.LBB2_2:
0x5e: {  	s10 =	sadd.s32 $0x4, s10;
	[tilespmem:s1+$0x50] =	vst v0;
	s2 =	sadd.s32 $0x140, s2;
	s14 =	sadd.s32 $0x140, s14  }
0x5f: {  	p0 =	slt.u32 s10, $0x3C;
	[tilespmem:s9+$0x60] =	vst v0  }
0x60: {  	[tilespmem:s9+$0xFFFFFF90] =	vst v0  }
0x61: {  	[tilespmem:s1+$0xFFFFFF90] =	vst v0  }
0x62: {  	[tilespmem:s1+$0x60] =	vst v0  }
0x63: {  	[tilespmem:s9+$0x30] =	vst v0  }
0x64: {  	[tilespmem:s9+$0x70] =	vst v0  }
0x65: {  	[tilespmem:s1+$0x70] =	vst v0  }
0x66: {  	[tilespmem:s9+$0xFFFFFFA0] =	vst v0  }
0x67: {  	[tilespmem:s1+$0xFFFFFFA0] =	vst v0  }
0x68: {  	[tilespmem:s1+$0xFFFFFFD0] =	vst v0  }
0x69: {  	[tilespmem:s1+$0x30] =	vst v0  }
0x6a: {  	[tilespmem:s9+$0x40] =	vst v0  }
0x6b: {  	[tilespmem:s1+$0x40] =	vst v0  }
0x6c: {  	[tilespmem:s9+$0x80] =	vst v0  }
0x6d: {  	[tilespmem:s1+$0x80] =	vst v0  }
0x6e: {  	[tilespmem:s9+$0x90] =	vst v0  }
0x6f: {  	[tilespmem:s9+$0xFFFFFFE0] =	vst v0  }
0x70: {  	[tilespmem:s1+$0xFFFFFFE0] =	vst v0  }
0x71: {  	[tilespmem:s9+$0xFFFFFFF0] =	vst v0;
	s9 =	smov.u32 s2  }
0x72: {  	[tilespmem:s1+$0xFFFFFFF0] =	vst v0  }
0x73: {  	[tilespmem:s1+$0x90] =	vst v0;
	s1 =	smov.u32 s14  }
0x74: {  	[tilespmem:s2+$0xFFFFFF60] =	vst v0  }
0x75: {  	[tilespmem:s2+$0x50] =	vst v0  }
0x76: {  	[tilespmem:s2+$0xFFFFFFB0] =	vst v0  }
0x77: {  	[tilespmem:s2+$0x0] =	vst v0  }
0x78: {  	[tilespmem:s14+$0x0] =	vst v0  }
0x79: {  	[tilespmem:s2+$0x10] =	vst v0  }
0x7a: {  	[tilespmem:s14+$0x10] =	vst v0  }
0x7b: {  	[tilespmem:s14+$0xFFFFFFB0] =	vst v0  }
0x7c: {  	[tilespmem:s2+$0xFFFFFFC0] =	vst v0  }
0x7d: {  	[tilespmem:s14+$0xFFFFFF60] =	vst v0  }
0x7e: {  	[tilespmem:s2+$0xFFFFFF70] =	vst v0  }
0x7f: {  	[tilespmem:s14+$0xFFFFFF70] =	vst v0  }
0x80: {  	[tilespmem:s2+$0xFFFFFF80] =	vst v0  }
.Ltmp2:
0x81: {  	[tilespmem:s2+$0x20] =	vst v0;
	(pc) =	sbr.rel @p0 .LBB2_2-.Ltmp2, $4  }
0x82: {  	[tilespmem:s14+$0x20] =	vst v0  }
0x83: {  	[tilespmem:s14+$0xFFFFFFC0] =	vst v0  }
0x84: {  	[tilespmem:s2+$0xFFFFFFD0] =	vst v0  }
0x85: {  	[tilespmem:s14+$0xFFFFFF80] =	vst v0  }
0x86: {  	[tilespmem:s1+$0x50] =	vst v0  }
0x87: {  	[tilespmem:s9+$0xFFFFFF90] =	vst v0  }
0x88: {  	[tilespmem:s9+$0x30] =	vst v0  }
0x89: {  	[tilespmem:s1+$0xFFFFFFD0] =	vst v0  }
0x8a: {  	[tilespmem:s9+$0x60] =	vst v0  }
0x8b: {  	[tilespmem:s1+$0xFFFFFF90] =	vst v0  }
0x8c: {  	[tilespmem:s1+$0x30] =	vst v0  }
0x8d: {  	[tilespmem:s9+$0xFFFFFFE0] =	vst v0  }
0x8e: {  	[tilespmem:s1+$0x60] =	vst v0  }
0x8f: {  	[tilespmem:s9+$0xFFFFFFA0] =	vst v0  }
0x90: {  	[tilespmem:s9+$0x40] =	vst v0  }
0x91: {  	[tilespmem:s1+$0xFFFFFFE0] =	vst v0  }
0x92: {  	[tilespmem:s9+$0x70] =	vst v0  }
0x93: {  	[tilespmem:s1+$0xFFFFFFA0] =	vst v0  }
0x94: {  	[tilespmem:s1+$0x40] =	vst v0  }
0x95: {  	[tilespmem:s9+$0xFFFFFFF0] =	vst v0  }
0x96: {  	[tilespmem:s1+$0x70] =	vst v0  }
0x97: {  	[tilespmem:s1+$0xFFFFFFF0] =	vst v0  }
0x98: {  	[tilespmem:s9+$0x80] =	vst v0  }
0x99: {  	[tilespmem:s1+$0x80] =	vst v0  }
0x9a: {  	[tilespmem:s9+$0x90] =	vst v0  }
0x9b: {  	[tilespmem:s1+$0x90] =	vst v0  }
0x9c: {  	[tilespmem:$0xC520] =	vst v1  }
0x9d: {  	[tilespmem:$0xC530] =	vst v1  }
0x9e: {  	[tilespmem:$0xC540] =	vst v1  }
0x9f: {  	[tilespmem:$0xC550] =	vst v1  }
0xa0: {  	[spmem:s15] =	stream.linear.scatter [tilespmem:s0], [sflag:$0x7], $0x1400, $0x38;
	[tilespmem:$0x11F70] =	vst v63  }
0xa1: {  	_ =	swait.ge [sflag:s8], $0x1400  }
0xa2: {  	[sflag:s8] =	ssyncset.done $0x0  }
0xa3: {  	s21 =	rddreg [dreg:$0x6];
	[sflag:s8] =	ssyncadd.s32 $0xFFFFEC00  }
0xa4: {  	[spmem:s21] =	stream.linear.scatter [tilespmem:s0], [sflag:$0x7], $0x1400, $0x38;
	[tilespmem:$0x11F70] =	vst v63  }
0xa5: {  	_ =	swait.ge [sflag:s8], $0x1400  }
0xa6: {  	[sflag:s8] =	ssyncset.done $0x0  }
0xa7: {  	s23 =	rddreg [dreg:$0x7];
	[sflag:s8] =	ssyncadd.s32 $0xFFFFEC00  }
0xa8: {  	[spmem:s23] =	stream.linear.scatter [tilespmem:s0], [sflag:$0x7], $0x1400, $0x38;
	[tilespmem:$0x11F70] =	vst v63  }
0xa9: {  	_ =	swait.ge [sflag:s8], $0x1400  }
0xaa: {  	[sflag:s8] =	ssyncset.done $0x0  }
0xab: {  	s25 =	rddreg [dreg:$0x8];
	[sflag:s8] =	ssyncadd.s32 $0xFFFFEC00  }
0xac: {  	[spmem:s25] =	stream.linear.scatter [tilespmem:s0], [sflag:$0x7], $0x1400, $0x38;
	[tilespmem:$0x11F70] =	vst v63  }
0xad: {  	_ =	swait.ge [sflag:s8], $0x1400  }
0xae: {  	[sflag:s8] =	ssyncset.done $0x0  }
0xaf: {  	s29 =	rddreg [dreg:$0x9];
	[sflag:s8] =	ssyncadd.s32 $0xFFFFEC00  }
0xb0: {  	[spmem:s29] =	stream.linear.scatter [tilespmem:s0], [sflag:$0x7], $0x1400, $0x38;
	[tilespmem:$0x11F70] =	vst v63  }
0xb1: {  	_ =	swait.ge [sflag:s8], $0x1400  }
0xb2: {  	[sflag:s8] =	ssyncset.done $0x0  }
0xb3: {  	s31 =	rddreg [dreg:$0xa];
	[sflag:s8] =	ssyncadd.s32 $0xFFFFEC00  }
0xb4: {  	[spmem:s31] =	stream.linear.scatter [tilespmem:s0], [sflag:$0x7], $0x1400, $0x38;
	[tilespmem:$0x11F70] =	vst v63  }
0xb5: {  	_ =	swait.ge [sflag:s8], $0x1400  }
0xb6: {  	[sflag:s8] =	ssyncset.done $0x0  }
0xb7: {  	s2 =	rddreg [dreg:$0xb];
	[sflag:s8] =	ssyncadd.s32 $0xFFFFEC00  }
0xb8: {  	[spmem:s2] =	stream.linear.scatter [tilespmem:s0], [sflag:$0x7], $0x1400, $0x38;
	[tilespmem:$0x11F70] =	vst v63  }
0xb9: {  	_ =	swait.ge [sflag:s8], $0x1400  }
0xba: {  	[sflag:s8] =	ssyncset.done $0x0  }
0xbb: {  	s3 =	rddreg [dreg:$0xc];
	[sflag:s8] =	ssyncadd.s32 $0xFFFFEC00  }
0xbc: {  	[spmem:s3] =	stream.linear.scatter [tilespmem:s0], [sflag:$0x7], $0x1400, $0x38;
	[tilespmem:$0x11F70] =	vst v63  }
0xbd: {  	_ =	swait.ge [sflag:s8], $0x1400  }
0xbe: {  	[sflag:s8] =	ssyncset.done $0x0  }
0xbf: {  	s9 =	rddreg [dreg:$0xd];
	[sflag:s8] =	ssyncadd.s32 $0xFFFFEC00  }
0xc0: {  	[spmem:s9] =	stream.linear.scatter [tilespmem:s0], [sflag:$0x7], $0x1400, $0x38;
	[tilespmem:$0x11F70] =	vst v63  }
0xc1: {  	_ =	swait.ge [sflag:s8], $0x1400  }
0xc2: {  	[sflag:s8] =	ssyncset.done $0x0  }
0xc3: {  	s10 =	rddreg [dreg:$0xe];
	[sflag:s8] =	ssyncadd.s32 $0xFFFFEC00  }
0xc4: {  	[spmem:s10] =	stream.linear.scatter [tilespmem:s0], [sflag:$0x7], $0xFA0, $0x38;
	[tilespmem:$0x11F70] =	vst v63  }
0xc5: {  	_ =	swait.ge [sflag:s8], $0xFA0  }
0xc6: {  	[sflag:s8] =	ssyncset.done $0x0  }
0xc7: {  	[sflag:s8] =	ssyncadd.s32 $0xFFFFF060  }
0xc8: {  	s14 =	simm.s32 $0xC520;
	[bflag:$0x0] =	sbarrier.arrive $0xFFFF  }
0xc9: {  	[spmem:s17] =	stream.indirect.scatter.add.f32 [tilespmem:s0], [sflag:$0x5], $0x50, s14, s30, $0xb8;
	[tilespmem:$0x11F70] =	vst v63  }
0xca: {  	_ = 	snop  }
0xcb: {  	[spmem:s17] =	stream.indirect.scatter.add.f32 [tilespmem:s5], [sflag:$0x6], $0x50, s14, s30, $0xb8;
	[tilespmem:$0x11F70] =	vst v63  }
0xcc: {  	s2 =	simm.s32 $0xC3A0;
	s9 =	simm.s32 $0x0;
	s15 =	rddreg [dreg:$0x11]  }
0xcd: {  	[tilespmem:s2], [sflag:$0x3] =	stream.linear.gather [hbm4b:s15+s9], $0x40, $0x38;
	[tilespmem:$0x11F70] =	vst v63  }
0xce: {  	s3 =	simm.s32 $0xC420;
	s21 =	rddreg [dreg:$0x12]  }
0xcf: {  	[tilespmem:s3], [sflag:$0x3] =	stream.linear.gather [hbm4b:s21+s9], $0x40, $0x38;
	[tilespmem:$0x11F70] =	vst v63  }
0xd0: {  	_ =	swait.ge [sflag:s11], $0x40  }
0xd1: {  	[sflag:s11] =	ssyncset.done $0x0  }
0xd2: {  	[sflag:s11] =	ssyncadd.s32 $0xFFFFFFC0  }
0xd3: {  	_ =	swait.ge [sflag:s11], $0x40  }
0xd4: {  	[sflag:s11] =	ssyncset.done $0x0  }
0xd5: {  	[sflag:s11] =	ssyncadd.s32 $0xFFFFFFC0  }
0xd6: {  	[tilespmem:s12], [sflag:$0x1] =	stream.indirect.gather [hbm4b:s7+s30], $0x10, s2, s30, $0xb8;
	[tilespmem:$0x11F70] =	vst v63  }
0xd7: {  	_ = 	snop  }
0xd8: {  	[tilespmem:s13], [sflag:$0x1] =	stream.indirect.gather [hbm4b:s7+s30], $0x10, s3, s30, $0xb8;
	[tilespmem:$0x11F70] =	vst v63  }
0xd9: {  	s23 =	simm.s32 $0xD560  }
0xda: {  	[tilespmem:s23], [sflag:$0x1] =	stream.indirect.gather [hbm4b:s26+s30], $0x40, s2, s30, $0xb8;
	[tilespmem:$0x11F70] =	vst v63  }
0xdb: {  	s28 =	simm.s32 $0xC3A0;
	s25 =	rddreg [dreg:$0x13]  }
0xdc: {  	[tilespmem:s4], [sflag:$0x4] =	stream.linear.gather [hbm4b:s25+s9], $0x40, $0x38;
	[tilespmem:$0x11F70] =	vst v63  }
0xdd: {  	s31 =	simm.s32 $0xC460;
	s21 =	simm.s32 $0x0;
	s29 =	rddreg [dreg:$0x14]  }
0xde: {  	[tilespmem:s31], [sflag:$0x4] =	stream.linear.gather [hbm4b:s29+s9], $0x40, $0x38;
	[tilespmem:$0x11F70] =	vst v63  }
.LBB2_4:
0xdf: {  	_ =	swait.ge [sflag:s16], $0x400  }
0xe0: {  	[sflag:s16] =	ssyncset.done $0x0  }
0xe1: {  	[sflag:s16] =	ssyncadd.s32 $0xFFFFFC00  }
0xe2: {  	_ =	swait.ge [sflag:s16], $0x400  }
0xe3: {  	[sflag:s16] =	ssyncset.done $0x0  }
0xe4: {  	[sflag:s16] =	ssyncadd.s32 $0xFFFFFC00  }
0xe5: {  	_ =	swait.ge [sflag:s16], $0x1000  }
0xe6: {  	[sflag:s16] =	ssyncset.done $0x0  }
0xe7: {  	s1 =	simm.s32 $0x5;
	[sflag:s16] =	ssyncadd.s32 $0xFFFFF000  }
0xe8: {  	_ =	swait.ge [sflag:s1], $0x1400  }
0xe9: {  	[sflag:s1] =	ssyncset.done $0x0  }
0xea: {  	[sflag:s1] =	ssyncadd.s32 $0xFFFFEC00  }
0xeb: {  	v11 =	vld [tilespmem:$0xC420]  }
0xec: {  	v12 =	vld [tilespmem:$0xC430]  }
0xed: {  	v13 =	vld [tilespmem:$0xC440]  }
0xee: {  	v14 =	vld [tilespmem:$0xC450];
	_ =	sdelay $0x1  }
0xef: {  	[tilespmem:$0xC4A0] =	vst v11  }
0xf0: {  	[tilespmem:$0xC4B0] =	vst v12  }
0xf1: {  	[tilespmem:$0xC4C0] =	vst v13  }
0xf2: {  	[tilespmem:$0xC4D0] =	vst v14  }
0xf3: {  	_ =	swait.ge [sflag:s18], $0x40  }
0xf4: {  	[sflag:s18] =	ssyncset.done $0x0  }
0xf5: {  	[sflag:s18] =	ssyncadd.s32 $0xFFFFFFC0  }
0xf6: {  	_ =	swait.ge [sflag:s18], $0x40  }
0xf7: {  	[sflag:s18] =	ssyncset.done $0x0  }
0xf8: {  	s10 =	simm.s32 $0xC3E0;
	[sflag:s18] =	ssyncadd.s32 $0xFFFFFFC0  }
0xf9: {  	[tilespmem:s19], [sflag:$0x2] =	stream.indirect.gather [hbm4b:s7+s30], $0x10, s10, s30, $0xb8;
	[tilespmem:$0x11F70] =	vst v63  }
0xfa: {  	s2 =	simm.s32 $0xC460;
	s23 =	sshll.u32 s21, $0x1  }
0xfb: {  	[tilespmem:s20], [sflag:$0x2] =	stream.indirect.gather [hbm4b:s7+s30], $0x10, s2, s30, $0xb8;
	[tilespmem:$0x11F70] =	vst v63  }
0xfc: {  	s14 =	simm.s32 $0xE560;
	s25 =	simm.s32 $0x6;
	s15 =	smin.u32 s23, $0x9F  }
0xfd: {  	[tilespmem:s14], [sflag:$0x2] =	stream.indirect.gather [hbm4b:s26+s30], $0x40, s10, s30, $0xb8;
	[tilespmem:$0x11F70] =	vst v63  }
0xfe: {  	s1 =	sshll.u32 s15, $0x6;
	v13 =	vor.u32 s25, v3;
	s26 =	rddreg [dreg:$0x15]  }
0xff: {  	s29 =	simm.s32 $0x2;
	v11 =	vshll.u32 v13, $0x4;
	s1 =	sadd.s32 s1, s26  }
0x100: {  	v12 =	vor.u32 s29, v3;
	v14 =	vor.u32 v2, v11;
	s31 =	rddreg [dreg:$0x19];
	s1 =	sshrl.u32 s1, $0x3  }
0x101: {  	s3 =	simm.s32 $0x4;
	v15 =	vshll.u32 v12, $0x4;
	v11 =	vor.u32 v4, v11;
	s2 =	sadd.s32 s31, s1  }
0x102: {  	v16 =	vor.u32 s3, v3;
	v17 =	vor.u32 v2, v15;
	[tilespmem:s28], [sflag:$0x3] =	stream.linear.gather [hbm4b:s2+s9], $0x40, $0x38;
	[tilespmem:$0x11F70] =	vst v63  }
0x103: {  	s3 =	simm.s32 $0xC420;
	v18 =	vshll.u32 v16, $0x4;
	v15 =	vor.u32 v4, v15;
	s1 =	sadd.s32 s6, s1  }
0x104: {  	v19 =	vor.u32 v2, v18;
	[tilespmem:s3], [sflag:$0x3] =	stream.linear.gather [hbm4b:s1+s9], $0x40, $0x38;
	[tilespmem:$0x11F70] =	vst v63  }
0x105: {  	v18 =	vor.u32 v4, v18;
	v14 =	vld.idx.msk [tilespmem:v14+s12+$0x0], $0xffff  }
0x106: {  	v12 =	vmul.u32 $0x50, v12;
	v20 =	vld.idx.msk [tilespmem:v11+s13+$0x0], $0xffff  }
0x107: {  	v13 =	vmul.u32 $0x50, v13;
	v17 =	vld.idx.msk [tilespmem:v17+s12+$0x0], $0xffff  }
0x108: {  	v16 =	vmul.u32 $0x50, v16;
	v26 =	vadd.s32 v5, v12;
	v27 =	vadd.s32 v6, v12;
	s26 =	simm.s32 $0x12;
	v15 =	vld.idx.msk [tilespmem:v15+s13+$0x0], $0xffff  }
0x109: {  	v48 =	vadd.s32 v6, v13;
	v50 =	vor.u32 s26, v3;
	v11 =	vor.u32 s9, v3;
	v19 =	vld.idx.msk [tilespmem:v19+s12+$0x0], $0xffff  }
0x10a: {  	s31 =	simm.s32 $0x14;
	v52 =	vshll.u32 v50, $0x4;
	v18 =	vld.idx.msk [tilespmem:v18+s13+$0x0], $0xffff;
	v21 =	vshll.u32 v11, $0x4;
	v24 =	vmul.u32 $0x50, v11  }
0x10b: {  	s15 =	simm.s32 $0xE;
	v38 =	vor.u32 s31, v3;
	v22 =	vor.u32 v2, v21;
	v25 =	vor.u32 v4, v21  }
0x10c: {  	v23 =	vadd.s32 v5, v24;
	v12 =	vadd.s32 v6, v24;
	v24 =	vor.u32 s15, v3  }
0x10d: {  	v53 =	vor.u32 v2, v52;
	v21 =	vadd.s32 v5, v16;
	v29 =	vshll.u32 v24, $0x4  }
0x10e: {  	s8 =	simm.s32 $0x8;
	v11 =	vld [tilespmem:$0x11F60];
	v59 =	vmul.u32 $0x50, v24;
	v14 =	vadd.f32 v20, v14;
	v20 =	vadd.s32 v6, v16  }
0x10f: {  	v15 =	vadd.f32 v15, v17;
	v17 =	vor.u32 s8, v3;
	v18 =	vadd.f32 v18, v19  }
0x110: {  	v31 =	vor.u32 v2, v29;
	v29 =	vor.u32 v4, v29;
	v16 =	vmul.f32 $2.000000030e-01, v14;
	v22 =	vld.idx.msk [tilespmem:v22+s12+$0x0], $0xffff  }
0x111: {  	s14 =	simm.s32 $0xC;
	v32 =	vshll.u32 v17, $0x4;
	v49 =	vmul.u32 $0x50, v17;
	vm0 =	vge.f32 v14, $0.0e+00;
	v19 =	vld.idx.msk [tilespmem:v25+s13+$0x0], $0xffff  }
0x112: {  	v61 =	vadd.s32 v6, v59;
	v25 =	vor.u32 s14, v3;
	v14 =	vsel vm0, v14, v16  }
0x113: {  	s10 =	simm.s32 $0xA;
	v35 =	vor.u32 v2, v32;
	v32 =	vor.u32 v4, v32;
	v14 =	vsub.f32 v14, v11  }
0x114: {  	vm1 =	vge.f32 v18, $0.0e+00;
	v30 =	vshll.u32 v25, $0x4;
	v16 =	vor.u32 s10, v3  }
0x115: {  	v34 =	vor.u32 v2, v30;
	v28 =	vshll.u32 v16, $0x4;
	v14 =	vmul.f32 $1.442695020e+00, v14  }
0x116: {  	vm0 =	vge.f32 v15, $0.0e+00;
	v31 =	vld.idx.msk [tilespmem:v31+s12+$0x0], $0xffff;
	v33 =	vor.u32 v2, v28;
	v19 =	vadd.f32 v19, v22  }
0x117: {  	v29 =	vld.idx.msk [tilespmem:v29+s13+$0x0], $0xffff;
	v28 =	vor.u32 v4, v28;
	v22 =	vmul.f32 $2.000000030e-01, v15;
	(erf) = vpow2.f32 v14  }
0x118: {  	v14 =	vor.u32 v4, v30;
	v30 =	vmul.f32 $2.000000030e-01, v18;
	v36 =	vmul.f32 $2.000000030e-01, v19  }
0x119: {  	v25 =	vmul.u32 $0x50, v25;
	vm2 =	vge.f32 v19, $0.0e+00;
	v15 =	vsel vm0, v15, v22  }
0x11a: {  	v15 =	vsub.f32 v15, v11;
	v18 =	vsel vm1, v18, v30;
	v19 =	vsel vm2, v19, v36  }
0x11b: {  	v16 =	vmul.u32 $0x50, v16;
	v22 =	vld.idx.msk [tilespmem:v33+s12+$0x0], $0xffff;
	v19 =	vsub.f32 v19, v11;
	v18 =	vsub.f32 v18, v11  }
0x11c: {  	v29 =	vadd.f32 v29, v31;
	v30 =	vadd.s32 v5, v13;
	v28 =	vld.idx.msk [tilespmem:v28+s13+$0x0], $0xffff;
	v13 =	vmul.f32 $1.442695020e+00, v15  }
0x11d: {  	v17 =	vadd.s32 v5, v16;
	v34 =	vld.idx.msk [tilespmem:v34+s12+$0x0], $0xffff;
	v15 =	vmul.f32 $1.442695020e+00, v19;
	v19 =	vmul.f32 $1.442695020e+00, v18  }
0x11e: {  	v16 =	vadd.s32 v6, v16;
	vm0 =	vge.f32 v29, $0.0e+00;
	v31 =	vld.idx.msk [tilespmem:v14+s13+$0x0], $0xffff;
	(erf) = vpow2.f32 v13  }
0x11f: {  	s25 =	simm.s32 $0x10;
	v18 =	vadd.s32 v5, v25;
	(erf) = vpow2.f32 v19;
	v19 =	vmul.f32 $2.000000030e-01, v29  }
0x120: {  	v13 =	vadd.s32 v5, v49;
	v14 =	vadd.s32 v6, v25;
	v25 =	vor.u32 s25, v3  }
0x121: {  	s28 =	simm.s32 $0x16;
	v32 =	vld.idx.msk [tilespmem:v32+s13+$0x0], $0xffff;
	v40 =	vshll.u32 v25, $0x4;
	v22 =	vadd.f32 v28, v22;
	v28 =	vsel vm0, v29, v19  }
0x122: {  	(erf) = vpow2.f32 v15;
	v29 =	vld.idx.msk [tilespmem:v35+s12+$0x0], $0xffff;
	v19 =	vor.u32 s28, v3;
	v28 =	vsub.f32 v28, v11  }
0x123: {  	v31 =	vadd.f32 v31, v34;
	v37 =	vshll.u32 v19, $0x4;
	v34 =	vor.u32 v4, v52  }
0x124: {  	s29 =	simm.s32 $0x11D80;
	v41 =	vor.u32 v2, v40;
	v51 =	vpop (erf);
	v39 =	vor.u32 v2, v37;
	v28 =	vmul.f32 $1.442695020e+00, v28  }
0x125: {  	v40 =	vor.u32 v4, v40;
	v15 =	vadd.s32 v6, v49;
	[tilespmem:s29+$0x10] =	vst v51;
	v37 =	vor.u32 v4, v37  }
0x126: {  	v43 =	vld.idx.msk [tilespmem:v53+s12+$0x0], $0xffff;
	vm0 =	vge.f32 v22, $0.0e+00;
	[tilespmem:v30+s0+$0x0] =	vst.idx.msk $0xffff, v51;
	v30 =	vshll.u32 v38, $0x4;
	(erf) = vpow2.f32 v28  }
0x127: {  	[tilespmem:v48+s0+$0x0] =	vst.idx.msk $0xffff, v51;
	v42 =	vor.u32 v4, v30;
	v55 =	vmul.f32 $2.000000030e-01, v31;
	v54 =	vpop (erf);
	v29 =	vadd.f32 v32, v29  }
0x128: {  	vm1 =	vge.f32 v31, $0.0e+00;
	v28 =	vor.u32 v2, v30;
	v30 =	vmul.f32 $2.000000030e-01, v22;
	[tilespmem:s29+$0xFFFFFFF0] =	vst v54;
	v34 =	vld.idx.msk [tilespmem:v34+s13+$0x0], $0xffff  }
0x129: {  	[tilespmem:v26+s0+$0x0] =	vst.idx.msk $0xffff, v54;
	v26 =	vmul.u32 $0x50, v50;
	v56 =	vld.idx.msk [tilespmem:v39+s12+$0x0], $0xffff;
	v58 =	vmul.f32 $2.000000030e-01, v29;
	vm2 =	vge.f32 v29, $0.0e+00  }
0x12a: {  	v57 =	vpop (erf);
	v22 =	vsel vm0, v22, v30;
	v30 =	vsel vm1, v31, v55;
	[tilespmem:v27+s0+$0x0] =	vst.idx.msk $0xffff, v54;
	v27 =	vld.idx.msk [tilespmem:v37+s13+$0x0], $0xffff  }
0x12b: {  	v31 =	vadd.s32 v5, v59;
	v24 =	vpop (erf);
	[tilespmem:s29+$0x0] =	vst v57;
	v60 =	vsub.f32 v22, v11;
	v62 =	vsub.f32 v30, v11  }
0x12c: {  	v63 =	vmul.u32 $0x50, v25;
	v32 =	vld.idx.msk [tilespmem:v42+s13+$0x0], $0xffff;
	[tilespmem:s29+$0xFFFFFFE0] =	vst v24;
	v29 =	vsel vm2, v29, v58;
	v22 =	vadd.s32 v5, v26  }
0x12d: {  	[tilespmem:v21+s0+$0x0] =	vst.idx.msk $0xffff, v57;
	v21 =	vadd.s32 v6, v26;
	v29 =	vsub.f32 v29, v11;
	v25 =	vmul.f32 $1.442695020e+00, v60  }
0x12e: {  	v38 =	vmul.u32 $0x50, v38;
	v26 =	vadd.s32 v5, v63;
	v30 =	vld.idx.msk [tilespmem:v28+s12+$0x0], $0xffff;
	[tilespmem:v20+s0+$0x0] =	vst.idx.msk $0xffff, v57;
	v28 =	vmul.f32 $1.442695020e+00, v62  }
0x12f: {  	s1 =	simm.s32 $0x11DC0;
	[tilespmem:v23+s0+$0x0] =	vst.idx.msk $0xffff, v24;
	v44 =	vmul.f32 $1.442695020e+00, v29;
	(erf) = vpow2.f32 v25;
	v33 =	vadd.f32 v27, v56;
	v45 =	vpop (erf)  }
0x130: {  	v20 =	vadd.s32 v5, v38;
	v25 =	vadd.s32 v6, v38;
	(erf) = vpow2.f32 v28;
	[tilespmem:s1+$0x10] =	vst v45  }
0x131: {  	v29 =	vld.idx.msk [tilespmem:v41+s12+$0x0], $0xffff;
	v28 =	vadd.f32 v34, v43;
	v34 =	vmul.f32 $2.000000030e-01, v33;
	(erf) = vpow2.f32 v44;
	[tilespmem:v31+s0+$0x0] =	vst.idx.msk $0xffff, v45  }
0x132: {  	s4 =	simm.s32 $0xC3E0;
	s2 =	simm.s32 $0x8;
	s14 =	simm.s32 $0x18;
	v27 =	vadd.s32 v6, v63;
	vm0 =	vge.f32 v33, $0.0e+00;
	v31 =	vld.idx.msk [tilespmem:v40+s13+$0x0], $0xffff;
	[tilespmem:v61+s0+$0x0] =	vst.idx.msk $0xffff, v45  }
.LBB2_5:
0x133: {  	v23 =	vor.u32 s14, v3;
	s3 =	sadd.s32 $0x2, s14;
	s10 =	sadd.s32 $0x4, s14;
	s15 =	sadd.s32 $0x6, s14;
	v30 =	vadd.f32 v32, v30;
	v32 =	vsel vm0, v33, v34;
	[tilespmem:v12+s0+$0x0] =	vst.idx.msk $0xffff, v24  }
0x134: {  	v35 =	vmovc v26;
	v26 =	vmovc v14;
	v33 =	vor.u32 s3, v3;
	v34 =	vor.u32 s15, v3;
	v24 =	vsub.f32 v32, v11  }
0x135: {  	v14 =	vmovc v25;
	v12 =	vmovc v15;
	v36 =	vor.u32 s10, v3;
	v32 =	vshll.u32 v33, $0x4;
	v37 =	vshll.u32 v34, $0x4  }
0x136: {  	s2 =	sadd.s32 $0x4, s2;
	v15 =	vmovc v27;
	v25 =	vshll.u32 v36, $0x4;
	v38 =	vor.u32 v2, v37;
	v24 =	vmul.f32 $1.442695020e+00, v24  }
0x137: {  	v27 =	vshll.u32 v23, $0x4;
	p0 =	slt.u32 s2, $0x1C;
	v39 =	vor.u32 v2, v32;
	v37 =	vor.u32 v4, v37  }
0x138: {  	v32 =	vor.u32 v4, v32;
	v40 =	vor.u32 v2, v25;
	(erf) = vpow2.f32 v24;
	v41 =	vpop (erf)  }
0x139: {  	v42 =	vor.u32 v2, v27;
	v27 =	vor.u32 v4, v27;
	v25 =	vor.u32 v4, v25;
	[tilespmem:s1+$0xFFFFFFF0] =	vst v41;
	v43 =	vpop (erf)  }
0x13a: {  	v29 =	vadd.f32 v31, v29;
	v31 =	vmul.f32 $2.000000030e-01, v28;
	v44 =	vmul.f32 $2.000000030e-01, v30;
	[tilespmem:v17+s0+$0x0] =	vst.idx.msk $0xffff, v41;
	v24 =	vpop (erf)  }
0x13b: {  	vm0 =	vge.f32 v28, $0.0e+00;
	v33 =	vmul.u32 $0x50, v33;
	vm1 =	vge.f32 v30, $0.0e+00;
	v17 =	vmovc v22;
	v38 =	vld.idx.msk [tilespmem:v38+s12+$0x0], $0xffff;
	[tilespmem:v16+s0+$0x0] =	vst.idx.msk $0xffff, v41  }
0x13c: {  	vm2 =	vge.f32 v29, $0.0e+00;
	v22 =	vmul.f32 $2.000000030e-01, v29;
	v41 =	vmul.u32 $0x50, v19;
	v19 =	vmovc v34;
	v16 =	vmovc v21;
	v37 =	vld.idx.msk [tilespmem:v37+s13+$0x0], $0xffff;
	[tilespmem:s1+$0x0] =	vst v43  }
0x13d: {  	v36 =	vmul.u32 $0x50, v36;
	v21 =	vsel vm0, v28, v31;
	v28 =	vsel vm1, v30, v44;
	v34 =	vld.idx.msk [tilespmem:v39+s12+$0x0], $0xffff;
	[tilespmem:s1+$0xFFFFFFE0] =	vst v24  }
0x13e: {  	v22 =	vsel vm2, v29, v22;
	v21 =	vsub.f32 v21, v11;
	v44 =	vadd.s32 v5, v41;
	v39 =	vld.idx.msk [tilespmem:v32+s13+$0x0], $0xffff  }
0x13f: {  	v28 =	vsub.f32 v28, v11;
	v31 =	vsub.f32 v22, v11;
	v30 =	vld.idx.msk [tilespmem:v40+s12+$0x0], $0xffff;
	v40 =	vadd.s32 v6, v41  }
0x140: {  	v23 =	vmul.u32 $0x50, v23;
	v22 =	vadd.s32 v5, v33;
	v32 =	vld.idx.msk [tilespmem:v25+s13+$0x0], $0xffff;
	v25 =	vmul.f32 $1.442695020e+00, v21;
	[tilespmem:v18+s0+$0x0] =	vst.idx.msk $0xffff, v43  }
.Ltmp3:
0x141: {  	s1 =	sadd.s32 $0x40, s1;
	v28 =	vmul.f32 $1.442695020e+00, v28;
	v45 =	vmul.f32 $1.442695020e+00, v31;
	v21 =	vadd.s32 v6, v33;
	v29 =	vld.idx.msk [tilespmem:v42+s12+$0x0], $0xffff;
	v41 =	vpop (erf);
	[tilespmem:v26+s0+$0x0] =	vst.idx.msk $0xffff, v43;
	(pc) =	sbr.rel @p0 .LBB2_5-.Ltmp3, $4  }
0x142: {  	v42 =	vadd.s32 v5, v36;
	v33 =	vadd.f32 v37, v38;
	v31 =	vld.idx.msk [tilespmem:v27+s13+$0x0], $0xffff;
	[tilespmem:s1+$0x10] =	vst v41;
	(erf) = vpow2.f32 v25  }
0x143: {  	v26 =	vadd.s32 v5, v23;
	v25 =	vadd.s32 v6, v36;
	[tilespmem:v44+s0+$0x0] =	vst.idx.msk $0xffff, v41;
	(erf) = vpow2.f32 v28  }
0x144: {  	v18 =	vmovc v20;
	v28 =	vadd.f32 v39, v34;
	v34 =	vmul.f32 $2.000000030e-01, v33;
	[tilespmem:v40+s0+$0x0] =	vst.idx.msk $0xffff, v41;
	(erf) = vpow2.f32 v45  }
0x145: {  	s14 =	sadd.s32 $0x8, s14;
	v27 =	vadd.s32 v6, v23;
	v20 =	vmovc v42;
	vm0 =	vge.f32 v33, $0.0e+00;
	[tilespmem:v13+s0+$0x0] =	vst.idx.msk $0xffff, v24;
	v13 =	vmov v35  }
0x146: {  	v23 =	vsel vm0, v33, v34  }
0x147: {  	v23 =	vsub.f32 v23, v11;
	_ =	sdelay $0x1  }
0x148: {  	v23 =	vmul.f32 $1.442695020e+00, v23  }
0x149: {  	v62 =	vmul.f32 $2.000000030e-01, v28;
	v30 =	vadd.f32 v32, v30  }
0x14a: {  	vm14 =	vge.f32 v28, $0.0e+00;
	(erf) = vpow2.f32 v23;
	v23 =	vadd.f32 v31, v29  }
0x14b: {  	v28 =	vsel vm14, v28, v62  }
0x14c: {  	[tilespmem:v12+s0+$0x0] =	vst.idx.msk $0xffff, v24;
	v63 =	vmul.f32 $2.000000030e-01, v30;
	v28 =	vsub.f32 v28, v11;
	v24 =	vmul.f32 $2.000000030e-01, v23  }
0x14d: {  	vm15 =	vge.f32 v30, $0.0e+00;
	v12 =	vpop (erf)  }
0x14e: {  	v29 =	vsel vm15, v30, v63;
	v28 =	vmul.f32 $1.442695020e+00, v28;
	[tilespmem:s1+$0xFFFFFFF0] =	vst v12;
	vm1 =	vge.f32 v23, $0.0e+00  }
0x14f: {  	[tilespmem:v17+s0+$0x0] =	vst.idx.msk $0xffff, v12;
	v17 =	vmul.u32 $0x50, v19;
	v19 =	vsel vm1, v23, v24;
	v23 =	vsub.f32 v29, v11  }
0x150: {  	[tilespmem:v16+s0+$0x0] =	vst.idx.msk $0xffff, v12;
	v11 =	vsub.f32 v19, v11;
	v24 =	vpop (erf);
	(erf) = vpow2.f32 v28  }
0x151: {  	v19 =	vmul.f32 $1.442695020e+00, v23;
	v12 =	vpop (erf);
	[tilespmem:s1+$0x0] =	vst v24  }
0x152: {  	v11 =	vmul.f32 $1.442695020e+00, v11;
	[tilespmem:s1+$0xFFFFFFE0] =	vst v12  }
0x153: {  	v16 =	vadd.s32 v5, v17;
	[tilespmem:v18+s0+$0x0] =	vst.idx.msk $0xffff, v24;
	(erf) = vpow2.f32 v19  }
0x154: {  	v17 =	vadd.s32 v6, v17;
	[tilespmem:v14+s0+$0x0] =	vst.idx.msk $0xffff, v24;
	(erf) = vpow2.f32 v11  }
0x155: {  	s28 =	sadd.s32 $0x40, s1;
	v18 =	vpop (erf);
	[tilespmem:v13+s0+$0x0] =	vst.idx.msk $0xffff, v12  }
0x156: {  	[tilespmem:s28+$0x10] =	vst v18  }
0x157: {  	s2 =	simm.s32 $0x8;
	[tilespmem:v15+s0+$0x0] =	vst.idx.msk $0xffff, v12  }
0x158: {  	v12 =	vmov s2;
	[tilespmem:v16+s0+$0x0] =	vst.idx.msk $0xffff, v18  }
0x159: {  	v12 =	vshrl.u32 v12, $0x3;
	[tilespmem:v17+s0+$0x0] =	vst.idx.msk $0xffff, v18;
	v11 =	vpop (erf)  }
0x15a: {  	s29 =	simm.s32 $0x0;
	v12 =	vshll.u32 v12, v7;
	[tilespmem:s28+$0xFFFFFFF0] =	vst v11  }
0x15b: {  	v13 =	vmov s29;
	[tilespmem:v22+s0+$0x0] =	vst.idx.msk $0xffff, v11  }
0x15c: {  	v13 =	vshrl.u32 v13, $0x3;
	v14 =	vpop (erf);
	[tilespmem:v21+s0+$0x0] =	vst.idx.msk $0xffff, v11  }
0x15d: {  	v13 =	vshll.u32 v13, v7;
	v11 =	vbroadcast v12, $0x0;
	v12 =	vpop (erf);
	[tilespmem:s28+$0x0] =	vst v14  }
0x15e: {  	v13 =	vbroadcast v13, $0x0;
	[tilespmem:s28+$0xFFFFFFE0] =	vst v12  }
0x15f: {  	[tilespmem:v20+s0+$0x0] =	vst.idx.msk $0xffff, v14;
	v15 =	vor.u32 v3, v11  }
0x160: {  	p2 =	por $0x1, $0x1;
	[tilespmem:v25+s0+$0x0] =	vst.idx.msk $0xffff, v14;
	v14 =	vor.u32 v3, v13  }
.Ltmp4:
0x161: {  	[tilespmem:v26+s0+$0x0] =	vst.idx.msk $0xffff, v12;
	(pc) =	sbr.rel @!p2 .LBB2_7-.Ltmp4, $4  }
0x162: {  	s31 =	simm.s32 $0xD5A0;
	[tilespmem:v27+s0+$0x0] =	vst.idx.msk $0xffff, v12  }
0x163: {  	v24 =	vld [tilespmem:s31+$0x0]  }
0x164: {  	s14 =	simm.s32 $0xF5B0;
	v18 =	vor.u32 v10, v13;
	v21 =	vld.idx.msk [tilespmem:v15+s22+$0x0], $0xffff  }
0x165: {  	p0 =	por $0x0, $0x0;
	p1 =	por $0x0, $0x0;
	s1 =	simm.s32 $0x10;
	v22 =	vor.u32 v8, v11;
	v12 =	vor.u32 v9, v13;
	v15 =	vor.u32 v8, v13;
	v20 =	vld.idx.msk [tilespmem:v14+s22+$0x0], $0xffff  }
0x166: {  	_ =	sdelay $0x1  }
0x167: {  	s2 =	simm.s32 $0x18;
	v14 =	vld [tilespmem:s31+$0xFFFFFFC0]  }
0x168: {  	v13 =	vmov s2;
	v16 =	vmul.f32 v24, v21  }
0x169: {  	v17 =	vmov s1;
	v13 =	vshrl.u32 v13, $0x3  }
0x16a: {  	v17 =	vshrl.u32 v17, $0x3;
	v13 =	vshll.u32 v13, v7;
	[tilespmem:s14+$0x0] =	vst v16  }
0x16b: {  	v17 =	vshll.u32 v17, v7;
	v13 =	vbroadcast v13, $0x0;
	v16 =	vld.idx.msk [tilespmem:v22+s22+$0x0], $0xffff  }
0x16c: {  	v14 =	vmul.f32 v14, v20;
	v19 =	vld [tilespmem:s31+$0x10];
	v22 =	vbroadcast v17, $0x0  }
0x16d: {  	v20 =	vor.u32 v3, v13  }
0x16e: {  	[tilespmem:s14+$0xFFFFFFB0] =	vst v14;
	v26 =	vor.u32 v3, v22  }
0x16f: {  	v14 =	vor.u32 v9, v11;
	v25 =	vld.idx.msk [tilespmem:v15+s22+$0x0], $0xffff  }
0x170: {  	s1 =	simm.s32 $0xD620;
	p2 =	por $0x1, $0x1;
	v27 =	vld [tilespmem:s31+$0xFFFFFFD0]  }
.Ltmp5:
0x171: {  	v24 =	vld [tilespmem:s1+$0x0];
	v15 =	vmul.f32 v19, v16;
	(pc) =	sbr.rel @!p2 .LBB2_9-.Ltmp5, $4  }
0x172: {  	v17 =	vor.u32 v9, v22;
	v21 =	vld.idx.msk [tilespmem:v20+s22+$0x0], $0xffff  }
0x173: {  	[tilespmem:s14+$0x10] =	vst v15;
	v20 =	vld.idx.msk [tilespmem:v26+s22+$0x0], $0xffff  }
0x174: {  	v15 =	vor.u32 v8, v22;
	v19 =	vld.idx.msk [tilespmem:v14+s22+$0x0], $0xffff  }
0x175: {  	p0 =	por $0x1, $0x1;
	s2 =	simm.s32 $0x20;
	v25 =	vmul.f32 v27, v25;
	v23 =	vld [tilespmem:s31+$0x20];
	v14 =	vor.u32 v10, v22;
	v22 =	vor.u32 v8, v13  }
0x176: {  	_ =	sdelay $0x2  }
0x177: {  	s3 =	simm.s32 $0x28;
	v16 =	vld [tilespmem:s1+$0xFFFFFFC0];
	[tilespmem:s14+$0xFFFFFFC0] =	vst v25  }
0x178: {  	v25 =	vmov s3;
	v21 =	vmul.f32 v24, v21;
	v24 =	vor.u32 v10, v11;
	v12 =	vld.idx.msk [tilespmem:v12+s22+$0x0], $0xffff  }
0x179: {  	s26 =	simm.s32 $0xF650;
	v11 =	vshrl.u32 v25, $0x3;
	v25 =	vld [tilespmem:s31+$0xFFFFFFE0]  }
0x17a: {  	[tilespmem:s26+$0x0] =	vst v21;
	v19 =	vmul.f32 v23, v19  }
0x17b: {  	v11 =	vshll.u32 v11, v7;
	v21 =	vld.idx.msk [tilespmem:v22+s22+$0x0], $0xffff  }
0x17c: {  	v11 =	vbroadcast v11, $0x0;
	v22 =	vmov s2;
	v16 =	vmul.f32 v16, v20;
	v20 =	vld [tilespmem:s1+$0x10];
	[tilespmem:s14+$0x20] =	vst v19  }
0x17d: {  	v19 =	vshrl.u32 v22, $0x3;
	v23 =	vld.idx.msk [tilespmem:v24+s22+$0x0], $0xffff  }
0x17e: {  	v22 =	vor.u32 v3, v11;
	v19 =	vshll.u32 v19, v7;
	[tilespmem:s26+$0xFFFFFFB0] =	vst v16;
	v12 =	vmul.f32 v25, v12;
	v25 =	vld [tilespmem:s31+$0x30]  }
0x17f: {  	v26 =	vbroadcast v19, $0x0;
	v27 =	vld.idx.msk [tilespmem:v15+s22+$0x0], $0xffff;
	v15 =	vor.u32 v9, v13  }
0x180: {  	s25 =	simm.s32 $0xD6A0;
	v28 =	vld [tilespmem:s1+$0xFFFFFFD0]  }
0x181: {  	p2 =	por $0x1, $0x1;
	v24 =	vld [tilespmem:s25+$0x0];
	[tilespmem:s14+$0xFFFFFFD0] =	vst v12;
	v29 =	vor.u32 v3, v26;
	v12 =	vmul.f32 v20, v21  }
.Ltmp6:
0x182: {  	v16 =	vld.idx.msk [tilespmem:v18+s22+$0x0], $0xffff;
	(pc) =	sbr.rel @!p2 .LBB2_11-.Ltmp6, $4  }
0x183: {  	v21 =	vld.idx.msk [tilespmem:v22+s22+$0x0], $0xffff;
	[tilespmem:s26+$0x10] =	vst v12  }
0x184: {  	v20 =	vmul.f32 v25, v23;
	v19 =	vld.idx.msk [tilespmem:v15+s22+$0x0], $0xffff  }
0x185: {  	s10 =	simm.s32 $0x4;
	p1 =	por $0x1, $0x1;
	v18 =	vor.u32 v10, v26;
	v22 =	vor.u32 v8, v11;
	v23 =	vld [tilespmem:s1+$0x20];
	v25 =	vmul.f32 v28, v27  }
0x186: {  	s15 =	simm.s32 $0xF5B0;
	s3 =	simm.s32 $0x30;
	s2 =	simm.s32 $0xF650;
	v12 =	vor.u32 v9, v26;
	v15 =	vor.u32 v8, v26;
	[tilespmem:s14+$0x30] =	vst v20;
	v20 =	vld.idx.msk [tilespmem:v29+s22+$0x0], $0xffff  }
.LBB2_12:
0x187: {  	v26 =	vmov s3;
	s8 =	sadd.s32 $0x8, s3;
	s10 =	sadd.s32 $0x2, s10;
	v27 =	vld [tilespmem:s25+$0xFFFFFFC0];
	[tilespmem:s26+$0xFFFFFFC0] =	vst v25  }
0x188: {  	v28 =	vor.u32 v10, v13;
	v13 =	vmovc v11;
	v25 =	vmov s8;
	p2 =	slt.u32 s10, $0x3E;
	v21 =	vmul.f32 v24, v21;
	v24 =	vld.idx.msk [tilespmem:v17+s22+$0x0], $0xffff;
	v17 =	vmovc v12  }
0x189: {  	s26 =	sadd.s32 $0xA0, s26;
	v11 =	vshrl.u32 v26, $0x3;
	v12 =	vshrl.u32 v25, $0x3;
	v25 =	vld [tilespmem:s1+$0xFFFFFFE0]  }
0x18a: {  	v11 =	vshll.u32 v11, v7;
	v12 =	vshll.u32 v12, v7;
	[tilespmem:s26+$0x0] =	vst v21;
	v19 =	vmul.f32 v23, v19;
	v21 =	vld [tilespmem:s31+$0xFFFFFFF0];
	s31 =	smov.u32 s1;
	s1 =	smov.u32 s25  }
0x18b: {  	v23 =	vbroadcast v11, $0x0;
	v11 =	vbroadcast v12, $0x0;
	v22 =	vld.idx.msk [tilespmem:v22+s22+$0x0], $0xffff  }
0x18c: {  	v20 =	vmul.f32 v27, v20;
	v26 =	vld [tilespmem:s25+$0x10];
	[tilespmem:s2+$0x20] =	vst v19  }
0x18d: {  	v27 =	vor.u32 v3, v23;
	v19 =	vor.u32 v8, v23;
	v29 =	vor.u32 v3, v11;
	v28 =	vld.idx.msk [tilespmem:v28+s22+$0x0], $0xffff  }
0x18e: {  	v12 =	vor.u32 v9, v23;
	v23 =	vor.u32 v10, v23;
	[tilespmem:s26+$0xFFFFFFB0] =	vst v20;
	v20 =	vmul.f32 v25, v24;
	v25 =	vld [tilespmem:s31+$0x30]  }
0x18f: {  	v31 =	vor.u32 v9, v13;
	v30 =	vld.idx.msk [tilespmem:v15+s22+$0x0], $0xffff;
	v21 =	vmul.f32 v21, v16;
	v15 =	vmov v19  }
0x190: {  	v32 =	vld [tilespmem:s25+$0xFFFFFFD0];
	[tilespmem:s2+$0xFFFFFFD0] =	vst v20  }
0x191: {  	v19 =	vmul.f32 v26, v22;
	v16 =	vld.idx.msk [tilespmem:v14+s22+$0x0], $0xffff;
	[tilespmem:s15+$0xFFFFFFE0] =	vst v21;
	v14 =	vmov v18;
	v18 =	vmov v23;
	s15 =	smov.u32 s2;
	s2 =	smov.u32 s26  }
.Ltmp7:
0x192: {  	s25 =	sadd.s32 $0x80, s25;
	v21 =	vld.idx.msk [tilespmem:v29+s22+$0x0], $0xffff;
	(pc) =	sbr.rel @p2 .LBB2_12-.Ltmp7, $4  }
0x193: {  	v24 =	vld [tilespmem:s25+$0x0];
	[tilespmem:s26+$0x10] =	vst v19;
	v20 =	vmul.f32 v25, v28  }
0x194: {  	v19 =	vld.idx.msk [tilespmem:v31+s22+$0x0], $0xffff  }
0x195: {  	v25 =	vmul.f32 v32, v30;
	v23 =	vld [tilespmem:s1+$0x20];
	[tilespmem:s15+$0x30] =	vst v20  }
0x196: {  	s3 =	sadd.s32 $0x10, s3;
	v22 =	vor.u32 v8, v11;
	v20 =	vld.idx.msk [tilespmem:v27+s22+$0x0], $0xffff  }
0x197: {  	v28 =	vmov v17;
	v27 =	vmov v13;
	v26 =	vmov v14  }
.LBB2_14:
0x198: {  	v13 =	vld [tilespmem:s25+$0xFFFFFFC0];
	_ =	sdelay $0x2  }
0x199: {  	v14 =	vmul.f32 v24, v21;
	s3 =	sadd.s32 @p0 $0xA0, s26  }
0x19a: {  	s14 =	smov.u32 @p0 s3  }
0x19b: {  	[tilespmem:s14+$0x0] =	vst v14;
	v13 =	vmul.f32 v13, v20  }
0x19c: {  	v14 =	vld.idx.msk [tilespmem:v22+s22+$0x0], $0xffff  }
0x19d: {  	v17 =	vld [tilespmem:s25+$0x10];
	[tilespmem:s14+$0xFFFFFFB0] =	vst v13  }
0x19e: {  	v13 =	vld.idx.msk [tilespmem:v15+s22+$0x0], $0xffff  }
0x19f: {  	v15 =	vld [tilespmem:s25+$0xFFFFFFD0]  }
0x1a0: {  	v20 =	vor.u32 v9, v11  }
0x1a1: {  	[tilespmem:s26+$0xFFFFFFC0] =	vst @p0 v25  }
0x1a2: {  	v21 =	vld @p0 [tilespmem:s1+$0xFFFFFFE0];
	v14 =	vmul.f32 v17, v14  }
0x1a3: {  	v17 =	vld.idx.msk @p0 [tilespmem:v28+s22+$0x0], $0xffff  }
0x1a4: {  	[tilespmem:s14+$0x10] =	vst v14;
	v13 =	vmul.f32 v15, v13  }
0x1a5: {  	v14 =	vld.idx.msk [tilespmem:v20+s22+$0x0], $0xffff  }
0x1a6: {  	v19 =	vmul.f32 @p0 v23, v19;
	v15 =	vld [tilespmem:s25+$0x20];
	[tilespmem:s14+$0xFFFFFFC0] =	vst v13  }
0x1a7: {  	v12 =	vld.idx.msk [tilespmem:v12+s22+$0x0], $0xffff  }
0x1a8: {  	[tilespmem:s2+$0x20] =	vst @p0 v19;
	v17 =	vmul.f32 @p0 v21, v17;
	v13 =	vor.u32 @p0 v10, v27;
	v20 =	vld [tilespmem:s25+$0xFFFFFFE0]  }
0x1a9: {  	v19 =	vld @p0 [tilespmem:s1+$0x30]  }
0x1aa: {  	s1 =	smov.u32 @p0 s1;
	v11 =	vor.u32 v10, v11;
	v21 =	vld @p1 [tilespmem:s31+$0xFFFFFFF0];
	[tilespmem:s2+$0xFFFFFFD0] =	vst @p0 v17  }
0x1ab: {  	v17 =	vld @p0 [tilespmem:s1+$0xFFFFFFF0];
	v14 =	vmul.f32 v15, v14  }
0x1ac: {  	v15 =	vld.idx.msk @p0 [tilespmem:v26+s22+$0x0], $0xffff  }
0x1ad: {  	v13 =	vld.idx.msk @p0 [tilespmem:v13+s22+$0x0], $0xffff;
	[tilespmem:s14+$0x20] =	vst v14;
	v12 =	vmul.f32 v20, v12  }
0x1ae: {  	v14 =	vld [tilespmem:s25+$0x30]  }
0x1af: {  	v11 =	vld.idx.msk [tilespmem:v11+s22+$0x0], $0xffff;
	[tilespmem:s14+$0xFFFFFFD0] =	vst v12  }
0x1b0: {  	v12 =	vld [tilespmem:s25+$0xFFFFFFF0]  }
0x1b1: {  	v18 =	vld.idx.msk [tilespmem:v18+s22+$0x0], $0xffff  }
0x1b2: {  	v16 =	vmul.f32 @p1 v21, v16  }
0x1b3: {  	v15 =	vpsel p0, v15, v0;
	v13 =	vmul.f32 @p0 v19, v13  }
0x1b4: {  	s1 =	smov.u32 @p0 s2;
	[tilespmem:s15+$0xFFFFFFE0] =	vst @p1 v16;
	v15 =	vmul.f32 @p0 v17, v15  }
0x1b5: {  	v11 =	vmul.f32 v14, v11;
	[tilespmem:s1+$0x30] =	vst @p0 v13;
	s1 =	smov.u32 @p0 s1  }
0x1b6: {  	[tilespmem:s1+$0xFFFFFFE0] =	vst @p0 v15;
	v12 =	vmul.f32 v12, v18  }
0x1b7: {  	[tilespmem:s14+$0x30] =	vst v11  }
0x1b8: {  	[tilespmem:s14+$0xFFFFFFE0] =	vst v12;
	s14 =	simm.s32 $0xC4A0  }
0x1b9: {  	[spmem:s17] =	stream.indirect.scatter.add.f32 [tilespmem:s0], [sflag:$0x5], $0x50, s14, s30, $0xb8;
	[tilespmem:$0x11F70] =	vst v63  }
0x1ba: {  	_ =	swait.ge [sflag:s24], $0x400  }
0x1bb: {  	[sflag:s24] =	ssyncset.done $0x0  }
0x1bc: {  	[sflag:s24] =	ssyncadd.s32 $0xFFFFFC00  }
0x1bd: {  	_ =	swait.ge [sflag:s24], $0x400  }
0x1be: {  	[sflag:s24] =	ssyncset.done $0x0  }
0x1bf: {  	[sflag:s24] =	ssyncadd.s32 $0xFFFFFC00  }
0x1c0: {  	_ =	swait.ge [sflag:s24], $0x1000  }
0x1c1: {  	[sflag:s24] =	ssyncset.done $0x0  }
0x1c2: {  	s15 =	simm.s32 $0x6;
	[sflag:s24] =	ssyncadd.s32 $0xFFFFF000  }
0x1c3: {  	_ =	swait.ge [sflag:s15], $0x1400  }
0x1c4: {  	[sflag:s15] =	ssyncset.done $0x0  }
0x1c5: {  	[sflag:s15] =	ssyncadd.s32 $0xFFFFEC00  }
0x1c6: {  	v11 =	vld [tilespmem:$0xC460]  }
0x1c7: {  	v12 =	vld [tilespmem:$0xC470]  }
0x1c8: {  	v13 =	vld [tilespmem:$0xC480]  }
0x1c9: {  	v14 =	vld [tilespmem:$0xC490];
	_ =	sdelay $0x1  }
0x1ca: {  	[tilespmem:$0xC4E0] =	vst v11  }
0x1cb: {  	[tilespmem:$0xC4F0] =	vst v12  }
0x1cc: {  	[tilespmem:$0xC500] =	vst v13  }
0x1cd: {  	[tilespmem:$0xC510] =	vst v14  }
0x1ce: {  	_ =	swait.ge [sflag:s11], $0x40  }
0x1cf: {  	[sflag:s11] =	ssyncset.done $0x0  }
0x1d0: {  	[sflag:s11] =	ssyncadd.s32 $0xFFFFFFC0  }
0x1d1: {  	s26 =	simm.s32 $0xC420;
	s10 =	simm.s32 $0x2;
	_ =	swait.ge [sflag:s11], $0x40  }
0x1d2: {  	s2 =	smin.u32 s23, $0x9E;
	s25 =	simm.s32 $0xC3A0;
	[sflag:s11] =	ssyncset.done $0x0  }
0x1d3: {  	s1 =	sshll.u32 s2, $0x6;
	s8 =	rddreg [dreg:$0x16];
	[sflag:s11] =	ssyncadd.s32 $0xFFFFFFC0  }
0x1d4: {  	[tilespmem:s12], [sflag:$0x1] =	stream.indirect.gather [hbm4b:s7+s30], $0x10, s25, s30, $0xb8;
	[tilespmem:$0x11F70] =	vst v63  }
0x1d5: {  	s3 =	simm.s32 $0x6;
	s14 =	rddreg [dreg:$0x19];
	s1 =	sadd.s32 s1, s8  }
0x1d6: {  	v13 =	vor.u32 s3, v3;
	[tilespmem:s13], [sflag:$0x1] =	stream.indirect.gather [hbm4b:s7+s30], $0x10, s26, s30, $0xb8;
	[tilespmem:$0x11F70] =	vst v63  }
0x1d7: {  	s31 =	simm.s32 $0xD560;
	v11 =	vshll.u32 v13, $0x4;
	s1 =	sshrl.u32 s1, $0x3;
	s26 =	rddreg [dreg:$0x1]  }
0x1d8: {  	v12 =	vor.u32 s10, v3;
	v14 =	vor.u32 v2, v11;
	[tilespmem:s31], [sflag:$0x1] =	stream.indirect.gather [hbm4b:s26+s30], $0x40, s25, s30, $0xb8;
	[tilespmem:$0x11F70] =	vst v63  }
0x1d9: {  	s15 =	simm.s32 $0x4;
	v15 =	vshll.u32 v12, $0x4;
	v11 =	vor.u32 v4, v11;
	s2 =	sadd.s32 s14, s1  }
0x1da: {  	v16 =	vor.u32 s15, v3;
	v17 =	vor.u32 v2, v15;
	[tilespmem:s4], [sflag:$0x4] =	stream.linear.gather [hbm4b:s2+s29], $0x40, $0x38;
	[tilespmem:$0x11F70] =	vst v63  }
0x1db: {  	s23 =	simm.s32 $0xC460;
	v18 =	vshll.u32 v16, $0x4;
	v15 =	vor.u32 v4, v15;
	s1 =	sadd.s32 s6, s1  }
0x1dc: {  	v19 =	vor.u32 v2, v18;
	[tilespmem:s23], [sflag:$0x4] =	stream.linear.gather [hbm4b:s1+s29], $0x40, $0x38;
	[tilespmem:$0x11F70] =	vst v63  }
0x1dd: {  	v18 =	vor.u32 v4, v18;
	v14 =	vld.idx.msk [tilespmem:v14+s19+$0x0], $0xffff  }
0x1de: {  	v12 =	vmul.u32 $0x50, v12;
	v20 =	vld.idx.msk [tilespmem:v11+s20+$0x0], $0xffff  }
0x1df: {  	v13 =	vmul.u32 $0x50, v13;
	v17 =	vld.idx.msk [tilespmem:v17+s19+$0x0], $0xffff  }
0x1e0: {  	v16 =	vmul.u32 $0x50, v16;
	v26 =	vadd.s32 v5, v12;
	v27 =	vadd.s32 v6, v12;
	s14 =	simm.s32 $0x12;
	v15 =	vld.idx.msk [tilespmem:v15+s20+$0x0], $0xffff  }
0x1e1: {  	v48 =	vadd.s32 v6, v13;
	v50 =	vor.u32 s14, v3;
	v11 =	vor.u32 s29, v3;
	v19 =	vld.idx.msk [tilespmem:v19+s19+$0x0], $0xffff  }
0x1e2: {  	v52 =	vshll.u32 v50, $0x4;
	v18 =	vld.idx.msk [tilespmem:v18+s20+$0x0], $0xffff;
	v21 =	vshll.u32 v11, $0x4;
	v24 =	vmul.u32 $0x50, v11  }
0x1e3: {  	s8 =	simm.s32 $0xE;
	v53 =	vor.u32 v2, v52;
	v22 =	vor.u32 v2, v21;
	v25 =	vor.u32 v4, v21  }
0x1e4: {  	v23 =	vadd.s32 v5, v24;
	v12 =	vadd.s32 v6, v24;
	v24 =	vor.u32 s8, v3  }
0x1e5: {  	v21 =	vadd.s32 v5, v16;
	v29 =	vshll.u32 v24, $0x4;
	v59 =	vmul.u32 $0x50, v24  }
0x1e6: {  	s23 =	simm.s32 $0x8;
	v11 =	vld [tilespmem:$0x11F60];
	v14 =	vadd.f32 v20, v14;
	v20 =	vadd.s32 v6, v16;
	v15 =	vadd.f32 v15, v17  }
0x1e7: {  	v17 =	vor.u32 s23, v3;
	v18 =	vadd.f32 v18, v19;
	v31 =	vor.u32 v2, v29  }
0x1e8: {  	v29 =	vor.u32 v4, v29;
	v32 =	vshll.u32 v17, $0x4;
	v16 =	vmul.f32 $2.000000030e-01, v14;
	v22 =	vld.idx.msk [tilespmem:v22+s19+$0x0], $0xffff  }
0x1e9: {  	s31 =	simm.s32 $0xC;
	v49 =	vmul.u32 $0x50, v17;
	v61 =	vadd.s32 v6, v59;
	vm0 =	vge.f32 v14, $0.0e+00;
	v19 =	vld.idx.msk [tilespmem:v25+s20+$0x0], $0xffff  }
0x1ea: {  	v25 =	vor.u32 s31, v3;
	v35 =	vor.u32 v2, v32;
	v14 =	vsel vm0, v14, v16  }
0x1eb: {  	s25 =	simm.s32 $0xA;
	v32 =	vor.u32 v4, v32;
	vm1 =	vge.f32 v18, $0.0e+00;
	v14 =	vsub.f32 v14, v11  }
0x1ec: {  	v30 =	vshll.u32 v25, $0x4;
	v25 =	vmul.u32 $0x50, v25;
	v16 =	vor.u32 s25, v3  }
0x1ed: {  	v34 =	vor.u32 v2, v30;
	v28 =	vshll.u32 v16, $0x4;
	v14 =	vmul.f32 $1.442695020e+00, v14  }
0x1ee: {  	vm0 =	vge.f32 v15, $0.0e+00;
	v31 =	vld.idx.msk [tilespmem:v31+s19+$0x0], $0xffff;
	v33 =	vor.u32 v2, v28;
	v19 =	vadd.f32 v19, v22  }
0x1ef: {  	v29 =	vld.idx.msk [tilespmem:v29+s20+$0x0], $0xffff;
	v28 =	vor.u32 v4, v28;
	v22 =	vmul.f32 $2.000000030e-01, v15;
	(erf) = vpow2.f32 v14  }
0x1f0: {  	s31 =	simm.s32 $0x14;
	v14 =	vor.u32 v4, v30;
	v30 =	vmul.f32 $2.000000030e-01, v18;
	v36 =	vmul.f32 $2.000000030e-01, v19  }
0x1f1: {  	v38 =	vor.u32 s31, v3;
	vm2 =	vge.f32 v19, $0.0e+00;
	v15 =	vsel vm0, v15, v22  }
0x1f2: {  	v15 =	vsub.f32 v15, v11;
	v18 =	vsel vm1, v18, v30;
	v19 =	vsel vm2, v19, v36  }
0x1f3: {  	v16 =	vmul.u32 $0x50, v16;
	v22 =	vld.idx.msk [tilespmem:v33+s19+$0x0], $0xffff;
	v19 =	vsub.f32 v19, v11;
	v18 =	vsub.f32 v18, v11  }
0x1f4: {  	v29 =	vadd.f32 v29, v31;
	v30 =	vadd.s32 v5, v13;
	v28 =	vld.idx.msk [tilespmem:v28+s20+$0x0], $0xffff;
	v13 =	vmul.f32 $1.442695020e+00, v15  }
0x1f5: {  	v17 =	vadd.s32 v5, v16;
	v34 =	vld.idx.msk [tilespmem:v34+s19+$0x0], $0xffff;
	v15 =	vmul.f32 $1.442695020e+00, v19;
	v19 =	vmul.f32 $1.442695020e+00, v18  }
0x1f6: {  	v16 =	vadd.s32 v6, v16;
	vm0 =	vge.f32 v29, $0.0e+00;
	v31 =	vld.idx.msk [tilespmem:v14+s20+$0x0], $0xffff;
	(erf) = vpow2.f32 v13  }
0x1f7: {  	s10 =	simm.s32 $0x10;
	v18 =	vadd.s32 v5, v25;
	(erf) = vpow2.f32 v19;
	v19 =	vmul.f32 $2.000000030e-01, v29  }
0x1f8: {  	v13 =	vadd.s32 v5, v49;
	v14 =	vadd.s32 v6, v25;
	v25 =	vor.u32 s10, v3  }
0x1f9: {  	s15 =	simm.s32 $0x16;
	v32 =	vld.idx.msk [tilespmem:v32+s20+$0x0], $0xffff;
	v40 =	vshll.u32 v25, $0x4;
	v22 =	vadd.f32 v28, v22;
	v28 =	vsel vm0, v29, v19  }
0x1fa: {  	(erf) = vpow2.f32 v15;
	v29 =	vld.idx.msk [tilespmem:v35+s19+$0x0], $0xffff;
	v19 =	vor.u32 s15, v3;
	v28 =	vsub.f32 v28, v11  }
0x1fb: {  	v31 =	vadd.f32 v31, v34;
	v37 =	vshll.u32 v19, $0x4;
	v34 =	vor.u32 v4, v52  }
0x1fc: {  	s25 =	simm.s32 $0x11D80;
	v41 =	vor.u32 v2, v40;
	v51 =	vpop (erf);
	v39 =	vor.u32 v2, v37;
	v28 =	vmul.f32 $1.442695020e+00, v28  }
0x1fd: {  	v40 =	vor.u32 v4, v40;
	v15 =	vadd.s32 v6, v49;
	[tilespmem:s25+$0x10] =	vst v51;
	v37 =	vor.u32 v4, v37  }
0x1fe: {  	v43 =	vld.idx.msk [tilespmem:v53+s19+$0x0], $0xffff;
	vm0 =	vge.f32 v22, $0.0e+00;
	[tilespmem:v30+s5+$0x0] =	vst.idx.msk $0xffff, v51;
	v30 =	vshll.u32 v38, $0x4;
	(erf) = vpow2.f32 v28  }
0x1ff: {  	[tilespmem:v48+s5+$0x0] =	vst.idx.msk $0xffff, v51;
	v42 =	vor.u32 v4, v30;
	v55 =	vmul.f32 $2.000000030e-01, v31;
	v54 =	vpop (erf);
	v29 =	vadd.f32 v32, v29  }
0x200: {  	vm1 =	vge.f32 v31, $0.0e+00;
	v28 =	vor.u32 v2, v30;
	v30 =	vmul.f32 $2.000000030e-01, v22;
	[tilespmem:s25+$0xFFFFFFF0] =	vst v54;
	v34 =	vld.idx.msk [tilespmem:v34+s20+$0x0], $0xffff  }
0x201: {  	[tilespmem:v26+s5+$0x0] =	vst.idx.msk $0xffff, v54;
	v26 =	vmul.u32 $0x50, v50;
	v56 =	vld.idx.msk [tilespmem:v39+s19+$0x0], $0xffff;
	v58 =	vmul.f32 $2.000000030e-01, v29;
	vm2 =	vge.f32 v29, $0.0e+00  }
0x202: {  	v57 =	vpop (erf);
	v22 =	vsel vm0, v22, v30;
	v30 =	vsel vm1, v31, v55;
	[tilespmem:v27+s5+$0x0] =	vst.idx.msk $0xffff, v54;
	v27 =	vld.idx.msk [tilespmem:v37+s20+$0x0], $0xffff  }
0x203: {  	v31 =	vadd.s32 v5, v59;
	v24 =	vpop (erf);
	[tilespmem:s25+$0x0] =	vst v57;
	v60 =	vsub.f32 v22, v11;
	v62 =	vsub.f32 v30, v11  }
0x204: {  	v63 =	vmul.u32 $0x50, v25;
	v32 =	vld.idx.msk [tilespmem:v42+s20+$0x0], $0xffff;
	[tilespmem:s25+$0xFFFFFFE0] =	vst v24;
	v29 =	vsel vm2, v29, v58;
	v22 =	vadd.s32 v5, v26  }
0x205: {  	[tilespmem:v21+s5+$0x0] =	vst.idx.msk $0xffff, v57;
	v21 =	vadd.s32 v6, v26;
	v29 =	vsub.f32 v29, v11;
	v25 =	vmul.f32 $1.442695020e+00, v60  }
0x206: {  	v38 =	vmul.u32 $0x50, v38;
	v26 =	vadd.s32 v5, v63;
	v30 =	vld.idx.msk [tilespmem:v28+s19+$0x0], $0xffff;
	[tilespmem:v20+s5+$0x0] =	vst.idx.msk $0xffff, v57;
	v28 =	vmul.f32 $1.442695020e+00, v62  }
0x207: {  	s1 =	simm.s32 $0x11DC0;
	[tilespmem:v23+s5+$0x0] =	vst.idx.msk $0xffff, v24;
	v44 =	vmul.f32 $1.442695020e+00, v29;
	(erf) = vpow2.f32 v25;
	v33 =	vadd.f32 v27, v56;
	v45 =	vpop (erf)  }
0x208: {  	v20 =	vadd.s32 v5, v38;
	v25 =	vadd.s32 v6, v38;
	(erf) = vpow2.f32 v28;
	[tilespmem:s1+$0x10] =	vst v45  }
0x209: {  	v29 =	vld.idx.msk [tilespmem:v41+s19+$0x0], $0xffff;
	v28 =	vadd.f32 v34, v43;
	v34 =	vmul.f32 $2.000000030e-01, v33;
	(erf) = vpow2.f32 v44;
	[tilespmem:v31+s5+$0x0] =	vst.idx.msk $0xffff, v45  }
0x20a: {  	s28 =	simm.s32 $0xC3A0;
	s14 =	simm.s32 $0x18;
	s2 =	simm.s32 $0x8;
	v27 =	vadd.s32 v6, v63;
	vm0 =	vge.f32 v33, $0.0e+00;
	v31 =	vld.idx.msk [tilespmem:v40+s20+$0x0], $0xffff;
	[tilespmem:v61+s5+$0x0] =	vst.idx.msk $0xffff, v45  }
.LBB2_15:
0x20b: {  	v23 =	vor.u32 s14, v3;
	s3 =	sadd.s32 $0x2, s14;
	s8 =	sadd.s32 $0x4, s14;
	s10 =	sadd.s32 $0x6, s14;
	v30 =	vadd.f32 v32, v30;
	v32 =	vsel vm0, v33, v34;
	[tilespmem:v12+s5+$0x0] =	vst.idx.msk $0xffff, v24  }
0x20c: {  	v35 =	vmovc v26;
	v26 =	vmovc v14;
	v33 =	vor.u32 s3, v3;
	v34 =	vor.u32 s10, v3;
	v24 =	vsub.f32 v32, v11  }
0x20d: {  	v14 =	vmovc v25;
	v12 =	vmovc v15;
	v36 =	vor.u32 s8, v3;
	v32 =	vshll.u32 v33, $0x4;
	v37 =	vshll.u32 v34, $0x4  }
0x20e: {  	s2 =	sadd.s32 $0x4, s2;
	v15 =	vmovc v27;
	v25 =	vshll.u32 v36, $0x4;
	v38 =	vor.u32 v2, v37;
	v24 =	vmul.f32 $1.442695020e+00, v24  }
0x20f: {  	v27 =	vshll.u32 v23, $0x4;
	p0 =	slt.u32 s2, $0x1C;
	v39 =	vor.u32 v2, v32;
	v37 =	vor.u32 v4, v37  }
0x210: {  	v32 =	vor.u32 v4, v32;
	v40 =	vor.u32 v2, v25;
	(erf) = vpow2.f32 v24;
	v41 =	vpop (erf)  }
0x211: {  	v42 =	vor.u32 v2, v27;
	v27 =	vor.u32 v4, v27;
	v25 =	vor.u32 v4, v25;
	[tilespmem:s1+$0xFFFFFFF0] =	vst v41;
	v43 =	vpop (erf)  }
0x212: {  	v29 =	vadd.f32 v31, v29;
	v31 =	vmul.f32 $2.000000030e-01, v28;
	v44 =	vmul.f32 $2.000000030e-01, v30;
	[tilespmem:v17+s5+$0x0] =	vst.idx.msk $0xffff, v41;
	v24 =	vpop (erf)  }
0x213: {  	vm0 =	vge.f32 v28, $0.0e+00;
	v33 =	vmul.u32 $0x50, v33;
	vm1 =	vge.f32 v30, $0.0e+00;
	v17 =	vmovc v22;
	v38 =	vld.idx.msk [tilespmem:v38+s19+$0x0], $0xffff;
	[tilespmem:v16+s5+$0x0] =	vst.idx.msk $0xffff, v41  }
0x214: {  	vm2 =	vge.f32 v29, $0.0e+00;
	v22 =	vmul.f32 $2.000000030e-01, v29;
	v41 =	vmul.u32 $0x50, v19;
	v19 =	vmovc v34;
	v16 =	vmovc v21;
	v37 =	vld.idx.msk [tilespmem:v37+s20+$0x0], $0xffff;
	[tilespmem:s1+$0x0] =	vst v43  }
0x215: {  	v36 =	vmul.u32 $0x50, v36;
	v21 =	vsel vm0, v28, v31;
	v28 =	vsel vm1, v30, v44;
	v34 =	vld.idx.msk [tilespmem:v39+s19+$0x0], $0xffff;
	[tilespmem:s1+$0xFFFFFFE0] =	vst v24  }
0x216: {  	v22 =	vsel vm2, v29, v22;
	v21 =	vsub.f32 v21, v11;
	v44 =	vadd.s32 v5, v41;
	v39 =	vld.idx.msk [tilespmem:v32+s20+$0x0], $0xffff  }
0x217: {  	v28 =	vsub.f32 v28, v11;
	v31 =	vsub.f32 v22, v11;
	v30 =	vld.idx.msk [tilespmem:v40+s19+$0x0], $0xffff;
	v40 =	vadd.s32 v6, v41  }
0x218: {  	v23 =	vmul.u32 $0x50, v23;
	v22 =	vadd.s32 v5, v33;
	v32 =	vld.idx.msk [tilespmem:v25+s20+$0x0], $0xffff;
	v25 =	vmul.f32 $1.442695020e+00, v21;
	[tilespmem:v18+s5+$0x0] =	vst.idx.msk $0xffff, v43  }
.Ltmp8:
0x219: {  	s1 =	sadd.s32 $0x40, s1;
	v28 =	vmul.f32 $1.442695020e+00, v28;
	v45 =	vmul.f32 $1.442695020e+00, v31;
	v21 =	vadd.s32 v6, v33;
	v29 =	vld.idx.msk [tilespmem:v42+s19+$0x0], $0xffff;
	v41 =	vpop (erf);
	[tilespmem:v26+s5+$0x0] =	vst.idx.msk $0xffff, v43;
	(pc) =	sbr.rel @p0 .LBB2_15-.Ltmp8, $4  }
0x21a: {  	v42 =	vadd.s32 v5, v36;
	v33 =	vadd.f32 v37, v38;
	v31 =	vld.idx.msk [tilespmem:v27+s20+$0x0], $0xffff;
	[tilespmem:s1+$0x10] =	vst v41;
	(erf) = vpow2.f32 v25  }
0x21b: {  	v26 =	vadd.s32 v5, v23;
	v25 =	vadd.s32 v6, v36;
	[tilespmem:v44+s5+$0x0] =	vst.idx.msk $0xffff, v41;
	(erf) = vpow2.f32 v28  }
0x21c: {  	v18 =	vmovc v20;
	v28 =	vadd.f32 v39, v34;
	v34 =	vmul.f32 $2.000000030e-01, v33;
	[tilespmem:v40+s5+$0x0] =	vst.idx.msk $0xffff, v41;
	(erf) = vpow2.f32 v45  }
0x21d: {  	s14 =	sadd.s32 $0x8, s14;
	v27 =	vadd.s32 v6, v23;
	v20 =	vmovc v42;
	vm0 =	vge.f32 v33, $0.0e+00;
	[tilespmem:v13+s5+$0x0] =	vst.idx.msk $0xffff, v24;
	v13 =	vmov v35  }
0x21e: {  	v23 =	vsel vm0, v33, v34  }
0x21f: {  	v23 =	vsub.f32 v23, v11;
	_ =	sdelay $0x1  }
0x220: {  	v60 =	vmul.f32 $2.000000030e-01, v28;
	v23 =	vmul.f32 $1.442695020e+00, v23  }
0x221: {  	v30 =	vadd.f32 v32, v30;
	vm14 =	vge.f32 v28, $0.0e+00  }
0x222: {  	v28 =	vsel vm14, v28, v60;
	(erf) = vpow2.f32 v23;
	v23 =	vadd.f32 v31, v29  }
0x223: {  	v61 =	vmul.f32 $2.000000030e-01, v30;
	v28 =	vsub.f32 v28, v11  }
0x224: {  	[tilespmem:v12+s5+$0x0] =	vst.idx.msk $0xffff, v24;
	vm15 =	vge.f32 v30, $0.0e+00;
	v12 =	vpop (erf);
	v62 =	vmul.f32 $2.000000030e-01, v23  }
0x225: {  	v29 =	vsel vm15, v30, v61;
	v28 =	vmul.f32 $1.442695020e+00, v28;
	[tilespmem:s1+$0xFFFFFFF0] =	vst v12;
	vm1 =	vge.f32 v23, $0.0e+00  }
0x226: {  	v63 =	vpop (erf);
	[tilespmem:v17+s5+$0x0] =	vst.idx.msk $0xffff, v12;
	v17 =	vmul.u32 $0x50, v19;
	v19 =	vsel vm1, v23, v62;
	v23 =	vsub.f32 v29, v11  }
0x227: {  	(erf) = vpow2.f32 v28;
	[tilespmem:s1+$0x0] =	vst v63;
	v11 =	vsub.f32 v19, v11  }
0x228: {  	[tilespmem:v16+s5+$0x0] =	vst.idx.msk $0xffff, v12;
	v19 =	vmul.f32 $1.442695020e+00, v23  }
0x229: {  	v12 =	vpop (erf);
	[tilespmem:v18+s5+$0x0] =	vst.idx.msk $0xffff, v63;
	v11 =	vmul.f32 $1.442695020e+00, v11  }
0x22a: {  	v16 =	vadd.s32 v5, v17;
	[tilespmem:s1+$0xFFFFFFE0] =	vst v12;
	(erf) = vpow2.f32 v19  }
0x22b: {  	v17 =	vadd.s32 v6, v17;
	[tilespmem:v14+s5+$0x0] =	vst.idx.msk $0xffff, v63;
	(erf) = vpow2.f32 v11  }
0x22c: {  	[tilespmem:v13+s5+$0x0] =	vst.idx.msk $0xffff, v12  }
0x22d: {  	s31 =	sadd.s32 $0x40, s1;
	[tilespmem:v15+s5+$0x0] =	vst.idx.msk $0xffff, v12;
	v18 =	vpop (erf)  }
0x22e: {  	[tilespmem:s31+$0x10] =	vst v18  }
0x22f: {  	v12 =	vmov s23;
	[tilespmem:v16+s5+$0x0] =	vst.idx.msk $0xffff, v18  }
0x230: {  	v12 =	vshrl.u32 v12, $0x3;
	v11 =	vpop (erf);
	[tilespmem:v17+s5+$0x0] =	vst.idx.msk $0xffff, v18  }
0x231: {  	v12 =	vshll.u32 v12, v7;
	[tilespmem:s31+$0xFFFFFFF0] =	vst v11  }
0x232: {  	v13 =	vmov s29;
	[tilespmem:v22+s5+$0x0] =	vst.idx.msk $0xffff, v11  }
0x233: {  	v13 =	vshrl.u32 v13, $0x3;
	[tilespmem:v21+s5+$0x0] =	vst.idx.msk $0xffff, v11;
	v11 =	vbroadcast v12, $0x0;
	v14 =	vpop (erf)  }
0x234: {  	v13 =	vshll.u32 v13, v7;
	v12 =	vpop (erf);
	[tilespmem:s31+$0x0] =	vst v14  }
0x235: {  	v13 =	vbroadcast v13, $0x0;
	v15 =	vor.u32 v3, v11;
	[tilespmem:s31+$0xFFFFFFE0] =	vst v12  }
0x236: {  	[tilespmem:v20+s5+$0x0] =	vst.idx.msk $0xffff, v14  }
0x237: {  	p2 =	por $0x1, $0x1;
	[tilespmem:v25+s5+$0x0] =	vst.idx.msk $0xffff, v14;
	v14 =	vor.u32 v3, v13  }
.Ltmp9:
0x238: {  	[tilespmem:v26+s5+$0x0] =	vst.idx.msk $0xffff, v12;
	(pc) =	sbr.rel @!p2 .LBB2_17-.Ltmp9, $4  }
0x239: {  	[tilespmem:v27+s5+$0x0] =	vst.idx.msk $0xffff, v12  }
0x23a: {  	s23 =	simm.s32 $0xE5A0;
	v21 =	vld.idx.msk [tilespmem:v15+s22+$0x0], $0xffff  }
0x23b: {  	s14 =	simm.s32 $0x109B0;
	v18 =	vor.u32 v10, v13;
	v23 =	vld [tilespmem:s23+$0x0]  }
0x23c: {  	p0 =	por $0x0, $0x0;
	p1 =	por $0x0, $0x0;
	s1 =	simm.s32 $0x10;
	v22 =	vor.u32 v8, v11;
	v12 =	vor.u32 v9, v13;
	v15 =	vor.u32 v8, v13;
	v20 =	vld.idx.msk [tilespmem:v14+s22+$0x0], $0xffff  }
0x23d: {  	_ =	sdelay $0x1  }
0x23e: {  	s2 =	simm.s32 $0x18;
	v14 =	vld [tilespmem:s23+$0xFFFFFFC0]  }
0x23f: {  	v13 =	vmov s2;
	v16 =	vmul.f32 v23, v21  }
0x240: {  	v17 =	vmov s1;
	v13 =	vshrl.u32 v13, $0x3  }
0x241: {  	v17 =	vshrl.u32 v17, $0x3;
	v13 =	vshll.u32 v13, v7;
	[tilespmem:s14+$0x0] =	vst v16  }
0x242: {  	v17 =	vshll.u32 v17, v7;
	v13 =	vbroadcast v13, $0x0;
	v16 =	vld.idx.msk [tilespmem:v22+s22+$0x0], $0xffff  }
0x243: {  	v14 =	vmul.f32 v14, v20;
	v19 =	vld [tilespmem:s23+$0x10];
	v22 =	vbroadcast v17, $0x0  }
0x244: {  	v20 =	vor.u32 v3, v13  }
0x245: {  	[tilespmem:s14+$0xFFFFFFB0] =	vst v14;
	v26 =	vor.u32 v3, v22  }
0x246: {  	v14 =	vor.u32 v9, v11;
	v25 =	vld.idx.msk [tilespmem:v15+s22+$0x0], $0xffff  }
0x247: {  	s29 =	simm.s32 $0xE620;
	p2 =	por $0x1, $0x1;
	v27 =	vld [tilespmem:s23+$0xFFFFFFD0]  }
.Ltmp10:
0x248: {  	v23 =	vld [tilespmem:s29+$0x0];
	v15 =	vmul.f32 v19, v16;
	(pc) =	sbr.rel @!p2 .LBB2_19-.Ltmp10, $4  }
0x249: {  	v17 =	vor.u32 v9, v22;
	v21 =	vld.idx.msk [tilespmem:v20+s22+$0x0], $0xffff  }
0x24a: {  	[tilespmem:s14+$0x10] =	vst v15;
	v20 =	vld.idx.msk [tilespmem:v26+s22+$0x0], $0xffff  }
0x24b: {  	v15 =	vor.u32 v8, v22;
	v19 =	vld.idx.msk [tilespmem:v14+s22+$0x0], $0xffff  }
0x24c: {  	s1 =	simm.s32 $0x20;
	p0 =	por $0x1, $0x1;
	v25 =	vmul.f32 v27, v25;
	v24 =	vld [tilespmem:s23+$0x20];
	v14 =	vor.u32 v10, v22;
	v22 =	vor.u32 v8, v13  }
0x24d: {  	_ =	sdelay $0x2  }
0x24e: {  	s2 =	simm.s32 $0x28;
	v16 =	vld [tilespmem:s29+$0xFFFFFFC0];
	[tilespmem:s14+$0xFFFFFFC0] =	vst v25  }
0x24f: {  	v25 =	vmov s2;
	v21 =	vmul.f32 v23, v21;
	v23 =	vor.u32 v10, v11;
	v12 =	vld.idx.msk [tilespmem:v12+s22+$0x0], $0xffff  }
0x250: {  	s25 =	simm.s32 $0x10A50;
	v11 =	vshrl.u32 v25, $0x3;
	v25 =	vld [tilespmem:s23+$0xFFFFFFE0]  }
0x251: {  	[tilespmem:s25+$0x0] =	vst v21;
	v19 =	vmul.f32 v24, v19  }
0x252: {  	v11 =	vshll.u32 v11, v7;
	v21 =	vld.idx.msk [tilespmem:v22+s22+$0x0], $0xffff  }
0x253: {  	v11 =	vbroadcast v11, $0x0;
	v22 =	vmov s1;
	v16 =	vmul.f32 v16, v20;
	v20 =	vld [tilespmem:s29+$0x10];
	[tilespmem:s14+$0x20] =	vst v19  }
0x254: {  	v19 =	vshrl.u32 v22, $0x3;
	v24 =	vld.idx.msk [tilespmem:v23+s22+$0x0], $0xffff  }
0x255: {  	v22 =	vor.u32 v3, v11;
	v19 =	vshll.u32 v19, v7;
	[tilespmem:s25+$0xFFFFFFB0] =	vst v16;
	v12 =	vmul.f32 v25, v12;
	v25 =	vld [tilespmem:s23+$0x30]  }
0x256: {  	v26 =	vbroadcast v19, $0x0;
	v27 =	vld.idx.msk [tilespmem:v15+s22+$0x0], $0xffff;
	v15 =	vor.u32 v9, v13  }
0x257: {  	s1 =	simm.s32 $0xE6A0;
	v28 =	vld [tilespmem:s29+$0xFFFFFFD0]  }
0x258: {  	p2 =	por $0x1, $0x1;
	v23 =	vld [tilespmem:s1+$0x0];
	[tilespmem:s14+$0xFFFFFFD0] =	vst v12;
	v29 =	vor.u32 v3, v26;
	v12 =	vmul.f32 v20, v21  }
.Ltmp11:
0x259: {  	v16 =	vld.idx.msk [tilespmem:v18+s22+$0x0], $0xffff;
	(pc) =	sbr.rel @!p2 .LBB2_21-.Ltmp11, $4  }
0x25a: {  	v21 =	vld.idx.msk [tilespmem:v22+s22+$0x0], $0xffff;
	[tilespmem:s25+$0x10] =	vst v12  }
0x25b: {  	v20 =	vmul.f32 v25, v24;
	v19 =	vld.idx.msk [tilespmem:v15+s22+$0x0], $0xffff  }
0x25c: {  	s10 =	simm.s32 $0x4;
	s3 =	simm.s32 $0x30;
	v18 =	vor.u32 v10, v26;
	v22 =	vor.u32 v8, v11;
	v24 =	vld [tilespmem:s29+$0x20];
	v25 =	vmul.f32 v28, v27  }
0x25d: {  	p1 =	por $0x1, $0x1;
	s15 =	simm.s32 $0x109B0;
	s2 =	simm.s32 $0x10A50;
	v12 =	vor.u32 v9, v26;
	v15 =	vor.u32 v8, v26;
	[tilespmem:s14+$0x30] =	vst v20;
	v20 =	vld.idx.msk [tilespmem:v29+s22+$0x0], $0xffff  }
.LBB2_22:
0x25e: {  	v26 =	vmov s3;
	s8 =	sadd.s32 $0x8, s3;
	s10 =	sadd.s32 $0x2, s10;
	v27 =	vld [tilespmem:s1+$0xFFFFFFC0];
	[tilespmem:s25+$0xFFFFFFC0] =	vst v25  }
0x25f: {  	v28 =	vor.u32 v10, v13;
	v13 =	vmovc v11;
	v25 =	vmov s8;
	p2 =	slt.u32 s10, $0x3E;
	v21 =	vmul.f32 v23, v21;
	v23 =	vld.idx.msk [tilespmem:v17+s22+$0x0], $0xffff;
	v17 =	vmovc v12  }
0x260: {  	s25 =	sadd.s32 $0xA0, s25;
	v11 =	vshrl.u32 v26, $0x3;
	v12 =	vshrl.u32 v25, $0x3;
	v25 =	vld [tilespmem:s29+$0xFFFFFFE0]  }
0x261: {  	v11 =	vshll.u32 v11, v7;
	v12 =	vshll.u32 v12, v7;
	[tilespmem:s25+$0x0] =	vst v21;
	v19 =	vmul.f32 v24, v19;
	v21 =	vld [tilespmem:s23+$0xFFFFFFF0];
	s23 =	smov.u32 s29;
	s29 =	smov.u32 s1  }
0x262: {  	v24 =	vbroadcast v11, $0x0;
	v11 =	vbroadcast v12, $0x0;
	v22 =	vld.idx.msk [tilespmem:v22+s22+$0x0], $0xffff  }
0x263: {  	v20 =	vmul.f32 v27, v20;
	v26 =	vld [tilespmem:s1+$0x10];
	[tilespmem:s2+$0x20] =	vst v19  }
0x264: {  	v27 =	vor.u32 v3, v24;
	v19 =	vor.u32 v8, v24;
	v29 =	vor.u32 v3, v11;
	v28 =	vld.idx.msk [tilespmem:v28+s22+$0x0], $0xffff  }
0x265: {  	v12 =	vor.u32 v9, v24;
	v24 =	vor.u32 v10, v24;
	[tilespmem:s25+$0xFFFFFFB0] =	vst v20;
	v20 =	vmul.f32 v25, v23;
	v25 =	vld [tilespmem:s23+$0x30]  }
0x266: {  	v31 =	vor.u32 v9, v13;
	v30 =	vld.idx.msk [tilespmem:v15+s22+$0x0], $0xffff;
	v21 =	vmul.f32 v21, v16;
	v15 =	vmov v19  }
0x267: {  	v32 =	vld [tilespmem:s1+$0xFFFFFFD0];
	[tilespmem:s2+$0xFFFFFFD0] =	vst v20  }
0x268: {  	v19 =	vmul.f32 v26, v22;
	v16 =	vld.idx.msk [tilespmem:v14+s22+$0x0], $0xffff;
	[tilespmem:s15+$0xFFFFFFE0] =	vst v21;
	v14 =	vmov v18;
	v18 =	vmov v24;
	s15 =	smov.u32 s2;
	s2 =	smov.u32 s25  }
.Ltmp12:
0x269: {  	s1 =	sadd.s32 $0x80, s1;
	v21 =	vld.idx.msk [tilespmem:v29+s22+$0x0], $0xffff;
	(pc) =	sbr.rel @p2 .LBB2_22-.Ltmp12, $4  }
0x26a: {  	v23 =	vld [tilespmem:s1+$0x0];
	[tilespmem:s25+$0x10] =	vst v19;
	v20 =	vmul.f32 v25, v28  }
0x26b: {  	v19 =	vld.idx.msk [tilespmem:v31+s22+$0x0], $0xffff  }
0x26c: {  	v25 =	vmul.f32 v32, v30;
	v24 =	vld [tilespmem:s29+$0x20];
	[tilespmem:s15+$0x30] =	vst v20  }
0x26d: {  	s3 =	sadd.s32 $0x10, s3;
	v22 =	vor.u32 v8, v11;
	v20 =	vld.idx.msk [tilespmem:v27+s22+$0x0], $0xffff  }
0x26e: {  	v27 =	vmov v17;
	v28 =	vmov v13;
	v26 =	vmov v14  }
.LBB2_24:
0x26f: {  	v13 =	vld [tilespmem:s1+$0xFFFFFFC0];
	_ =	sdelay $0x2  }
0x270: {  	v14 =	vmul.f32 v23, v21;
	s3 =	sadd.s32 @p0 $0xA0, s25  }
0x271: {  	s14 =	smov.u32 @p0 s3  }
0x272: {  	[tilespmem:s14+$0x0] =	vst v14;
	v13 =	vmul.f32 v13, v20  }
0x273: {  	v14 =	vld.idx.msk [tilespmem:v22+s22+$0x0], $0xffff  }
0x274: {  	v17 =	vld [tilespmem:s1+$0x10];
	[tilespmem:s14+$0xFFFFFFB0] =	vst v13  }
0x275: {  	v13 =	vld.idx.msk [tilespmem:v15+s22+$0x0], $0xffff  }
0x276: {  	v57 =	vld [tilespmem:s1+$0xFFFFFFD0]  }
0x277: {  	v58 =	vor.u32 v9, v11;
	_ =	sdelay $0x1  }
0x278: {  	[tilespmem:s25+$0xFFFFFFC0] =	vst @p0 v25;
	v14 =	vmul.f32 v17, v14  }
0x279: {  	v21 =	vld @p0 [tilespmem:s29+$0xFFFFFFE0]  }
0x27a: {  	v17 =	vld.idx.msk @p0 [tilespmem:v27+s22+$0x0], $0xffff;
	[tilespmem:s14+$0x10] =	vst v14;
	v13 =	vmul.f32 v57, v13  }
0x27b: {  	v14 =	vor.u32 @p0 v10, v28;
	v59 =	vld.idx.msk [tilespmem:v58+s22+$0x0], $0xffff  }
0x27c: {  	v60 =	vld [tilespmem:s1+$0x20];
	[tilespmem:s14+$0xFFFFFFC0] =	vst v13  }
0x27d: {  	v13 =	vmul.f32 @p0 v24, v19;
	v12 =	vld.idx.msk [tilespmem:v12+s22+$0x0], $0xffff  }
0x27e: {  	v61 =	vld [tilespmem:s1+$0xFFFFFFE0]  }
0x27f: {  	v11 =	vor.u32 v10, v11;
	v22 =	vld @p1 [tilespmem:s23+$0xFFFFFFF0];
	[tilespmem:s2+$0x20] =	vst @p0 v13;
	v13 =	vmul.f32 @p0 v21, v17  }
0x280: {  	s3 =	smov.u32 @p0 s29;
	v14 =	vld.idx.msk @p0 [tilespmem:v14+s22+$0x0], $0xffff  }
0x281: {  	v62 =	vmul.f32 v60, v59;
	v17 =	vld @p0 [tilespmem:s3+$0x30];
	[tilespmem:s2+$0xFFFFFFD0] =	vst @p0 v13  }
0x282: {  	s3 =	smov.u32 @p0 s3;
	v15 =	vld.idx.msk @p0 [tilespmem:v26+s22+$0x0], $0xffff  }
0x283: {  	[tilespmem:s14+$0x20] =	vst v62;
	v20 =	vld @p0 [tilespmem:s3+$0xFFFFFFF0];
	v12 =	vmul.f32 v61, v12  }
0x284: {  	v11 =	vld.idx.msk [tilespmem:v11+s22+$0x0], $0xffff  }
0x285: {  	v13 =	vld [tilespmem:s1+$0x30];
	[tilespmem:s14+$0xFFFFFFD0] =	vst v12  }
0x286: {  	v12 =	vld.idx.msk [tilespmem:v18+s22+$0x0], $0xffff  }
0x287: {  	v14 =	vmul.f32 @p0 v17, v14;
	v63 =	vld [tilespmem:s1+$0xFFFFFFF0];
	v15 =	vpsel p0, v15, v0  }
0x288: {  	s1 =	smov.u32 @p0 s2;
	v15 =	vmul.f32 @p0 v20, v15  }
0x289: {  	s21 =	sadd.s32 $0x1, s21;
	[tilespmem:s1+$0x30] =	vst @p0 v14;
	s1 =	smov.u32 @p0 s1  }
0x28a: {  	v16 =	vmul.f32 @p1 v22, v16;
	[tilespmem:s1+$0xFFFFFFE0] =	vst @p0 v15;
	p0 =	sne.s32 s21, $0x51  }
.Ltmp13:
0x28b: {  	v11 =	vmul.f32 v13, v11;
	(pc) =	sbr.rel @p0 .LBB2_4-.Ltmp13, $4  }
.Ltmp14:
0x28c: {  	[tilespmem:s15+$0xFFFFFFE0] =	vst @p1 v16;
	v12 =	vmul.f32 v63, v12;
	(pc) =	sbr.rel @!p0 .LBB2_25-.Ltmp14, $4  }
0x28d: {  	[tilespmem:s14+$0x30] =	vst v11  }
0x28e: {  	s31 =	simm.s32 $0xC4E0;
	[tilespmem:s14+$0xFFFFFFE0] =	vst v12  }
0x28f: {  	[spmem:s17] =	stream.indirect.scatter.add.f32 [tilespmem:s5], [sflag:$0x6], $0x50, s31, s30, $0xb8;
	[tilespmem:$0x11F70] =	vst v63  }
0x290: {  	_ = 	snop  }
.LBB2_7:
.Ltmp15:
0x291: {  	(pc) =	sbr.rel .LBB2_14-.Ltmp15, $2  }
0x292: {  	_ =	sdelay $0x2  }
0x293: {  	s25 =	simm.s32 $0xD5A0;
	s26 =	simm.s32 $0xF5B0  }
.LBB2_17:
.Ltmp16:
0x294: {  	(pc) =	sbr.rel .LBB2_24-.Ltmp16, $2  }
0x295: {  	_ =	sdelay $0x2  }
0x296: {  	s1 =	simm.s32 $0xE5A0;
	s25 =	simm.s32 $0x109B0  }
.LBB2_9:
.Ltmp17:
0x297: {  	(pc) =	sbr.rel .LBB2_14-.Ltmp17, $3  }
0x298: {  	_ =	sdelay $0x1  }
0x299: {  	s25 =	simm.s32 $0xD620;
	v28 =	vmov v12  }
0x29a: {  	v27 =	vmovc v11;
	v26 =	vmovc v18;
	s26 =	simm.s32 $0xF5B0;
	v11 =	vmov v13;
	v12 =	vmov v17;
	s1 =	simm.s32 $0xD5A0;
	s2 =	simm.s32 $0xF5B0;
	v18 =	vmov v14  }
.LBB2_19:
.Ltmp18:
0x29b: {  	(pc) =	sbr.rel .LBB2_24-.Ltmp18, $3  }
0x29c: {  	_ =	sdelay $0x1  }
0x29d: {  	s1 =	simm.s32 $0xE620;
	v27 =	vmov v12  }
0x29e: {  	v28 =	vmovc v11;
	v26 =	vmovc v18;
	s25 =	simm.s32 $0x109B0;
	v11 =	vmov v13;
	v12 =	vmov v17;
	s29 =	simm.s32 $0xE5A0;
	s2 =	simm.s32 $0x109B0;
	v18 =	vmov v14  }
.LBB2_11:
.Ltmp19:
0x29f: {  	(pc) =	sbr.rel .LBB2_14-.Ltmp19, $2  }
0x2a0: {  	_ =	sdelay $0x2  }
0x2a1: {  	v28 =	vmov v17;
	v27 =	vmov v13;
	s2 =	simm.s32 $0xF650;
	v26 =	vmov v14;
	s15 =	simm.s32 $0xF5B0  }
.LBB2_21:
.Ltmp20:
0x2a2: {  	(pc) =	sbr.rel .LBB2_24-.Ltmp20, $2  }
0x2a3: {  	_ =	sdelay $0x2  }
0x2a4: {  	v27 =	vmov v17;
	v28 =	vmov v13;
	s2 =	simm.s32 $0x10A50;
	v26 =	vmov v14;
	s15 =	simm.s32 $0x109B0  }
.LBB2_26:
0x2a5: {  	_ =	sfence.sel $0x180000  }
0x2a6: {  	[bflag:$0x0] =	sbarrier.arrive $0xFFFF  }
0x2a7: {  	_ =	strace $0x9000004A  }
0x2a8: {  	s0 =	stileid.u32;
	[bflag:$0x2] =	sbarrier.arrive $0xFFFF  }
0x2a9: {  	p0 =	sne.s32 s0, $0x0;
	s0 =	rddreg [dreg:$0x3]  }
0x2aa: {  	s0 =	sadd.s32 @!p0 $0x100000, s0  }
0x2ab: {  	[sflag:s0] =	ssyncadd.tile.s32 @!p0 $0x1;
	_ =	shalt  }
.Lfunc_end2:
_tile_overlayer_lowered:
.L_overlay_start_2:
0x2ac: {  	(tag) =	ssettag $0x2  }
0x2ad: {  	s0 =	rddreg [dreg:$0x0];
	s2 =	stileid.u32  }
0x2ae: {  	s1 =	rddreg [dreg:$0x1];
	p0 =	sne.s32 s2, $0x0  }
0x2af: {  	s3 =	rddreg [dreg:$0x2];
	[bflag:$0x3] =	sbarrier.arrive $0xFFFF;
	s2 =	simm.s32 @!p0 $0x1C07  }
0x2b0: {  	[timem:s3], [sflag:s2] =	dma.local @!p0 [hbm:s0], s1  }
0x2b1: {  	s0 =	simm.s32 @!p0 $0x7  }
0x2b2: {  	_ =	swait.ge @!p0 [sflag:s0], s1  }
0x2b3: {  	s1 =	ssub.s32 @!p0 $0x0, s1;
	[sflag:s0] =	ssyncset.done @!p0 $0x0  }
0x2b4: {  	[sflag:s0] =	ssyncadd.s32 @!p0 s1  }
0x2b5: {  	[bflag:$0x3] =	sbarrier.arrive $0xFFFF  }
0x2b6: {  	_ =	shalt  }

// kernel: kernel.7.cloned.1.call-start
scs
__scs_entry_jumppad:
0x0: {  	(pc) =	sbr.rel $0x88, $3  }
0x1: {  	(tag) =	ssettag $0x0;
	lr =	simm.s32 $0x1  }
0x2: {  	[smem:$0x3F97] =	sst lr;
	_ =	strace $0xD0000000  }
0x3: {  	_ = 	snop  }
0x4: {  	_ = 	snop  }
0x5: {  	_ = 	snop  }
0x6: {  	_ = 	snop  }
0x7: {  	_ = 	snop  }
__scs_overlays_trampoline_lowered:
0x8: {  	[smem:$0x3FA6] =	sst s0  }
0x9: {  	[smem:$0x3FA7] =	sst s1  }
0xa: {  	[smem:$0x3FA8] =	sst s2  }
0xb: {  	[smem:$0x3FA9] =	sst s3  }
0xc: {  	[smem:$0x3FAA] =	sst s4  }
0xd: {  	[smem:$0x3FAB] =	sst s5  }
0xe: {  	[smem:$0x3FAC] =	sst s6  }
0xf: {  	[smem:$0x3FAD] =	sst s7  }
0x10: {  	[smem:$0x3FAE] =	sst s8  }
0x11: {  	[smem:$0x3FAF] =	sst s9;
	s0 =	simm.s32 @!p0 $0x0  }
0x12: {  	s1 =	sld [smem:$0x3F95];
	s0 =	simm.s32 @p0 $0x1  }
0x13: {  	[smem:$0x3FB0] =	sst s0;
	s0 =	simm.s32 @!p1 $0x0  }
0x14: {  	s2 =	sld [smem:$0x3F94];
	s0 =	simm.s32 @p1 $0x1  }
0x15: {  	[smem:$0x3FB1] =	sst s0;
	s0 =	simm.s32 @!p2 $0x0  }
0x16: {  	s3 =	sld [smem:$0x3FDB];
	s0 =	simm.s32 @p2 $0x1  }
0x17: {  	s4 =	simm.s32 $0x1BF5;
	[smem:$0x3FB3] =	sst s0  }
0x18: {  	s0 =	sld [smem:$0x3F96];
	_ =	swait.ge [sflag:s4], $0x0  }
0x19: {  	s7 =	sld [smem:$0x3F97]  }
0x1a: {  	s8 =	sadd.s32 $0xFFFFE003, lr  }
0x1b: {  	s9 =	sadd.s32 $0xFFFFFEF7, lr;
	s5 =	simm.s32 $0xFFFFFFFF;
	p2 =	slt.u32 s8, $0xFFFFF086  }
0x1c: {  	p1 =	slt.u32 s9, $0xF7A;
	s5 =	simm.s32 @!p2 $0x0  }
0x1d: {  	s5 =	simm.s32 @p1 $0x1;
	p0 =	seq.s32 s7, s2  }
0x1e: {  	s7 =	smul.u32 @!p0 $0xF7A, s2;
	p2 =	seq.s32 @!p0 s5, $0x0  }
0x1f: {  	s9 =	smul.u32 $0xF7A, s1;
	s8 =	simm.s32 @!p0 $0x1BF5;
	p2 =	por !p2, p0  }
0x20: {  	[sflag:s8] =	ssyncset.s32 @!p0 $0xFFFFF086;
	s6 =	sadd.s32 @!p0 s3, s7;
	s7 =	simm.s32 @!p0 $0x108  }
0x21: {  	s3 =	sadd.s32 s3, s9;
	s6 =	sadd.s32 @!p0 $0x88, s6;
	s7 =	simm.s32 @p2 $0x1082  }
0x22: {  	[simem:s7], [sflag:s8] =	dma.local @!p0 [hbm:s6], $0xF7A  }
0x23: {  	s9 =	sor.u32 $0xD0000000, s2;
	s6 =	simm.s32 $0x108;
	_ =	swait.ge @!p0 [sflag:s8], $0x0  }
0x24: {  	s3 =	sadd.s32 $0x88, s3;
	s6 =	simm.s32 @!p1 $0x1082;
	[sflag:s4] =	ssyncset.s32 $0xFFFFF086  }
0x25: {  	[simem:s6], [sflag:s4] =	dma.local [hbm:s3], $0xF7A  }
0x26: {  	[smem:$0x3F97] =	sst s1;
	(tag) =	ssettag s2;
	_ =	strace s9  }
0x27: {  	s1 =	sld [smem:$0x3FA7]  }
0x28: {  	s2 =	sld [smem:$0x3FA8]  }
0x29: {  	s4 =	sld [smem:$0x3FAA]  }
0x2a: {  	p0 =	seq.s32 s5, $0x0;
	s5 =	sld [smem:$0x3FAB]  }
0x2b: {  	s6 =	sld [smem:$0x3FAC]  }
0x2c: {  	s7 =	sld [smem:$0x3FAD]  }
0x2d: {  	s3 =	simm.s32 $0x108;
	s8 =	sld [smem:$0x3FAE]  }
0x2e: {  	s3 =	simm.s32 @!p0 $0x1082;
	s9 =	sld [smem:$0x3FAF]  }
0x2f: {  	lr =	sadd.s32 s0, s3;
	s0 =	sld [smem:$0x3FA6]  }
0x30: {  	s3 =	sld [smem:$0x3FA9]  }
0x31: {  	[smem:$0x3FB2] =	sst s10  }
0x32: {  	s10 =	sld [smem:$0x3FB0];
	_ =	sdelay $0x3  }
0x33: {  	p0 =	seq.s32 s10, $0x1;
	s10 =	sld [smem:$0x3FB2];
	_ =	sdelay $0x3  }
0x34: {  	[smem:$0x3FB2] =	sst s10  }
0x35: {  	s10 =	sld [smem:$0x3FB1];
	_ =	sdelay $0x3  }
0x36: {  	p1 =	seq.s32 s10, $0x1;
	s10 =	sld [smem:$0x3FB2];
	_ =	sdelay $0x3  }
0x37: {  	[smem:$0x3FB2] =	sst s10  }
0x38: {  	s10 =	sld [smem:$0x3FB3]  }
0x39: {  	_ = 	snop;
	(pc) =	sbr.ind lr, $3  }
0x3a: {  	_ = 	snop  }
0x3b: {  	_ = 	snop  }
0x3c: {  	p2 =	seq.s32 s10, $0x1;
	s10 =	sld [smem:$0x3FB2]  }
0x3d: {  	_ =	shalt  }
0x3e: {  	_ =	shalt  }
0x3f: {  	_ =	shalt  }
0x40: {  	_ =	shalt  }
0x41: {  	_ =	shalt  }
0x42: {  	_ =	shalt  }
0x43: {  	_ =	shalt  }
0x44: {  	_ =	shalt  }
0x45: {  	_ =	shalt  }
0x46: {  	_ =	shalt  }
0x47: {  	_ =	shalt  }
0x48: {  	_ =	shalt  }
0x49: {  	_ =	shalt  }
0x4a: {  	_ =	shalt  }
0x4b: {  	_ =	shalt  }
0x4c: {  	_ =	shalt  }
0x4d: {  	_ =	shalt  }
0x4e: {  	_ =	shalt  }
0x4f: {  	_ =	shalt  }
0x50: {  	_ =	shalt  }
0x51: {  	_ =	shalt  }
0x52: {  	_ =	shalt  }
0x53: {  	_ =	shalt  }
0x54: {  	_ =	shalt  }
0x55: {  	_ =	shalt  }
0x56: {  	_ =	shalt  }
0x57: {  	_ =	shalt  }
0x58: {  	_ =	shalt  }
0x59: {  	_ =	shalt  }
0x5a: {  	_ =	shalt  }
0x5b: {  	_ =	shalt  }
0x5c: {  	_ =	shalt  }
0x5d: {  	_ =	shalt  }
0x5e: {  	_ =	shalt  }
0x5f: {  	_ =	shalt  }
0x60: {  	_ =	shalt  }
0x61: {  	_ =	shalt  }
0x62: {  	_ =	shalt  }
0x63: {  	_ =	shalt  }
0x64: {  	_ =	shalt  }
0x65: {  	_ =	shalt  }
0x66: {  	_ =	shalt  }
0x67: {  	_ =	shalt  }
0x68: {  	_ =	shalt  }
0x69: {  	_ =	shalt  }
0x6a: {  	_ =	shalt  }
0x6b: {  	_ =	shalt  }
0x6c: {  	_ =	shalt  }
0x6d: {  	_ =	shalt  }
0x6e: {  	_ =	shalt  }
0x6f: {  	_ =	shalt  }
0x70: {  	_ =	shalt  }
0x71: {  	_ =	shalt  }
0x72: {  	_ =	shalt  }
0x73: {  	_ =	shalt  }
0x74: {  	_ =	shalt  }
0x75: {  	_ =	shalt  }
0x76: {  	_ =	shalt  }
0x77: {  	_ =	shalt  }
0x78: {  	_ =	shalt  }
0x79: {  	_ =	shalt  }
0x7a: {  	_ =	shalt  }
0x7b: {  	_ =	shalt  }
0x7c: {  	_ =	shalt  }
0x7d: {  	_ =	shalt  }
0x7e: {  	_ =	shalt  }
0x7f: {  	_ =	shalt  }
0x80: {  	_ =	shalt  }
0x81: {  	_ =	shalt  }
0x82: {  	_ =	shalt  }
0x83: {  	_ =	shalt  }
0x84: {  	_ =	shalt  }
0x85: {  	_ =	shalt  }
0x86: {  	_ =	shalt  }
0x87: {  	_ =	shalt  }
.Lfunc_end0:
.L_simem_size_0:
called_computation_lowered:
.L_overlay_start_0:
0x88: {  	s2 =	sld [smem:$0x3FD9]  }
0x89: {  	s3 =	sld [smem:$0x3FFE];
	_ =	sdelay $0x1  }
0x8a: {  	s1 =	srdreg.scid  }
0x8b: {  	s0 =	sand.u32 $0x1, s1  }
0x8c: {  	s17 =	sshll.u32 s0, $0xA;
	s2 =	sadd.s32 s3, s2  }
0x8d: {  	s2 =	sadd.s32 s2, s17  }
0x8e: {  	[smem:$0x3FBE] =	sst s2  }
0x8f: {  	_ = 	snop  }
0x90: {  	s2 =	sld [smem:$0x3FD0];
	(tm) =	ssettm $0x1  }
0x91: {  	s18 =	sld [smem:$0x3FFB];
	_ =	sdelay $0x3  }
0x92: {  	_ =	strace s18  }
0x93: {  	s3 =	sld [smem:$0x3FFC];
	_ =	sdelay $0x3  }
0x94: {  	_ =	strace s3  }
0x95: {  	s3 =	sld [smem:$0x3FFD];
	_ =	sdelay $0x3  }
0x96: {  	_ =	strace s3  }
0x97: {  	_ =	strace $0x8FFFFFFF  }
0x98: {  	s19 =	sld [smem:$0x3FDB];
	_ =	sdelay $0x1  }
0x99: {  	s4 =	simm.s32 $_scs_section_size  }
0x9a: {  	s5 =	simm.s32 $_size__tile_overlayer_lowered;
	s6 =	simm.s32 $_tile_overlayer_lowered  }
0x9b: {  	s22 =	simm.s32 $0x1BFF;
	s21 =	sshll.u32 s6, $0x1;
	s3 =	sadd.s32 s4, s19  }
0x9c: {  	s7 =	simm.s32 $0x0;
	s20 =	sshll.u32 s5, $0x1;
	s5 =	sadd.s32 s21, s3  }
0x9d: {  	[timem:s7], [sflag:s22] =	dma.local [hbm:s5], s20  }
0x9e: {  	_ =	swait.ge [sflag:s22], s20  }
0x9f: {  	s4 =	ssub.s32 $0x0, s20;
	[sflag:s22] =	ssyncset.done $0x0  }
0xa0: {  	[sflag:s22] =	ssyncadd.s32 s4;
	_ =	sdelay $0x1  }
0xa1: {  	s23 =	simm.s32 $0x1B8B  }
0xa2: {  	_ =	swait.ge [sflag:s23], $0x1  }
0xa3: {  	[sflag:s23] =	ssyncset.done $0x0  }
0xa4: {  	s25 =	simm.s32 $0x1B8E;
	s24 =	sld [smem:$0x3FFE];
	[sflag:s23] =	ssyncadd.s32 $0xFFFFFFFF  }
0xa5: {  	s26 =	simm.s32 $execute0_lowered;
	[smem:$0x3FD2] =	sst s25  }
0xa6: {  	s5 =	sshll.u32 s26, $0x1;
	_ =	strace $0x80000046;
	[dreg:$0x1] =	wrdreg $0xFFFFFFFF  }
0xa7: {  	s28 =	simm.s32 $_size_execute0_lowered;
	s3 =	sadd.s32 s3, s5;
	[dreg:$0x0] =	wrdreg $0x0  }
0xa8: {  	s5 =	sshll.u32 s28, $0x1;
	[dreg:$0x2] =	wrdreg s3  }
0xa9: {  	[dreg:$0x3] =	wrdreg s5  }
0xaa: {  	[dreg:$0x4] =	wrdreg $0xC0  }
0xab: {  	_ =	task [dreg:s7], $0x5FFFF  }
0xac: {  	[dreg:$0x1] =	wrdreg $0xFFFFFFFF  }
0xad: {  	[dreg:$0x0] =	wrdreg $0x60  }
0xae: {  	[dreg:$0x2] =	wrdreg s24  }
0xaf: {  	[dreg:$0x3] =	wrdreg s2  }
0xb0: {  	[dreg:$0x4] =	wrdreg $0x0  }
0xb1: {  	[dreg:$0x5] =	wrdreg $0x9  }
0xb2: {  	_ =	task.clear_ibuf [dreg:s7], $0x6FFFF;
	_ =	strace $0x90000046  }
0xb3: {  	s29 =	simm.s32 $0x9;
	_ =	strace $0x80000048  }
0xb4: {  	_ =	swait.ge [sflag:s29], $0x1  }
0xb5: {  	[sflag:s29] =	ssyncadd.s32 $0xFFFFFFFF  }
0xb6: {  	_ =	strace $0x90000048  }
0xb7: {  	_ =	sfence  }
0xb8: {  	s30 =	sld [smem:$0x0];
	_ =	sdelay $0x2  }
0xb9: {  	s31 =	sshll.u32 s1, $0xD;
	s1 =	sshrl.u32 s1, $0x2  }
0xba: {  	s3 =	sand.u32 $0x4000, s31;
	s1 =	sadd.s32 s1, s30  }
0xbb: {  	s0 =	sor.u32 s3, s0;
	s1 =	sshll.u32 s1, $0x11  }
0xbc: {  	s0 =	sor.u32 s1, s0  }
0xbd: {  	s0 =	sadd.s32 $0x8F2B, s0  }
0xbe: {  	[sflag:s0] =	ssyncadd.remote.s32 $0x1  }
0xbf: {  	_ =	sfence.sel $0xFFFF  }
0xc0: {  	[dreg:$0x0] =	wrdreg $0xFFFFFFFF;
	(pc) =	sbr.abs _section_cstart, $3  }
0xc1: {  	[dreg:$0x1] =	wrdreg $0xFFFFFFFF  }
0xc2: {  	_ =	task.clear_ibuf [dreg:s7], $0x2FFFF;
	_ =	strace $0x9FFFFFFF  }
0xc3: {  	(tm) =	ssettm $0x7FFFFFFF  }
tec
execute0_lowered:
.L_overlay_start_1:
0x0: {  	(tag) =	ssettag $0x1  }
0x1: {  	s0 =	rddreg [dreg:$0x0]  }
0x2: {  	s31 =	rddreg [dreg:$0x2];
	s2 =	simm.s32 $0x0;
	s25 =	srdreg.scid  }
0x3: {  	s11 =	stileid.u32;
	s30 =	simm.s32 $0x40;
	[smem:$0x7FF] =	sst s2  }
0x4: {  	s4 =	sadd.s32 $0x33000, s0;
	s12 =	sadd.s32 $0x28E00, s0;
	s7 =	sadd.s32 $0x1A00, s0  }
0x5: {  	s3 =	sadd.s32 $0x28C00, s0;
	s2 =	sand.u32 $0x1, s25;
	s5 =	smul.u32 $0x58080, s11  }
0x6: {  	s0 =	sadd.s32 $0x3D200, s0;
	s10 =	smul.u32 $0x16020, s11;
	_ =	strace $0x80000047  }
0x7: {  	[dreg:$0x4] =	wrdreg s3;
	s26 =	ssub.s32 $0x2, s2;
	s9 =	sshll.u32 s2, $0x4  }
0x8: {  	s2 =	smul.u32 $0x160200, s2;
	s8 =	sshrl.u32 s26, $0x1;
	s5 =	sshrl.u32 s5, $0x2  }
0x9: {  	s28 =	sor.u32 s11, s9;
	s15 =	sadd.s32 s10, s31;
	s5 =	sadd.s32 s5, s31  }
0xa: {  	s17 =	sadd.s32 $0xB010, s10;
	[dreg:$0x5] =	wrdreg s15;
	s29 =	sadd.s32 $0x2400, s5  }
0xb: {  	s3 =	ssub.s32 s26, s8;
	s1 =	sadd.s32 $0x4800, s5;
	[dreg:$0x6] =	wrdreg s29  }
0xc: {  	s8 =	smul.u32 $0x2880, s28;
	s6 =	sadd.s32 $0x6C00, s5;
	[dreg:$0x7] =	wrdreg s1  }
0xd: {  	s10 =	sadd.s32 s10, s2;
	s11 =	sadd.s32 $0x9000, s5;
	[dreg:$0x8] =	wrdreg s6  }
0xe: {  	s2 =	sadd.s32 s2, s17;
	s13 =	sadd.s32 $0xB400, s5;
	[dreg:$0x9] =	wrdreg s11  }
0xf: {  	s28 =	sadd.s32 s17, s31;
	s14 =	sadd.s32 $0xD800, s5;
	[dreg:$0xa] =	wrdreg s13  }
0x10: {  	s17 =	simm.s32 $0x7;
	s16 =	sadd.s32 $0xFC00, s5;
	[dreg:$0xb] =	wrdreg s14  }
0x11: {  	s18 =	sadd.s32 $0x12000, s5;
	s5 =	sadd.s32 $0x14400, s5;
	[dreg:$0xc] =	wrdreg s16  }
0x12: {  	s19 =	sshrl.u32 s10, $0x3;
	s2 =	sshrl.u32 s2, $0x3;
	[dreg:$0xd] =	wrdreg s18  }
0x13: {  	s10 =	simm.s32 $0x3;
	[dreg:$0xe] =	wrdreg s5;
	s20 =	sshrl.u32 s8, $0x3  }
0x14: {  	s5 =	sadd.s32 s0, s19;
	s0 =	sadd.s32 s0, s2;
	s6 =	smov.u32 s4  }
0x15: {  	s1 =	smov.u32 s12;
	s25 =	sadd.s32 $0x80, s8;
	s26 =	sadd.s32 $0xC0, s8  }
0x16: {  	s29 =	smax.u32 s3, $0x1;
	s11 =	simm.s32 $0x161E0;
	[dreg:$0xf] =	wrdreg s5  }
0x17: {  	s16 =	simm.s32 $0x1;
	s18 =	simm.s32 $0x4;
	[dreg:$0x10] =	wrdreg s0  }
0x18: {  	s19 =	simm.s32 $0x165E0;
	s3 =	simm.s32 $0x0;
	[dreg:$0x15] =	wrdreg s25  }
0x19: {  	s21 =	sadd.s32 s4, s20;
	s22 =	sadd.s32 s12, s20;
	[dreg:$0x16] =	wrdreg s26  }
0x1a: {  	s23 =	sor.u32 $0x8, s20;
	[dreg:$0x17] =	wrdreg s29;
	s5 =	simm.s32 $0x1D5E0  }
.Ltmp0:
0x1b: {  	s20 =	simm.s32 $0x16DE0;
	[dreg:$0x11] =	wrdreg s21;
	(pc) =	sbr.rel .LBB2_1-.Ltmp0, $4  }
0x1c: {  	v6 =	vlaneseq.u32;
	[dreg:$0x12] =	wrdreg s22;
	s24 =	sadd.s32 s4, s23;
	s0 =	sadd.s32 s12, s23  }
0x1d: {  	v0 =	vimm.f32 $0.0e+00;
	v1 =	vimm.s32 $0x0;
	vm0 =	vcmask $0x300;
	s12 =	simm.s32 $0x169E0;
	s4 =	simm.s32 $0x16060;
	[dreg:$0x13] =	wrdreg s24  }
0x1e: {  	v2 =	vand.u32 $0x7, v6;
	v3 =	vshrl.u32 v6, $0x3;
	v6 =	vor.u32 $0x88, v6;
	s22 =	simm.s32 $0x1F9E0;
	[dreg:$0x14] =	wrdreg s0;
	s0 =	sshrl.u32 s28, $0x3  }
0x1f: {  	v7 =	vsel vm0, $0x3, v1;
	v4 =	vor.u32 $0x8, v2;
	v5 =	vor.u32 $0x80, v2;
	s24 =	simm.s32 $0x2;
	[dreg:$0x18] =	wrdreg s0;
	s0 =	simm.s32 $0x1B1E0  }
.LBB2_25:
0x20: {  	_ =	swait.ge [sflag:s16], $0x400  }
0x21: {  	[sflag:s16] =	ssyncset.done $0x0  }
0x22: {  	[sflag:s16] =	ssyncadd.s32 $0xFFFFFC00  }
0x23: {  	_ =	swait.ge [sflag:s16], $0x400  }
0x24: {  	[sflag:s16] =	ssyncset.done $0x0  }
0x25: {  	[sflag:s16] =	ssyncadd.s32 $0xFFFFFC00  }
0x26: {  	_ =	swait.ge [sflag:s16], $0x2000  }
0x27: {  	[sflag:s16] =	ssyncset.done $0x0  }
0x28: {  	[sflag:s16] =	ssyncadd.s32 $0xFFFFE000  }
0x29: {  	_ =	swait.ge [sflag:s18], $0x40  }
0x2a: {  	[sflag:s18] =	ssyncset.done $0x0  }
0x2b: {  	[sflag:s18] =	ssyncadd.s32 $0xFFFFFFC0  }
0x2c: {  	_ =	swait.ge [sflag:s18], $0x40  }
0x2d: {  	[sflag:s18] =	ssyncset.done $0x0  }
0x2e: {  	s2 =	simm.s32 $0x5;
	[sflag:s18] =	ssyncadd.s32 $0xFFFFFFC0  }
0x2f: {  	_ =	swait.ge [sflag:s2], $0x2400  }
0x30: {  	[sflag:s2] =	ssyncset.done $0x0  }
0x31: {  	s21 =	simm.s32 $0x6;
	[sflag:s2] =	ssyncadd.s32 $0xFFFFDC00  }
0x32: {  	_ =	swait.ge [sflag:s21], $0x2400  }
0x33: {  	[sflag:s21] =	ssyncset.done $0x0  }
0x34: {  	[sflag:s21] =	ssyncadd.s32 $0xFFFFDC00  }
0x35: {  	s23 =	stileid.u32;
	[bflag:$0x0] =	sbarrier.arrive $0xFFFF  }
0x36: {  	s17 =	simm.s32 $0x7;
	s2 =	sshll.u32 s23, $0x6;
	s15 =	rddreg [dreg:$0x5]  }
0x37: {  	s2 =	sor.u32 $0x1C07, s2;
	s8 =	rddreg [dreg:$0xf];
	s3 =	sshrl.u32 s15, $0x3  }
0x38: {  	[hbm:s8], [sflag:s2] =	dma.local [spmem:s3], $0x1602  }
0x39: {  	_ =	swait.ge [sflag:s17], $0x1602  }
0x3a: {  	[sflag:s17] =	ssyncset.done $0x0;
	s25 =	rddreg [dreg:$0x10]  }
0x3b: {  	s26 =	rddreg [dreg:$0x18];
	[sflag:s17] =	ssyncadd.s32 $0xFFFFE9FE  }
0x3c: {  	[hbm:s25], [sflag:s2] =	dma.local [spmem:s26], $0x1602  }
0x3d: {  	_ =	swait.ge [sflag:s17], $0x1602  }
0x3e: {  	s28 =	rddreg [dreg:$0x19]  }
0x3f: {  	s29 =	rddreg [dreg:$0x17];
	s3 =	sadd.s32 $0x1, s28  }
0x40: {  	p0 =	sne.s32 s3, s29  }
.Ltmp1:
0x41: {  	_ = 	snop;
	(pc) =	sbr.rel @!p0 .LBB2_26-.Ltmp1, $3  }
0x42: {  	_ =	sdelay $0x1  }
0x43: {  	[sflag:s17] =	ssyncset.done $0x0  }
0x44: {  	[sflag:s17] =	ssyncadd.s32 $0xFFFFE9FE  }
.LBB2_1:
0x45: {  	[dreg:$0x19] =	wrdreg s3  }
0x46: {  	s2 =	simm.s32 $0x0;
	s29 =	rddreg [dreg:$0x4];
	s8 =	simm.s32 $0x1FBE0  }
0x47: {  	[tilespmem:s8], [sflag:$0x7] =	stream.linear.gather [hbm4b:s29+s2], $0x10, $0x38;
	[tilespmem:$0x1FBF0] =	vst v63  }
0x48: {  	_ =	swait.ge [sflag:s17], $0x10  }
0x49: {  	[sflag:s17] =	ssyncset.done $0x0  }
0x4a: {  	s2 =	simm.s32 $0x1B300;
	[sflag:s17] =	ssyncadd.s32 $0xFFFFFFF0  }
0x4b: {  	[tilespmem:s2+$0x90] =	vst v0  }
0x4c: {  	[tilespmem:s2+$0xFFFFFF70] =	vst v0  }
0x4d: {  	[tilespmem:s2+$0x0] =	vst v0  }
0x4e: {  	s13 =	simm.s32 $0x1D700;
	[tilespmem:s2+$0xFFFFFEE0] =	vst v0  }
0x4f: {  	[tilespmem:s13+$0xFFFFFEE0] =	vst v0  }
0x50: {  	[tilespmem:s13+$0x90] =	vst v0  }
0x51: {  	[tilespmem:s13+$0xFFFFFF70] =	vst v0  }
0x52: {  	[tilespmem:s13+$0x0] =	vst v0  }
0x53: {  	[tilespmem:s2+$0xFFFFFEF0] =	vst v0  }
0x54: {  	[tilespmem:s2+$0xA0] =	vst v0  }
0x55: {  	[tilespmem:s2+$0x10] =	vst v0  }
0x56: {  	[tilespmem:s2+$0xFFFFFF80] =	vst v0  }
0x57: {  	[tilespmem:s13+$0xFFFFFEF0] =	vst v0  }
0x58: {  	[tilespmem:s13+$0x10] =	vst v0  }
0x59: {  	[tilespmem:s13+$0xFFFFFF80] =	vst v0  }
0x5a: {  	[tilespmem:s2+$0xFFFFFF00] =	vst v0  }
0x5b: {  	[tilespmem:s2+$0xFFFFFF90] =	vst v0  }
0x5c: {  	[tilespmem:s13+$0xFFFFFF00] =	vst v0  }
0x5d: {  	[tilespmem:s13+$0xFFFFFF90] =	vst v0  }
0x5e: {  	[tilespmem:s2+$0xFFFFFF10] =	vst v0  }
0x5f: {  	[tilespmem:s2+$0xFFFFFFA0] =	vst v0  }
0x60: {  	[tilespmem:s13+$0xFFFFFF10] =	vst v0  }
0x61: {  	[tilespmem:s2+$0xFFFFFF20] =	vst v0  }
0x62: {  	[tilespmem:s13+$0xFFFFFF20] =	vst v0  }
0x63: {  	[tilespmem:s2+$0xFFFFFF30] =	vst v0  }
0x64: {  	s3 =	simm.s32 $0x0;
	s14 =	simm.s32 $0x1B300;
	s9 =	simm.s32 $0x1D700;
	[tilespmem:s13+$0xFFFFFF30] =	vst v0  }
.LBB2_2:
0x65: {  	s3 =	sadd.s32 $0x4, s3;
	[tilespmem:s2+$0x20] =	vst v0;
	s14 =	sadd.s32 $0x240, s14;
	s13 =	sadd.s32 $0x240, s13  }
0x66: {  	p0 =	slt.u32 s3, $0x3C;
	[tilespmem:s2+$0xFFFFFF40] =	vst v0  }
0x67: {  	[tilespmem:s9+$0xFFFFFF40] =	vst v0  }
0x68: {  	[tilespmem:s2+$0xFFFFFF50] =	vst v0  }
0x69: {  	[tilespmem:s9+$0xFFFFFFA0] =	vst v0  }
0x6a: {  	[tilespmem:s2+$0xFFFFFFB0] =	vst v0  }
0x6b: {  	[tilespmem:s9+$0xA0] =	vst v0  }
0x6c: {  	[tilespmem:s9+$0xFFFFFFB0] =	vst v0  }
0x6d: {  	[tilespmem:s2+$0xB0] =	vst v0  }
0x6e: {  	[tilespmem:s9+$0xB0] =	vst v0  }
0x6f: {  	[tilespmem:s2+$0xC0] =	vst v0  }
0x70: {  	[tilespmem:s2+$0xFFFFFFC0] =	vst v0  }
0x71: {  	[tilespmem:s9+$0xFFFFFF50] =	vst v0  }
0x72: {  	[tilespmem:s2+$0xFFFFFF60] =	vst v0  }
0x73: {  	[tilespmem:s9+$0xFFFFFFC0] =	vst v0  }
0x74: {  	[tilespmem:s2+$0xFFFFFFD0] =	vst v0  }
0x75: {  	[tilespmem:s9+$0xFFFFFF60] =	vst v0  }
0x76: {  	[tilespmem:s9+$0x20] =	vst v0  }
0x77: {  	[tilespmem:s9+$0xFFFFFFD0] =	vst v0  }
0x78: {  	[tilespmem:s2+$0x30] =	vst v0  }
0x79: {  	[tilespmem:s2+$0xFFFFFFE0] =	vst v0  }
0x7a: {  	[tilespmem:s9+$0x30] =	vst v0  }
0x7b: {  	[tilespmem:s9+$0xC0] =	vst v0  }
0x7c: {  	[tilespmem:s2+$0xD0] =	vst v0  }
0x7d: {  	[tilespmem:s9+$0xD0] =	vst v0  }
0x7e: {  	[tilespmem:s2+$0xE0] =	vst v0  }
0x7f: {  	[tilespmem:s9+$0xE0] =	vst v0  }
0x80: {  	[tilespmem:s9+$0xFFFFFFE0] =	vst v0  }
0x81: {  	[tilespmem:s2+$0xFFFFFFF0] =	vst v0  }
0x82: {  	[tilespmem:s2+$0xF0] =	vst v0  }
0x83: {  	[tilespmem:s2+$0x40] =	vst v0  }
0x84: {  	[tilespmem:s9+$0xFFFFFFF0] =	vst v0  }
0x85: {  	[tilespmem:s9+$0x40] =	vst v0  }
0x86: {  	[tilespmem:s2+$0x50] =	vst v0  }
0x87: {  	[tilespmem:s9+$0x50] =	vst v0  }
0x88: {  	[tilespmem:s9+$0xF0] =	vst v0  }
0x89: {  	[tilespmem:s2+$0x100] =	vst v0  }
0x8a: {  	[tilespmem:s9+$0x100] =	vst v0  }
0x8b: {  	[tilespmem:s2+$0x60] =	vst v0  }
0x8c: {  	[tilespmem:s9+$0x60] =	vst v0  }
0x8d: {  	[tilespmem:s2+$0x70] =	vst v0  }
0x8e: {  	[tilespmem:s9+$0x70] =	vst v0  }
0x8f: {  	[tilespmem:s2+$0x80] =	vst v0  }
0x90: {  	[tilespmem:s9+$0x80] =	vst v0  }
0x91: {  	[tilespmem:s2+$0x110] =	vst v0;
	s2 =	smov.u32 s14  }
0x92: {  	[tilespmem:s9+$0x110] =	vst v0;
	s9 =	smov.u32 s13  }
0x93: {  	[tilespmem:s14+$0x90] =	vst v0  }
0x94: {  	[tilespmem:s14+$0xFFFFFF70] =	vst v0  }
0x95: {  	[tilespmem:s14+$0x0] =	vst v0  }
0x96: {  	[tilespmem:s14+$0xFFFFFEE0] =	vst v0  }
0x97: {  	[tilespmem:s13+$0xFFFFFEE0] =	vst v0  }
0x98: {  	[tilespmem:s14+$0xFFFFFEF0] =	vst v0  }
0x99: {  	[tilespmem:s13+$0xFFFFFEF0] =	vst v0  }
0x9a: {  	[tilespmem:s14+$0xFFFFFF00] =	vst v0  }
0x9b: {  	[tilespmem:s13+$0x90] =	vst v0  }
0x9c: {  	[tilespmem:s14+$0xA0] =	vst v0  }
0x9d: {  	[tilespmem:s13+$0xFFFFFF00] =	vst v0  }
0x9e: {  	[tilespmem:s14+$0xFFFFFF10] =	vst v0  }
0x9f: {  	[tilespmem:s13+$0xFFFFFF10] =	vst v0  }
0xa0: {  	[tilespmem:s13+$0xFFFFFF70] =	vst v0  }
0xa1: {  	[tilespmem:s13+$0x0] =	vst v0  }
0xa2: {  	[tilespmem:s14+$0xFFFFFF20] =	vst v0  }
0xa3: {  	[tilespmem:s13+$0xFFFFFF20] =	vst v0  }
0xa4: {  	[tilespmem:s14+$0xFFFFFF30] =	vst v0  }
0xa5: {  	[tilespmem:s13+$0xFFFFFF30] =	vst v0  }
0xa6: {  	[tilespmem:s14+$0x10] =	vst v0  }
0xa7: {  	[tilespmem:s13+$0x10] =	vst v0  }
.Ltmp2:
0xa8: {  	[tilespmem:s14+$0xFFFFFF80] =	vst v0;
	(pc) =	sbr.rel @p0 .LBB2_2-.Ltmp2, $4  }
0xa9: {  	[tilespmem:s13+$0xFFFFFF80] =	vst v0  }
0xaa: {  	[tilespmem:s14+$0xFFFFFF90] =	vst v0  }
0xab: {  	[tilespmem:s13+$0xFFFFFF90] =	vst v0  }
0xac: {  	[tilespmem:s14+$0xFFFFFFA0] =	vst v0  }
0xad: {  	[tilespmem:s2+$0x20] =	vst v0  }
0xae: {  	[tilespmem:s2+$0xFFFFFF40] =	vst v0  }
0xaf: {  	[tilespmem:s9+$0xFFFFFFA0] =	vst v0  }
0xb0: {  	[tilespmem:s9+$0xA0] =	vst v0  }
0xb1: {  	[tilespmem:s9+$0xFFFFFF40] =	vst v0  }
0xb2: {  	[tilespmem:s2+$0xFFFFFFB0] =	vst v0  }
0xb3: {  	[tilespmem:s2+$0xB0] =	vst v0  }
0xb4: {  	[tilespmem:s9+$0x20] =	vst v0  }
0xb5: {  	[tilespmem:s2+$0xFFFFFF50] =	vst v0  }
0xb6: {  	[tilespmem:s9+$0xFFFFFFB0] =	vst v0  }
0xb7: {  	[tilespmem:s9+$0xB0] =	vst v0  }
0xb8: {  	[tilespmem:s2+$0x30] =	vst v0  }
0xb9: {  	[tilespmem:s2+$0xC0] =	vst v0  }
0xba: {  	[tilespmem:s2+$0xFFFFFFC0] =	vst v0  }
0xbb: {  	[tilespmem:s9+$0xFFFFFF50] =	vst v0  }
0xbc: {  	[tilespmem:s9+$0x30] =	vst v0  }
0xbd: {  	[tilespmem:s2+$0xFFFFFF60] =	vst v0  }
0xbe: {  	[tilespmem:s9+$0xFFFFFFC0] =	vst v0  }
0xbf: {  	[tilespmem:s9+$0xC0] =	vst v0  }
0xc0: {  	[tilespmem:s2+$0x40] =	vst v0  }
0xc1: {  	[tilespmem:s2+$0xFFFFFFD0] =	vst v0  }
0xc2: {  	[tilespmem:s9+$0xFFFFFF60] =	vst v0  }
0xc3: {  	[tilespmem:s2+$0xD0] =	vst v0  }
0xc4: {  	[tilespmem:s9+$0x40] =	vst v0  }
0xc5: {  	[tilespmem:s9+$0xFFFFFFD0] =	vst v0  }
0xc6: {  	[tilespmem:s9+$0xD0] =	vst v0  }
0xc7: {  	[tilespmem:s2+$0x50] =	vst v0  }
0xc8: {  	[tilespmem:s2+$0xFFFFFFE0] =	vst v0  }
0xc9: {  	[tilespmem:s2+$0xE0] =	vst v0  }
0xca: {  	[tilespmem:s9+$0x50] =	vst v0  }
0xcb: {  	[tilespmem:s9+$0xE0] =	vst v0  }
0xcc: {  	[tilespmem:s9+$0xFFFFFFE0] =	vst v0  }
0xcd: {  	[tilespmem:s2+$0x60] =	vst v0  }
0xce: {  	[tilespmem:s2+$0xFFFFFFF0] =	vst v0  }
0xcf: {  	[tilespmem:s2+$0xF0] =	vst v0  }
0xd0: {  	[tilespmem:s9+$0x60] =	vst v0  }
0xd1: {  	[tilespmem:s9+$0xFFFFFFF0] =	vst v0  }
0xd2: {  	[tilespmem:s9+$0xF0] =	vst v0  }
0xd3: {  	[tilespmem:s2+$0x70] =	vst v0  }
0xd4: {  	[tilespmem:s2+$0x100] =	vst v0  }
0xd5: {  	[tilespmem:s9+$0x70] =	vst v0  }
0xd6: {  	[tilespmem:s9+$0x100] =	vst v0  }
0xd7: {  	[tilespmem:s2+$0x80] =	vst v0  }
0xd8: {  	[tilespmem:s9+$0x80] =	vst v0  }
0xd9: {  	[tilespmem:s2+$0x110] =	vst v0  }
0xda: {  	[tilespmem:s9+$0x110] =	vst v0  }
0xdb: {  	[tilespmem:$0x161A0] =	vst v1  }
0xdc: {  	[tilespmem:$0x161B0] =	vst v1  }
0xdd: {  	[tilespmem:$0x161C0] =	vst v1  }
0xde: {  	[tilespmem:$0x161D0] =	vst v1  }
0xdf: {  	[spmem:s15] =	stream.linear.scatter [tilespmem:s0], [sflag:$0x7], $0x2400, $0x38;
	[tilespmem:$0x1FBF0] =	vst v63  }
0xe0: {  	_ =	swait.ge [sflag:s17], $0x2400  }
0xe1: {  	[sflag:s17] =	ssyncset.done $0x0  }
0xe2: {  	s21 =	rddreg [dreg:$0x6];
	[sflag:s17] =	ssyncadd.s32 $0xFFFFDC00  }
0xe3: {  	[spmem:s21] =	stream.linear.scatter [tilespmem:s0], [sflag:$0x7], $0x2400, $0x38;
	[tilespmem:$0x1FBF0] =	vst v63  }
0xe4: {  	_ =	swait.ge [sflag:s17], $0x2400  }
0xe5: {  	[sflag:s17] =	ssyncset.done $0x0  }
0xe6: {  	s23 =	rddreg [dreg:$0x7];
	[sflag:s17] =	ssyncadd.s32 $0xFFFFDC00  }
0xe7: {  	[spmem:s23] =	stream.linear.scatter [tilespmem:s0], [sflag:$0x7], $0x2400, $0x38;
	[tilespmem:$0x1FBF0] =	vst v63  }
0xe8: {  	_ =	swait.ge [sflag:s17], $0x2400  }
0xe9: {  	[sflag:s17] =	ssyncset.done $0x0  }
0xea: {  	s25 =	rddreg [dreg:$0x8];
	[sflag:s17] =	ssyncadd.s32 $0xFFFFDC00  }
0xeb: {  	[spmem:s25] =	stream.linear.scatter [tilespmem:s0], [sflag:$0x7], $0x2400, $0x38;
	[tilespmem:$0x1FBF0] =	vst v63  }
0xec: {  	_ =	swait.ge [sflag:s17], $0x2400  }
0xed: {  	[sflag:s17] =	ssyncset.done $0x0  }
0xee: {  	s26 =	rddreg [dreg:$0x9];
	[sflag:s17] =	ssyncadd.s32 $0xFFFFDC00  }
0xef: {  	[spmem:s26] =	stream.linear.scatter [tilespmem:s0], [sflag:$0x7], $0x2400, $0x38;
	[tilespmem:$0x1FBF0] =	vst v63  }
0xf0: {  	_ =	swait.ge [sflag:s17], $0x2400  }
0xf1: {  	[sflag:s17] =	ssyncset.done $0x0  }
0xf2: {  	s29 =	rddreg [dreg:$0xa];
	[sflag:s17] =	ssyncadd.s32 $0xFFFFDC00  }
0xf3: {  	[spmem:s29] =	stream.linear.scatter [tilespmem:s0], [sflag:$0x7], $0x2400, $0x38;
	[tilespmem:$0x1FBF0] =	vst v63  }
0xf4: {  	_ =	swait.ge [sflag:s17], $0x2400  }
0xf5: {  	[sflag:s17] =	ssyncset.done $0x0  }
0xf6: {  	s3 =	rddreg [dreg:$0xb];
	[sflag:s17] =	ssyncadd.s32 $0xFFFFDC00  }
0xf7: {  	[spmem:s3] =	stream.linear.scatter [tilespmem:s0], [sflag:$0x7], $0x2400, $0x38;
	[tilespmem:$0x1FBF0] =	vst v63  }
0xf8: {  	_ =	swait.ge [sflag:s17], $0x2400  }
0xf9: {  	[sflag:s17] =	ssyncset.done $0x0  }
0xfa: {  	s8 =	rddreg [dreg:$0xc];
	[sflag:s17] =	ssyncadd.s32 $0xFFFFDC00  }
0xfb: {  	[spmem:s8] =	stream.linear.scatter [tilespmem:s0], [sflag:$0x7], $0x2400, $0x38;
	[tilespmem:$0x1FBF0] =	vst v63  }
0xfc: {  	_ =	swait.ge [sflag:s17], $0x2400  }
0xfd: {  	[sflag:s17] =	ssyncset.done $0x0  }
0xfe: {  	s9 =	rddreg [dreg:$0xd];
	[sflag:s17] =	ssyncadd.s32 $0xFFFFDC00  }
0xff: {  	[spmem:s9] =	stream.linear.scatter [tilespmem:s0], [sflag:$0x7], $0x2400, $0x38;
	[tilespmem:$0x1FBF0] =	vst v63  }
0x100: {  	_ =	swait.ge [sflag:s17], $0x2400  }
0x101: {  	[sflag:s17] =	ssyncset.done $0x0  }
0x102: {  	s13 =	rddreg [dreg:$0xe];
	[sflag:s17] =	ssyncadd.s32 $0xFFFFDC00  }
0x103: {  	[spmem:s13] =	stream.linear.scatter [tilespmem:s0], [sflag:$0x7], $0x1C20, $0x38;
	[tilespmem:$0x1FBF0] =	vst v63  }
0x104: {  	_ =	swait.ge [sflag:s17], $0x1C20  }
0x105: {  	[sflag:s17] =	ssyncset.done $0x0  }
0x106: {  	[sflag:s17] =	ssyncadd.s32 $0xFFFFE3E0  }
0x107: {  	s14 =	simm.s32 $0x161A0;
	[bflag:$0x0] =	sbarrier.arrive $0xFFFF  }
0x108: {  	[spmem:s31] =	stream.indirect.scatter.add.f32 [tilespmem:s0], [sflag:$0x5], $0x90, s14, s30, $0xb8;
	[tilespmem:$0x1FBF0] =	vst v63  }
0x109: {  	_ = 	snop  }
0x10a: {  	[spmem:s31] =	stream.indirect.scatter.add.f32 [tilespmem:s5], [sflag:$0x6], $0x90, s14, s30, $0xb8;
	[tilespmem:$0x1FBF0] =	vst v63  }
0x10b: {  	s3 =	simm.s32 $0x16020;
	s9 =	simm.s32 $0x0;
	s15 =	rddreg [dreg:$0x11]  }
0x10c: {  	[tilespmem:s3], [sflag:$0x3] =	stream.linear.gather [hbm4b:s15+s9], $0x40, $0x38;
	[tilespmem:$0x1FBF0] =	vst v63  }
0x10d: {  	s8 =	simm.s32 $0x160A0;
	s17 =	rddreg [dreg:$0x12]  }
0x10e: {  	[tilespmem:s8], [sflag:$0x3] =	stream.linear.gather [hbm4b:s17+s9], $0x40, $0x38;
	[tilespmem:$0x1FBF0] =	vst v63  }
0x10f: {  	_ =	swait.ge [sflag:s10], $0x40  }
0x110: {  	[sflag:s10] =	ssyncset.done $0x0  }
0x111: {  	[sflag:s10] =	ssyncadd.s32 $0xFFFFFFC0  }
0x112: {  	_ =	swait.ge [sflag:s10], $0x40  }
0x113: {  	[sflag:s10] =	ssyncset.done $0x0  }
0x114: {  	[sflag:s10] =	ssyncadd.s32 $0xFFFFFFC0  }
0x115: {  	s21 =	rddreg [dreg:$0x1]  }
0x116: {  	[tilespmem:s11], [sflag:$0x1] =	stream.indirect.gather [hbm4b:s21+s30], $0x10, s3, s30, $0xb8;
	[tilespmem:$0x1FBF0] =	vst v63  }
0x117: {  	_ = 	snop  }
0x118: {  	[tilespmem:s12], [sflag:$0x1] =	stream.indirect.gather [hbm4b:s21+s30], $0x10, s8, s30, $0xb8;
	[tilespmem:$0x1FBF0] =	vst v63  }
0x119: {  	s23 =	simm.s32 $0x171E0  }
0x11a: {  	[tilespmem:s23], [sflag:$0x1] =	stream.indirect.gather [hbm4b:s7+s30], $0x80, s3, s30, $0xb8;
	[tilespmem:$0x1FBF0] =	vst v63  }
0x11b: {  	s28 =	simm.s32 $0x16020;
	s25 =	rddreg [dreg:$0x13]  }
0x11c: {  	[tilespmem:s4], [sflag:$0x4] =	stream.linear.gather [hbm4b:s25+s9], $0x40, $0x38;
	[tilespmem:$0x1FBF0] =	vst v63  }
0x11d: {  	s29 =	simm.s32 $0x160E0;
	s26 =	rddreg [dreg:$0x14];
	s21 =	simm.s32 $0x0  }
0x11e: {  	[tilespmem:s29], [sflag:$0x4] =	stream.linear.gather [hbm4b:s26+s9], $0x40, $0x38;
	[tilespmem:$0x1FBF0] =	vst v63  }
.LBB2_4:
0x11f: {  	_ =	swait.ge [sflag:s16], $0x400  }
0x120: {  	[sflag:s16] =	ssyncset.done $0x0  }
0x121: {  	[sflag:s16] =	ssyncadd.s32 $0xFFFFFC00  }
0x122: {  	_ =	swait.ge [sflag:s16], $0x400  }
0x123: {  	[sflag:s16] =	ssyncset.done $0x0  }
0x124: {  	[sflag:s16] =	ssyncadd.s32 $0xFFFFFC00  }
0x125: {  	_ =	swait.ge [sflag:s16], $0x2000  }
0x126: {  	[sflag:s16] =	ssyncset.done $0x0  }
0x127: {  	s2 =	simm.s32 $0x5;
	[sflag:s16] =	ssyncadd.s32 $0xFFFFE000  }
0x128: {  	_ =	swait.ge [sflag:s2], $0x2400  }
0x129: {  	[sflag:s2] =	ssyncset.done $0x0  }
0x12a: {  	[sflag:s2] =	ssyncadd.s32 $0xFFFFDC00  }
0x12b: {  	v8 =	vld [tilespmem:$0x160A0]  }
0x12c: {  	v9 =	vld [tilespmem:$0x160B0]  }
0x12d: {  	v10 =	vld [tilespmem:$0x160C0]  }
0x12e: {  	v11 =	vld [tilespmem:$0x160D0];
	_ =	sdelay $0x1  }
0x12f: {  	[tilespmem:$0x16120] =	vst v8  }
0x130: {  	[tilespmem:$0x16130] =	vst v9  }
0x131: {  	[tilespmem:$0x16140] =	vst v10  }
0x132: {  	[tilespmem:$0x16150] =	vst v11  }
0x133: {  	_ =	swait.ge [sflag:s18], $0x40  }
0x134: {  	[sflag:s18] =	ssyncset.done $0x0  }
0x135: {  	[sflag:s18] =	ssyncadd.s32 $0xFFFFFFC0  }
0x136: {  	_ =	swait.ge [sflag:s18], $0x40  }
0x137: {  	s29 =	sshll.u32 s21, $0x1;
	[sflag:s18] =	ssyncset.done $0x0  }
0x138: {  	s14 =	smin.u32 s29, $0x9F;
	s23 =	rddreg [dreg:$0x15];
	[sflag:s18] =	ssyncadd.s32 $0xFFFFFFC0  }
0x139: {  	s8 =	simm.s32 $0x16060;
	s2 =	sshll.u32 s14, $0x6;
	s3 =	rddreg [dreg:$0x1]  }
0x13a: {  	[tilespmem:s19], [sflag:$0x2] =	stream.indirect.gather [hbm4b:s3+s30], $0x10, s8, s30, $0xb8;
	[tilespmem:$0x1FBF0] =	vst v63  }
0x13b: {  	s4 =	simm.s32 $0x160E0;
	s15 =	simm.s32 $0x6;
	s2 =	sadd.s32 s2, s23  }
0x13c: {  	v10 =	vor.u32 s15, v3;
	[tilespmem:s20], [sflag:$0x2] =	stream.indirect.gather [hbm4b:s3+s30], $0x10, s4, s30, $0xb8;
	[tilespmem:$0x1FBF0] =	vst v63  }
0x13d: {  	s13 =	simm.s32 $0x191E0;
	s25 =	simm.s32 $0x2;
	v8 =	vshll.u32 v10, $0x4;
	s2 =	sshrl.u32 s2, $0x3  }
0x13e: {  	v9 =	vor.u32 s25, v3;
	v11 =	vor.u32 v2, v8;
	[tilespmem:s13], [sflag:$0x2] =	stream.indirect.gather [hbm4b:s7+s30], $0x80, s8, s30, $0xb8;
	[tilespmem:$0x1FBF0] =	vst v63  }
0x13f: {  	s17 =	smov.u32 s31;
	v12 =	vshll.u32 v9, $0x4;
	v8 =	vor.u32 v4, v8;
	s26 =	sadd.s32 s6, s2  }
0x140: {  	v14 =	vor.u32 v2, v12;
	[tilespmem:s28], [sflag:$0x3] =	stream.linear.gather [hbm4b:s26+s9], $0x40, $0x38;
	[tilespmem:$0x1FBF0] =	vst v63  }
0x141: {  	s31 =	simm.s32 $0x160A0;
	v12 =	vor.u32 v4, v12;
	s2 =	sadd.s32 s1, s2;
	s13 =	simm.s32 $0x4  }
0x142: {  	v13 =	vor.u32 s13, v3;
	[tilespmem:s31], [sflag:$0x3] =	stream.linear.gather [hbm4b:s2+s9], $0x40, $0x38;
	[tilespmem:$0x1FBF0] =	vst v63  }
0x143: {  	v15 =	vshll.u32 v13, $0x4;
	v11 =	vld.idx.msk [tilespmem:v11+s11+$0x0], $0xffff  }
0x144: {  	s25 =	simm.s32 $0x12;
	v9 =	vmul.u32 $0x90, v9;
	v16 =	vor.u32 v2, v15;
	v17 =	vld.idx.msk [tilespmem:v8+s12+$0x0], $0xffff  }
0x145: {  	v10 =	vmul.u32 $0x90, v10;
	v55 =	vor.u32 s25, v3;
	v15 =	vor.u32 v4, v15;
	v14 =	vld.idx.msk [tilespmem:v14+s11+$0x0], $0xffff  }
0x146: {  	v23 =	vadd.s32 v5, v9;
	v24 =	vadd.s32 v6, v9;
	v8 =	vor.u32 s9, v3;
	v12 =	vld.idx.msk [tilespmem:v12+s12+$0x0], $0xffff  }
0x147: {  	v13 =	vmul.u32 $0x90, v13;
	s31 =	simm.s32 $0x14;
	v18 =	vshll.u32 v8, $0x4;
	v21 =	vmul.u32 $0x90, v8  }
0x148: {  	s15 =	simm.s32 $0xE;
	v35 =	vor.u32 s31, v3;
	v19 =	vor.u32 v2, v18;
	v22 =	vor.u32 v4, v18  }
0x149: {  	v16 =	vld.idx.msk [tilespmem:v16+s11+$0x0], $0xffff;
	v20 =	vadd.s32 v5, v21;
	v9 =	vadd.s32 v6, v21;
	v21 =	vor.u32 s15, v3  }
0x14a: {  	v18 =	vadd.s32 v5, v13;
	v15 =	vld.idx.msk [tilespmem:v15+s12+$0x0], $0xffff;
	v26 =	vshll.u32 v21, $0x4;
	v61 =	vmul.u32 $0x90, v21  }
0x14b: {  	s8 =	simm.s32 $0x8;
	v11 =	vadd.f32 v17, v11;
	v17 =	vadd.s32 v6, v13;
	v12 =	vadd.f32 v12, v14  }
0x14c: {  	v8 =	vld [tilespmem:$0x1FBE0];
	v14 =	vor.u32 s8, v3;
	v28 =	vor.u32 v2, v26;
	v26 =	vor.u32 v4, v26  }
0x14d: {  	v29 =	vshll.u32 v14, $0x4;
	v54 =	vmul.u32 $0x90, v14;
	v62 =	vadd.s32 v6, v61  }
0x14e: {  	s14 =	simm.s32 $0xC;
	v13 =	vmul.f32 $2.000000030e-01, v11;
	vm0 =	vge.f32 v11, $0.0e+00;
	v19 =	vld.idx.msk [tilespmem:v19+s11+$0x0], $0xffff;
	v32 =	vor.u32 v2, v29  }
0x14f: {  	s13 =	simm.s32 $0xA;
	v29 =	vor.u32 v4, v29;
	v15 =	vadd.f32 v15, v16;
	v16 =	vld.idx.msk [tilespmem:v22+s12+$0x0], $0xffff;
	v22 =	vor.u32 s14, v3  }
0x150: {  	v11 =	vsel vm0, v11, v13;
	v13 =	vor.u32 s13, v3;
	v27 =	vshll.u32 v22, $0x4  }
0x151: {  	vm0 =	vge.f32 v12, $0.0e+00;
	v22 =	vmul.u32 $0x90, v22;
	v11 =	vsub.f32 v11, v8;
	v28 =	vld.idx.msk [tilespmem:v28+s11+$0x0], $0xffff  }
0x152: {  	v25 =	vshll.u32 v13, $0x4;
	v31 =	vor.u32 v2, v27;
	v13 =	vmul.u32 $0x90, v13;
	v26 =	vld.idx.msk [tilespmem:v26+s12+$0x0], $0xffff  }
0x153: {  	vm1 =	vge.f32 v15, $0.0e+00;
	v30 =	vor.u32 v2, v25;
	v11 =	vmul.f32 $1.442695020e+00, v11  }
0x154: {  	v25 =	vor.u32 v4, v25;
	v14 =	vadd.s32 v5, v13;
	v16 =	vadd.f32 v16, v19  }
0x155: {  	v13 =	vadd.s32 v6, v13;
	v19 =	vmul.f32 $2.000000030e-01, v12;
	(erf) = vpow2.f32 v11  }
0x156: {  	v11 =	vor.u32 v4, v27;
	v27 =	vmul.f32 $2.000000030e-01, v15;
	v33 =	vmul.f32 $2.000000030e-01, v16  }
0x157: {  	vm2 =	vge.f32 v16, $0.0e+00;
	v12 =	vsel vm0, v12, v19;
	v26 =	vadd.f32 v26, v28  }
0x158: {  	v15 =	vsel vm1, v15, v27;
	v19 =	vld.idx.msk [tilespmem:v30+s11+$0x0], $0xffff;
	v12 =	vsub.f32 v12, v8;
	v16 =	vsel vm2, v16, v33  }
0x159: {  	v27 =	vadd.s32 v5, v10;
	v25 =	vld.idx.msk [tilespmem:v25+s12+$0x0], $0xffff;
	v15 =	vsub.f32 v15, v8;
	v16 =	vsub.f32 v16, v8  }
0x15a: {  	v30 =	vadd.s32 v6, v10;
	vm0 =	vge.f32 v26, $0.0e+00;
	v10 =	vmul.f32 $1.442695020e+00, v12  }
0x15b: {  	v28 =	vld.idx.msk [tilespmem:v11+s12+$0x0], $0xffff;
	v11 =	vadd.s32 v6, v22;
	v12 =	vmul.f32 $1.442695020e+00, v16;
	v16 =	vmul.f32 $1.442695020e+00, v15  }
0x15c: {  	s23 =	simm.s32 $0x10;
	v31 =	vld.idx.msk [tilespmem:v31+s11+$0x0], $0xffff;
	v15 =	vadd.s32 v5, v22;
	(erf) = vpow2.f32 v10;
	v10 =	vadd.s32 v5, v54  }
0x15d: {  	v22 =	vor.u32 s23, v3;
	(erf) = vpow2.f32 v16;
	v16 =	vmul.f32 $2.000000030e-01, v26  }
0x15e: {  	s26 =	simm.s32 $0x16;
	v19 =	vadd.f32 v25, v19;
	v37 =	vshll.u32 v22, $0x4;
	v63 =	vmul.u32 $0x90, v22  }
0x15f: {  	s28 =	simm.s32 $0x1FA00;
	v29 =	vld.idx.msk [tilespmem:v29+s12+$0x0], $0xffff;
	v38 =	vor.u32 v2, v37;
	v56 =	vpop (erf);
	v25 =	vsel vm0, v26, v16;
	v16 =	vor.u32 s26, v3  }
0x160: {  	(erf) = vpow2.f32 v12;
	v26 =	vld.idx.msk [tilespmem:v32+s11+$0x0], $0xffff;
	[tilespmem:s28+$0x10] =	vst v56;
	v25 =	vsub.f32 v25, v8;
	v34 =	vshll.u32 v16, $0x4  }
0x161: {  	v28 =	vadd.f32 v28, v31;
	v31 =	vshll.u32 v55, $0x4;
	[tilespmem:v27+s0+$0x0] =	vst.idx.msk $0xffff, v56;
	v36 =	vor.u32 v2, v34  }
0x162: {  	v37 =	vor.u32 v4, v37;
	[tilespmem:v30+s0+$0x0] =	vst.idx.msk $0xffff, v56;
	v30 =	vor.u32 v2, v31;
	v25 =	vmul.f32 $1.442695020e+00, v25  }
0x163: {  	v12 =	vadd.s32 v6, v54;
	vm0 =	vge.f32 v19, $0.0e+00;
	v34 =	vor.u32 v4, v34  }
0x164: {  	v27 =	vshll.u32 v35, $0x4;
	v31 =	vor.u32 v4, v31;
	(erf) = vpow2.f32 v25  }
0x165: {  	v39 =	vor.u32 v4, v27;
	vm1 =	vge.f32 v28, $0.0e+00;
	v57 =	vpop (erf);
	v26 =	vadd.f32 v29, v26  }
0x166: {  	v25 =	vor.u32 v2, v27;
	v27 =	vmul.f32 $2.000000030e-01, v19;
	v29 =	vmul.f32 $2.000000030e-01, v28;
	[tilespmem:s28+$0xFFFFFFF0] =	vst v57;
	v58 =	vld.idx.msk [tilespmem:v36+s11+$0x0], $0xffff  }
0x167: {  	[tilespmem:v23+s0+$0x0] =	vst.idx.msk $0xffff, v57;
	v23 =	vmul.u32 $0x90, v55;
	v60 =	vmul.f32 $2.000000030e-01, v26;
	vm2 =	vge.f32 v26, $0.0e+00;
	v40 =	vld.idx.msk [tilespmem:v30+s11+$0x0], $0xffff  }
0x168: {  	v59 =	vpop (erf);
	v19 =	vsel vm0, v19, v27;
	v27 =	vsel vm1, v28, v29;
	[tilespmem:v24+s0+$0x0] =	vst.idx.msk $0xffff, v57;
	v24 =	vld.idx.msk [tilespmem:v34+s12+$0x0], $0xffff  }
0x169: {  	v28 =	vadd.s32 v5, v61;
	[tilespmem:s28+$0x0] =	vst v59;
	v29 =	vsub.f32 v19, v8;
	v30 =	vsub.f32 v27, v8  }
0x16a: {  	v31 =	vld.idx.msk [tilespmem:v31+s12+$0x0], $0xffff;
	v21 =	vpop (erf);
	v26 =	vsel vm2, v26, v60;
	v19 =	vadd.s32 v5, v23;
	[tilespmem:v18+s0+$0x0] =	vst.idx.msk $0xffff, v59  }
0x16b: {  	[tilespmem:s28+$0xFFFFFFE0] =	vst v21;
	v18 =	vadd.s32 v6, v23;
	v26 =	vsub.f32 v26, v8;
	v27 =	vld.idx.msk [tilespmem:v25+s11+$0x0], $0xffff;
	v22 =	vmul.f32 $1.442695020e+00, v29  }
0x16c: {  	v35 =	vmul.u32 $0x90, v35;
	v23 =	vadd.s32 v5, v63;
	[tilespmem:v17+s0+$0x0] =	vst.idx.msk $0xffff, v59;
	v29 =	vld.idx.msk [tilespmem:v39+s12+$0x0], $0xffff;
	v25 =	vmul.f32 $1.442695020e+00, v30  }
0x16d: {  	s2 =	simm.s32 $0x1FA40;
	[tilespmem:v20+s0+$0x0] =	vst.idx.msk $0xffff, v21;
	v41 =	vmul.f32 $1.442695020e+00, v26;
	(erf) = vpow2.f32 v22;
	v30 =	vadd.f32 v24, v58;
	v42 =	vpop (erf)  }
0x16e: {  	v17 =	vadd.s32 v5, v35;
	v22 =	vadd.s32 v6, v35;
	(erf) = vpow2.f32 v25;
	[tilespmem:s2+$0x10] =	vst v42  }
0x16f: {  	v26 =	vld.idx.msk [tilespmem:v38+s11+$0x0], $0xffff;
	v25 =	vadd.f32 v31, v40;
	v31 =	vmul.f32 $2.000000030e-01, v30;
	(erf) = vpow2.f32 v41;
	[tilespmem:v28+s0+$0x0] =	vst.idx.msk $0xffff, v42  }
0x170: {  	s4 =	simm.s32 $0x16060;
	s3 =	simm.s32 $0x8;
	s13 =	simm.s32 $0x18;
	v24 =	vadd.s32 v6, v63;
	vm0 =	vge.f32 v30, $0.0e+00;
	v28 =	vld.idx.msk [tilespmem:v37+s12+$0x0], $0xffff;
	[tilespmem:v62+s0+$0x0] =	vst.idx.msk $0xffff, v42  }
.LBB2_5:
0x171: {  	v20 =	vor.u32 s13, v3;
	s14 =	sadd.s32 $0x2, s13;
	s15 =	sadd.s32 $0x4, s13;
	s23 =	sadd.s32 $0x6, s13;
	v27 =	vadd.f32 v29, v27;
	v29 =	vsel vm0, v30, v31;
	[tilespmem:v9+s0+$0x0] =	vst.idx.msk $0xffff, v21  }
0x172: {  	v32 =	vmovc v23;
	v23 =	vmovc v11;
	v30 =	vor.u32 s14, v3;
	v31 =	vor.u32 s23, v3;
	v21 =	vsub.f32 v29, v8  }
0x173: {  	v11 =	vmovc v22;
	v9 =	vmovc v12;
	v33 =	vor.u32 s15, v3;
	v29 =	vshll.u32 v30, $0x4;
	v34 =	vshll.u32 v31, $0x4  }
0x174: {  	s3 =	sadd.s32 $0x4, s3;
	v12 =	vmovc v24;
	v22 =	vshll.u32 v33, $0x4;
	v35 =	vor.u32 v2, v34;
	v21 =	vmul.f32 $1.442695020e+00, v21  }
0x175: {  	v24 =	vshll.u32 v20, $0x4;
	p0 =	slt.u32 s3, $0x1C;
	v36 =	vor.u32 v2, v29;
	v34 =	vor.u32 v4, v34  }
0x176: {  	v29 =	vor.u32 v4, v29;
	v37 =	vor.u32 v2, v22;
	(erf) = vpow2.f32 v21;
	v38 =	vpop (erf)  }
0x177: {  	v39 =	vor.u32 v2, v24;
	v24 =	vor.u32 v4, v24;
	v22 =	vor.u32 v4, v22;
	[tilespmem:s2+$0xFFFFFFF0] =	vst v38;
	v40 =	vpop (erf)  }
0x178: {  	v26 =	vadd.f32 v28, v26;
	v28 =	vmul.f32 $2.000000030e-01, v25;
	v41 =	vmul.f32 $2.000000030e-01, v27;
	[tilespmem:v14+s0+$0x0] =	vst.idx.msk $0xffff, v38;
	v21 =	vpop (erf)  }
0x179: {  	vm0 =	vge.f32 v25, $0.0e+00;
	v30 =	vmul.u32 $0x90, v30;
	vm1 =	vge.f32 v27, $0.0e+00;
	v14 =	vmovc v19;
	v35 =	vld.idx.msk [tilespmem:v35+s11+$0x0], $0xffff;
	[tilespmem:v13+s0+$0x0] =	vst.idx.msk $0xffff, v38  }
0x17a: {  	vm2 =	vge.f32 v26, $0.0e+00;
	v19 =	vmul.f32 $2.000000030e-01, v26;
	v38 =	vmul.u32 $0x90, v16;
	v16 =	vmovc v31;
	v13 =	vmovc v18;
	v34 =	vld.idx.msk [tilespmem:v34+s12+$0x0], $0xffff;
	[tilespmem:s2+$0x0] =	vst v40  }
0x17b: {  	v33 =	vmul.u32 $0x90, v33;
	v18 =	vsel vm0, v25, v28;
	v25 =	vsel vm1, v27, v41;
	v31 =	vld.idx.msk [tilespmem:v36+s11+$0x0], $0xffff;
	[tilespmem:s2+$0xFFFFFFE0] =	vst v21  }
0x17c: {  	v19 =	vsel vm2, v26, v19;
	v18 =	vsub.f32 v18, v8;
	v41 =	vadd.s32 v5, v38;
	v36 =	vld.idx.msk [tilespmem:v29+s12+$0x0], $0xffff  }
0x17d: {  	v25 =	vsub.f32 v25, v8;
	v28 =	vsub.f32 v19, v8;
	v27 =	vld.idx.msk [tilespmem:v37+s11+$0x0], $0xffff;
	v37 =	vadd.s32 v6, v38  }
0x17e: {  	v20 =	vmul.u32 $0x90, v20;
	v19 =	vadd.s32 v5, v30;
	v29 =	vld.idx.msk [tilespmem:v22+s12+$0x0], $0xffff;
	v22 =	vmul.f32 $1.442695020e+00, v18;
	[tilespmem:v15+s0+$0x0] =	vst.idx.msk $0xffff, v40  }
.Ltmp3:
0x17f: {  	s2 =	sadd.s32 $0x40, s2;
	v25 =	vmul.f32 $1.442695020e+00, v25;
	v42 =	vmul.f32 $1.442695020e+00, v28;
	v18 =	vadd.s32 v6, v30;
	v26 =	vld.idx.msk [tilespmem:v39+s11+$0x0], $0xffff;
	v38 =	vpop (erf);
	[tilespmem:v23+s0+$0x0] =	vst.idx.msk $0xffff, v40;
	(pc) =	sbr.rel @p0 .LBB2_5-.Ltmp3, $4  }
0x180: {  	v39 =	vadd.s32 v5, v33;
	v30 =	vadd.f32 v34, v35;
	v28 =	vld.idx.msk [tilespmem:v24+s12+$0x0], $0xffff;
	[tilespmem:s2+$0x10] =	vst v38;
	(erf) = vpow2.f32 v22  }
0x181: {  	v23 =	vadd.s32 v5, v20;
	v22 =	vadd.s32 v6, v33;
	[tilespmem:v41+s0+$0x0] =	vst.idx.msk $0xffff, v38;
	(erf) = vpow2.f32 v25  }
0x182: {  	v15 =	vmovc v17;
	v25 =	vadd.f32 v36, v31;
	v31 =	vmul.f32 $2.000000030e-01, v30;
	[tilespmem:v37+s0+$0x0] =	vst.idx.msk $0xffff, v38;
	(erf) = vpow2.f32 v42  }
0x183: {  	s13 =	sadd.s32 $0x8, s13;
	v24 =	vadd.s32 v6, v20;
	v17 =	vmovc v39;
	vm0 =	vge.f32 v30, $0.0e+00;
	[tilespmem:v10+s0+$0x0] =	vst.idx.msk $0xffff, v21;
	v10 =	vmov v32  }
0x184: {  	v20 =	vsel vm0, v30, v31  }
0x185: {  	v20 =	vsub.f32 v20, v8;
	_ =	sdelay $0x1  }
0x186: {  	v61 =	vmul.f32 $2.000000030e-01, v25;
	v20 =	vmul.f32 $1.442695020e+00, v20  }
0x187: {  	v27 =	vadd.f32 v29, v27;
	vm14 =	vge.f32 v25, $0.0e+00  }
0x188: {  	v25 =	vsel vm14, v25, v61;
	(erf) = vpow2.f32 v20;
	v20 =	vadd.f32 v28, v26  }
0x189: {  	v25 =	vsub.f32 v25, v8;
	v26 =	vmul.f32 $2.000000030e-01, v27  }
0x18a: {  	[tilespmem:v9+s0+$0x0] =	vst.idx.msk $0xffff, v21;
	vm15 =	vge.f32 v27, $0.0e+00;
	v9 =	vpop (erf);
	v62 =	vmul.f32 $2.000000030e-01, v20  }
0x18b: {  	v25 =	vmul.f32 $1.442695020e+00, v25;
	[tilespmem:s2+$0xFFFFFFF0] =	vst v9;
	vm1 =	vge.f32 v20, $0.0e+00;
	v26 =	vsel vm15, v27, v26  }
0x18c: {  	v63 =	vpop (erf);
	[tilespmem:v14+s0+$0x0] =	vst.idx.msk $0xffff, v9;
	v14 =	vmul.u32 $0x90, v16;
	v16 =	vsel vm1, v20, v62;
	v20 =	vsub.f32 v26, v8  }
0x18d: {  	(erf) = vpow2.f32 v25;
	[tilespmem:s2+$0x0] =	vst v63;
	v8 =	vsub.f32 v16, v8  }
0x18e: {  	[tilespmem:v13+s0+$0x0] =	vst.idx.msk $0xffff, v9;
	v16 =	vmul.f32 $1.442695020e+00, v20  }
0x18f: {  	v9 =	vpop (erf);
	[tilespmem:v15+s0+$0x0] =	vst.idx.msk $0xffff, v63;
	v8 =	vmul.f32 $1.442695020e+00, v8  }
0x190: {  	v13 =	vadd.s32 v5, v14;
	[tilespmem:s2+$0xFFFFFFE0] =	vst v9;
	(erf) = vpow2.f32 v16  }
0x191: {  	v14 =	vadd.s32 v6, v14;
	[tilespmem:v11+s0+$0x0] =	vst.idx.msk $0xffff, v63;
	(erf) = vpow2.f32 v8  }
0x192: {  	[tilespmem:v10+s0+$0x0] =	vst.idx.msk $0xffff, v9  }
0x193: {  	s28 =	sadd.s32 $0x40, s2;
	[tilespmem:v12+s0+$0x0] =	vst.idx.msk $0xffff, v9;
	v15 =	vpop (erf)  }
0x194: {  	[tilespmem:s28+$0x10] =	vst v15  }
0x195: {  	s3 =	simm.s32 $0x8;
	[tilespmem:v13+s0+$0x0] =	vst.idx.msk $0xffff, v15  }
0x196: {  	v9 =	vmov s3;
	v8 =	vpop (erf);
	[tilespmem:v14+s0+$0x0] =	vst.idx.msk $0xffff, v15  }
0x197: {  	v9 =	vshrl.u32 v9, $0x3;
	[tilespmem:s28+$0xFFFFFFF0] =	vst v8  }
0x198: {  	s23 =	simm.s32 $0x0;
	[tilespmem:v19+s0+$0x0] =	vst.idx.msk $0xffff, v8  }
0x199: {  	[tilespmem:v18+s0+$0x0] =	vst.idx.msk $0xffff, v8;
	v8 =	vmov s23;
	v18 =	vshll.u32 v9, v7;
	v10 =	vpop (erf)  }
0x19a: {  	v8 =	vshrl.u32 v8, $0x3;
	v11 =	vbroadcast v18, $0x0;
	v9 =	vpop (erf);
	[tilespmem:s28+$0x0] =	vst v10  }
0x19b: {  	v8 =	vshll.u32 v8, v7;
	[tilespmem:s28+$0xFFFFFFE0] =	vst v9  }
0x19c: {  	v12 =	vbroadcast v8, $0x0;
	[tilespmem:v17+s0+$0x0] =	vst.idx.msk $0xffff, v10  }
0x19d: {  	[tilespmem:v22+s0+$0x0] =	vst.idx.msk $0xffff, v10  }
0x19e: {  	[tilespmem:v23+s0+$0x0] =	vst.idx.msk $0xffff, v9  }
0x19f: {  	[tilespmem:v24+s0+$0x0] =	vst.idx.msk $0xffff, v9  }
0x1a0: {  	s31 =	simm.s32 $0x17260;
	v9 =	vld.idx.msk [tilespmem:v11+s22+$0x0], $0xffff  }
0x1a1: {  	v10 =	vld [tilespmem:s31+$0x0]  }
0x1a2: {  	v11 =	vld.idx.msk [tilespmem:v12+s22+$0x0], $0xffff;
	v12 =	vadd.s32 $0x1, v18  }
0x1a3: {  	v13 =	vld [tilespmem:s31+$0xFFFFFF80];
	v12 =	vbroadcast v12, $0x0  }
0x1a4: {  	v14 =	vadd.s32 $0x1, v8  }
0x1a5: {  	v14 =	vbroadcast v14, $0x0  }
0x1a6: {  	v9 =	vmul.f32 v10, v9  }
0x1a7: {  	s13 =	simm.s32 $0x1B270  }
0x1a8: {  	v10 =	vmul.f32 v13, v11;
	[tilespmem:s13+$0x0] =	vst v9  }
0x1a9: {  	v9 =	vld.idx.msk [tilespmem:v12+s22+$0x0], $0xffff  }
0x1aa: {  	[tilespmem:s13+$0xFFFFFF70] =	vst v10;
	v10 =	vld [tilespmem:s31+$0x10]  }
0x1ab: {  	v11 =	vadd.s32 $0x2, v18;
	v12 =	vld.idx.msk [tilespmem:v14+s22+$0x0], $0xffff  }
0x1ac: {  	v15 =	vbroadcast v11, $0x0;
	v14 =	vld [tilespmem:s31+$0xFFFFFF90];
	_ =	sdelay $0x1  }
0x1ad: {  	p2 =	por $0x1, $0x1  }
.Ltmp4:
0x1ae: {  	v13 =	vadd.s32 $0x3, v8;
	v11 =	vadd.s32 $0x2, v8;
	v9 =	vmul.f32 v10, v9;
	(pc) =	sbr.rel @!p2 .LBB2_7-.Ltmp4, $4  }
0x1af: {  	v13 =	vbroadcast v13, $0x0;
	v17 =	vbroadcast v11, $0x0;
	v10 =	vadd.s32 $0x4, v8  }
0x1b0: {  	v16 =	vadd.s32 $0x5, v8;
	v11 =	vbroadcast v10, $0x0;
	v10 =	vmul.f32 v14, v12;
	[tilespmem:s13+$0x10] =	vst v9  }
0x1b1: {  	v12 =	vadd.s32 $0x6, v8;
	v8 =	vadd.s32 $0x7, v8;
	v9 =	vbroadcast v16, $0x0;
	v24 =	vld.idx.msk [tilespmem:v15+s22+$0x0], $0xffff  }
0x1b2: {  	p0 =	por $0x0, $0x0;
	p1 =	por $0x0, $0x0;
	s2 =	simm.s32 $0x10;
	v19 =	vbroadcast v12, $0x0;
	v16 =	vbroadcast v8, $0x0;
	[tilespmem:s13+$0xFFFFFF80] =	vst v10;
	v25 =	vld [tilespmem:s31+$0x20]  }
0x1b3: {  	v8 =	vadd.s32 $0x3, v18  }
0x1b4: {  	v8 =	vbroadcast v8, $0x0;
	_ =	sdelay $0x1  }
0x1b5: {  	s3 =	simm.s32 $0x18  }
0x1b6: {  	v10 =	vmov s3;
	v12 =	vmul.f32 v25, v24  }
0x1b7: {  	v10 =	vshrl.u32 v10, $0x3  }
0x1b8: {  	v14 =	vmov s2;
	v10 =	vshll.u32 v10, v7;
	[tilespmem:s13+$0x20] =	vst v12  }
0x1b9: {  	v14 =	vshrl.u32 v14, $0x3;
	v15 =	vbroadcast v10, $0x0;
	v8 =	vld.idx.msk [tilespmem:v8+s22+$0x0], $0xffff  }
0x1ba: {  	v12 =	vshll.u32 v14, v7;
	v20 =	vld [tilespmem:s31+$0x30]  }
0x1bb: {  	v21 =	vadd.s32 $0x4, v18;
	v14 =	vbroadcast v12, $0x0  }
0x1bc: {  	v17 =	vld.idx.msk [tilespmem:v17+s22+$0x0], $0xffff;
	v21 =	vbroadcast v21, $0x0  }
0x1bd: {  	v22 =	vld [tilespmem:s31+$0xFFFFFFA0];
	s26 =	simm.s32 $0x17360  }
0x1be: {  	v23 =	vld [tilespmem:s26+$0x0]  }
0x1bf: {  	v15 =	vld.idx.msk [tilespmem:v15+s22+$0x0], $0xffff;
	v8 =	vmul.f32 v20, v8  }
0x1c0: {  	v24 =	vld [tilespmem:s26+$0xFFFFFF80];
	v20 =	vadd.s32 $0x1, v10  }
0x1c1: {  	v14 =	vld.idx.msk [tilespmem:v14+s22+$0x0], $0xffff;
	v20 =	vbroadcast v20, $0x0;
	[tilespmem:s13+$0x30] =	vst v8  }
0x1c2: {  	v17 =	vmul.f32 v22, v17;
	v8 =	vadd.s32 $0x1, v12;
	v21 =	vld.idx.msk [tilespmem:v21+s22+$0x0], $0xffff  }
0x1c3: {  	v8 =	vbroadcast v8, $0x0;
	v22 =	vld [tilespmem:s31+$0x40]  }
0x1c4: {  	[tilespmem:s13+$0xFFFFFF90] =	vst v17;
	v17 =	vadd.s32 $0x5, v18;
	v15 =	vmul.f32 v23, v15  }
0x1c5: {  	s15 =	simm.s32 $0x1B390;
	v13 =	vld.idx.msk [tilespmem:v13+s22+$0x0], $0xffff;
	v17 =	vbroadcast v17, $0x0  }
0x1c6: {  	v23 =	vld [tilespmem:s31+$0xFFFFFFB0];
	[tilespmem:s15+$0x0] =	vst v15;
	v14 =	vmul.f32 v24, v14  }
0x1c7: {  	v15 =	vld.idx.msk [tilespmem:v20+s22+$0x0], $0xffff  }
0x1c8: {  	[tilespmem:s15+$0xFFFFFF70] =	vst v14;
	v14 =	vld [tilespmem:s26+$0x10];
	v20 =	vmul.f32 v22, v21  }
0x1c9: {  	v21 =	vadd.s32 $0x2, v10;
	v8 =	vld.idx.msk [tilespmem:v8+s22+$0x0], $0xffff  }
0x1ca: {  	v24 =	vld [tilespmem:s26+$0xFFFFFF90];
	v25 =	vbroadcast v21, $0x0;
	[tilespmem:s13+$0x40] =	vst v20  }
0x1cb: {  	v21 =	vmul.f32 v23, v13;
	v20 =	vadd.s32 $0x2, v12;
	v26 =	vld.idx.msk [tilespmem:v17+s22+$0x0], $0xffff  }
0x1cc: {  	p2 =	por $0x1, $0x1;
	v22 =	vadd.s32 $0x4, v12;
	v17 =	vbroadcast v20, $0x0;
	v20 =	vld [tilespmem:s31+$0x50]  }
.Ltmp5:
0x1cd: {  	v13 =	vadd.s32 $0x3, v12;
	v27 =	vbroadcast v22, $0x0;
	[tilespmem:s13+$0xFFFFFFA0] =	vst v21;
	v14 =	vmul.f32 v14, v15;
	(pc) =	sbr.rel @!p2 .LBB2_9-.Ltmp5, $4  }
0x1ce: {  	v23 =	vadd.s32 $0x6, v12;
	v13 =	vbroadcast v13, $0x0;
	v21 =	vld.idx.msk [tilespmem:v11+s22+$0x0], $0xffff;
	v11 =	vadd.s32 $0x7, v12  }
0x1cf: {  	v22 =	vld [tilespmem:s31+$0xFFFFFFC0];
	v15 =	vadd.s32 $0x5, v12;
	v12 =	vbroadcast v11, $0x0;
	v8 =	vmul.f32 v24, v8;
	[tilespmem:s15+$0x10] =	vst v14  }
0x1d0: {  	v11 =	vadd.s32 $0x6, v18;
	v15 =	vbroadcast v15, $0x0;
	v14 =	vbroadcast v23, $0x0;
	v24 =	vld.idx.msk [tilespmem:v25+s22+$0x0], $0xffff  }
0x1d1: {  	s2 =	simm.s32 $0x20;
	p0 =	por $0x1, $0x1;
	v23 =	vbroadcast v11, $0x0;
	[tilespmem:s15+$0xFFFFFF80] =	vst v8;
	v25 =	vld [tilespmem:s26+$0x20];
	v26 =	vmul.f32 v20, v26  }
0x1d2: {  	_ =	sdelay $0x2  }
0x1d3: {  	v8 =	vmov s2;
	s28 =	simm.s32 $0x28;
	v11 =	vadd.s32 $0x3, v10  }
0x1d4: {  	v17 =	vld.idx.msk [tilespmem:v17+s22+$0x0], $0xffff;
	v8 =	vshrl.u32 v8, $0x3;
	v20 =	vmov s28;
	v11 =	vbroadcast v11, $0x0  }
0x1d5: {  	v28 =	vld [tilespmem:s26+$0xFFFFFFA0];
	[tilespmem:s13+$0x50] =	vst v26;
	v26 =	vshll.u32 v8, v7;
	v8 =	vshrl.u32 v20, $0x3;
	v20 =	vmul.f32 v22, v21  }
0x1d6: {  	v21 =	vld.idx.msk [tilespmem:v23+s22+$0x0], $0xffff  }
0x1d7: {  	v23 =	vld [tilespmem:s31+$0x60];
	v24 =	vmul.f32 v25, v24;
	[tilespmem:s13+$0xFFFFFFB0] =	vst v20  }
0x1d8: {  	v22 =	vbroadcast v26, $0x0;
	v9 =	vld.idx.msk [tilespmem:v9+s22+$0x0], $0xffff  }
0x1d9: {  	v8 =	vshll.u32 v8, v7;
	v20 =	vld [tilespmem:s31+$0xFFFFFFD0];
	[tilespmem:s15+$0x20] =	vst v24  }
0x1da: {  	v18 =	vadd.s32 $0x7, v18;
	v29 =	vbroadcast v8, $0x0;
	v17 =	vmul.f32 v28, v17;
	v11 =	vld.idx.msk [tilespmem:v11+s22+$0x0], $0xffff  }
0x1db: {  	s2 =	simm.s32 $0x17460;
	v18 =	vbroadcast v18, $0x0;
	v24 =	vld [tilespmem:s26+$0x30]  }
0x1dc: {  	[tilespmem:s15+$0xFFFFFF90] =	vst v17;
	v17 =	vld [tilespmem:s2+$0xFFFFFF80]  }
0x1dd: {  	v21 =	vmul.f32 v23, v21;
	v23 =	vadd.s32 $0x4, v10;
	v13 =	vld.idx.msk [tilespmem:v13+s22+$0x0], $0xffff  }
0x1de: {  	v23 =	vbroadcast v23, $0x0;
	v22 =	vld.idx.msk [tilespmem:v22+s22+$0x0], $0xffff  }
0x1df: {  	[tilespmem:s13+$0x60] =	vst v21;
	v21 =	vld [tilespmem:s2+$0x0]  }
0x1e0: {  	v25 =	vld.idx.msk [tilespmem:v29+s22+$0x0], $0xffff;
	v9 =	vmul.f32 v20, v9  }
0x1e1: {  	v18 =	vld.idx.msk [tilespmem:v18+s22+$0x0], $0xffff;
	v11 =	vmul.f32 v24, v11;
	v24 =	vadd.s32 $0x1, v8  }
0x1e2: {  	v62 =	vld [tilespmem:s31+$0x70];
	[tilespmem:s13+$0xFFFFFFC0] =	vst v9;
	v24 =	vbroadcast v24, $0x0  }
0x1e3: {  	v19 =	vld.idx.msk [tilespmem:v19+s22+$0x0], $0xffff;
	[tilespmem:s15+$0x30] =	vst v11  }
0x1e4: {  	v20 =	vld.idx.msk [tilespmem:v23+s22+$0x0], $0xffff  }
0x1e5: {  	v11 =	vadd.s32 $0x1, v26;
	v23 =	vld [tilespmem:s26+$0x40];
	v9 =	vmul.f32 v21, v25  }
0x1e6: {  	s25 =	simm.s32 $0x1B4B0;
	v11 =	vbroadcast v11, $0x0;
	v21 =	vld [tilespmem:s26+$0xFFFFFFB0];
	v25 =	vadd.s32 $0x5, v10  }
0x1e7: {  	v25 =	vbroadcast v25, $0x0;
	[tilespmem:s25+$0x0] =	vst v9;
	v9 =	vld [tilespmem:s31+$0xFFFFFFE0]  }
0x1e8: {  	v17 =	vmul.f32 v17, v22;
	v22 =	vld.idx.msk [tilespmem:v24+s22+$0x0], $0xffff  }
0x1e9: {  	v24 =	vld [tilespmem:s2+$0x10]  }
0x1ea: {  	[tilespmem:s25+$0xFFFFFF70] =	vst v17;
	v17 =	vmul.f32 v23, v20  }
0x1eb: {  	v18 =	vmul.f32 v62, v18;
	v63 =	vld [tilespmem:s2+$0xFFFFFF90]  }
0x1ec: {  	v21 =	vmul.f32 v21, v13;
	v20 =	vld.idx.msk [tilespmem:v11+s22+$0x0], $0xffff;
	v11 =	vadd.s32 $0x2, v8;
	[tilespmem:s15+$0x40] =	vst v17  }
0x1ed: {  	[tilespmem:s13+$0x70] =	vst v18;
	v23 =	vadd.s32 $0x2, v26;
	v30 =	vbroadcast v11, $0x0;
	v9 =	vmul.f32 v9, v19;
	v31 =	vld.idx.msk [tilespmem:v25+s22+$0x0], $0xffff  }
0x1ee: {  	p2 =	por $0x1, $0x1;
	v17 =	vbroadcast v23, $0x0;
	v11 =	vadd.s32 $0x3, v26;
	[tilespmem:s15+$0xFFFFFFA0] =	vst v21;
	v32 =	vld [tilespmem:s26+$0x50];
	v23 =	vmul.f32 v24, v22  }
.Ltmp6:
0x1ef: {  	v18 =	vadd.s32 $0x6, v10;
	v19 =	vadd.s32 $0x5, v26;
	v13 =	vbroadcast v11, $0x0;
	v21 =	vld.idx.msk [tilespmem:v27+s22+$0x0], $0xffff;
	[tilespmem:s13+$0xFFFFFFD0] =	vst v9;
	(pc) =	sbr.rel @!p2 .LBB2_11-.Ltmp6, $4  }
0x1f0: {  	v11 =	vadd.s32 $0x4, v26;
	v25 =	vadd.s32 $0x7, v26;
	v22 =	vld [tilespmem:s26+$0xFFFFFFC0];
	[tilespmem:s25+$0x10] =	vst v23;
	v23 =	vbroadcast v18, $0x0  }
0x1f1: {  	v11 =	vbroadcast v11, $0x0;
	v24 =	vadd.s32 $0x6, v26;
	v26 =	vmul.f32 v63, v20;
	v20 =	vld.idx.msk [tilespmem:v16+s22+$0x0], $0xffff  }
0x1f2: {  	v9 =	vbroadcast v19, $0x0;
	v16 =	vbroadcast v25, $0x0;
	v25 =	vld [tilespmem:s2+$0x20]  }
0x1f3: {  	s3 =	simm.s32 $0x4;
	s14 =	simm.s32 $0x30;
	p1 =	por $0x1, $0x1;
	v19 =	vbroadcast v24, $0x0;
	v24 =	vld.idx.msk [tilespmem:v30+s22+$0x0], $0xffff;
	[tilespmem:s25+$0xFFFFFF80] =	vst v26;
	v26 =	vmul.f32 v32, v31  }
.LBB2_12:
0x1f4: {  	v18 =	vmov s14;
	s8 =	sadd.s32 $0x8, s14;
	v27 =	vld.idx.msk [tilespmem:v17+s22+$0x0], $0xffff;
	v17 =	vadd.s32 $0x3, v8  }
0x1f5: {  	v18 =	vshrl.u32 v18, $0x3;
	v28 =	vmov s8;
	v29 =	vld [tilespmem:s2+$0xFFFFFFA0];
	v30 =	vbroadcast v17, $0x0;
	[tilespmem:s15+$0x50] =	vst v26  }
0x1f6: {  	s3 =	sadd.s32 $0x2, s3;
	v21 =	vmul.f32 v22, v21;
	v18 =	vshll.u32 v18, v7;
	v17 =	vshrl.u32 v28, $0x3;
	v22 =	vld.idx.msk [tilespmem:v23+s22+$0x0], $0xffff  }
0x1f7: {  	p2 =	slt.u32 s3, $0x3E;
	v23 =	vbroadcast v18, $0x0;
	v26 =	vadd.s32 $0x1, v18;
	v17 =	vshll.u32 v17, v7;
	v28 =	vld [tilespmem:s26+$0x60]  }
0x1f8: {  	v31 =	vbroadcast v17, $0x0;
	v24 =	vmul.f32 v25, v24;
	[tilespmem:s15+$0xFFFFFFB0] =	vst v21;
	v21 =	vadd.s32 $0x7, v10;
	v25 =	vld [tilespmem:s31+$0xFFFFFFF0];
	v10 =	vmovc v8;
	v8 =	vmovc v17;
	s31 =	smov.u32 s26;
	s26 =	smov.u32 s2  }
0x1f9: {  	v26 =	vbroadcast v26, $0x0;
	v17 =	vadd.s32 $0x2, v18;
	v32 =	vld.idx.msk [tilespmem:v15+s22+$0x0], $0xffff;
	v21 =	vbroadcast v21, $0x0;
	v15 =	vmovc v9  }
0x1fa: {  	v17 =	vbroadcast v17, $0x0;
	v9 =	vadd.s32 $0x3, v18;
	v27 =	vmul.f32 v29, v27;
	[tilespmem:s25+$0x20] =	vst v24;
	v24 =	vld [tilespmem:s31+$0xFFFFFFD0]  }
0x1fb: {  	v33 =	vadd.s32 $0x5, v18;
	v29 =	vbroadcast v9, $0x0;
	v9 =	vadd.s32 $0x4, v18;
	v30 =	vld.idx.msk [tilespmem:v30+s22+$0x0], $0xffff  }
0x1fc: {  	v35 =	vadd.s32 $0x6, v18;
	v34 =	vbroadcast v9, $0x0;
	[tilespmem:s25+$0xFFFFFF90] =	vst v27;
	v27 =	vld [tilespmem:s2+$0x30];
	v22 =	vmul.f32 v28, v22  }
0x1fd: {  	v9 =	vbroadcast v33, $0x0;
	v33 =	vadd.s32 $0x4, v10;
	v28 =	vbroadcast v35, $0x0;
	v23 =	vld.idx.msk [tilespmem:v23+s22+$0x0], $0xffff  }
0x1fe: {  	v18 =	vadd.s32 $0x7, v18;
	v33 =	vbroadcast v33, $0x0;
	v20 =	vmul.f32 v25, v20;
	v31 =	vld.idx.msk [tilespmem:v31+s22+$0x0], $0xffff;
	[tilespmem:s15+$0x60] =	vst v22  }
0x1ff: {  	v18 =	vbroadcast v18, $0x0;
	v22 =	vmul.f32 v24, v32;
	v21 =	vld.idx.msk [tilespmem:v21+s22+$0x0], $0xffff  }
0x200: {  	s2 =	sadd.s32 $0x100, s2;
	v24 =	vld [tilespmem:s31+$0x70];
	[tilespmem:s13+$0xFFFFFFE0] =	vst v20;
	s13 =	smov.u32 s15;
	s15 =	smov.u32 s25  }
0x201: {  	v20 =	vld [tilespmem:s2+$0x0];
	v25 =	vmul.f32 v27, v30;
	[tilespmem:s13+$0xFFFFFFC0] =	vst v22  }
0x202: {  	v27 =	vadd.s32 $0x1, v8;
	v22 =	vld [tilespmem:s2+$0xFFFFFF80]  }
0x203: {  	v27 =	vbroadcast v27, $0x0;
	v30 =	vld.idx.msk [tilespmem:v13+s22+$0x0], $0xffff;
	[tilespmem:s25+$0x30] =	vst v25;
	v13 =	vmov v29  }
0x204: {  	v25 =	vld.idx.msk [tilespmem:v33+s22+$0x0], $0xffff  }
0x205: {  	v29 =	vld [tilespmem:s26+$0x40];
	v21 =	vmul.f32 v24, v21  }
0x206: {  	v20 =	vmul.f32 v20, v31;
	v24 =	vld [tilespmem:s26+$0xFFFFFFB0];
	v31 =	vadd.s32 $0x5, v10  }
0x207: {  	s25 =	sadd.s32 $0x120, s25;
	v22 =	vmul.f32 v22, v23;
	v23 =	vbroadcast v31, $0x0;
	v31 =	vld.idx.msk [tilespmem:v14+s22+$0x0], $0xffff;
	[tilespmem:s13+$0x70] =	vst v21;
	v14 =	vmovc v19;
	v19 =	vmov v28  }
0x208: {  	[tilespmem:s25+$0x0] =	vst v20;
	v20 =	vld [tilespmem:s31+$0xFFFFFFE0]  }
0x209: {  	[tilespmem:s25+$0xFFFFFF70] =	vst v22;
	v21 =	vld.idx.msk [tilespmem:v27+s22+$0x0], $0xffff  }
0x20a: {  	v22 =	vld [tilespmem:s2+$0x10];
	v25 =	vmul.f32 v29, v25  }
0x20b: {  	v27 =	vadd.s32 $0x2, v8;
	v26 =	vld.idx.msk [tilespmem:v26+s22+$0x0], $0xffff;
	v24 =	vmul.f32 v24, v30  }
0x20c: {  	v27 =	vbroadcast v27, $0x0;
	v28 =	vld [tilespmem:s2+$0xFFFFFF90];
	[tilespmem:s15+$0x40] =	vst v25  }
0x20d: {  	[tilespmem:s15+$0xFFFFFFA0] =	vst v24;
	v29 =	vld.idx.msk [tilespmem:v23+s22+$0x0], $0xffff;
	v20 =	vmul.f32 v20, v31  }
0x20e: {  	v30 =	vld [tilespmem:s26+$0x50]  }
.Ltmp7:
0x20f: {  	v23 =	vadd.s32 $0x6, v10;
	v24 =	vmul.f32 v22, v21;
	v21 =	vld.idx.msk [tilespmem:v11+s22+$0x0], $0xffff;
	[tilespmem:s13+$0xFFFFFFD0] =	vst v20;
	v11 =	vmov v34;
	(pc) =	sbr.rel @p2 .LBB2_12-.Ltmp7, $4  }
0x210: {  	v23 =	vbroadcast v23, $0x0;
	v22 =	vld [tilespmem:s26+$0xFFFFFFC0]  }
0x211: {  	v25 =	vmul.f32 v28, v26;
	[tilespmem:s25+$0x10] =	vst v24;
	v20 =	vld.idx.msk [tilespmem:v12+s22+$0x0], $0xffff;
	v12 =	vmov v16;
	v16 =	vmov v18  }
0x212: {  	v24 =	vld.idx.msk [tilespmem:v27+s22+$0x0], $0xffff  }
0x213: {  	s14 =	sadd.s32 $0x10, s14;
	[tilespmem:s25+$0xFFFFFF80] =	vst v25;
	v25 =	vld [tilespmem:s2+$0x20];
	v26 =	vmul.f32 v30, v29  }
0x214: {  	s3 =	smov.u32 s15;
	v18 =	vmovc v10;
	v30 =	vmov v15;
	s15 =	smov.u32 s25;
	v29 =	vmov v14;
	v28 =	vmov v12  }
.LBB2_14:
0x215: {  	_ =	sdelay $0x3  }
0x216: {  	v10 =	vld.idx.msk [tilespmem:v17+s22+$0x0], $0xffff;
	v12 =	vadd.s32 $0x3, v8  }
0x217: {  	v14 =	vld [tilespmem:s2+$0xFFFFFFA0];
	v12 =	vbroadcast v12, $0x0;
	_ =	sdelay $0x2  }
0x218: {  	v15 =	vmul.f32 v25, v24;
	_ =	sdelay $0x1  }
0x219: {  	v10 =	vmul.f32 v14, v10;
	[tilespmem:s15+$0x20] =	vst v15  }
0x21a: {  	v12 =	vld.idx.msk [tilespmem:v12+s22+$0x0], $0xffff  }
0x21b: {  	[tilespmem:s15+$0xFFFFFF90] =	vst v10;
	v10 =	vld [tilespmem:s2+$0x30]  }
0x21c: {  	v14 =	vadd.s32 $0x4, v8;
	v13 =	vld.idx.msk [tilespmem:v13+s22+$0x0], $0xffff  }
0x21d: {  	v14 =	vbroadcast v14, $0x0;
	v15 =	vld [tilespmem:s2+$0xFFFFFFB0];
	_ =	sdelay $0x2  }
0x21e: {  	v10 =	vmul.f32 v10, v12;
	_ =	sdelay $0x1  }
0x21f: {  	[tilespmem:s15+$0x30] =	vst v10;
	v10 =	vmul.f32 v15, v13  }
0x220: {  	v12 =	vld.idx.msk [tilespmem:v14+s22+$0x0], $0xffff  }
0x221: {  	v13 =	vld [tilespmem:s2+$0x40];
	[tilespmem:s15+$0xFFFFFFA0] =	vst v10  }
0x222: {  	v10 =	vadd.s32 $0x5, v8;
	v11 =	vld.idx.msk [tilespmem:v11+s22+$0x0], $0xffff  }
0x223: {  	v15 =	vmul.f32 @p0 v22, v21;
	v10 =	vbroadcast v10, $0x0;
	v14 =	vld [tilespmem:s2+$0xFFFFFFC0];
	_ =	sdelay $0x1  }
0x224: {  	s8 =	smov.u32 @p0 s26;
	[tilespmem:s3+$0xFFFFFFB0] =	vst @p0 v15  }
0x225: {  	v15 =	vld @p0 [tilespmem:s8+$0xFFFFFFD0];
	v12 =	vmul.f32 v13, v12  }
0x226: {  	v13 =	vld.idx.msk @p0 [tilespmem:v30+s22+$0x0], $0xffff  }
0x227: {  	[tilespmem:s15+$0x40] =	vst v12;
	v11 =	vmul.f32 v14, v11  }
0x228: {  	v10 =	vld.idx.msk [tilespmem:v10+s22+$0x0], $0xffff  }
0x229: {  	v12 =	vld [tilespmem:s2+$0x50];
	[tilespmem:s15+$0xFFFFFFB0] =	vst v11  }
0x22a: {  	v11 =	vadd.s32 $0x6, v8;
	v9 =	vld.idx.msk [tilespmem:v9+s22+$0x0], $0xffff  }
0x22b: {  	[tilespmem:s3+$0x50] =	vst @p0 v26;
	v11 =	vbroadcast v11, $0x0;
	v14 =	vld [tilespmem:s2+$0xFFFFFFD0];
	v13 =	vmul.f32 @p0 v15, v13  }
0x22c: {  	s14 =	smov.u32 @p0 s3;
	v17 =	vld.idx.msk @p0 [tilespmem:v23+s22+$0x0], $0xffff  }
0x22d: {  	v15 =	vld @p0 [tilespmem:s26+$0x60];
	[tilespmem:s14+$0xFFFFFFC0] =	vst @p0 v13  }
0x22e: {  	v10 =	vmul.f32 v12, v10;
	v12 =	vld.idx.msk @p0 [tilespmem:v29+s22+$0x0], $0xffff  }
0x22f: {  	v13 =	vld @p0 [tilespmem:s8+$0xFFFFFFE0]  }
0x230: {  	[tilespmem:s15+$0x50] =	vst v10;
	v9 =	vmul.f32 v14, v9  }
0x231: {  	v10 =	vld.idx.msk [tilespmem:v11+s22+$0x0], $0xffff  }
0x232: {  	v11 =	vadd.s32 @p0 $0x7, v18;
	v14 =	vld [tilespmem:s2+$0x60];
	[tilespmem:s15+$0xFFFFFFC0] =	vst v9  }
0x233: {  	v15 =	vmul.f32 @p0 v15, v17;
	v9 =	vbroadcast @p0 v11, $0x0;
	v11 =	vld.idx.msk [tilespmem:v19+s22+$0x0], $0xffff  }
0x234: {  	v8 =	vadd.s32 $0x7, v8;
	v17 =	vld [tilespmem:s2+$0xFFFFFFE0];
	v12 =	vmul.f32 @p0 v13, v12  }
0x235: {  	v8 =	vbroadcast v8, $0x0;
	[tilespmem:s3+$0x60] =	vst @p0 v15;
	v13 =	vld @p1 [tilespmem:s31+$0xFFFFFFF0]  }
0x236: {  	s3 =	smov.u32 @p0 s8;
	v15 =	vld @p0 [tilespmem:s8+$0x70];
	[tilespmem:s14+$0xFFFFFFD0] =	vst @p0 v12  }
0x237: {  	v12 =	vld @p0 [tilespmem:s3+$0xFFFFFFF0];
	v10 =	vmul.f32 v14, v10  }
0x238: {  	v14 =	vld.idx.msk @p0 [tilespmem:v28+s22+$0x0], $0xffff  }
0x239: {  	v9 =	vld.idx.msk @p0 [tilespmem:v9+s22+$0x0], $0xffff;
	v11 =	vmul.f32 v17, v11;
	[tilespmem:s15+$0x60] =	vst v10  }
0x23a: {  	v10 =	vld [tilespmem:s2+$0x70]  }
0x23b: {  	v8 =	vld.idx.msk [tilespmem:v8+s22+$0x0], $0xffff;
	[tilespmem:s15+$0xFFFFFFD0] =	vst v11  }
0x23c: {  	v11 =	vld [tilespmem:s2+$0xFFFFFFF0]  }
0x23d: {  	v16 =	vld.idx.msk [tilespmem:v16+s22+$0x0], $0xffff  }
0x23e: {  	v13 =	vmul.f32 @p1 v13, v20;
	v14 =	vpsel p0, v14, v0  }
0x23f: {  	v12 =	vmul.f32 @p0 v12, v14  }
0x240: {  	[tilespmem:s13+$0xFFFFFFE0] =	vst @p1 v13;
	s2 =	smov.u32 @p0 s14;
	v9 =	vmul.f32 @p0 v15, v9  }
0x241: {  	v8 =	vmul.f32 v10, v8;
	[tilespmem:s2+$0xFFFFFFE0] =	vst @p0 v12  }
0x242: {  	[tilespmem:s14+$0x70] =	vst @p0 v9;
	v9 =	vmul.f32 v11, v16  }
0x243: {  	[tilespmem:s15+$0x70] =	vst v8  }
0x244: {  	s13 =	simm.s32 $0x16120;
	[tilespmem:s15+$0xFFFFFFE0] =	vst v9  }
0x245: {  	[spmem:s17] =	stream.indirect.scatter.add.f32 [tilespmem:s0], [sflag:$0x5], $0x90, s13, s30, $0xb8;
	[tilespmem:$0x1FBF0] =	vst v63  }
0x246: {  	_ =	swait.ge [sflag:s24], $0x400  }
0x247: {  	[sflag:s24] =	ssyncset.done $0x0  }
0x248: {  	[sflag:s24] =	ssyncadd.s32 $0xFFFFFC00  }
0x249: {  	_ =	swait.ge [sflag:s24], $0x400  }
0x24a: {  	[sflag:s24] =	ssyncset.done $0x0  }
0x24b: {  	[sflag:s24] =	ssyncadd.s32 $0xFFFFFC00  }
0x24c: {  	_ =	swait.ge [sflag:s24], $0x2000  }
0x24d: {  	[sflag:s24] =	ssyncset.done $0x0  }
0x24e: {  	s14 =	simm.s32 $0x6;
	[sflag:s24] =	ssyncadd.s32 $0xFFFFE000  }
0x24f: {  	_ =	swait.ge [sflag:s14], $0x2400  }
0x250: {  	[sflag:s14] =	ssyncset.done $0x0  }
0x251: {  	[sflag:s14] =	ssyncadd.s32 $0xFFFFDC00  }
0x252: {  	v8 =	vld [tilespmem:$0x160E0]  }
0x253: {  	v9 =	vld [tilespmem:$0x160F0]  }
0x254: {  	v10 =	vld [tilespmem:$0x16100]  }
0x255: {  	v11 =	vld [tilespmem:$0x16110];
	_ =	sdelay $0x1  }
0x256: {  	[tilespmem:$0x16160] =	vst v8  }
0x257: {  	[tilespmem:$0x16170] =	vst v9  }
0x258: {  	[tilespmem:$0x16180] =	vst v10  }
0x259: {  	[tilespmem:$0x16190] =	vst v11  }
0x25a: {  	_ =	swait.ge [sflag:s10], $0x40  }
0x25b: {  	[sflag:s10] =	ssyncset.done $0x0  }
0x25c: {  	[sflag:s10] =	ssyncadd.s32 $0xFFFFFFC0  }
0x25d: {  	_ =	swait.ge [sflag:s10], $0x40  }
0x25e: {  	s31 =	smov.u32 s17;
	[sflag:s10] =	ssyncset.done $0x0  }
0x25f: {  	s3 =	smin.u32 s29, $0x9E;
	s13 =	rddreg [dreg:$0x16];
	[sflag:s10] =	ssyncadd.s32 $0xFFFFFFC0  }
0x260: {  	s2 =	sshll.u32 s3, $0x6;
	s15 =	simm.s32 $0x16020;
	s17 =	rddreg [dreg:$0x1]  }
0x261: {  	[tilespmem:s11], [sflag:$0x1] =	stream.indirect.gather [hbm4b:s17+s30], $0x10, s15, s30, $0xb8;
	[tilespmem:$0x1FBF0] =	vst v63  }
0x262: {  	s25 =	simm.s32 $0x160A0;
	s8 =	simm.s32 $0x6;
	s2 =	sadd.s32 s2, s13  }
0x263: {  	v10 =	vor.u32 s8, v3;
	[tilespmem:s12], [sflag:$0x1] =	stream.indirect.gather [hbm4b:s17+s30], $0x10, s25, s30, $0xb8;
	[tilespmem:$0x1FBF0] =	vst v63  }
0x264: {  	s26 =	simm.s32 $0x171E0;
	s14 =	simm.s32 $0x2;
	v8 =	vshll.u32 v10, $0x4;
	s2 =	sshrl.u32 s2, $0x3  }
0x265: {  	v9 =	vor.u32 s14, v3;
	v11 =	vor.u32 v2, v8;
	[tilespmem:s26], [sflag:$0x1] =	stream.indirect.gather [hbm4b:s7+s30], $0x80, s15, s30, $0xb8;
	[tilespmem:$0x1FBF0] =	vst v63  }
0x266: {  	v12 =	vshll.u32 v9, $0x4;
	v8 =	vor.u32 v4, v8;
	s17 =	simm.s32 $0x4;
	s15 =	sadd.s32 s6, s2  }
0x267: {  	v14 =	vor.u32 v2, v12;
	v13 =	vor.u32 s17, v3;
	[tilespmem:s4], [sflag:$0x4] =	stream.linear.gather [hbm4b:s15+s23], $0x40, $0x38;
	[tilespmem:$0x1FBF0] =	vst v63  }
0x268: {  	v12 =	vor.u32 v4, v12;
	s25 =	simm.s32 $0x160E0;
	s2 =	sadd.s32 s1, s2;
	v15 =	vshll.u32 v13, $0x4  }
0x269: {  	v16 =	vor.u32 v2, v15;
	[tilespmem:s25], [sflag:$0x4] =	stream.linear.gather [hbm4b:s2+s23], $0x40, $0x38;
	[tilespmem:$0x1FBF0] =	vst v63  }
0x26a: {  	v15 =	vor.u32 v4, v15;
	v11 =	vld.idx.msk [tilespmem:v11+s19+$0x0], $0xffff  }
0x26b: {  	v9 =	vmul.u32 $0x90, v9;
	v17 =	vld.idx.msk [tilespmem:v8+s20+$0x0], $0xffff  }
0x26c: {  	v14 =	vld.idx.msk [tilespmem:v14+s19+$0x0], $0xffff  }
0x26d: {  	v10 =	vmul.u32 $0x90, v10;
	v23 =	vadd.s32 v5, v9;
	v12 =	vld.idx.msk [tilespmem:v12+s20+$0x0], $0xffff  }
0x26e: {  	v24 =	vadd.s32 v6, v9;
	s17 =	simm.s32 $0x12;
	v13 =	vmul.u32 $0x90, v13;
	v8 =	vor.u32 s23, v3;
	v16 =	vld.idx.msk [tilespmem:v16+s19+$0x0], $0xffff  }
0x26f: {  	v55 =	vor.u32 s17, v3;
	v18 =	vshll.u32 v8, $0x4;
	v21 =	vmul.u32 $0x90, v8;
	v15 =	vld.idx.msk [tilespmem:v15+s20+$0x0], $0xffff  }
0x270: {  	s14 =	simm.s32 $0xE;
	v19 =	vor.u32 v2, v18;
	v22 =	vor.u32 v4, v18;
	v18 =	vadd.s32 v5, v13  }
0x271: {  	v20 =	vadd.s32 v5, v21;
	v9 =	vadd.s32 v6, v21;
	v21 =	vor.u32 s14, v3  }
0x272: {  	s2 =	simm.s32 $0x8;
	v26 =	vshll.u32 v21, $0x4;
	v61 =	vmul.u32 $0x90, v21;
	v11 =	vadd.f32 v17, v11  }
0x273: {  	v17 =	vadd.s32 v6, v13;
	v12 =	vadd.f32 v12, v14;
	v14 =	vor.u32 s2, v3  }
0x274: {  	v8 =	vld [tilespmem:$0x1FBE0];
	v28 =	vor.u32 v2, v26;
	v26 =	vor.u32 v4, v26;
	v15 =	vadd.f32 v15, v16  }
0x275: {  	s29 =	simm.s32 $0xC;
	v29 =	vshll.u32 v14, $0x4;
	v54 =	vmul.u32 $0x90, v14;
	v62 =	vadd.s32 v6, v61  }
0x276: {  	v13 =	vmul.f32 $2.000000030e-01, v11;
	vm0 =	vge.f32 v11, $0.0e+00;
	v16 =	vld.idx.msk [tilespmem:v22+s20+$0x0], $0xffff;
	v22 =	vor.u32 s29, v3  }
0x277: {  	v19 =	vld.idx.msk [tilespmem:v19+s19+$0x0], $0xffff;
	v32 =	vor.u32 v2, v29;
	v29 =	vor.u32 v4, v29;
	v27 =	vshll.u32 v22, $0x4  }
0x278: {  	s26 =	simm.s32 $0xA;
	s29 =	simm.s32 $0x14;
	vm1 =	vge.f32 v15, $0.0e+00;
	v22 =	vmul.u32 $0x90, v22;
	v11 =	vsel vm0, v11, v13  }
0x279: {  	v35 =	vor.u32 s29, v3;
	v13 =	vor.u32 s26, v3;
	v11 =	vsub.f32 v11, v8  }
0x27a: {  	v31 =	vor.u32 v2, v27;
	vm0 =	vge.f32 v12, $0.0e+00;
	v25 =	vshll.u32 v13, $0x4;
	v28 =	vld.idx.msk [tilespmem:v28+s19+$0x0], $0xffff  }
0x27b: {  	v13 =	vmul.u32 $0x90, v13;
	v26 =	vld.idx.msk [tilespmem:v26+s20+$0x0], $0xffff;
	v30 =	vor.u32 v2, v25;
	v11 =	vmul.f32 $1.442695020e+00, v11  }
0x27c: {  	v25 =	vor.u32 v4, v25;
	v16 =	vadd.f32 v16, v19;
	v19 =	vmul.f32 $2.000000030e-01, v12  }
0x27d: {  	v14 =	vadd.s32 v5, v13;
	(erf) = vpow2.f32 v11;
	v11 =	vor.u32 v4, v27  }
0x27e: {  	v27 =	vmul.f32 $2.000000030e-01, v15;
	v33 =	vmul.f32 $2.000000030e-01, v16;
	v12 =	vsel vm0, v12, v19  }
0x27f: {  	v13 =	vadd.s32 v6, v13;
	vm2 =	vge.f32 v16, $0.0e+00;
	v12 =	vsub.f32 v12, v8  }
0x280: {  	v26 =	vadd.f32 v26, v28;
	v15 =	vsel vm1, v15, v27;
	v16 =	vsel vm2, v16, v33;
	v19 =	vld.idx.msk [tilespmem:v30+s19+$0x0], $0xffff  }
0x281: {  	v27 =	vadd.s32 v5, v10;
	v25 =	vld.idx.msk [tilespmem:v25+s20+$0x0], $0xffff;
	v16 =	vsub.f32 v16, v8;
	v15 =	vsub.f32 v15, v8  }
0x282: {  	v30 =	vadd.s32 v6, v10;
	v10 =	vmul.f32 $1.442695020e+00, v12;
	vm0 =	vge.f32 v26, $0.0e+00  }
0x283: {  	v31 =	vld.idx.msk [tilespmem:v31+s19+$0x0], $0xffff;
	v12 =	vmul.f32 $1.442695020e+00, v16;
	v16 =	vmul.f32 $1.442695020e+00, v15;
	v15 =	vadd.s32 v5, v22  }
0x284: {  	s15 =	simm.s32 $0x10;
	v28 =	vld.idx.msk [tilespmem:v11+s20+$0x0], $0xffff;
	(erf) = vpow2.f32 v10;
	v10 =	vadd.s32 v5, v54;
	v11 =	vadd.s32 v6, v22  }
0x285: {  	v22 =	vor.u32 s15, v3;
	(erf) = vpow2.f32 v16;
	v16 =	vmul.f32 $2.000000030e-01, v26  }
0x286: {  	v37 =	vshll.u32 v22, $0x4;
	v63 =	vmul.u32 $0x90, v22;
	v19 =	vadd.f32 v25, v19  }
0x287: {  	s25 =	simm.s32 $0x16;
	v29 =	vld.idx.msk [tilespmem:v29+s20+$0x0], $0xffff;
	v38 =	vor.u32 v2, v37;
	v37 =	vor.u32 v4, v37;
	v25 =	vsel vm0, v26, v16  }
0x288: {  	s26 =	simm.s32 $0x1FA00;
	(erf) = vpow2.f32 v12;
	v26 =	vld.idx.msk [tilespmem:v32+s19+$0x0], $0xffff;
	v16 =	vor.u32 s25, v3;
	v56 =	vpop (erf);
	v25 =	vsub.f32 v25, v8  }
0x289: {  	v12 =	vadd.s32 v6, v54;
	v28 =	vadd.f32 v28, v31;
	v34 =	vshll.u32 v16, $0x4;
	[tilespmem:s26+$0x10] =	vst v56  }
0x28a: {  	v31 =	vshll.u32 v55, $0x4;
	v36 =	vor.u32 v2, v34;
	[tilespmem:v27+s5+$0x0] =	vst.idx.msk $0xffff, v56;
	v25 =	vmul.f32 $1.442695020e+00, v25  }
0x28b: {  	v27 =	vshll.u32 v35, $0x4;
	v34 =	vor.u32 v4, v34;
	[tilespmem:v30+s5+$0x0] =	vst.idx.msk $0xffff, v56;
	v30 =	vor.u32 v2, v31  }
0x28c: {  	v31 =	vor.u32 v4, v31;
	v39 =	vor.u32 v4, v27;
	(erf) = vpow2.f32 v25  }
0x28d: {  	v25 =	vor.u32 v2, v27;
	v57 =	vpop (erf);
	v26 =	vadd.f32 v29, v26;
	v27 =	vmul.f32 $2.000000030e-01, v19  }
0x28e: {  	vm0 =	vge.f32 v19, $0.0e+00;
	vm1 =	vge.f32 v28, $0.0e+00;
	v29 =	vmul.f32 $2.000000030e-01, v28;
	[tilespmem:s26+$0xFFFFFFF0] =	vst v57  }
0x28f: {  	[tilespmem:v23+s5+$0x0] =	vst.idx.msk $0xffff, v57;
	v23 =	vmul.u32 $0x90, v55;
	v58 =	vld.idx.msk [tilespmem:v36+s19+$0x0], $0xffff;
	v60 =	vmul.f32 $2.000000030e-01, v26;
	v19 =	vsel vm0, v19, v27  }
0x290: {  	v59 =	vpop (erf);
	v27 =	vsel vm1, v28, v29;
	v28 =	vadd.s32 v5, v61;
	[tilespmem:v24+s5+$0x0] =	vst.idx.msk $0xffff, v57;
	v24 =	vld.idx.msk [tilespmem:v34+s20+$0x0], $0xffff  }
0x291: {  	vm2 =	vge.f32 v26, $0.0e+00;
	[tilespmem:s26+$0x0] =	vst v59;
	v40 =	vld.idx.msk [tilespmem:v30+s19+$0x0], $0xffff;
	v29 =	vsub.f32 v19, v8;
	v30 =	vsub.f32 v27, v8  }
0x292: {  	v21 =	vpop (erf);
	v31 =	vld.idx.msk [tilespmem:v31+s20+$0x0], $0xffff;
	v26 =	vsel vm2, v26, v60;
	v19 =	vadd.s32 v5, v23;
	[tilespmem:v18+s5+$0x0] =	vst.idx.msk $0xffff, v59  }
0x293: {  	[tilespmem:s26+$0xFFFFFFE0] =	vst v21;
	v18 =	vadd.s32 v6, v23;
	v26 =	vsub.f32 v26, v8;
	v27 =	vld.idx.msk [tilespmem:v25+s19+$0x0], $0xffff;
	v22 =	vmul.f32 $1.442695020e+00, v29  }
0x294: {  	v35 =	vmul.u32 $0x90, v35;
	v23 =	vadd.s32 v5, v63;
	[tilespmem:v17+s5+$0x0] =	vst.idx.msk $0xffff, v59;
	v29 =	vld.idx.msk [tilespmem:v39+s20+$0x0], $0xffff;
	v25 =	vmul.f32 $1.442695020e+00, v30  }
0x295: {  	s13 =	simm.s32 $0x1FA40;
	[tilespmem:v20+s5+$0x0] =	vst.idx.msk $0xffff, v21;
	v41 =	vmul.f32 $1.442695020e+00, v26;
	(erf) = vpow2.f32 v22;
	v30 =	vadd.f32 v24, v58;
	v42 =	vpop (erf)  }
0x296: {  	v17 =	vadd.s32 v5, v35;
	v22 =	vadd.s32 v6, v35;
	(erf) = vpow2.f32 v25;
	[tilespmem:s13+$0x10] =	vst v42  }
0x297: {  	v26 =	vld.idx.msk [tilespmem:v38+s19+$0x0], $0xffff;
	v25 =	vadd.f32 v31, v40;
	v31 =	vmul.f32 $2.000000030e-01, v30;
	(erf) = vpow2.f32 v41;
	[tilespmem:v28+s5+$0x0] =	vst.idx.msk $0xffff, v42  }
0x298: {  	s28 =	simm.s32 $0x16020;
	s3 =	simm.s32 $0x8;
	s14 =	simm.s32 $0x18;
	v24 =	vadd.s32 v6, v63;
	vm0 =	vge.f32 v30, $0.0e+00;
	v28 =	vld.idx.msk [tilespmem:v37+s20+$0x0], $0xffff;
	[tilespmem:v62+s5+$0x0] =	vst.idx.msk $0xffff, v42  }
.LBB2_15:
0x299: {  	v20 =	vor.u32 s14, v3;
	s8 =	sadd.s32 $0x2, s14;
	s15 =	sadd.s32 $0x4, s14;
	s25 =	sadd.s32 $0x6, s14;
	v27 =	vadd.f32 v29, v27;
	v29 =	vsel vm0, v30, v31;
	[tilespmem:v9+s5+$0x0] =	vst.idx.msk $0xffff, v21  }
0x29a: {  	v32 =	vmovc v23;
	v23 =	vmovc v11;
	v30 =	vor.u32 s8, v3;
	v31 =	vor.u32 s25, v3;
	v21 =	vsub.f32 v29, v8  }
0x29b: {  	v11 =	vmovc v22;
	v9 =	vmovc v12;
	v33 =	vor.u32 s15, v3;
	v29 =	vshll.u32 v30, $0x4;
	v34 =	vshll.u32 v31, $0x4  }
0x29c: {  	s3 =	sadd.s32 $0x4, s3;
	v12 =	vmovc v24;
	v22 =	vshll.u32 v33, $0x4;
	v35 =	vor.u32 v2, v34;
	v21 =	vmul.f32 $1.442695020e+00, v21  }
0x29d: {  	v24 =	vshll.u32 v20, $0x4;
	p0 =	slt.u32 s3, $0x1C;
	v36 =	vor.u32 v2, v29;
	v34 =	vor.u32 v4, v34  }
0x29e: {  	v29 =	vor.u32 v4, v29;
	v37 =	vor.u32 v2, v22;
	(erf) = vpow2.f32 v21;
	v38 =	vpop (erf)  }
0x29f: {  	v39 =	vor.u32 v2, v24;
	v24 =	vor.u32 v4, v24;
	v22 =	vor.u32 v4, v22;
	[tilespmem:s13+$0xFFFFFFF0] =	vst v38;
	v40 =	vpop (erf)  }
0x2a0: {  	v26 =	vadd.f32 v28, v26;
	v28 =	vmul.f32 $2.000000030e-01, v25;
	v41 =	vmul.f32 $2.000000030e-01, v27;
	[tilespmem:v14+s5+$0x0] =	vst.idx.msk $0xffff, v38;
	v21 =	vpop (erf)  }
0x2a1: {  	vm0 =	vge.f32 v25, $0.0e+00;
	v30 =	vmul.u32 $0x90, v30;
	vm1 =	vge.f32 v27, $0.0e+00;
	v14 =	vmovc v19;
	v35 =	vld.idx.msk [tilespmem:v35+s19+$0x0], $0xffff;
	[tilespmem:v13+s5+$0x0] =	vst.idx.msk $0xffff, v38  }
0x2a2: {  	vm2 =	vge.f32 v26, $0.0e+00;
	v19 =	vmul.f32 $2.000000030e-01, v26;
	v38 =	vmul.u32 $0x90, v16;
	v16 =	vmovc v31;
	v13 =	vmovc v18;
	v34 =	vld.idx.msk [tilespmem:v34+s20+$0x0], $0xffff;
	[tilespmem:s13+$0x0] =	vst v40  }
0x2a3: {  	v33 =	vmul.u32 $0x90, v33;
	v18 =	vsel vm0, v25, v28;
	v25 =	vsel vm1, v27, v41;
	v31 =	vld.idx.msk [tilespmem:v36+s19+$0x0], $0xffff;
	[tilespmem:s13+$0xFFFFFFE0] =	vst v21  }
0x2a4: {  	v19 =	vsel vm2, v26, v19;
	v18 =	vsub.f32 v18, v8;
	v41 =	vadd.s32 v5, v38;
	v36 =	vld.idx.msk [tilespmem:v29+s20+$0x0], $0xffff  }
0x2a5: {  	v25 =	vsub.f32 v25, v8;
	v28 =	vsub.f32 v19, v8;
	v27 =	vld.idx.msk [tilespmem:v37+s19+$0x0], $0xffff;
	v37 =	vadd.s32 v6, v38  }
0x2a6: {  	v20 =	vmul.u32 $0x90, v20;
	v19 =	vadd.s32 v5, v30;
	v29 =	vld.idx.msk [tilespmem:v22+s20+$0x0], $0xffff;
	v22 =	vmul.f32 $1.442695020e+00, v18;
	[tilespmem:v15+s5+$0x0] =	vst.idx.msk $0xffff, v40  }
.Ltmp8:
0x2a7: {  	s13 =	sadd.s32 $0x40, s13;
	v25 =	vmul.f32 $1.442695020e+00, v25;
	v42 =	vmul.f32 $1.442695020e+00, v28;
	v18 =	vadd.s32 v6, v30;
	v26 =	vld.idx.msk [tilespmem:v39+s19+$0x0], $0xffff;
	v38 =	vpop (erf);
	[tilespmem:v23+s5+$0x0] =	vst.idx.msk $0xffff, v40;
	(pc) =	sbr.rel @p0 .LBB2_15-.Ltmp8, $4  }
0x2a8: {  	v39 =	vadd.s32 v5, v33;
	v30 =	vadd.f32 v34, v35;
	v28 =	vld.idx.msk [tilespmem:v24+s20+$0x0], $0xffff;
	[tilespmem:s13+$0x10] =	vst v38;
	(erf) = vpow2.f32 v22  }
0x2a9: {  	v23 =	vadd.s32 v5, v20;
	v22 =	vadd.s32 v6, v33;
	[tilespmem:v41+s5+$0x0] =	vst.idx.msk $0xffff, v38;
	(erf) = vpow2.f32 v25  }
0x2aa: {  	v15 =	vmovc v17;
	v25 =	vadd.f32 v36, v31;
	v31 =	vmul.f32 $2.000000030e-01, v30;
	[tilespmem:v37+s5+$0x0] =	vst.idx.msk $0xffff, v38;
	(erf) = vpow2.f32 v42  }
0x2ab: {  	s14 =	sadd.s32 $0x8, s14;
	v24 =	vadd.s32 v6, v20;
	v17 =	vmovc v39;
	vm0 =	vge.f32 v30, $0.0e+00;
	[tilespmem:v10+s5+$0x0] =	vst.idx.msk $0xffff, v21;
	v10 =	vmov v32  }
0x2ac: {  	v20 =	vsel vm0, v30, v31  }
0x2ad: {  	v20 =	vsub.f32 v20, v8;
	_ =	sdelay $0x1  }
0x2ae: {  	v61 =	vmul.f32 $2.000000030e-01, v25;
	v20 =	vmul.f32 $1.442695020e+00, v20  }
0x2af: {  	v27 =	vadd.f32 v29, v27;
	vm14 =	vge.f32 v25, $0.0e+00  }
0x2b0: {  	v25 =	vsel vm14, v25, v61;
	(erf) = vpow2.f32 v20;
	v20 =	vadd.f32 v28, v26  }
0x2b1: {  	v25 =	vsub.f32 v25, v8;
	v26 =	vmul.f32 $2.000000030e-01, v27  }
0x2b2: {  	[tilespmem:v9+s5+$0x0] =	vst.idx.msk $0xffff, v21;
	vm15 =	vge.f32 v27, $0.0e+00;
	v9 =	vpop (erf);
	v62 =	vmul.f32 $2.000000030e-01, v20  }
0x2b3: {  	v25 =	vmul.f32 $1.442695020e+00, v25;
	[tilespmem:s13+$0xFFFFFFF0] =	vst v9;
	vm1 =	vge.f32 v20, $0.0e+00;
	v26 =	vsel vm15, v27, v26  }
0x2b4: {  	v63 =	vpop (erf);
	[tilespmem:v14+s5+$0x0] =	vst.idx.msk $0xffff, v9;
	v14 =	vmul.u32 $0x90, v16;
	v16 =	vsel vm1, v20, v62;
	v20 =	vsub.f32 v26, v8  }
0x2b5: {  	(erf) = vpow2.f32 v25;
	[tilespmem:s13+$0x0] =	vst v63;
	v8 =	vsub.f32 v16, v8  }
0x2b6: {  	[tilespmem:v13+s5+$0x0] =	vst.idx.msk $0xffff, v9;
	v16 =	vmul.f32 $1.442695020e+00, v20  }
0x2b7: {  	v9 =	vpop (erf);
	[tilespmem:v15+s5+$0x0] =	vst.idx.msk $0xffff, v63;
	v8 =	vmul.f32 $1.442695020e+00, v8  }
0x2b8: {  	v13 =	vadd.s32 v5, v14;
	[tilespmem:s13+$0xFFFFFFE0] =	vst v9;
	(erf) = vpow2.f32 v16  }
0x2b9: {  	v14 =	vadd.s32 v6, v14;
	[tilespmem:v11+s5+$0x0] =	vst.idx.msk $0xffff, v63;
	(erf) = vpow2.f32 v8  }
0x2ba: {  	[tilespmem:v10+s5+$0x0] =	vst.idx.msk $0xffff, v9  }
0x2bb: {  	s3 =	sadd.s32 $0x40, s13;
	[tilespmem:v12+s5+$0x0] =	vst.idx.msk $0xffff, v9;
	v15 =	vpop (erf)  }
0x2bc: {  	[tilespmem:s3+$0x10] =	vst v15  }
0x2bd: {  	[tilespmem:v13+s5+$0x0] =	vst.idx.msk $0xffff, v15  }
0x2be: {  	v9 =	vmov s2;
	v8 =	vpop (erf);
	[tilespmem:v14+s5+$0x0] =	vst.idx.msk $0xffff, v15  }
0x2bf: {  	v9 =	vshrl.u32 v9, $0x3;
	[tilespmem:s3+$0xFFFFFFF0] =	vst v8  }
0x2c0: {  	[tilespmem:v19+s5+$0x0] =	vst.idx.msk $0xffff, v8  }
0x2c1: {  	[tilespmem:v18+s5+$0x0] =	vst.idx.msk $0xffff, v8;
	v18 =	vshll.u32 v9, v7;
	v10 =	vpop (erf)  }
0x2c2: {  	v8 =	vmov s23;
	v11 =	vbroadcast v18, $0x0;
	v9 =	vpop (erf);
	[tilespmem:s3+$0x0] =	vst v10  }
0x2c3: {  	v8 =	vshrl.u32 v8, $0x3;
	[tilespmem:s3+$0xFFFFFFE0] =	vst v9  }
0x2c4: {  	v12 =	vshll.u32 v8, v7;
	[tilespmem:v17+s5+$0x0] =	vst.idx.msk $0xffff, v10  }
0x2c5: {  	v8 =	vbroadcast v12, $0x0;
	[tilespmem:v22+s5+$0x0] =	vst.idx.msk $0xffff, v10  }
0x2c6: {  	[tilespmem:v23+s5+$0x0] =	vst.idx.msk $0xffff, v9  }
0x2c7: {  	[tilespmem:v24+s5+$0x0] =	vst.idx.msk $0xffff, v9  }
0x2c8: {  	s23 =	simm.s32 $0x19260;
	v9 =	vld.idx.msk [tilespmem:v11+s22+$0x0], $0xffff  }
0x2c9: {  	v10 =	vld [tilespmem:s23+$0x0]  }
0x2ca: {  	v11 =	vadd.s32 $0x1, v18;
	v13 =	vld [tilespmem:s23+$0xFFFFFF80]  }
0x2cb: {  	v8 =	vld.idx.msk [tilespmem:v8+s22+$0x0], $0xffff;
	v11 =	vbroadcast v11, $0x0  }
0x2cc: {  	v14 =	vadd.s32 $0x1, v12  }
0x2cd: {  	v14 =	vbroadcast v14, $0x0  }
0x2ce: {  	v9 =	vmul.f32 v10, v9  }
0x2cf: {  	s13 =	simm.s32 $0x1D670  }
0x2d0: {  	v8 =	vmul.f32 v13, v8;
	[tilespmem:s13+$0x0] =	vst v9  }
0x2d1: {  	v9 =	vld.idx.msk [tilespmem:v11+s22+$0x0], $0xffff  }
0x2d2: {  	[tilespmem:s13+$0xFFFFFF70] =	vst v8;
	v8 =	vld [tilespmem:s23+$0x10]  }
0x2d3: {  	v11 =	vadd.s32 $0x2, v18;
	v10 =	vld.idx.msk [tilespmem:v14+s22+$0x0], $0xffff  }
0x2d4: {  	v14 =	vld [tilespmem:s23+$0xFFFFFF90];
	v15 =	vbroadcast v11, $0x0;
	_ =	sdelay $0x1  }
0x2d5: {  	p2 =	por $0x1, $0x1  }
.Ltmp9:
0x2d6: {  	v13 =	vadd.s32 $0x3, v12;
	v11 =	vadd.s32 $0x2, v12;
	v8 =	vmul.f32 v8, v9;
	(pc) =	sbr.rel @!p2 .LBB2_17-.Ltmp9, $4  }
0x2d7: {  	v13 =	vbroadcast v13, $0x0;
	v17 =	vbroadcast v11, $0x0;
	v9 =	vadd.s32 $0x4, v12  }
0x2d8: {  	v16 =	vadd.s32 $0x5, v12;
	v11 =	vbroadcast v9, $0x0;
	v9 =	vmul.f32 v14, v10;
	[tilespmem:s13+$0x10] =	vst v8  }
0x2d9: {  	v10 =	vadd.s32 $0x6, v12;
	v12 =	vadd.s32 $0x7, v12;
	v8 =	vbroadcast v16, $0x0;
	v24 =	vld.idx.msk [tilespmem:v15+s22+$0x0], $0xffff  }
0x2da: {  	p0 =	por $0x0, $0x0;
	p1 =	por $0x0, $0x0;
	s2 =	simm.s32 $0x10;
	v19 =	vbroadcast v10, $0x0;
	v16 =	vbroadcast v12, $0x0;
	[tilespmem:s13+$0xFFFFFF80] =	vst v9;
	v25 =	vld [tilespmem:s23+$0x20]  }
0x2db: {  	v9 =	vadd.s32 $0x3, v18  }
0x2dc: {  	v9 =	vbroadcast v9, $0x0;
	_ =	sdelay $0x1  }
0x2dd: {  	s3 =	simm.s32 $0x18  }
0x2de: {  	v10 =	vmov s3;
	v12 =	vmul.f32 v25, v24  }
0x2df: {  	v10 =	vshrl.u32 v10, $0x3  }
0x2e0: {  	v14 =	vmov s2;
	v10 =	vshll.u32 v10, v7;
	[tilespmem:s13+$0x20] =	vst v12  }
0x2e1: {  	v14 =	vshrl.u32 v14, $0x3;
	v15 =	vbroadcast v10, $0x0;
	v9 =	vld.idx.msk [tilespmem:v9+s22+$0x0], $0xffff  }
0x2e2: {  	v12 =	vshll.u32 v14, v7;
	v20 =	vld [tilespmem:s23+$0x30]  }
0x2e3: {  	v21 =	vadd.s32 $0x4, v18;
	v14 =	vbroadcast v12, $0x0  }
0x2e4: {  	v17 =	vld.idx.msk [tilespmem:v17+s22+$0x0], $0xffff;
	v21 =	vbroadcast v21, $0x0  }
0x2e5: {  	v22 =	vld [tilespmem:s23+$0xFFFFFFA0];
	s26 =	simm.s32 $0x19360  }
0x2e6: {  	v23 =	vld [tilespmem:s26+$0x0]  }
0x2e7: {  	v15 =	vld.idx.msk [tilespmem:v15+s22+$0x0], $0xffff;
	v9 =	vmul.f32 v20, v9  }
0x2e8: {  	v24 =	vld [tilespmem:s26+$0xFFFFFF80];
	v20 =	vadd.s32 $0x1, v10  }
0x2e9: {  	v14 =	vld.idx.msk [tilespmem:v14+s22+$0x0], $0xffff;
	v20 =	vbroadcast v20, $0x0;
	[tilespmem:s13+$0x30] =	vst v9  }
0x2ea: {  	v17 =	vmul.f32 v22, v17;
	v9 =	vadd.s32 $0x1, v12;
	v21 =	vld.idx.msk [tilespmem:v21+s22+$0x0], $0xffff  }
0x2eb: {  	v9 =	vbroadcast v9, $0x0;
	v22 =	vld [tilespmem:s23+$0x40]  }
0x2ec: {  	[tilespmem:s13+$0xFFFFFF90] =	vst v17;
	v17 =	vadd.s32 $0x5, v18;
	v15 =	vmul.f32 v23, v15  }
0x2ed: {  	s25 =	simm.s32 $0x1D790;
	v13 =	vld.idx.msk [tilespmem:v13+s22+$0x0], $0xffff;
	v17 =	vbroadcast v17, $0x0  }
0x2ee: {  	v23 =	vld [tilespmem:s23+$0xFFFFFFB0];
	[tilespmem:s25+$0x0] =	vst v15;
	v14 =	vmul.f32 v24, v14  }
0x2ef: {  	v15 =	vld.idx.msk [tilespmem:v20+s22+$0x0], $0xffff  }
0x2f0: {  	[tilespmem:s25+$0xFFFFFF70] =	vst v14;
	v14 =	vld [tilespmem:s26+$0x10];
	v20 =	vmul.f32 v22, v21  }
0x2f1: {  	v21 =	vadd.s32 $0x2, v10;
	v9 =	vld.idx.msk [tilespmem:v9+s22+$0x0], $0xffff  }
0x2f2: {  	v24 =	vld [tilespmem:s26+$0xFFFFFF90];
	v25 =	vbroadcast v21, $0x0;
	[tilespmem:s13+$0x40] =	vst v20  }
0x2f3: {  	v21 =	vmul.f32 v23, v13;
	v20 =	vadd.s32 $0x2, v12;
	v26 =	vld.idx.msk [tilespmem:v17+s22+$0x0], $0xffff  }
0x2f4: {  	p2 =	por $0x1, $0x1;
	v22 =	vadd.s32 $0x4, v12;
	v17 =	vbroadcast v20, $0x0;
	v20 =	vld [tilespmem:s23+$0x50]  }
.Ltmp10:
0x2f5: {  	v13 =	vadd.s32 $0x3, v12;
	v27 =	vbroadcast v22, $0x0;
	[tilespmem:s13+$0xFFFFFFA0] =	vst v21;
	v14 =	vmul.f32 v14, v15;
	(pc) =	sbr.rel @!p2 .LBB2_19-.Ltmp10, $4  }
0x2f6: {  	v23 =	vadd.s32 $0x6, v12;
	v13 =	vbroadcast v13, $0x0;
	v21 =	vld.idx.msk [tilespmem:v11+s22+$0x0], $0xffff;
	v11 =	vadd.s32 $0x7, v12  }
0x2f7: {  	v22 =	vld [tilespmem:s23+$0xFFFFFFC0];
	v15 =	vadd.s32 $0x5, v12;
	v12 =	vbroadcast v11, $0x0;
	v9 =	vmul.f32 v24, v9;
	[tilespmem:s25+$0x10] =	vst v14  }
0x2f8: {  	v11 =	vadd.s32 $0x6, v18;
	v15 =	vbroadcast v15, $0x0;
	v14 =	vbroadcast v23, $0x0;
	v24 =	vld.idx.msk [tilespmem:v25+s22+$0x0], $0xffff  }
0x2f9: {  	s2 =	simm.s32 $0x20;
	p0 =	por $0x1, $0x1;
	v23 =	vbroadcast v11, $0x0;
	[tilespmem:s25+$0xFFFFFF80] =	vst v9;
	v25 =	vld [tilespmem:s26+$0x20];
	v26 =	vmul.f32 v20, v26  }
0x2fa: {  	_ =	sdelay $0x2  }
0x2fb: {  	v9 =	vmov s2;
	s17 =	simm.s32 $0x28;
	v11 =	vadd.s32 $0x3, v10  }
0x2fc: {  	v17 =	vld.idx.msk [tilespmem:v17+s22+$0x0], $0xffff;
	v9 =	vshrl.u32 v9, $0x3;
	v20 =	vmov s17;
	v11 =	vbroadcast v11, $0x0  }
0x2fd: {  	v28 =	vld [tilespmem:s26+$0xFFFFFFA0];
	[tilespmem:s13+$0x50] =	vst v26;
	v26 =	vshll.u32 v9, v7;
	v9 =	vshrl.u32 v20, $0x3;
	v20 =	vmul.f32 v22, v21  }
0x2fe: {  	v21 =	vld.idx.msk [tilespmem:v23+s22+$0x0], $0xffff  }
0x2ff: {  	v23 =	vld [tilespmem:s23+$0x60];
	v24 =	vmul.f32 v25, v24;
	[tilespmem:s13+$0xFFFFFFB0] =	vst v20  }
0x300: {  	v22 =	vbroadcast v26, $0x0;
	v8 =	vld.idx.msk [tilespmem:v8+s22+$0x0], $0xffff  }
0x301: {  	v9 =	vshll.u32 v9, v7;
	v20 =	vld [tilespmem:s23+$0xFFFFFFD0];
	[tilespmem:s25+$0x20] =	vst v24  }
0x302: {  	v18 =	vadd.s32 $0x7, v18;
	v29 =	vbroadcast v9, $0x0;
	v17 =	vmul.f32 v28, v17;
	v11 =	vld.idx.msk [tilespmem:v11+s22+$0x0], $0xffff  }
0x303: {  	s29 =	simm.s32 $0x19460;
	v18 =	vbroadcast v18, $0x0;
	v24 =	vld [tilespmem:s26+$0x30]  }
0x304: {  	[tilespmem:s25+$0xFFFFFF90] =	vst v17;
	v17 =	vld [tilespmem:s29+$0xFFFFFF80]  }
0x305: {  	v21 =	vmul.f32 v23, v21;
	v23 =	vadd.s32 $0x4, v10;
	v13 =	vld.idx.msk [tilespmem:v13+s22+$0x0], $0xffff  }
0x306: {  	v23 =	vbroadcast v23, $0x0;
	v22 =	vld.idx.msk [tilespmem:v22+s22+$0x0], $0xffff  }
0x307: {  	[tilespmem:s13+$0x60] =	vst v21;
	v21 =	vld [tilespmem:s29+$0x0]  }
0x308: {  	v25 =	vld.idx.msk [tilespmem:v29+s22+$0x0], $0xffff;
	v8 =	vmul.f32 v20, v8  }
0x309: {  	v18 =	vld.idx.msk [tilespmem:v18+s22+$0x0], $0xffff;
	v11 =	vmul.f32 v24, v11;
	v24 =	vadd.s32 $0x1, v9  }
0x30a: {  	v62 =	vld [tilespmem:s23+$0x70];
	[tilespmem:s13+$0xFFFFFFC0] =	vst v8;
	v24 =	vbroadcast v24, $0x0  }
0x30b: {  	v19 =	vld.idx.msk [tilespmem:v19+s22+$0x0], $0xffff;
	[tilespmem:s25+$0x30] =	vst v11  }
0x30c: {  	v20 =	vld.idx.msk [tilespmem:v23+s22+$0x0], $0xffff  }
0x30d: {  	v11 =	vadd.s32 $0x1, v26;
	v23 =	vld [tilespmem:s26+$0x40];
	v8 =	vmul.f32 v21, v25  }
0x30e: {  	s2 =	simm.s32 $0x1D8B0;
	v11 =	vbroadcast v11, $0x0;
	v21 =	vld [tilespmem:s26+$0xFFFFFFB0];
	v25 =	vadd.s32 $0x5, v10  }
0x30f: {  	v25 =	vbroadcast v25, $0x0;
	[tilespmem:s2+$0x0] =	vst v8;
	v8 =	vld [tilespmem:s23+$0xFFFFFFE0]  }
0x310: {  	v17 =	vmul.f32 v17, v22;
	v22 =	vld.idx.msk [tilespmem:v24+s22+$0x0], $0xffff  }
0x311: {  	v24 =	vld [tilespmem:s29+$0x10]  }
0x312: {  	[tilespmem:s2+$0xFFFFFF70] =	vst v17;
	v17 =	vmul.f32 v23, v20  }
0x313: {  	v18 =	vmul.f32 v62, v18;
	v63 =	vld [tilespmem:s29+$0xFFFFFF90]  }
0x314: {  	v21 =	vmul.f32 v21, v13;
	v20 =	vld.idx.msk [tilespmem:v11+s22+$0x0], $0xffff;
	v11 =	vadd.s32 $0x2, v9;
	[tilespmem:s25+$0x40] =	vst v17  }
0x315: {  	[tilespmem:s13+$0x70] =	vst v18;
	v23 =	vadd.s32 $0x2, v26;
	v30 =	vbroadcast v11, $0x0;
	v8 =	vmul.f32 v8, v19;
	v31 =	vld.idx.msk [tilespmem:v25+s22+$0x0], $0xffff  }
0x316: {  	p2 =	por $0x1, $0x1;
	v17 =	vbroadcast v23, $0x0;
	v11 =	vadd.s32 $0x3, v26;
	[tilespmem:s25+$0xFFFFFFA0] =	vst v21;
	v32 =	vld [tilespmem:s26+$0x50];
	v23 =	vmul.f32 v24, v22  }
.Ltmp11:
0x317: {  	v18 =	vadd.s32 $0x6, v10;
	v19 =	vadd.s32 $0x5, v26;
	v13 =	vbroadcast v11, $0x0;
	v21 =	vld.idx.msk [tilespmem:v27+s22+$0x0], $0xffff;
	[tilespmem:s13+$0xFFFFFFD0] =	vst v8;
	(pc) =	sbr.rel @!p2 .LBB2_21-.Ltmp11, $4  }
0x318: {  	v11 =	vadd.s32 $0x4, v26;
	v25 =	vadd.s32 $0x7, v26;
	v22 =	vld [tilespmem:s26+$0xFFFFFFC0];
	[tilespmem:s2+$0x10] =	vst v23;
	v23 =	vbroadcast v18, $0x0  }
0x319: {  	v11 =	vbroadcast v11, $0x0;
	v24 =	vadd.s32 $0x6, v26;
	v26 =	vmul.f32 v63, v20;
	v20 =	vld.idx.msk [tilespmem:v16+s22+$0x0], $0xffff  }
0x31a: {  	v8 =	vbroadcast v19, $0x0;
	v16 =	vbroadcast v25, $0x0;
	v25 =	vld [tilespmem:s29+$0x20]  }
0x31b: {  	s3 =	simm.s32 $0x4;
	s14 =	simm.s32 $0x30;
	p1 =	por $0x1, $0x1;
	v19 =	vbroadcast v24, $0x0;
	v24 =	vld.idx.msk [tilespmem:v30+s22+$0x0], $0xffff;
	[tilespmem:s2+$0xFFFFFF80] =	vst v26;
	v26 =	vmul.f32 v32, v31  }
.LBB2_22:
0x31c: {  	v18 =	vmov s14;
	s8 =	sadd.s32 $0x8, s14;
	v27 =	vld.idx.msk [tilespmem:v17+s22+$0x0], $0xffff;
	v17 =	vadd.s32 $0x3, v9  }
0x31d: {  	v18 =	vshrl.u32 v18, $0x3;
	v28 =	vmov s8;
	v29 =	vld [tilespmem:s29+$0xFFFFFFA0];
	v30 =	vbroadcast v17, $0x0;
	[tilespmem:s25+$0x50] =	vst v26  }
0x31e: {  	s3 =	sadd.s32 $0x2, s3;
	v21 =	vmul.f32 v22, v21;
	v18 =	vshll.u32 v18, v7;
	v17 =	vshrl.u32 v28, $0x3;
	v22 =	vld.idx.msk [tilespmem:v23+s22+$0x0], $0xffff  }
0x31f: {  	p2 =	slt.u32 s3, $0x3E;
	v23 =	vbroadcast v18, $0x0;
	v26 =	vadd.s32 $0x1, v18;
	v17 =	vshll.u32 v17, v7;
	v28 =	vld [tilespmem:s26+$0x60]  }
0x320: {  	v31 =	vbroadcast v17, $0x0;
	v24 =	vmul.f32 v25, v24;
	[tilespmem:s25+$0xFFFFFFB0] =	vst v21;
	v21 =	vadd.s32 $0x7, v10;
	v25 =	vld [tilespmem:s23+$0xFFFFFFF0];
	v10 =	vmovc v9;
	v9 =	vmovc v17;
	s23 =	smov.u32 s26;
	s26 =	smov.u32 s29  }
0x321: {  	v26 =	vbroadcast v26, $0x0;
	v17 =	vadd.s32 $0x2, v18;
	v32 =	vld.idx.msk [tilespmem:v15+s22+$0x0], $0xffff;
	v21 =	vbroadcast v21, $0x0;
	v15 =	vmovc v8  }
0x322: {  	v17 =	vbroadcast v17, $0x0;
	v8 =	vadd.s32 $0x3, v18;
	v27 =	vmul.f32 v29, v27;
	[tilespmem:s2+$0x20] =	vst v24;
	v24 =	vld [tilespmem:s23+$0xFFFFFFD0]  }
0x323: {  	v33 =	vadd.s32 $0x5, v18;
	v29 =	vbroadcast v8, $0x0;
	v8 =	vadd.s32 $0x4, v18;
	v30 =	vld.idx.msk [tilespmem:v30+s22+$0x0], $0xffff  }
0x324: {  	v35 =	vadd.s32 $0x6, v18;
	v34 =	vbroadcast v8, $0x0;
	[tilespmem:s2+$0xFFFFFF90] =	vst v27;
	v27 =	vld [tilespmem:s29+$0x30];
	v22 =	vmul.f32 v28, v22  }
0x325: {  	v8 =	vbroadcast v33, $0x0;
	v33 =	vadd.s32 $0x4, v10;
	v28 =	vbroadcast v35, $0x0;
	v23 =	vld.idx.msk [tilespmem:v23+s22+$0x0], $0xffff  }
0x326: {  	v18 =	vadd.s32 $0x7, v18;
	v33 =	vbroadcast v33, $0x0;
	v20 =	vmul.f32 v25, v20;
	v31 =	vld.idx.msk [tilespmem:v31+s22+$0x0], $0xffff;
	[tilespmem:s25+$0x60] =	vst v22  }
0x327: {  	v18 =	vbroadcast v18, $0x0;
	v22 =	vmul.f32 v24, v32;
	v21 =	vld.idx.msk [tilespmem:v21+s22+$0x0], $0xffff  }
0x328: {  	s29 =	sadd.s32 $0x100, s29;
	v24 =	vld [tilespmem:s23+$0x70];
	[tilespmem:s13+$0xFFFFFFE0] =	vst v20;
	s13 =	smov.u32 s25;
	s25 =	smov.u32 s2  }
0x329: {  	v20 =	vld [tilespmem:s29+$0x0];
	v25 =	vmul.f32 v27, v30;
	[tilespmem:s13+$0xFFFFFFC0] =	vst v22  }
0x32a: {  	v27 =	vadd.s32 $0x1, v9;
	v22 =	vld [tilespmem:s29+$0xFFFFFF80]  }
0x32b: {  	v27 =	vbroadcast v27, $0x0;
	v30 =	vld.idx.msk [tilespmem:v13+s22+$0x0], $0xffff;
	[tilespmem:s2+$0x30] =	vst v25;
	v13 =	vmov v29  }
0x32c: {  	v25 =	vld.idx.msk [tilespmem:v33+s22+$0x0], $0xffff  }
0x32d: {  	v29 =	vld [tilespmem:s26+$0x40];
	v21 =	vmul.f32 v24, v21  }
0x32e: {  	v20 =	vmul.f32 v20, v31;
	v24 =	vld [tilespmem:s26+$0xFFFFFFB0];
	v31 =	vadd.s32 $0x5, v10  }
0x32f: {  	s2 =	sadd.s32 $0x120, s2;
	v22 =	vmul.f32 v22, v23;
	v23 =	vbroadcast v31, $0x0;
	v31 =	vld.idx.msk [tilespmem:v14+s22+$0x0], $0xffff;
	[tilespmem:s13+$0x70] =	vst v21;
	v14 =	vmovc v19;
	v19 =	vmov v28  }
0x330: {  	[tilespmem:s2+$0x0] =	vst v20;
	v20 =	vld [tilespmem:s23+$0xFFFFFFE0]  }
0x331: {  	[tilespmem:s2+$0xFFFFFF70] =	vst v22;
	v21 =	vld.idx.msk [tilespmem:v27+s22+$0x0], $0xffff  }
0x332: {  	v22 =	vld [tilespmem:s29+$0x10];
	v25 =	vmul.f32 v29, v25  }
0x333: {  	v27 =	vadd.s32 $0x2, v9;
	v26 =	vld.idx.msk [tilespmem:v26+s22+$0x0], $0xffff;
	v24 =	vmul.f32 v24, v30  }
0x334: {  	v27 =	vbroadcast v27, $0x0;
	v28 =	vld [tilespmem:s29+$0xFFFFFF90];
	[tilespmem:s25+$0x40] =	vst v25  }
0x335: {  	[tilespmem:s25+$0xFFFFFFA0] =	vst v24;
	v29 =	vld.idx.msk [tilespmem:v23+s22+$0x0], $0xffff;
	v20 =	vmul.f32 v20, v31  }
0x336: {  	v30 =	vld [tilespmem:s26+$0x50]  }
.Ltmp12:
0x337: {  	v23 =	vadd.s32 $0x6, v10;
	v24 =	vmul.f32 v22, v21;
	v21 =	vld.idx.msk [tilespmem:v11+s22+$0x0], $0xffff;
	[tilespmem:s13+$0xFFFFFFD0] =	vst v20;
	v11 =	vmov v34;
	(pc) =	sbr.rel @p2 .LBB2_22-.Ltmp12, $4  }
0x338: {  	v23 =	vbroadcast v23, $0x0;
	v22 =	vld [tilespmem:s26+$0xFFFFFFC0]  }
0x339: {  	v25 =	vmul.f32 v28, v26;
	[tilespmem:s2+$0x10] =	vst v24;
	v20 =	vld.idx.msk [tilespmem:v12+s22+$0x0], $0xffff;
	v12 =	vmov v16;
	v16 =	vmov v18  }
0x33a: {  	v24 =	vld.idx.msk [tilespmem:v27+s22+$0x0], $0xffff  }
0x33b: {  	s14 =	sadd.s32 $0x10, s14;
	[tilespmem:s2+$0xFFFFFF80] =	vst v25;
	v25 =	vld [tilespmem:s29+$0x20];
	v26 =	vmul.f32 v30, v29  }
0x33c: {  	s3 =	smov.u32 s25;
	v18 =	vmovc v10;
	v30 =	vmov v15;
	s25 =	smov.u32 s2;
	v29 =	vmov v14;
	v28 =	vmov v12  }
.LBB2_24:
0x33d: {  	_ =	sdelay $0x3  }
0x33e: {  	v10 =	vld.idx.msk [tilespmem:v17+s22+$0x0], $0xffff  }
0x33f: {  	v12 =	vadd.s32 $0x3, v9;
	v14 =	vld [tilespmem:s29+$0xFFFFFFA0]  }
0x340: {  	v12 =	vbroadcast v12, $0x0;
	_ =	sdelay $0x1  }
0x341: {  	v15 =	vmul.f32 v25, v24;
	_ =	sdelay $0x1  }
0x342: {  	v10 =	vmul.f32 v14, v10;
	[tilespmem:s25+$0x20] =	vst v15  }
0x343: {  	v48 =	vld [tilespmem:s29+$0x30]  }
0x344: {  	v12 =	vld.idx.msk [tilespmem:v12+s22+$0x0], $0xffff;
	[tilespmem:s25+$0xFFFFFF90] =	vst v10  }
0x345: {  	v49 =	vadd.s32 $0x4, v9;
	v13 =	vld.idx.msk [tilespmem:v13+s22+$0x0], $0xffff  }
0x346: {  	v14 =	vbroadcast v49, $0x0;
	v50 =	vld [tilespmem:s29+$0xFFFFFFB0];
	_ =	sdelay $0x2  }
0x347: {  	v10 =	vmul.f32 v48, v12;
	_ =	sdelay $0x1  }
0x348: {  	v51 =	vmul.f32 v50, v13;
	[tilespmem:s25+$0x30] =	vst v10  }
0x349: {  	v52 =	vld.idx.msk [tilespmem:v14+s22+$0x0], $0xffff  }
0x34a: {  	v53 =	vld [tilespmem:s29+$0x40];
	[tilespmem:s25+$0xFFFFFFA0] =	vst v51  }
0x34b: {  	v54 =	vadd.s32 $0x5, v9;
	v11 =	vld.idx.msk [tilespmem:v11+s22+$0x0], $0xffff  }
0x34c: {  	v10 =	vbroadcast v54, $0x0;
	v55 =	vld [tilespmem:s29+$0xFFFFFFC0]  }
0x34d: {  	v15 =	vmul.f32 @p0 v22, v21;
	_ =	sdelay $0x1  }
0x34e: {  	s2 =	smov.u32 @p0 s26;
	[tilespmem:s3+$0xFFFFFFB0] =	vst @p0 v15;
	v12 =	vmul.f32 v53, v52  }
0x34f: {  	v15 =	vld @p0 [tilespmem:s2+$0xFFFFFFD0]  }
0x350: {  	v13 =	vld.idx.msk @p0 [tilespmem:v30+s22+$0x0], $0xffff;
	v11 =	vmul.f32 v55, v11;
	[tilespmem:s25+$0x40] =	vst v12  }
0x351: {  	v10 =	vld.idx.msk [tilespmem:v10+s22+$0x0], $0xffff  }
0x352: {  	v12 =	vld [tilespmem:s29+$0x50];
	[tilespmem:s25+$0xFFFFFFB0] =	vst v11  }
0x353: {  	v56 =	vadd.s32 $0x6, v9;
	v8 =	vld.idx.msk [tilespmem:v8+s22+$0x0], $0xffff  }
0x354: {  	v11 =	vbroadcast v56, $0x0;
	v57 =	vld [tilespmem:s29+$0xFFFFFFD0]  }
0x355: {  	[tilespmem:s3+$0x50] =	vst @p0 v26;
	v13 =	vmul.f32 @p0 v15, v13  }
0x356: {  	s8 =	smov.u32 @p0 s3;
	v17 =	vld.idx.msk @p0 [tilespmem:v23+s22+$0x0], $0xffff  }
0x357: {  	v15 =	vld @p0 [tilespmem:s26+$0x60];
	[tilespmem:s8+$0xFFFFFFC0] =	vst @p0 v13;
	v10 =	vmul.f32 v12, v10  }
0x358: {  	v13 =	vld.idx.msk @p0 [tilespmem:v29+s22+$0x0], $0xffff  }
0x359: {  	v12 =	vadd.s32 @p0 $0x7, v18;
	v18 =	vld @p0 [tilespmem:s2+$0xFFFFFFE0];
	v8 =	vmul.f32 v57, v8;
	[tilespmem:s25+$0x50] =	vst v10  }
0x35a: {  	v12 =	vbroadcast @p0 v12, $0x0;
	v10 =	vld.idx.msk [tilespmem:v11+s22+$0x0], $0xffff  }
0x35b: {  	v58 =	vld [tilespmem:s29+$0x60];
	[tilespmem:s25+$0xFFFFFFC0] =	vst v8  }
0x35c: {  	v59 =	vadd.s32 $0x7, v9;
	v8 =	vmul.f32 @p0 v15, v17;
	v60 =	vld.idx.msk [tilespmem:v19+s22+$0x0], $0xffff  }
0x35d: {  	v9 =	vbroadcast v59, $0x0;
	v61 =	vld [tilespmem:s29+$0xFFFFFFE0]  }
0x35e: {  	v17 =	vld @p1 [tilespmem:s23+$0xFFFFFFF0];
	[tilespmem:s3+$0x60] =	vst @p0 v8;
	v8 =	vmul.f32 @p0 v18, v13  }
0x35f: {  	v13 =	vld @p0 [tilespmem:s2+$0x70]  }
0x360: {  	v12 =	vld.idx.msk @p0 [tilespmem:v12+s22+$0x0], $0xffff;
	[tilespmem:s8+$0xFFFFFFD0] =	vst @p0 v8;
	v8 =	vmul.f32 v58, v10  }
0x361: {  	s2 =	smov.u32 @p0 s2;
	v10 =	vld.idx.msk @p0 [tilespmem:v28+s22+$0x0], $0xffff  }
0x362: {  	v11 =	vld @p0 [tilespmem:s2+$0xFFFFFFF0];
	[tilespmem:s25+$0x60] =	vst v8;
	v8 =	vmul.f32 v61, v60  }
0x363: {  	v9 =	vld.idx.msk [tilespmem:v9+s22+$0x0], $0xffff  }
0x364: {  	v62 =	vld [tilespmem:s29+$0x70];
	[tilespmem:s25+$0xFFFFFFD0] =	vst v8  }
0x365: {  	v8 =	vld.idx.msk [tilespmem:v16+s22+$0x0], $0xffff  }
0x366: {  	v12 =	vmul.f32 @p0 v13, v12;
	v63 =	vld [tilespmem:s29+$0xFFFFFFF0];
	v10 =	vpsel p0, v10, v0  }
0x367: {  	v10 =	vmul.f32 @p0 v11, v10  }
0x368: {  	s21 =	sadd.s32 $0x1, s21;
	s2 =	smov.u32 @p0 s8;
	[tilespmem:s8+$0x70] =	vst @p0 v12  }
0x369: {  	v16 =	vmul.f32 @p1 v17, v20;
	[tilespmem:s2+$0xFFFFFFE0] =	vst @p0 v10;
	p0 =	sne.s32 s21, $0x51  }
.Ltmp13:
0x36a: {  	v9 =	vmul.f32 v62, v9;
	(pc) =	sbr.rel @p0 .LBB2_4-.Ltmp13, $4  }
.Ltmp14:
0x36b: {  	[tilespmem:s13+$0xFFFFFFE0] =	vst @p1 v16;
	v8 =	vmul.f32 v63, v8;
	(pc) =	sbr.rel @!p0 .LBB2_25-.Ltmp14, $4  }
0x36c: {  	[tilespmem:s25+$0x70] =	vst v9  }
0x36d: {  	s29 =	simm.s32 $0x16160;
	[tilespmem:s25+$0xFFFFFFE0] =	vst v8  }
0x36e: {  	[spmem:s31] =	stream.indirect.scatter.add.f32 [tilespmem:s5], [sflag:$0x6], $0x90, s29, s30, $0xb8;
	[tilespmem:$0x1FBF0] =	vst v63  }
0x36f: {  	_ = 	snop  }
.LBB2_7:
.Ltmp15:
0x370: {  	(pc) =	sbr.rel .LBB2_14-.Ltmp15, $2  }
0x371: {  	_ =	sdelay $0x2  }
0x372: {  	v8 =	vmov v18;
	s2 =	simm.s32 $0x17260;
	s15 =	simm.s32 $0x1B270  }
.LBB2_17:
.Ltmp16:
0x373: {  	(pc) =	sbr.rel .LBB2_24-.Ltmp16, $2  }
0x374: {  	_ =	sdelay $0x2  }
0x375: {  	v9 =	vmov v18;
	s29 =	simm.s32 $0x19260;
	s25 =	simm.s32 $0x1D670  }
.LBB2_9:
.Ltmp17:
0x376: {  	(pc) =	sbr.rel .LBB2_14-.Ltmp17, $3  }
0x377: {  	_ =	sdelay $0x1  }
0x378: {  	v30 =	vmov v9;
	v29 =	vmov v19;
	v28 =	vmov v16  }
0x379: {  	v8 =	vmovc v10;
	s2 =	simm.s32 $0x17360;
	s3 =	simm.s32 $0x1B270;
	s26 =	simm.s32 $0x17260;
	v9 =	vmovc v15;
	v19 =	vmov v14;
	v11 =	vmov v27;
	v16 =	vmov v12  }
.LBB2_19:
.Ltmp18:
0x37a: {  	(pc) =	sbr.rel .LBB2_24-.Ltmp18, $3  }
0x37b: {  	_ =	sdelay $0x1  }
0x37c: {  	v30 =	vmov v8;
	v29 =	vmov v19;
	v28 =	vmov v16  }
0x37d: {  	v9 =	vmovc v10;
	s29 =	simm.s32 $0x19360;
	s3 =	simm.s32 $0x1D670;
	s26 =	simm.s32 $0x19260;
	v8 =	vmovc v15;
	v19 =	vmov v14;
	v11 =	vmov v27;
	v16 =	vmov v12  }
.LBB2_11:
.Ltmp19:
0x37e: {  	(pc) =	sbr.rel .LBB2_14-.Ltmp19, $2  }
0x37f: {  	_ =	sdelay $0x2  }
0x380: {  	s3 =	simm.s32 $0x1B390;
	v18 =	vmovc v10;
	v30 =	vmov v15;
	s15 =	simm.s32 $0x1B4B0;
	v29 =	vmov v14;
	v28 =	vmov v12  }
.LBB2_21:
.Ltmp20:
0x381: {  	(pc) =	sbr.rel .LBB2_24-.Ltmp20, $2  }
0x382: {  	_ =	sdelay $0x2  }
0x383: {  	s3 =	simm.s32 $0x1D790;
	v18 =	vmovc v10;
	v30 =	vmov v15;
	s25 =	simm.s32 $0x1D8B0;
	v29 =	vmov v14;
	v28 =	vmov v12  }
.LBB2_26:
0x384: {  	_ =	sfence.sel $0x180000  }
0x385: {  	[bflag:$0x0] =	sbarrier.arrive $0xFFFF  }
0x386: {  	_ =	strace $0x90000047  }
0x387: {  	s0 =	stileid.u32;
	[bflag:$0x2] =	sbarrier.arrive $0xFFFF  }
0x388: {  	p0 =	sne.s32 s0, $0x0;
	s0 =	rddreg [dreg:$0x3]  }
0x389: {  	s0 =	sadd.s32 @!p0 $0x100000, s0  }
0x38a: {  	[sflag:s0] =	ssyncadd.tile.s32 @!p0 $0x1;
	_ =	shalt  }
.Lfunc_end2:
_tile_overlayer_lowered:
.L_overlay_start_2:
0x38b: {  	(tag) =	ssettag $0x2  }
0x38c: {  	s0 =	rddreg [dreg:$0x0];
	s2 =	stileid.u32  }
0x38d: {  	s1 =	rddreg [dreg:$0x1];
	p0 =	sne.s32 s2, $0x0  }
0x38e: {  	s3 =	rddreg [dreg:$0x2];
	[bflag:$0x3] =	sbarrier.arrive $0xFFFF;
	s2 =	simm.s32 @!p0 $0x1C07  }
0x38f: {  	[timem:s3], [sflag:s2] =	dma.local @!p0 [hbm:s0], s1  }
0x390: {  	s0 =	simm.s32 @!p0 $0x7  }
0x391: {  	_ =	swait.ge @!p0 [sflag:s0], s1  }
0x392: {  	s1 =	ssub.s32 @!p0 $0x0, s1;
	[sflag:s0] =	ssyncset.done @!p0 $0x0  }
0x393: {  	[sflag:s0] =	ssyncadd.s32 @!p0 s1  }
0x394: {  	[bflag:$0x3] =	sbarrier.arrive $0xFFFF  }
0x395: {  	_ =	shalt  }

</sc_bundles>
